<compile_context>
chip_gen: v7x
topology: tpu7x:2x2x1
jax: 0.10.2.dev20260603
libtpu: 0.0.44.dev20260713+nightly
codegen_flags: <defaults>
</compile_context>

<pallas_src>
import functools

import jax
import jax.numpy as jnp
from jax import lax
from jax.experimental import pallas as pl
from jax.experimental.pallas import tpu as pltpu
from jax.experimental.pallas import tpu_sc as plsc

R = 128
C = 32768
L = 16
NC = 2
NS = 16
NW = NC * NS
RPW = R // NW
UNROLL = 8
NJ = C // (L * UNROLL)
BR = 8
SEG = 128

_mesh = plsc.VectorSubcoreMesh(core_axis_name="c", subcore_axis_name="s")


@functools.partial(
    pl.kernel,
    mesh=_mesh,
    out_type=[
        jax.ShapeDtypeStruct((R, SEG), jnp.float32),
        jax.ShapeDtypeStruct((R, SEG), jnp.int32),
    ],
    scratch_types=[
        pltpu.VMEM((C,), jnp.float32),
        pltpu.VMEM((C,), jnp.float32),
        pltpu.VMEM((RPW * SEG,), jnp.float32),
        pltpu.VMEM((RPW * SEG,), jnp.int32),
        pltpu.SemaphoreType.DMA,
        pltpu.SemaphoreType.DMA,
        pltpu.SemaphoreType.DMA,
    ],
)
def _sc_amax(x_hbm, poke_hbm, seg_hbm, buf0, buf1, pbuf, sbuf,
             sem_r0, sem_r1, sem_w):
    wid = lax.axis_index("s") * NC + lax.axis_index("c")
    row0 = wid * RPW

    iota = lax.iota(jnp.int32, L)
    zero16 = jnp.zeros((L,), jnp.float32)

    bufs = (buf0, buf1)
    sems = (sem_r0, sem_r1)
    rd = [None] * RPW
    rd[0] = pltpu.async_copy(x_hbm.at[row0], buf0, sem_r0)
    rd[1] = pltpu.async_copy(x_hbm.at[row0 + 1], buf1, sem_r1)

    wr = []
    for r in range(RPW):
        buf = bufs[r % 2]
        rd[r].wait()

        neg_inf = jnp.full((L,), -jnp.inf, jnp.float32)
        bv0 = tuple(neg_inf for _ in range(UNROLL))
        bj0 = tuple(jnp.zeros((L,), jnp.int32) for _ in range(UNROLL))

        def _step(j, carry):
            bvs, bjs = carry
            base = pl.multiple_of(j * (L * UNROLL), L * UNROLL)
            jb = jnp.full((L,), j, jnp.int32)
            nbvs, nbjs = [], []
            for k in range(UNROLL):
                v = buf[pl.ds(base + k * L, L)]
                gt = v > bvs[k]
                nbvs.append(jnp.maximum(bvs[k], v))
                nbjs.append(jnp.where(gt, jb, bjs[k]))
            return tuple(nbvs), tuple(nbjs)

        bvs, bjs = lax.fori_loop(0, NJ, _step, (bv0, bj0))

        mval, mcol = None, None
        for k in range(UNROLL):
            col = bjs[k] * (L * UNROLL) + (k * L + iota)
            if mval is None:
                mval, mcol = bvs[k], col
            else:
                take = (bvs[k] > mval) | ((bvs[k] == mval) & (col < mcol))
                mval = jnp.where(take, bvs[k], mval)
                mcol = jnp.where(take, col, mcol)

        rmax = mval[0]
        rcol = mcol[0]
        for l in range(1, L):
            v = mval[l]
            c = mcol[l]
            take = (v > rmax) | ((v == rmax) & (c < rcol))
            rmax = jnp.where(take, v, rmax)
            rcol = jnp.where(take, c, rcol)

        seg = lax.shift_right_logical(rcol, 7)
        lane = rcol - seg * SEG

        for t in range(SEG // L):
            piece = jnp.where(iota + (t * L) == lane,
                              jnp.full((L,), rmax), zero16)
            pbuf[pl.ds(r * SEG + t * L, L)] = piece
        for t in range(SEG // L):
            sbuf[pl.ds(r * SEG + t * L, L)] = jnp.full((L,), seg, jnp.int32)

        wr.append(pltpu.async_copy(pbuf.at[pl.ds(r * SEG, SEG)],
                                   poke_hbm.at[row0 + r], sem_w))
        wr.append(pltpu.async_copy(sbuf.at[pl.ds(r * SEG, SEG)],
                                   seg_hbm.at[row0 + r], sem_w))

        if r + 2 < RPW:
            rd[r + 2] = pltpu.async_copy(x_hbm.at[row0 + r + 2],
                                         bufs[r % 2], sems[r % 2])

    for h in wr:
        h.wait()


def _zeros_body(out_ref):
    out_ref[...] = jnp.zeros((BR, C), jnp.float32)


def _poke_body(segs_ref, pokes_ref, zeros_ref, out_ref, sem):
    handles = []
    for r in range(R):
        seg = segs_ref[r, 0]
        dst = out_ref.at[pl.ds(r, 1), pl.ds(seg * SEG, SEG)]
        cp = pltpu.make_async_copy(pokes_ref.at[pl.ds(r, 1), :], dst, sem)
        cp.start()
        handles.append(cp)
    for h in handles:
        h.wait()


def kernel(x):
    pokes, segs = _sc_amax(x)
    zeros = pl.pallas_call(
        _zeros_body,
        grid=(R // BR,),
        out_specs=pl.BlockSpec((BR, C), lambda i: (i, 0)),
        out_shape=jax.ShapeDtypeStruct((R, C), jnp.float32),
    )()
    out = pl.pallas_call(
        _poke_body,
        in_specs=[
            pl.BlockSpec(memory_space=pltpu.SMEM),
            pl.BlockSpec(memory_space=pltpu.VMEM),
            pl.BlockSpec(memory_space=pl.ANY),
        ],
        out_specs=pl.BlockSpec(memory_space=pl.ANY),
        out_shape=jax.ShapeDtypeStruct((R, C), jnp.float32),
        scratch_shapes=[pltpu.SemaphoreType.DMA],
        input_output_aliases={2: 0},
    )(segs, pokes, zeros)
    return out

# --- scband reference (transcript-rebuilt; emitter-appended) ---
"""Pipeline reference for scband-keep-max-78700980732363 (READ-ONLY COPY).

The authoritative reference and input builder live on the scoring server;
editing this copy changes nothing except your own understanding.
"""

import jax, jax.numpy as jnp
import numpy as np


def setup_inputs(seed: int = 0) -> dict:
    key = jax.random.key(seed)
    x = jax.random.normal(key, (128, 32768), dtype=jnp.float32)
    return {"x": x}


def reference(x):
    # Keep only the per-row max, zero elsewhere.
    max_vals = jnp.max(x, axis=1)
    max_idx = jnp.argmax(x, axis=1)
    out = jnp.zeros(x.shape, dtype=x.dtype)
    out = out.at[jnp.arange(x.shape[0]), max_idx].set(max_vals)
    return out

if __name__ == "__main__":
    import jax
    _d = setup_inputs()
    print(jax.jit(kernel)(*tuple(_d.values())))

</pallas_src>

<mosaic_0001>
#map = affine_map<(d0, d1) -> (0, 0)>
module attributes {stable_mosaic.version = 14 : i64} {
  func.func @_sc_amax(%arg0: i32, %arg1: i32, %arg2: memref<128x32768xf32, #tpu.memory_space<hbm>>, %arg3: memref<128x128xf32, #tpu.memory_space<hbm>>, %arg4: memref<128x128xi32, #tpu.memory_space<hbm>>, %arg5: memref<32768xf32, #tpu.memory_space<vmem>>, %arg6: memref<32768xf32, #tpu.memory_space<vmem>>, %arg7: memref<512xf32, #tpu.memory_space<vmem>>, %arg8: memref<512xi32, #tpu.memory_space<vmem>>, %arg9: memref<!tpu.dma_semaphore, #tpu.memory_space<semaphore_mem>>, %arg10: memref<!tpu.dma_semaphore, #tpu.memory_space<semaphore_mem>>, %arg11: memref<!tpu.dma_semaphore, #tpu.memory_space<semaphore_mem>>) attributes {dimension_semantics = [#tpu.dimension_semantics<core_parallel>, #tpu.dimension_semantics<subcore_parallel>], iteration_bounds = array<i64: 2, 16>, scalar_prefetch = 0 : i64, scratch_operands = 7 : i64, tpu.core_type = #tpu.core_type<sc_vector_subcore>, window_params = [{transform_indices = #map}, {transform_indices = #map}, {transform_indices = #map}]} {
    %mul3A = arith.constant 2 : i32
    %mul3A_0 = arith.muli %arg1, %mul3A : i32
    %add3A = arith.addi %mul3A_0, %arg0 : i32
    %mul3A_1 = arith.constant 4 : i32
    %mul3A_2 = arith.muli %add3A, %mul3A_1 : i32
    %iota3A = tpu.iota {dimensions = array<i32: 0>} : vector<16xi32>
    %broadcast_in_dim3A = arith.constant 0.000000e+00 : f32
    %broadcast_in_dim3A_3 = vector.broadcast %broadcast_in_dim3A : f32 to vector<16xf32>
    %dma_start3A = arith.constant 0 : i32
    %dma_start3A_4 = tpu.memref_slice %arg2[%mul3A_2, %dma_start3A] : memref<128x32768xf32, #tpu.memory_space<hbm>> -> memref<1x32768xf32, #tpu.memory_space<hbm>>
    %dma_start3A_5 = tpu.memref_squeeze %dma_start3A_4 : memref<1x32768xf32, #tpu.memory_space<hbm>> -> memref<32768xf32, #tpu.memory_space<hbm>>
    %dma_start3A_6 = arith.constant 0 : i32
    %dma_start3A_7 = tpu.memref_slice %arg2[%mul3A_2, %dma_start3A_6] : memref<128x32768xf32, #tpu.memory_space<hbm>> -> memref<1x32768xf32, #tpu.memory_space<hbm>>
    %dma_start3A_8 = tpu.memref_squeeze %dma_start3A_7 : memref<1x32768xf32, #tpu.memory_space<hbm>> -> memref<32768xf32, #tpu.memory_space<hbm>>
    tpu.enqueue_dma source(%dma_start3A_8 : memref<32768xf32, #tpu.memory_space<hbm>>) target(%arg5 : memref<32768xf32, #tpu.memory_space<vmem>>) target_semaphore(%arg9 : memref<!tpu.dma_semaphore, #tpu.memory_space<semaphore_mem>>)
    %add3A_9 = arith.constant 1 : i32
    %add3A_10 = arith.addi %mul3A_2, %add3A_9 : i32
    %dma_start3A_11 = arith.constant 0 : i32
    %dma_start3A_12 = tpu.memref_slice %arg2[%add3A_10, %dma_start3A_11] : memref<128x32768xf32, #tpu.memory_space<hbm>> -> memref<1x32768xf32, #tpu.memory_space<hbm>>
    %dma_start3A_13 = tpu.memref_squeeze %dma_start3A_12 : memref<1x32768xf32, #tpu.memory_space<hbm>> -> memref<32768xf32, #tpu.memory_space<hbm>>
    %dma_start3A_14 = arith.constant 0 : i32
    %dma_start3A_15 = tpu.memref_slice %arg2[%add3A_10, %dma_start3A_14] : memref<128x32768xf32, #tpu.memory_space<hbm>> -> memref<1x32768xf32, #tpu.memory_space<hbm>>
    %dma_start3A_16 = tpu.memref_squeeze %dma_start3A_15 : memref<1x32768xf32, #tpu.memory_space<hbm>> -> memref<32768xf32, #tpu.memory_space<hbm>>
    tpu.enqueue_dma source(%dma_start3A_16 : memref<32768xf32, #tpu.memory_space<hbm>>) target(%arg6 : memref<32768xf32, #tpu.memory_space<vmem>>) target_semaphore(%arg10 : memref<!tpu.dma_semaphore, #tpu.memory_space<semaphore_mem>>)
    %dma_wait3A = arith.constant 0 : i32
    %dma_wait3A_17 = tpu.memref_slice %arg2[%mul3A_2, %dma_wait3A] : memref<128x32768xf32, #tpu.memory_space<hbm>> -> memref<1x32768xf32, #tpu.memory_space<hbm>>
    %dma_wait3A_18 = tpu.memref_squeeze %dma_wait3A_17 : memref<1x32768xf32, #tpu.memory_space<hbm>> -> memref<32768xf32, #tpu.memory_space<hbm>>
    %dma_wait3A_19 = arith.constant 0 : i32
    %dma_wait3A_20 = tpu.memref_slice %arg2[%mul3A_2, %dma_wait3A_19] : memref<128x32768xf32, #tpu.memory_space<hbm>> -> memref<1x32768xf32, #tpu.memory_space<hbm>>
    %dma_wait3A_21 = tpu.memref_squeeze %dma_wait3A_20 : memref<1x32768xf32, #tpu.memory_space<hbm>> -> memref<32768xf32, #tpu.memory_space<hbm>>
    tpu.wait_dma2 semaphore(%arg9 : memref<!tpu.dma_semaphore, #tpu.memory_space<semaphore_mem>>) src(%dma_wait3A_21 : memref<32768xf32, #tpu.memory_space<hbm>>) dst(%arg5 : memref<32768xf32, #tpu.memory_space<vmem>>)
    %broadcast_in_dim3A_22 = arith.constant 0xFF800000 : f32
    %broadcast_in_dim3A_23 = vector.broadcast %broadcast_in_dim3A_22 : f32 to vector<16xf32>
    %broadcast_in_dim3A_24 = arith.constant 0 : i32
    %broadcast_in_dim3A_25 = vector.broadcast %broadcast_in_dim3A_24 : i32 to vector<16xi32>
    %broadcast_in_dim3A_26 = arith.constant 0 : i32
    %broadcast_in_dim3A_27 = vector.broadcast %broadcast_in_dim3A_26 : i32 to vector<16xi32>
    %broadcast_in_dim3A_28 = arith.constant 0 : i32
    %broadcast_in_dim3A_29 = vector.broadcast %broadcast_in_dim3A_28 : i32 to vector<16xi32>
    %broadcast_in_dim3A_30 = arith.constant 0 : i32
    %broadcast_in_dim3A_31 = vector.broadcast %broadcast_in_dim3A_30 : i32 to vector<16xi32>
    %broadcast_in_dim3A_32 = arith.constant 0 : i32
    %broadcast_in_dim3A_33 = vector.broadcast %broadcast_in_dim3A_32 : i32 to vector<16xi32>
    %broadcast_in_dim3A_34 = arith.constant 0 : i32
    %broadcast_in_dim3A_35 = vector.broadcast %broadcast_in_dim3A_34 : i32 to vector<16xi32>
    %broadcast_in_dim3A_36 = arith.constant 0 : i32
    %broadcast_in_dim3A_37 = vector.broadcast %broadcast_in_dim3A_36 : i32 to vector<16xi32>
    %broadcast_in_dim3A_38 = arith.constant 0 : i32
    %broadcast_in_dim3A_39 = vector.broadcast %broadcast_in_dim3A_38 : i32 to vector<16xi32>
    %scan3A = arith.constant 0 : i32
    %scan3A_40 = arith.constant 256 : i32
    %scan3A_41 = arith.addi %scan3A, %scan3A_40 : i32
    %scan3A_42 = arith.constant 1 : i32
    %scan3A_43:16 = scf.for %scan3A_1948 = %scan3A to %scan3A_41 step %scan3A_42 iter_args(%scan3A_1949 = %broadcast_in_dim3A_23, %scan3A_1950 = %broadcast_in_dim3A_23, %scan3A_1951 = %broadcast_in_dim3A_23, %scan3A_1952 = %broadcast_in_dim3A_23, %scan3A_1953 = %broadcast_in_dim3A_23, %scan3A_1954 = %broadcast_in_dim3A_23, %scan3A_1955 = %broadcast_in_dim3A_23, %scan3A_1956 = %broadcast_in_dim3A_23, %scan3A_1957 = %broadcast_in_dim3A_25, %scan3A_1958 = %broadcast_in_dim3A_27, %scan3A_1959 = %broadcast_in_dim3A_29, %scan3A_1960 = %broadcast_in_dim3A_31, %scan3A_1961 = %broadcast_in_dim3A_33, %scan3A_1962 = %broadcast_in_dim3A_35, %scan3A_1963 = %broadcast_in_dim3A_37, %scan3A_1964 = %broadcast_in_dim3A_39) -> (vector<16xf32>, vector<16xf32>, vector<16xf32>, vector<16xf32>, vector<16xf32>, vector<16xf32>, vector<16xf32>, vector<16xf32>, vector<16xi32>, vector<16xi32>, vector<16xi32>, vector<16xi32>, vector<16xi32>, vector<16xi32>, vector<16xi32>, vector<16xi32>)  : i32 {
      %mul3A_1965 = arith.constant 128 : i32
      %mul3A_1966 = arith.muli %scan3A_1948, %mul3A_1965 : i32
      %multiple_of3A = tpu.assume_multiple %mul3A_1966, 128 : i32
      %broadcast_in_dim3A_1967 = vector.broadcast %scan3A_1948 : i32 to vector<16xi32>
      %add3A_1968 = arith.constant 0 : i32
      %add3A_1969 = arith.addi %multiple_of3A, %add3A_1968 : i32
      %get3A = arith.index_cast %add3A_1969 : i32 to index
      %get3A_1970 = tpu.vector_load %arg5[%get3A] {strides = array<i32>} : memref<32768xf32, #tpu.memory_space<vmem>>, vector<16xf32>,
      %get3A_1971 = vector.shape_cast %get3A_1970 : vector<16xf32> to vector<16xf32>
      %gt3A_1972 = arith.cmpf ogt, %get3A_1971, %scan3A_1949 : vector<16xf32>
      %max3A = arith.maximumf %scan3A_1949, %get3A_1971 : vector<16xf32>
      %select_n3A_1973 = arith.select %gt3A_1972, %broadcast_in_dim3A_1967, %scan3A_1957 : vector<16xi1>, vector<16xi32>
      %add3A_1974 = arith.constant 16 : i32
      %add3A_1975 = arith.addi %multiple_of3A, %add3A_1974 : i32
      %get3A_1976 = arith.index_cast %add3A_1975 : i32 to index
      %get3A_1977 = tpu.vector_load %arg5[%get3A_1976] {strides = array<i32>} : memref<32768xf32, #tpu.memory_space<vmem>>, vector<16xf32>,
      %get3A_1978 = vector.shape_cast %get3A_1977 : vector<16xf32> to vector<16xf32>
      %gt3A_1979 = arith.cmpf ogt, %get3A_1978, %scan3A_1950 : vector<16xf32>
      %max3A_1980 = arith.maximumf %scan3A_1950, %get3A_1978 : vector<16xf32>
      %select_n3A_1981 = arith.select %gt3A_1979, %broadcast_in_dim3A_1967, %scan3A_1958 : vector<16xi1>, vector<16xi32>
      %add3A_1982 = arith.constant 32 : i32
      %add3A_1983 = arith.addi %multiple_of3A, %add3A_1982 : i32
      %get3A_1984 = arith.index_cast %add3A_1983 : i32 to index
      %get3A_1985 = tpu.vector_load %arg5[%get3A_1984] {strides = array<i32>} : memref<32768xf32, #tpu.memory_space<vmem>>, vector<16xf32>,
      %get3A_1986 = vector.shape_cast %get3A_1985 : vector<16xf32> to vector<16xf32>
      %gt3A_1987 = arith.cmpf ogt, %get3A_1986, %scan3A_1951 : vector<16xf32>
      %max3A_1988 = arith.maximumf %scan3A_1951, %get3A_1986 : vector<16xf32>
      %select_n3A_1989 = arith.select %gt3A_1987, %broadcast_in_dim3A_1967, %scan3A_1959 : vector<16xi1>, vector<16xi32>
      %add3A_1990 = arith.constant 48 : i32
      %add3A_1991 = arith.addi %multiple_of3A, %add3A_1990 : i32
      %get3A_1992 = arith.index_cast %add3A_1991 : i32 to index
      %get3A_1993 = tpu.vector_load %arg5[%get3A_1992] {strides = array<i32>} : memref<32768xf32, #tpu.memory_space<vmem>>, vector<16xf32>,
      %get3A_1994 = vector.shape_cast %get3A_1993 : vector<16xf32> to vector<16xf32>
      %gt3A_1995 = arith.cmpf ogt, %get3A_1994, %scan3A_1952 : vector<16xf32>
      %max3A_1996 = arith.maximumf %scan3A_1952, %get3A_1994 : vector<16xf32>
      %select_n3A_1997 = arith.select %gt3A_1995, %broadcast_in_dim3A_1967, %scan3A_1960 : vector<16xi1>, vector<16xi32>
      %add3A_1998 = arith.constant 64 : i32
      %add3A_1999 = arith.addi %multiple_of3A, %add3A_1998 : i32
      %get3A_2000 = arith.index_cast %add3A_1999 : i32 to index
      %get3A_2001 = tpu.vector_load %arg5[%get3A_2000] {strides = array<i32>} : memref<32768xf32, #tpu.memory_space<vmem>>, vector<16xf32>,
      %get3A_2002 = vector.shape_cast %get3A_2001 : vector<16xf32> to vector<16xf32>
      %gt3A_2003 = arith.cmpf ogt, %get3A_2002, %scan3A_1953 : vector<16xf32>
      %max3A_2004 = arith.maximumf %scan3A_1953, %get3A_2002 : vector<16xf32>
      %select_n3A_2005 = arith.select %gt3A_2003, %broadcast_in_dim3A_1967, %scan3A_1961 : vector<16xi1>, vector<16xi32>
      %add3A_2006 = arith.constant 80 : i32
      %add3A_2007 = arith.addi %multiple_of3A, %add3A_2006 : i32
      %get3A_2008 = arith.index_cast %add3A_2007 : i32 to index
      %get3A_2009 = tpu.vector_load %arg5[%get3A_2008] {strides = array<i32>} : memref<32768xf32, #tpu.memory_space<vmem>>, vector<16xf32>,
      %get3A_2010 = vector.shape_cast %get3A_2009 : vector<16xf32> to vector<16xf32>
      %gt3A_2011 = arith.cmpf ogt, %get3A_2010, %scan3A_1954 : vector<16xf32>
      %max3A_2012 = arith.maximumf %scan3A_1954, %get3A_2010 : vector<16xf32>
      %select_n3A_2013 = arith.select %gt3A_2011, %broadcast_in_dim3A_1967, %scan3A_1962 : vector<16xi1>, vector<16xi32>
      %add3A_2014 = arith.constant 96 : i32
      %add3A_2015 = arith.addi %multiple_of3A, %add3A_2014 : i32
      %get3A_2016 = arith.index_cast %add3A_2015 : i32 to index
      %get3A_2017 = tpu.vector_load %arg5[%get3A_2016] {strides = array<i32>} : memref<32768xf32, #tpu.memory_space<vmem>>, vector<16xf32>,
      %get3A_2018 = vector.shape_cast %get3A_2017 : vector<16xf32> to vector<16xf32>
      %gt3A_2019 = arith.cmpf ogt, %get3A_2018, %scan3A_1955 : vector<16xf32>
      %max3A_2020 = arith.maximumf %scan3A_1955, %get3A_2018 : vector<16xf32>
      %select_n3A_2021 = arith.select %gt3A_2019, %broadcast_in_dim3A_1967, %scan3A_1963 : vector<16xi1>, vector<16xi32>
      %add3A_2022 = arith.constant 112 : i32
      %add3A_2023 = arith.addi %multiple_of3A, %add3A_2022 : i32
      %get3A_2024 = arith.index_cast %add3A_2023 : i32 to index
      %get3A_2025 = tpu.vector_load %arg5[%get3A_2024] {strides = array<i32>} : memref<32768xf32, #tpu.memory_space<vmem>>, vector<16xf32>,
      %get3A_2026 = vector.shape_cast %get3A_2025 : vector<16xf32> to vector<16xf32>
      %gt3A_2027 = arith.cmpf ogt, %get3A_2026, %scan3A_1956 : vector<16xf32>
      %max3A_2028 = arith.maximumf %scan3A_1956, %get3A_2026 : vector<16xf32>
      %select_n3A_2029 = arith.select %gt3A_2027, %broadcast_in_dim3A_1967, %scan3A_1964 : vector<16xi1>, vector<16xi32>
      scf.yield %max3A, %max3A_1980, %max3A_1988, %max3A_1996, %max3A_2004, %max3A_2012, %max3A_2020, %max3A_2028, %select_n3A_1973, %select_n3A_1981, %select_n3A_1989, %select_n3A_1997, %select_n3A_2005, %select_n3A_2013, %select_n3A_2021, %select_n3A_2029 : vector<16xf32>, vector<16xf32>, vector<16xf32>, vector<16xf32>, vector<16xf32>, vector<16xf32>, vector<16xf32>, vector<16xf32>, vector<16xi32>, vector<16xi32>, vector<16xi32>, vector<16xi32>, vector<16xi32>, vector<16xi32>, vector<16xi32>, vector<16xi32>
    }
    %scan3A_44 = arith.constant 256 : i32
    %mul3A_45 = arith.constant 128 : i32
    %mul3A_46 = vector.broadcast %mul3A_45 : i32 to vector<16xi32>
    %mul3A_47 = arith.muli %scan3A_43#8, %mul3A_46 : vector<16xi32>
    %add3A_48 = arith.constant 0 : i32
    %add3A_49 = vector.broadcast %add3A_48 : i32 to vector<16xi32>
    %add3A_50 = arith.addi %add3A_49, %iota3A : vector<16xi32>
    %add3A_51 = arith.addi %mul3A_47, %add3A_50 : vector<16xi32>
    %mul3A_52 = arith.constant 128 : i32
    %mul3A_53 = vector.broadcast %mul3A_52 : i32 to vector<16xi32>
    %mul3A_54 = arith.muli %scan3A_43#9, %mul3A_53 : vector<16xi32>
    %add3A_55 = arith.constant 16 : i32
    %add3A_56 = vector.broadcast %add3A_55 : i32 to vector<16xi32>
    %add3A_57 = arith.addi %add3A_56, %iota3A : vector<16xi32>
    %add3A_58 = arith.addi %mul3A_54, %add3A_57 : vector<16xi32>
    %gt3A = arith.cmpf ogt, %scan3A_43#1, %scan3A_43#0 : vector<16xf32>
    %eq3A = arith.cmpf oeq, %scan3A_43#1, %scan3A_43#0 : vector<16xf32>
    %lt3A = arith.cmpi slt, %add3A_58, %add3A_51 : vector<16xi32>
    %and3A = arith.andi %eq3A, %lt3A : vector<16xi1>
    %or3A = arith.ori %gt3A, %and3A : vector<16xi1>
    %select_n3A = arith.select %or3A, %scan3A_43#1, %scan3A_43#0 : vector<16xi1>, vector<16xf32>
    %select_n3A_59 = arith.select %or3A, %add3A_58, %add3A_51 : vector<16xi1>, vector<16xi32>
    %mul3A_60 = arith.constant 128 : i32
    %mul3A_61 = vector.broadcast %mul3A_60 : i32 to vector<16xi32>
    %mul3A_62 = arith.muli %scan3A_43#10, %mul3A_61 : vector<16xi32>
    %add3A_63 = arith.constant 32 : i32
    %add3A_64 = vector.broadcast %add3A_63 : i32 to vector<16xi32>
    %add3A_65 = arith.addi %add3A_64, %iota3A : vector<16xi32>
    %add3A_66 = arith.addi %mul3A_62, %add3A_65 : vector<16xi32>
    %gt3A_67 = arith.cmpf ogt, %scan3A_43#2, %select_n3A : vector<16xf32>
    %eq3A_68 = arith.cmpf oeq, %scan3A_43#2, %select_n3A : vector<16xf32>
    %lt3A_69 = arith.cmpi slt, %add3A_66, %select_n3A_59 : vector<16xi32>
    %and3A_70 = arith.andi %eq3A_68, %lt3A_69 : vector<16xi1>
    %or3A_71 = arith.ori %gt3A_67, %and3A_70 : vector<16xi1>
    %select_n3A_72 = arith.select %or3A_71, %scan3A_43#2, %select_n3A : vector<16xi1>, vector<16xf32>
    %select_n3A_73 = arith.select %or3A_71, %add3A_66, %select_n3A_59 : vector<16xi1>, vector<16xi32>
    %mul3A_74 = arith.constant 128 : i32
    %mul3A_75 = vector.broadcast %mul3A_74 : i32 to vector<16xi32>
    %mul3A_76 = arith.muli %scan3A_43#11, %mul3A_75 : vector<16xi32>
    %add3A_77 = arith.constant 48 : i32
    %add3A_78 = vector.broadcast %add3A_77 : i32 to vector<16xi32>
    %add3A_79 = arith.addi %add3A_78, %iota3A : vector<16xi32>
    %add3A_80 = arith.addi %mul3A_76, %add3A_79 : vector<16xi32>
    %gt3A_81 = arith.cmpf ogt, %scan3A_43#3, %select_n3A_72 : vector<16xf32>
    %eq3A_82 = arith.cmpf oeq, %scan3A_43#3, %select_n3A_72 : vector<16xf32>
    %lt3A_83 = arith.cmpi slt, %add3A_80, %select_n3A_73 : vector<16xi32>
    %and3A_84 = arith.andi %eq3A_82, %lt3A_83 : vector<16xi1>
    %or3A_85 = arith.ori %gt3A_81, %and3A_84 : vector<16xi1>
    %select_n3A_86 = arith.select %or3A_85, %scan3A_43#3, %select_n3A_72 : vector<16xi1>, vector<16xf32>
    %select_n3A_87 = arith.select %or3A_85, %add3A_80, %select_n3A_73 : vector<16xi1>, vector<16xi32>
    %mul3A_88 = arith.constant 128 : i32
    %mul3A_89 = vector.broadcast %mul3A_88 : i32 to vector<16xi32>
    %mul3A_90 = arith.muli %scan3A_43#12, %mul3A_89 : vector<16xi32>
    %add3A_91 = arith.constant 64 : i32
    %add3A_92 = vector.broadcast %add3A_91 : i32 to vector<16xi32>
    %add3A_93 = arith.addi %add3A_92, %iota3A : vector<16xi32>
    %add3A_94 = arith.addi %mul3A_90, %add3A_93 : vector<16xi32>
    %gt3A_95 = arith.cmpf ogt, %scan3A_43#4, %select_n3A_86 : vector<16xf32>
    %eq3A_96 = arith.cmpf oeq, %scan3A_43#4, %select_n3A_86 : vector<16xf32>
    %lt3A_97 = arith.cmpi slt, %add3A_94, %select_n3A_87 : vector<16xi32>
    %and3A_98 = arith.andi %eq3A_96, %lt3A_97 : vector<16xi1>
    %or3A_99 = arith.ori %gt3A_95, %and3A_98 : vector<16xi1>
    %select_n3A_100 = arith.select %or3A_99, %scan3A_43#4, %select_n3A_86 : vector<16xi1>, vector<16xf32>
    %select_n3A_101 = arith.select %or3A_99, %add3A_94, %select_n3A_87 : vector<16xi1>, vector<16xi32>
    %mul3A_102 = arith.constant 128 : i32
    %mul3A_103 = vector.broadcast %mul3A_102 : i32 to vector<16xi32>
    %mul3A_104 = arith.muli %scan3A_43#13, %mul3A_103 : vector<16xi32>
    %add3A_105 = arith.constant 80 : i32
    %add3A_106 = vector.broadcast %add3A_105 : i32 to vector<16xi32>
    %add3A_107 = arith.addi %add3A_106, %iota3A : vector<16xi32>
    %add3A_108 = arith.addi %mul3A_104, %add3A_107 : vector<16xi32>
    %gt3A_109 = arith.cmpf ogt, %scan3A_43#5, %select_n3A_100 : vector<16xf32>
    %eq3A_110 = arith.cmpf oeq, %scan3A_43#5, %select_n3A_100 : vector<16xf32>
    %lt3A_111 = arith.cmpi slt, %add3A_108, %select_n3A_101 : vector<16xi32>
    %and3A_112 = arith.andi %eq3A_110, %lt3A_111 : vector<16xi1>
    %or3A_113 = arith.ori %gt3A_109, %and3A_112 : vector<16xi1>
    %select_n3A_114 = arith.select %or3A_113, %scan3A_43#5, %select_n3A_100 : vector<16xi1>, vector<16xf32>
    %select_n3A_115 = arith.select %or3A_113, %add3A_108, %select_n3A_101 : vector<16xi1>, vector<16xi32>
    %mul3A_116 = arith.constant 128 : i32
    %mul3A_117 = vector.broadcast %mul3A_116 : i32 to vector<16xi32>
    %mul3A_118 = arith.muli %scan3A_43#14, %mul3A_117 : vector<16xi32>
    %add3A_119 = arith.constant 96 : i32
    %add3A_120 = vector.broadcast %add3A_119 : i32 to vector<16xi32>
    %add3A_121 = arith.addi %add3A_120, %iota3A : vector<16xi32>
    %add3A_122 = arith.addi %mul3A_118, %add3A_121 : vector<16xi32>
    %gt3A_123 = arith.cmpf ogt, %scan3A_43#6, %select_n3A_114 : vector<16xf32>
    %eq3A_124 = arith.cmpf oeq, %scan3A_43#6, %select_n3A_114 : vector<16xf32>
    %lt3A_125 = arith.cmpi slt, %add3A_122, %select_n3A_115 : vector<16xi32>
    %and3A_126 = arith.andi %eq3A_124, %lt3A_125 : vector<16xi1>
    %or3A_127 = arith.ori %gt3A_123, %and3A_126 : vector<16xi1>
    %select_n3A_128 = arith.select %or3A_127, %scan3A_43#6, %select_n3A_114 : vector<16xi1>, vector<16xf32>
    %select_n3A_129 = arith.select %or3A_127, %add3A_122, %select_n3A_115 : vector<16xi1>, vector<16xi32>
    %mul3A_130 = arith.constant 128 : i32
    %mul3A_131 = vector.broadcast %mul3A_130 : i32 to vector<16xi32>
    %mul3A_132 = arith.muli %scan3A_43#15, %mul3A_131 : vector<16xi32>
    %add3A_133 = arith.constant 112 : i32
    %add3A_134 = vector.broadcast %add3A_133 : i32 to vector<16xi32>
    %add3A_135 = arith.addi %add3A_134, %iota3A : vector<16xi32>
    %add3A_136 = arith.addi %mul3A_132, %add3A_135 : vector<16xi32>
    %gt3A_137 = arith.cmpf ogt, %scan3A_43#7, %select_n3A_128 : vector<16xf32>
    %eq3A_138 = arith.cmpf oeq, %scan3A_43#7, %select_n3A_128 : vector<16xf32>
    %lt3A_139 = arith.cmpi slt, %add3A_136, %select_n3A_129 : vector<16xi32>
    %and3A_140 = arith.andi %eq3A_138, %lt3A_139 : vector<16xi1>
    %or3A_141 = arith.ori %gt3A_137, %and3A_140 : vector<16xi1>
    %select_n3A_142 = arith.select %or3A_141, %scan3A_43#7, %select_n3A_128 : vector<16xi1>, vector<16xf32>
    %select_n3A_143 = arith.select %or3A_141, %add3A_136, %select_n3A_129 : vector<16xi1>, vector<16xi32>
    %slice3A = vector.extract_strided_slice %select_n3A_142 {offsets = [0], sizes = [1], strides = [1]} : vector<16xf32> to vector<1xf32>
    %squeeze3A = vector.extract %slice3A[0] : f32 from vector<1xf32>
    %slice3A_144 = vector.extract_strided_slice %select_n3A_143 {offsets = [0], sizes = [1], strides = [1]} : vector<16xi32> to vector<1xi32>
    %squeeze3A_145 = vector.extract %slice3A_144[0] : i32 from vector<1xi32>
    %slice3A_146 = vector.extract_strided_slice %select_n3A_142 {offsets = [1], sizes = [1], strides = [1]} : vector<16xf32> to vector<1xf32>
    %squeeze3A_147 = vector.extract %slice3A_146[0] : f32 from vector<1xf32>
    %slice3A_148 = vector.extract_strided_slice %select_n3A_143 {offsets = [1], sizes = [1], strides = [1]} : vector<16xi32> to vector<1xi32>
    %squeeze3A_149 = vector.extract %slice3A_148[0] : i32 from vector<1xi32>
    %gt3A_150 = arith.cmpf ogt, %squeeze3A_147, %squeeze3A : f32
    %eq3A_151 = arith.cmpf oeq, %squeeze3A_147, %squeeze3A : f32
    %lt3A_152 = arith.cmpi slt, %squeeze3A_149, %squeeze3A_145 : i32
    %and3A_153 = arith.andi %eq3A_151, %lt3A_152 : i1
    %or3A_154 = arith.ori %gt3A_150, %and3A_153 : i1
    %select_n3A_155 = arith.select %or3A_154, %squeeze3A_147, %squeeze3A : f32
    %select_n3A_156 = arith.select %or3A_154, %squeeze3A_149, %squeeze3A_145 : i32
    %slice3A_157 = vector.extract_strided_slice %select_n3A_142 {offsets = [2], sizes = [1], strides = [1]} : vector<16xf32> to vector<1xf32>
    %squeeze3A_158 = vector.extract %slice3A_157[0] : f32 from vector<1xf32>
    %slice3A_159 = vector.extract_strided_slice %select_n3A_143 {offsets = [2], sizes = [1], strides = [1]} : vector<16xi32> to vector<1xi32>
    %squeeze3A_160 = vector.extract %slice3A_159[0] : i32 from vector<1xi32>
    %gt3A_161 = arith.cmpf ogt, %squeeze3A_158, %select_n3A_155 : f32
    %eq3A_162 = arith.cmpf oeq, %squeeze3A_158, %select_n3A_155 : f32
    %lt3A_163 = arith.cmpi slt, %squeeze3A_160, %select_n3A_156 : i32
    %and3A_164 = arith.andi %eq3A_162, %lt3A_163 : i1
    %or3A_165 = arith.ori %gt3A_161, %and3A_164 : i1
    %select_n3A_166 = arith.select %or3A_165, %squeeze3A_158, %select_n3A_155 : f32
    %select_n3A_167 = arith.select %or3A_165, %squeeze3A_160, %select_n3A_156 : i32
    %slice3A_168 = vector.extract_strided_slice %select_n3A_142 {offsets = [3], sizes = [1], strides = [1]} : vector<16xf32> to vector<1xf32>
    %squeeze3A_169 = vector.extract %slice3A_168[0] : f32 from vector<1xf32>
    %slice3A_170 = vector.extract_strided_slice %select_n3A_143 {offsets = [3], sizes = [1], strides = [1]} : vector<16xi32> to vector<1xi32>
    %squeeze3A_171 = vector.extract %slice3A_170[0] : i32 from vector<1xi32>
    %gt3A_172 = arith.cmpf ogt, %squeeze3A_169, %select_n3A_166 : f32
    %eq3A_173 = arith.cmpf oeq, %squeeze3A_169, %select_n3A_166 : f32
    %lt3A_174 = arith.cmpi slt, %squeeze3A_171, %select_n3A_167 : i32
    %and3A_175 = arith.andi %eq3A_173, %lt3A_174 : i1
    %or3A_176 = arith.ori %gt3A_172, %and3A_175 : i1
    %select_n3A_177 = arith.select %or3A_176, %squeeze3A_169, %select_n3A_166 : f32
    %select_n3A_178 = arith.select %or3A_176, %squeeze3A_171, %select_n3A_167 : i32
    %slice3A_179 = vector.extract_strided_slice %select_n3A_142 {offsets = [4], sizes = [1], strides = [1]} : vector<16xf32> to vector<1xf32>
    %squeeze3A_180 = vector.extract %slice3A_179[0] : f32 from vector<1xf32>
    %slice3A_181 = vector.extract_strided_slice %select_n3A_143 {offsets = [4], sizes = [1], strides = [1]} : vector<16xi32> to vector<1xi32>
    %squeeze3A_182 = vector.extract %slice3A_181[0] : i32 from vector<1xi32>
    %gt3A_183 = arith.cmpf ogt, %squeeze3A_180, %select_n3A_177 : f32
    %eq3A_184 = arith.cmpf oeq, %squeeze3A_180, %select_n3A_177 : f32
    %lt3A_185 = arith.cmpi slt, %squeeze3A_182, %select_n3A_178 : i32
    %and3A_186 = arith.andi %eq3A_184, %lt3A_185 : i1
    %or3A_187 = arith.ori %gt3A_183, %and3A_186 : i1
    %select_n3A_188 = arith.select %or3A_187, %squeeze3A_180, %select_n3A_177 : f32
    %select_n3A_189 = arith.select %or3A_187, %squeeze3A_182, %select_n3A_178 : i32
    %slice3A_190 = vector.extract_strided_slice %select_n3A_142 {offsets = [5], sizes = [1], strides = [1]} : vector<16xf32> to vector<1xf32>
    %squeeze3A_191 = vector.extract %slice3A_190[0] : f32 from vector<1xf32>
    %slice3A_192 = vector.extract_strided_slice %select_n3A_143 {offsets = [5], sizes = [1], strides = [1]} : vector<16xi32> to vector<1xi32>
    %squeeze3A_193 = vector.extract %slice3A_192[0] : i32 from vector<1xi32>
    %gt3A_194 = arith.cmpf ogt, %squeeze3A_191, %select_n3A_188 : f32
    %eq3A_195 = arith.cmpf oeq, %squeeze3A_191, %select_n3A_188 : f32
    %lt3A_196 = arith.cmpi slt, %squeeze3A_193, %select_n3A_189 : i32
    %and3A_197 = arith.andi %eq3A_195, %lt3A_196 : i1
    %or3A_198 = arith.ori %gt3A_194, %and3A_197 : i1
    %select_n3A_199 = arith.select %or3A_198, %squeeze3A_191, %select_n3A_188 : f32
    %select_n3A_200 = arith.select %or3A_198, %squeeze3A_193, %select_n3A_189 : i32
    %slice3A_201 = vector.extract_strided_slice %select_n3A_142 {offsets = [6], sizes = [1], strides = [1]} : vector<16xf32> to vector<1xf32>
    %squeeze3A_202 = vector.extract %slice3A_201[0] : f32 from vector<1xf32>
    %slice3A_203 = vector.extract_strided_slice %select_n3A_143 {offsets = [6], sizes = [1], strides = [1]} : vector<16xi32> to vector<1xi32>
    %squeeze3A_204 = vector.extract %slice3A_203[0] : i32 from vector<1xi32>
    %gt3A_205 = arith.cmpf ogt, %squeeze3A_202, %select_n3A_199 : f32
    %eq3A_206 = arith.cmpf oeq, %squeeze3A_202, %select_n3A_199 : f32
    %lt3A_207 = arith.cmpi slt, %squeeze3A_204, %select_n3A_200 : i32
    %and3A_208 = arith.andi %eq3A_206, %lt3A_207 : i1
    %or3A_209 = arith.ori %gt3A_205, %and3A_208 : i1
    %select_n3A_210 = arith.select %or3A_209, %squeeze3A_202, %select_n3A_199 : f32
    %select_n3A_211 = arith.select %or3A_209, %squeeze3A_204, %select_n3A_200 : i32
    %slice3A_212 = vector.extract_strided_slice %select_n3A_142 {offsets = [7], sizes = [1], strides = [1]} : vector<16xf32> to vector<1xf32>
    %squeeze3A_213 = vector.extract %slice3A_212[0] : f32 from vector<1xf32>
    %slice3A_214 = vector.extract_strided_slice %select_n3A_143 {offsets = [7], sizes = [1], strides = [1]} : vector<16xi32> to vector<1xi32>
    %squeeze3A_215 = vector.extract %slice3A_214[0] : i32 from vector<1xi32>
    %gt3A_216 = arith.cmpf ogt, %squeeze3A_213, %select_n3A_210 : f32
    %eq3A_217 = arith.cmpf oeq, %squeeze3A_213, %select_n3A_210 : f32
    %lt3A_218 = arith.cmpi slt, %squeeze3A_215, %select_n3A_211 : i32
    %and3A_219 = arith.andi %eq3A_217, %lt3A_218 : i1
    %or3A_220 = arith.ori %gt3A_216, %and3A_219 : i1
    %select_n3A_221 = arith.select %or3A_220, %squeeze3A_213, %select_n3A_210 : f32
    %select_n3A_222 = arith.select %or3A_220, %squeeze3A_215, %select_n3A_211 : i32
    %slice3A_223 = vector.extract_strided_slice %select_n3A_142 {offsets = [8], sizes = [1], strides = [1]} : vector<16xf32> to vector<1xf32>
    %squeeze3A_224 = vector.extract %slice3A_223[0] : f32 from vector<1xf32>
    %slice3A_225 = vector.extract_strided_slice %select_n3A_143 {offsets = [8], sizes = [1], strides = [1]} : vector<16xi32> to vector<1xi32>
    %squeeze3A_226 = vector.extract %slice3A_225[0] : i32 from vector<1xi32>
    %gt3A_227 = arith.cmpf ogt, %squeeze3A_224, %select_n3A_221 : f32
    %eq3A_228 = arith.cmpf oeq, %squeeze3A_224, %select_n3A_221 : f32
    %lt3A_229 = arith.cmpi slt, %squeeze3A_226, %select_n3A_222 : i32
    %and3A_230 = arith.andi %eq3A_228, %lt3A_229 : i1
    %or3A_231 = arith.ori %gt3A_227, %and3A_230 : i1
    %select_n3A_232 = arith.select %or3A_231, %squeeze3A_224, %select_n3A_221 : f32
    %select_n3A_233 = arith.select %or3A_231, %squeeze3A_226, %select_n3A_222 : i32
    %slice3A_234 = vector.extract_strided_slice %select_n3A_142 {offsets = [9], sizes = [1], strides = [1]} : vector<16xf32> to vector<1xf32>
    %squeeze3A_235 = vector.extract %slice3A_234[0] : f32 from vector<1xf32>
    %slice3A_236 = vector.extract_strided_slice %select_n3A_143 {offsets = [9], sizes = [1], strides = [1]} : vector<16xi32> to vector<1xi32>
    %squeeze3A_237 = vector.extract %slice3A_236[0] : i32 from vector<1xi32>
    %gt3A_238 = arith.cmpf ogt, %squeeze3A_235, %select_n3A_232 : f32
    %eq3A_239 = arith.cmpf oeq, %squeeze3A_235, %select_n3A_232 : f32
    %lt3A_240 = arith.cmpi slt, %squeeze3A_237, %select_n3A_233 : i32
    %and3A_241 = arith.andi %eq3A_239, %lt3A_240 : i1
    %or3A_242 = arith.ori %gt3A_238, %and3A_241 : i1
    %select_n3A_243 = arith.select %or3A_242, %squeeze3A_235, %select_n3A_232 : f32
    %select_n3A_244 = arith.select %or3A_242, %squeeze3A_237, %select_n3A_233 : i32
    %slice3A_245 = vector.extract_strided_slice %select_n3A_142 {offsets = [10], sizes = [1], strides = [1]} : vector<16xf32> to vector<1xf32>
    %squeeze3A_246 = vector.extract %slice3A_245[0] : f32 from vector<1xf32>
    %slice3A_247 = vector.extract_strided_slice %select_n3A_143 {offsets = [10], sizes = [1], strides = [1]} : vector<16xi32> to vector<1xi32>
    %squeeze3A_248 = vector.extract %slice3A_247[0] : i32 from vector<1xi32>
    %gt3A_249 = arith.cmpf ogt, %squeeze3A_246, %select_n3A_243 : f32
    %eq3A_250 = arith.cmpf oeq, %squeeze3A_246, %select_n3A_243 : f32
    %lt3A_251 = arith.cmpi slt, %squeeze3A_248, %select_n3A_244 : i32
    %and3A_252 = arith.andi %eq3A_250, %lt3A_251 : i1
    %or3A_253 = arith.ori %gt3A_249, %and3A_252 : i1
    %select_n3A_254 = arith.select %or3A_253, %squeeze3A_246, %select_n3A_243 : f32
    %select_n3A_255 = arith.select %or3A_253, %squeeze3A_248, %select_n3A_244 : i32
    %slice3A_256 = vector.extract_strided_slice %select_n3A_142 {offsets = [11], sizes = [1], strides = [1]} : vector<16xf32> to vector<1xf32>
    %squeeze3A_257 = vector.extract %slice3A_256[0] : f32 from vector<1xf32>
    %slice3A_258 = vector.extract_strided_slice %select_n3A_143 {offsets = [11], sizes = [1], strides = [1]} : vector<16xi32> to vector<1xi32>
    %squeeze3A_259 = vector.extract %slice3A_258[0] : i32 from vector<1xi32>
    %gt3A_260 = arith.cmpf ogt, %squeeze3A_257, %select_n3A_254 : f32
    %eq3A_261 = arith.cmpf oeq, %squeeze3A_257, %select_n3A_254 : f32
    %lt3A_262 = arith.cmpi slt, %squeeze3A_259, %select_n3A_255 : i32
    %and3A_263 = arith.andi %eq3A_261, %lt3A_262 : i1
    %or3A_264 = arith.ori %gt3A_260, %and3A_263 : i1
    %select_n3A_265 = arith.select %or3A_264, %squeeze3A_257, %select_n3A_254 : f32
    %select_n3A_266 = arith.select %or3A_264, %squeeze3A_259, %select_n3A_255 : i32
    %slice3A_267 = vector.extract_strided_slice %select_n3A_142 {offsets = [12], sizes = [1], strides = [1]} : vector<16xf32> to vector<1xf32>
    %squeeze3A_268 = vector.extract %slice3A_267[0] : f32 from vector<1xf32>
    %slice3A_269 = vector.extract_strided_slice %select_n3A_143 {offsets = [12], sizes = [1], strides = [1]} : vector<16xi32> to vector<1xi32>
    %squeeze3A_270 = vector.extract %slice3A_269[0] : i32 from vector<1xi32>
    %gt3A_271 = arith.cmpf ogt, %squeeze3A_268, %select_n3A_265 : f32
    %eq3A_272 = arith.cmpf oeq, %squeeze3A_268, %select_n3A_265 : f32
    %lt3A_273 = arith.cmpi slt, %squeeze3A_270, %select_n3A_266 : i32
    %and3A_274 = arith.andi %eq3A_272, %lt3A_273 : i1
    %or3A_275 = arith.ori %gt3A_271, %and3A_274 : i1
    %select_n3A_276 = arith.select %or3A_275, %squeeze3A_268, %select_n3A_265 : f32
    %select_n3A_277 = arith.select %or3A_275, %squeeze3A_270, %select_n3A_266 : i32
    %slice3A_278 = vector.extract_strided_slice %select_n3A_142 {offsets = [13], sizes = [1], strides = [1]} : vector<16xf32> to vector<1xf32>
    %squeeze3A_279 = vector.extract %slice3A_278[0] : f32 from vector<1xf32>
    %slice3A_280 = vector.extract_strided_slice %select_n3A_143 {offsets = [13], sizes = [1], strides = [1]} : vector<16xi32> to vector<1xi32>
    %squeeze3A_281 = vector.extract %slice3A_280[0] : i32 from vector<1xi32>
    %gt3A_282 = arith.cmpf ogt, %squeeze3A_279, %select_n3A_276 : f32
    %eq3A_283 = arith.cmpf oeq, %squeeze3A_279, %select_n3A_276 : f32
    %lt3A_284 = arith.cmpi slt, %squeeze3A_281, %select_n3A_277 : i32
    %and3A_285 = arith.andi %eq3A_283, %lt3A_284 : i1
    %or3A_286 = arith.ori %gt3A_282, %and3A_285 : i1
    %select_n3A_287 = arith.select %or3A_286, %squeeze3A_279, %select_n3A_276 : f32
    %select_n3A_288 = arith.select %or3A_286, %squeeze3A_281, %select_n3A_277 : i32
    %slice3A_289 = vector.extract_strided_slice %select_n3A_142 {offsets = [14], sizes = [1], strides = [1]} : vector<16xf32> to vector<1xf32>
    %squeeze3A_290 = vector.extract %slice3A_289[0] : f32 from vector<1xf32>
    %slice3A_291 = vector.extract_strided_slice %select_n3A_143 {offsets = [14], sizes = [1], strides = [1]} : vector<16xi32> to vector<1xi32>
    %squeeze3A_292 = vector.extract %slice3A_291[0] : i32 from vector<1xi32>
    %gt3A_293 = arith.cmpf ogt, %squeeze3A_290, %select_n3A_287 : f32
    %eq3A_294 = arith.cmpf oeq, %squeeze3A_290, %select_n3A_287 : f32
    %lt3A_295 = arith.cmpi slt, %squeeze3A_292, %select_n3A_288 : i32
    %and3A_296 = arith.andi %eq3A_294, %lt3A_295 : i1
    %or3A_297 = arith.ori %gt3A_293, %and3A_296 : i1
    %select_n3A_298 = arith.select %or3A_297, %squeeze3A_290, %select_n3A_287 : f32
    %select_n3A_299 = arith.select %or3A_297, %squeeze3A_292, %select_n3A_288 : i32
    %slice3A_300 = vector.extract_strided_slice %select_n3A_142 {offsets = [15], sizes = [1], strides = [1]} : vector<16xf32> to vector<1xf32>
    %squeeze3A_301 = vector.extract %slice3A_300[0] : f32 from vector<1xf32>
    %slice3A_302 = vector.extract_strided_slice %select_n3A_143 {offsets = [15], sizes = [1], strides = [1]} : vector<16xi32> to vector<1xi32>
    %squeeze3A_303 = vector.extract %slice3A_302[0] : i32 from vector<1xi32>
    %gt3A_304 = arith.cmpf ogt, %squeeze3A_301, %select_n3A_298 : f32
    %eq3A_305 = arith.cmpf oeq, %squeeze3A_301, %select_n3A_298 : f32
    %lt3A_306 = arith.cmpi slt, %squeeze3A_303, %select_n3A_299 : i32
    %and3A_307 = arith.andi %eq3A_305, %lt3A_306 : i1
    %or3A_308 = arith.ori %gt3A_304, %and3A_307 : i1
    %select_n3A_309 = arith.select %or3A_308, %squeeze3A_301, %select_n3A_298 : f32
    %select_n3A_310 = arith.select %or3A_308, %squeeze3A_303, %select_n3A_299 : i32
    %shift_right_logical3A = arith.constant 7 : i32
    %shift_right_logical3A_311 = arith.shrui %select_n3A_310, %shift_right_logical3A : i32
    %mul3A_312 = arith.constant 128 : i32
    %mul3A_313 = arith.muli %shift_right_logical3A_311, %mul3A_312 : i32
    %sub3A = arith.subi %select_n3A_310, %mul3A_313 : i32
    %add3A_314 = arith.constant 0 : i32
    %add3A_315 = vector.broadcast %add3A_314 : i32 to vector<16xi32>
    %add3A_316 = arith.addi %iota3A, %add3A_315 : vector<16xi32>
    %eq3A_317 = vector.broadcast %sub3A : i32 to vector<16xi32>
    %eq3A_318 = arith.cmpi eq, %add3A_316, %eq3A_317 : vector<16xi32>
    %broadcast_in_dim3A_319 = vector.broadcast %select_n3A_309 : f32 to vector<16xf32>
    %select_n3A_320 = arith.select %eq3A_318, %broadcast_in_dim3A_319, %broadcast_in_dim3A_3 : vector<16xi1>, vector<16xf32>
    %swap3A = arith.constant 0 : index
    %swap3A_321 = tpu.vector_load %arg7[%swap3A] {strides = array<i32>} : memref<512xf32, #tpu.memory_space<vmem>>, vector<16xf32>,
    %swap3A_322 = vector.shape_cast %swap3A_321 : vector<16xf32> to vector<16xf32>
    %swap3A_323 = vector.shape_cast %select_n3A_320 : vector<16xf32> to vector<16xf32>
    tpu.vector_store %arg7[%swap3A], %swap3A_323 {strides = array<i32>} : memref<512xf32, #tpu.memory_space<vmem>>, vector<16xf32>,
    %add3A_324 = arith.constant 16 : i32
    %add3A_325 = vector.broadcast %add3A_324 : i32 to vector<16xi32>
    %add3A_326 = arith.addi %iota3A, %add3A_325 : vector<16xi32>
    %eq3A_327 = vector.broadcast %sub3A : i32 to vector<16xi32>
    %eq3A_328 = arith.cmpi eq, %add3A_326, %eq3A_327 : vector<16xi32>
    %broadcast_in_dim3A_329 = vector.broadcast %select_n3A_309 : f32 to vector<16xf32>
    %select_n3A_330 = arith.select %eq3A_328, %broadcast_in_dim3A_329, %broadcast_in_dim3A_3 : vector<16xi1>, vector<16xf32>
    %swap3A_331 = arith.constant 16 : index
    %swap3A_332 = tpu.vector_load %arg7[%swap3A_331] {strides = array<i32>} : memref<512xf32, #tpu.memory_space<vmem>>, vector<16xf32>,
    %swap3A_333 = vector.shape_cast %swap3A_332 : vector<16xf32> to vector<16xf32>
    %swap3A_334 = vector.shape_cast %select_n3A_330 : vector<16xf32> to vector<16xf32>
    tpu.vector_store %arg7[%swap3A_331], %swap3A_334 {strides = array<i32>} : memref<512xf32, #tpu.memory_space<vmem>>, vector<16xf32>,
    %add3A_335 = arith.constant 32 : i32
    %add3A_336 = vector.broadcast %add3A_335 : i32 to vector<16xi32>
    %add3A_337 = arith.addi %iota3A, %add3A_336 : vector<16xi32>
    %eq3A_338 = vector.broadcast %sub3A : i32 to vector<16xi32>
    %eq3A_339 = arith.cmpi eq, %add3A_337, %eq3A_338 : vector<16xi32>
    %broadcast_in_dim3A_340 = vector.broadcast %select_n3A_309 : f32 to vector<16xf32>
    %select_n3A_341 = arith.select %eq3A_339, %broadcast_in_dim3A_340, %broadcast_in_dim3A_3 : vector<16xi1>, vector<16xf32>
    %swap3A_342 = arith.constant 32 : index
    %swap3A_343 = tpu.vector_load %arg7[%swap3A_342] {strides = array<i32>} : memref<512xf32, #tpu.memory_space<vmem>>, vector<16xf32>,
    %swap3A_344 = vector.shape_cast %swap3A_343 : vector<16xf32> to vector<16xf32>
    %swap3A_345 = vector.shape_cast %select_n3A_341 : vector<16xf32> to vector<16xf32>
    tpu.vector_store %arg7[%swap3A_342], %swap3A_345 {strides = array<i32>} : memref<512xf32, #tpu.memory_space<vmem>>, vector<16xf32>,
    %add3A_346 = arith.constant 48 : i32
    %add3A_347 = vector.broadcast %add3A_346 : i32 to vector<16xi32>
    %add3A_348 = arith.addi %iota3A, %add3A_347 : vector<16xi32>
    %eq3A_349 = vector.broadcast %sub3A : i32 to vector<16xi32>
    %eq3A_350 = arith.cmpi eq, %add3A_348, %eq3A_349 : vector<16xi32>
    %broadcast_in_dim3A_351 = vector.broadcast %select_n3A_309 : f32 to vector<16xf32>
    %select_n3A_352 = arith.select %eq3A_350, %broadcast_in_dim3A_351, %broadcast_in_dim3A_3 : vector<16xi1>, vector<16xf32>
    %swap3A_353 = arith.constant 48 : index
    %swap3A_354 = tpu.vector_load %arg7[%swap3A_353] {strides = array<i32>} : memref<512xf32, #tpu.memory_space<vmem>>, vector<16xf32>,
    %swap3A_355 = vector.shape_cast %swap3A_354 : vector<16xf32> to vector<16xf32>
    %swap3A_356 = vector.shape_cast %select_n3A_352 : vector<16xf32> to vector<16xf32>
    tpu.vector_store %arg7[%swap3A_353], %swap3A_356 {strides = array<i32>} : memref<512xf32, #tpu.memory_space<vmem>>, vector<16xf32>,
    %add3A_357 = arith.constant 64 : i32
    %add3A_358 = vector.broadcast %add3A_357 : i32 to vector<16xi32>
    %add3A_359 = arith.addi %iota3A, %add3A_358 : vector<16xi32>
    %eq3A_360 = vector.broadcast %sub3A : i32 to vector<16xi32>
    %eq3A_361 = arith.cmpi eq, %add3A_359, %eq3A_360 : vector<16xi32>
    %broadcast_in_dim3A_362 = vector.broadcast %select_n3A_309 : f32 to vector<16xf32>
    %select_n3A_363 = arith.select %eq3A_361, %broadcast_in_dim3A_362, %broadcast_in_dim3A_3 : vector<16xi1>, vector<16xf32>
    %swap3A_364 = arith.constant 64 : index
    %swap3A_365 = tpu.vector_load %arg7[%swap3A_364] {strides = array<i32>} : memref<512xf32, #tpu.memory_space<vmem>>, vector<16xf32>,
    %swap3A_366 = vector.shape_cast %swap3A_365 : vector<16xf32> to vector<16xf32>
    %swap3A_367 = vector.shape_cast %select_n3A_363 : vector<16xf32> to vector<16xf32>
    tpu.vector_store %arg7[%swap3A_364], %swap3A_367 {strides = array<i32>} : memref<512xf32, #tpu.memory_space<vmem>>, vector<16xf32>,
    %add3A_368 = arith.constant 80 : i32
    %add3A_369 = vector.broadcast %add3A_368 : i32 to vector<16xi32>
    %add3A_370 = arith.addi %iota3A, %add3A_369 : vector<16xi32>
    %eq3A_371 = vector.broadcast %sub3A : i32 to vector<16xi32>
    %eq3A_372 = arith.cmpi eq, %add3A_370, %eq3A_371 : vector<16xi32>
    %broadcast_in_dim3A_373 = vector.broadcast %select_n3A_309 : f32 to vector<16xf32>
    %select_n3A_374 = arith.select %eq3A_372, %broadcast_in_dim3A_373, %broadcast_in_dim3A_3 : vector<16xi1>, vector<16xf32>
    %swap3A_375 = arith.constant 80 : index
    %swap3A_376 = tpu.vector_load %arg7[%swap3A_375] {strides = array<i32>} : memref<512xf32, #tpu.memory_space<vmem>>, vector<16xf32>,
    %swap3A_377 = vector.shape_cast %swap3A_376 : vector<16xf32> to vector<16xf32>
    %swap3A_378 = vector.shape_cast %select_n3A_374 : vector<16xf32> to vector<16xf32>
    tpu.vector_store %arg7[%swap3A_375], %swap3A_378 {strides = array<i32>} : memref<512xf32, #tpu.memory_space<vmem>>, vector<16xf32>,
    %add3A_379 = arith.constant 96 : i32
    %add3A_380 = vector.broadcast %add3A_379 : i32 to vector<16xi32>
    %add3A_381 = arith.addi %iota3A, %add3A_380 : vector<16xi32>
    %eq3A_382 = vector.broadcast %sub3A : i32 to vector<16xi32>
    %eq3A_383 = arith.cmpi eq, %add3A_381, %eq3A_382 : vector<16xi32>
    %broadcast_in_dim3A_384 = vector.broadcast %select_n3A_309 : f32 to vector<16xf32>
    %select_n3A_385 = arith.select %eq3A_383, %broadcast_in_dim3A_384, %broadcast_in_dim3A_3 : vector<16xi1>, vector<16xf32>
    %swap3A_386 = arith.constant 96 : index
    %swap3A_387 = tpu.vector_load %arg7[%swap3A_386] {strides = array<i32>} : memref<512xf32, #tpu.memory_space<vmem>>, vector<16xf32>,
    %swap3A_388 = vector.shape_cast %swap3A_387 : vector<16xf32> to vector<16xf32>
    %swap3A_389 = vector.shape_cast %select_n3A_385 : vector<16xf32> to vector<16xf32>
    tpu.vector_store %arg7[%swap3A_386], %swap3A_389 {strides = array<i32>} : memref<512xf32, #tpu.memory_space<vmem>>, vector<16xf32>,
    %add3A_390 = arith.constant 112 : i32
    %add3A_391 = vector.broadcast %add3A_390 : i32 to vector<16xi32>
    %add3A_392 = arith.addi %iota3A, %add3A_391 : vector<16xi32>
    %eq3A_393 = vector.broadcast %sub3A : i32 to vector<16xi32>
    %eq3A_394 = arith.cmpi eq, %add3A_392, %eq3A_393 : vector<16xi32>
    %broadcast_in_dim3A_395 = vector.broadcast %select_n3A_309 : f32 to vector<16xf32>
    %select_n3A_396 = arith.select %eq3A_394, %broadcast_in_dim3A_395, %broadcast_in_dim3A_3 : vector<16xi1>, vector<16xf32>
    %swap3A_397 = arith.constant 112 : index
    %swap3A_398 = tpu.vector_load %arg7[%swap3A_397] {strides = array<i32>} : memref<512xf32, #tpu.memory_space<vmem>>, vector<16xf32>,
    %swap3A_399 = vector.shape_cast %swap3A_398 : vector<16xf32> to vector<16xf32>
    %swap3A_400 = vector.shape_cast %select_n3A_396 : vector<16xf32> to vector<16xf32>
    tpu.vector_store %arg7[%swap3A_397], %swap3A_400 {strides = array<i32>} : memref<512xf32, #tpu.memory_space<vmem>>, vector<16xf32>,
    %broadcast_in_dim3A_401 = vector.broadcast %shift_right_logical3A_311 : i32 to vector<16xi32>
    %swap3A_402 = arith.constant 0 : index
    %swap3A_403 = tpu.vector_load %arg8[%swap3A_402] {strides = array<i32>} : memref<512xi32, #tpu.memory_space<vmem>>, vector<16xi32>,
    %swap3A_404 = vector.shape_cast %swap3A_403 : vector<16xi32> to vector<16xi32>
    %swap3A_405 = vector.shape_cast %broadcast_in_dim3A_401 : vector<16xi32> to vector<16xi32>
    tpu.vector_store %arg8[%swap3A_402], %swap3A_405 {strides = array<i32>} : memref<512xi32, #tpu.memory_space<vmem>>, vector<16xi32>,
    %broadcast_in_dim3A_406 = vector.broadcast %shift_right_logical3A_311 : i32 to vector<16xi32>
    %swap3A_407 = arith.constant 16 : index
    %swap3A_408 = tpu.vector_load %arg8[%swap3A_407] {strides = array<i32>} : memref<512xi32, #tpu.memory_space<vmem>>, vector<16xi32>,
    %swap3A_409 = vector.shape_cast %swap3A_408 : vector<16xi32> to vector<16xi32>
    %swap3A_410 = vector.shape_cast %broadcast_in_dim3A_406 : vector<16xi32> to vector<16xi32>
    tpu.vector_store %arg8[%swap3A_407], %swap3A_410 {strides = array<i32>} : memref<512xi32, #tpu.memory_space<vmem>>, vector<16xi32>,
    %broadcast_in_dim3A_411 = vector.broadcast %shift_right_logical3A_311 : i32 to vector<16xi32>
    %swap3A_412 = arith.constant 32 : index
    %swap3A_413 = tpu.vector_load %arg8[%swap3A_412] {strides = array<i32>} : memref<512xi32, #tpu.memory_space<vmem>>, vector<16xi32>,
    %swap3A_414 = vector.shape_cast %swap3A_413 : vector<16xi32> to vector<16xi32>
    %swap3A_415 = vector.shape_cast %broadcast_in_dim3A_411 : vector<16xi32> to vector<16xi32>
    tpu.vector_store %arg8[%swap3A_412], %swap3A_415 {strides = array<i32>} : memref<512xi32, #tpu.memory_space<vmem>>, vector<16xi32>,
    %broadcast_in_dim3A_416 = vector.broadcast %shift_right_logical3A_311 : i32 to vector<16xi32>
    %swap3A_417 = arith.constant 48 : index
    %swap3A_418 = tpu.vector_load %arg8[%swap3A_417] {strides = array<i32>} : memref<512xi32, #tpu.memory_space<vmem>>, vector<16xi32>,
    %swap3A_419 = vector.shape_cast %swap3A_418 : vector<16xi32> to vector<16xi32>
    %swap3A_420 = vector.shape_cast %broadcast_in_dim3A_416 : vector<16xi32> to vector<16xi32>
    tpu.vector_store %arg8[%swap3A_417], %swap3A_420 {strides = array<i32>} : memref<512xi32, #tpu.memory_space<vmem>>, vector<16xi32>,
    %broadcast_in_dim3A_421 = vector.broadcast %shift_right_logical3A_311 : i32 to vector<16xi32>
    %swap3A_422 = arith.constant 64 : index
    %swap3A_423 = tpu.vector_load %arg8[%swap3A_422] {strides = array<i32>} : memref<512xi32, #tpu.memory_space<vmem>>, vector<16xi32>,
    %swap3A_424 = vector.shape_cast %swap3A_423 : vector<16xi32> to vector<16xi32>
    %swap3A_425 = vector.shape_cast %broadcast_in_dim3A_421 : vector<16xi32> to vector<16xi32>
    tpu.vector_store %arg8[%swap3A_422], %swap3A_425 {strides = array<i32>} : memref<512xi32, #tpu.memory_space<vmem>>, vector<16xi32>,
    %broadcast_in_dim3A_426 = vector.broadcast %shift_right_logical3A_311 : i32 to vector<16xi32>
    %swap3A_427 = arith.constant 80 : index
    %swap3A_428 = tpu.vector_load %arg8[%swap3A_427] {strides = array<i32>} : memref<512xi32, #tpu.memory_space<vmem>>, vector<16xi32>,
    %swap3A_429 = vector.shape_cast %swap3A_428 : vector<16xi32> to vector<16xi32>
    %swap3A_430 = vector.shape_cast %broadcast_in_dim3A_426 : vector<16xi32> to vector<16xi32>
    tpu.vector_store %arg8[%swap3A_427], %swap3A_430 {strides = array<i32>} : memref<512xi32, #tpu.memory_space<vmem>>, vector<16xi32>,
    %broadcast_in_dim3A_431 = vector.broadcast %shift_right_logical3A_311 : i32 to vector<16xi32>
    %swap3A_432 = arith.constant 96 : index
    %swap3A_433 = tpu.vector_load %arg8[%swap3A_432] {strides = array<i32>} : memref<512xi32, #tpu.memory_space<vmem>>, vector<16xi32>,
    %swap3A_434 = vector.shape_cast %swap3A_433 : vector<16xi32> to vector<16xi32>
    %swap3A_435 = vector.shape_cast %broadcast_in_dim3A_431 : vector<16xi32> to vector<16xi32>
    tpu.vector_store %arg8[%swap3A_432], %swap3A_435 {strides = array<i32>} : memref<512xi32, #tpu.memory_space<vmem>>, vector<16xi32>,
    %broadcast_in_dim3A_436 = vector.broadcast %shift_right_logical3A_311 : i32 to vector<16xi32>
    %swap3A_437 = arith.constant 112 : index
    %swap3A_438 = tpu.vector_load %arg8[%swap3A_437] {strides = array<i32>} : memref<512xi32, #tpu.memory_space<vmem>>, vector<16xi32>,
    %swap3A_439 = vector.shape_cast %swap3A_438 : vector<16xi32> to vector<16xi32>
    %swap3A_440 = vector.shape_cast %broadcast_in_dim3A_436 : vector<16xi32> to vector<16xi32>
    tpu.vector_store %arg8[%swap3A_437], %swap3A_440 {strides = array<i32>} : memref<512xi32, #tpu.memory_space<vmem>>, vector<16xi32>,
    %add3A_441 = arith.constant 0 : i32
    %add3A_442 = arith.addi %mul3A_2, %add3A_441 : i32
    %dma_start3A_443 = arith.constant 0 : i32
    %dma_start3A_444 = tpu.memref_slice %arg7[%dma_start3A_443] : memref<512xf32, #tpu.memory_space<vmem>> -> memref<128xf32, #tpu.memory_space<vmem>>
    %dma_start3A_445 = arith.constant 0 : i32
    %dma_start3A_446 = tpu.memref_slice %arg3[%add3A_442, %dma_start3A_445] : memref<128x128xf32, #tpu.memory_space<hbm>> -> memref<1x128xf32, #tpu.memory_space<hbm>>
    %dma_start3A_447 = tpu.memref_squeeze %dma_start3A_446 : memref<1x128xf32, #tpu.memory_space<hbm>> -> memref<128xf32, #tpu.memory_space<hbm>>
    %dma_start3A_448 = arith.constant 0 : i32
    %dma_start3A_449 = tpu.memref_slice %arg3[%add3A_442, %dma_start3A_448] : memref<128x128xf32, #tpu.memory_space<hbm>> -> memref<1x128xf32, #tpu.memory_space<hbm>>
    %dma_start3A_450 = tpu.memref_squeeze %dma_start3A_449 : memref<1x128xf32, #tpu.memory_space<hbm>> -> memref<128xf32, #tpu.memory_space<hbm>>
    %dma_start3A_451 = arith.constant 0 : i32
    %dma_start3A_452 = tpu.memref_slice %arg7[%dma_start3A_451] : memref<512xf32, #tpu.memory_space<vmem>> -> memref<128xf32, #tpu.memory_space<vmem>>
    tpu.enqueue_dma source(%dma_start3A_452 : memref<128xf32, #tpu.memory_space<vmem>>) target(%dma_start3A_450 : memref<128xf32, #tpu.memory_space<hbm>>) target_semaphore(%arg11 : memref<!tpu.dma_semaphore, #tpu.memory_space<semaphore_mem>>)
    %add3A_453 = arith.constant 0 : i32
    %add3A_454 = arith.addi %mul3A_2, %add3A_453 : i32
    %dma_start3A_455 = arith.constant 0 : i32
    %dma_start3A_456 = tpu.memref_slice %arg8[%dma_start3A_455] : memref<512xi32, #tpu.memory_space<vmem>> -> memref<128xi32, #tpu.memory_space<vmem>>
    %dma_start3A_457 = arith.constant 0 : i32
    %dma_start3A_458 = tpu.memref_slice %arg4[%add3A_454, %dma_start3A_457] : memref<128x128xi32, #tpu.memory_space<hbm>> -> memref<1x128xi32, #tpu.memory_space<hbm>>
    %dma_start3A_459 = tpu.memref_squeeze %dma_start3A_458 : memref<1x128xi32, #tpu.memory_space<hbm>> -> memref<128xi32, #tpu.memory_space<hbm>>
    %dma_start3A_460 = arith.constant 0 : i32
    %dma_start3A_461 = tpu.memref_slice %arg4[%add3A_454, %dma_start3A_460] : memref<128x128xi32, #tpu.memory_space<hbm>> -> memref<1x128xi32, #tpu.memory_space<hbm>>
    %dma_start3A_462 = tpu.memref_squeeze %dma_start3A_461 : memref<1x128xi32, #tpu.memory_space<hbm>> -> memref<128xi32, #tpu.memory_space<hbm>>
    %dma_start3A_463 = arith.constant 0 : i32
    %dma_start3A_464 = tpu.memref_slice %arg8[%dma_start3A_463] : memref<512xi32, #tpu.memory_space<vmem>> -> memref<128xi32, #tpu.memory_space<vmem>>
    tpu.enqueue_dma source(%dma_start3A_464 : memref<128xi32, #tpu.memory_space<vmem>>) target(%dma_start3A_462 : memref<128xi32, #tpu.memory_space<hbm>>) target_semaphore(%arg11 : memref<!tpu.dma_semaphore, #tpu.memory_space<semaphore_mem>>)
    %add3A_465 = arith.constant 0 : i32
    %add3A_466 = arith.addi %mul3A_2, %add3A_465 : i32
    %add3A_467 = arith.constant 2 : i32
    %add3A_468 = arith.addi %add3A_466, %add3A_467 : i32
    %dma_start3A_469 = arith.constant 0 : i32
    %dma_start3A_470 = tpu.memref_slice %arg2[%add3A_468, %dma_start3A_469] : memref<128x32768xf32, #tpu.memory_space<hbm>> -> memref<1x32768xf32, #tpu.memory_space<hbm>>
    %dma_start3A_471 = tpu.memref_squeeze %dma_start3A_470 : memref<1x32768xf32, #tpu.memory_space<hbm>> -> memref<32768xf32, #tpu.memory_space<hbm>>
    %dma_start3A_472 = arith.constant 0 : i32
    %dma_start3A_473 = tpu.memref_slice %arg2[%add3A_468, %dma_start3A_472] : memref<128x32768xf32, #tpu.memory_space<hbm>> -> memref<1x32768xf32, #tpu.memory_space<hbm>>
    %dma_start3A_474 = tpu.memref_squeeze %dma_start3A_473 : memref<1x32768xf32, #tpu.memory_space<hbm>> -> memref<32768xf32, #tpu.memory_space<hbm>>
    tpu.enqueue_dma source(%dma_start3A_474 : memref<32768xf32, #tpu.memory_space<hbm>>) target(%arg5 : memref<32768xf32, #tpu.memory_space<vmem>>) target_semaphore(%arg9 : memref<!tpu.dma_semaphore, #tpu.memory_space<semaphore_mem>>)
    %dma_wait3A_475 = arith.constant 0 : i32
    %dma_wait3A_476 = tpu.memref_slice %arg2[%add3A_10, %dma_wait3A_475] : memref<128x32768xf32, #tpu.memory_space<hbm>> -> memref<1x32768xf32, #tpu.memory_space<hbm>>
    %dma_wait3A_477 = tpu.memref_squeeze %dma_wait3A_476 : memref<1x32768xf32, #tpu.memory_space<hbm>> -> memref<32768xf32, #tpu.memory_space<hbm>>
    %dma_wait3A_478 = arith.constant 0 : i32
    %dma_wait3A_479 = tpu.memref_slice %arg2[%add3A_10, %dma_wait3A_478] : memref<128x32768xf32, #tpu.memory_space<hbm>> -> memref<1x32768xf32, #tpu.memory_space<hbm>>
    %dma_wait3A_480 = tpu.memref_squeeze %dma_wait3A_479 : memref<1x32768xf32, #tpu.memory_space<hbm>> -> memref<32768xf32, #tpu.memory_space<hbm>>
    tpu.wait_dma2 semaphore(%arg10 : memref<!tpu.dma_semaphore, #tpu.memory_space<semaphore_mem>>) src(%dma_wait3A_480 : memref<32768xf32, #tpu.memory_space<hbm>>) dst(%arg6 : memref<32768xf32, #tpu.memory_space<vmem>>)
    %broadcast_in_dim3A_481 = arith.constant 0xFF800000 : f32
    %broadcast_in_dim3A_482 = vector.broadcast %broadcast_in_dim3A_481 : f32 to vector<16xf32>
    %broadcast_in_dim3A_483 = arith.constant 0 : i32
    %broadcast_in_dim3A_484 = vector.broadcast %broadcast_in_dim3A_483 : i32 to vector<16xi32>
    %broadcast_in_dim3A_485 = arith.constant 0 : i32
    %broadcast_in_dim3A_486 = vector.broadcast %broadcast_in_dim3A_485 : i32 to vector<16xi32>
    %broadcast_in_dim3A_487 = arith.constant 0 : i32
    %broadcast_in_dim3A_488 = vector.broadcast %broadcast_in_dim3A_487 : i32 to vector<16xi32>
    %broadcast_in_dim3A_489 = arith.constant 0 : i32
    %broadcast_in_dim3A_490 = vector.broadcast %broadcast_in_dim3A_489 : i32 to vector<16xi32>
    %broadcast_in_dim3A_491 = arith.constant 0 : i32
    %broadcast_in_dim3A_492 = vector.broadcast %broadcast_in_dim3A_491 : i32 to vector<16xi32>
    %broadcast_in_dim3A_493 = arith.constant 0 : i32
    %broadcast_in_dim3A_494 = vector.broadcast %broadcast_in_dim3A_493 : i32 to vector<16xi32>
    %broadcast_in_dim3A_495 = arith.constant 0 : i32
    %broadcast_in_dim3A_496 = vector.broadcast %broadcast_in_dim3A_495 : i32 to vector<16xi32>
    %broadcast_in_dim3A_497 = arith.constant 0 : i32
    %broadcast_in_dim3A_498 = vector.broadcast %broadcast_in_dim3A_497 : i32 to vector<16xi32>
    %scan3A_499 = arith.constant 0 : i32
    %scan3A_500 = arith.constant 256 : i32
    %scan3A_501 = arith.addi %scan3A_499, %scan3A_500 : i32
    %scan3A_502 = arith.constant 1 : i32
    %scan3A_503:16 = scf.for %scan3A_1948 = %scan3A_499 to %scan3A_501 step %scan3A_502 iter_args(%scan3A_1949 = %broadcast_in_dim3A_482, %scan3A_1950 = %broadcast_in_dim3A_482, %scan3A_1951 = %broadcast_in_dim3A_482, %scan3A_1952 = %broadcast_in_dim3A_482, %scan3A_1953 = %broadcast_in_dim3A_482, %scan3A_1954 = %broadcast_in_dim3A_482, %scan3A_1955 = %broadcast_in_dim3A_482, %scan3A_1956 = %broadcast_in_dim3A_482, %scan3A_1957 = %broadcast_in_dim3A_484, %scan3A_1958 = %broadcast_in_dim3A_486, %scan3A_1959 = %broadcast_in_dim3A_488, %scan3A_1960 = %broadcast_in_dim3A_490, %scan3A_1961 = %broadcast_in_dim3A_492, %scan3A_1962 = %broadcast_in_dim3A_494, %scan3A_1963 = %broadcast_in_dim3A_496, %scan3A_1964 = %broadcast_in_dim3A_498) -> (vector<16xf32>, vector<16xf32>, vector<16xf32>, vector<16xf32>, vector<16xf32>, vector<16xf32>, vector<16xf32>, vector<16xf32>, vector<16xi32>, vector<16xi32>, vector<16xi32>, vector<16xi32>, vector<16xi32>, vector<16xi32>, vector<16xi32>, vector<16xi32>)  : i32 {
      %mul3A_1965 = arith.constant 128 : i32
      %mul3A_1966 = arith.muli %scan3A_1948, %mul3A_1965 : i32
      %multiple_of3A = tpu.assume_multiple %mul3A_1966, 128 : i32
      %broadcast_in_dim3A_1967 = vector.broadcast %scan3A_1948 : i32 to vector<16xi32>
      %add3A_1968 = arith.constant 0 : i32
      %add3A_1969 = arith.addi %multiple_of3A, %add3A_1968 : i32
      %get3A = arith.index_cast %add3A_1969 : i32 to index
      %get3A_1970 = tpu.vector_load %arg6[%get3A] {strides = array<i32>} : memref<32768xf32, #tpu.memory_space<vmem>>, vector<16xf32>,
      %get3A_1971 = vector.shape_cast %get3A_1970 : vector<16xf32> to vector<16xf32>
      %gt3A_1972 = arith.cmpf ogt, %get3A_1971, %scan3A_1949 : vector<16xf32>
      %max3A = arith.maximumf %scan3A_1949, %get3A_1971 : vector<16xf32>
      %select_n3A_1973 = arith.select %gt3A_1972, %broadcast_in_dim3A_1967, %scan3A_1957 : vector<16xi1>, vector<16xi32>
      %add3A_1974 = arith.constant 16 : i32
      %add3A_1975 = arith.addi %multiple_of3A, %add3A_1974 : i32
      %get3A_1976 = arith.index_cast %add3A_1975 : i32 to index
      %get3A_1977 = tpu.vector_load %arg6[%get3A_1976] {strides = array<i32>} : memref<32768xf32, #tpu.memory_space<vmem>>, vector<16xf32>,
      %get3A_1978 = vector.shape_cast %get3A_1977 : vector<16xf32> to vector<16xf32>
      %gt3A_1979 = arith.cmpf ogt, %get3A_1978, %scan3A_1950 : vector<16xf32>
      %max3A_1980 = arith.maximumf %scan3A_1950, %get3A_1978 : vector<16xf32>
      %select_n3A_1981 = arith.select %gt3A_1979, %broadcast_in_dim3A_1967, %scan3A_1958 : vector<16xi1>, vector<16xi32>
      %add3A_1982 = arith.constant 32 : i32
      %add3A_1983 = arith.addi %multiple_of3A, %add3A_1982 : i32
      %get3A_1984 = arith.index_cast %add3A_1983 : i32 to index
      %get3A_1985 = tpu.vector_load %arg6[%get3A_1984] {strides = array<i32>} : memref<32768xf32, #tpu.memory_space<vmem>>, vector<16xf32>,
      %get3A_1986 = vector.shape_cast %get3A_1985 : vector<16xf32> to vector<16xf32>
      %gt3A_1987 = arith.cmpf ogt, %get3A_1986, %scan3A_1951 : vector<16xf32>
      %max3A_1988 = arith.maximumf %scan3A_1951, %get3A_1986 : vector<16xf32>
      %select_n3A_1989 = arith.select %gt3A_1987, %broadcast_in_dim3A_1967, %scan3A_1959 : vector<16xi1>, vector<16xi32>
      %add3A_1990 = arith.constant 48 : i32
      %add3A_1991 = arith.addi %multiple_of3A, %add3A_1990 : i32
      %get3A_1992 = arith.index_cast %add3A_1991 : i32 to index
      %get3A_1993 = tpu.vector_load %arg6[%get3A_1992] {strides = array<i32>} : memref<32768xf32, #tpu.memory_space<vmem>>, vector<16xf32>,
      %get3A_1994 = vector.shape_cast %get3A_1993 : vector<16xf32> to vector<16xf32>
      %gt3A_1995 = arith.cmpf ogt, %get3A_1994, %scan3A_1952 : vector<16xf32>
      %max3A_1996 = arith.maximumf %scan3A_1952, %get3A_1994 : vector<16xf32>
      %select_n3A_1997 = arith.select %gt3A_1995, %broadcast_in_dim3A_1967, %scan3A_1960 : vector<16xi1>, vector<16xi32>
      %add3A_1998 = arith.constant 64 : i32
      %add3A_1999 = arith.addi %multiple_of3A, %add3A_1998 : i32
      %get3A_2000 = arith.index_cast %add3A_1999 : i32 to index
      %get3A_2001 = tpu.vector_load %arg6[%get3A_2000] {strides = array<i32>} : memref<32768xf32, #tpu.memory_space<vmem>>, vector<16xf32>,
      %get3A_2002 = vector.shape_cast %get3A_2001 : vector<16xf32> to vector<16xf32>
      %gt3A_2003 = arith.cmpf ogt, %get3A_2002, %scan3A_1953 : vector<16xf32>
      %max3A_2004 = arith.maximumf %scan3A_1953, %get3A_2002 : vector<16xf32>
      %select_n3A_2005 = arith.select %gt3A_2003, %broadcast_in_dim3A_1967, %scan3A_1961 : vector<16xi1>, vector<16xi32>
      %add3A_2006 = arith.constant 80 : i32
      %add3A_2007 = arith.addi %multiple_of3A, %add3A_2006 : i32
      %get3A_2008 = arith.index_cast %add3A_2007 : i32 to index
      %get3A_2009 = tpu.vector_load %arg6[%get3A_2008] {strides = array<i32>} : memref<32768xf32, #tpu.memory_space<vmem>>, vector<16xf32>,
      %get3A_2010 = vector.shape_cast %get3A_2009 : vector<16xf32> to vector<16xf32>
      %gt3A_2011 = arith.cmpf ogt, %get3A_2010, %scan3A_1954 : vector<16xf32>
      %max3A_2012 = arith.maximumf %scan3A_1954, %get3A_2010 : vector<16xf32>
      %select_n3A_2013 = arith.select %gt3A_2011, %broadcast_in_dim3A_1967, %scan3A_1962 : vector<16xi1>, vector<16xi32>
      %add3A_2014 = arith.constant 96 : i32
      %add3A_2015 = arith.addi %multiple_of3A, %add3A_2014 : i32
      %get3A_2016 = arith.index_cast %add3A_2015 : i32 to index
      %get3A_2017 = tpu.vector_load %arg6[%get3A_2016] {strides = array<i32>} : memref<32768xf32, #tpu.memory_space<vmem>>, vector<16xf32>,
      %get3A_2018 = vector.shape_cast %get3A_2017 : vector<16xf32> to vector<16xf32>
      %gt3A_2019 = arith.cmpf ogt, %get3A_2018, %scan3A_1955 : vector<16xf32>
      %max3A_2020 = arith.maximumf %scan3A_1955, %get3A_2018 : vector<16xf32>
      %select_n3A_2021 = arith.select %gt3A_2019, %broadcast_in_dim3A_1967, %scan3A_1963 : vector<16xi1>, vector<16xi32>
      %add3A_2022 = arith.constant 112 : i32
      %add3A_2023 = arith.addi %multiple_of3A, %add3A_2022 : i32
      %get3A_2024 = arith.index_cast %add3A_2023 : i32 to index
      %get3A_2025 = tpu.vector_load %arg6[%get3A_2024] {strides = array<i32>} : memref<32768xf32, #tpu.memory_space<vmem>>, vector<16xf32>,
      %get3A_2026 = vector.shape_cast %get3A_2025 : vector<16xf32> to vector<16xf32>
      %gt3A_2027 = arith.cmpf ogt, %get3A_2026, %scan3A_1956 : vector<16xf32>
      %max3A_2028 = arith.maximumf %scan3A_1956, %get3A_2026 : vector<16xf32>
      %select_n3A_2029 = arith.select %gt3A_2027, %broadcast_in_dim3A_1967, %scan3A_1964 : vector<16xi1>, vector<16xi32>
      scf.yield %max3A, %max3A_1980, %max3A_1988, %max3A_1996, %max3A_2004, %max3A_2012, %max3A_2020, %max3A_2028, %select_n3A_1973, %select_n3A_1981, %select_n3A_1989, %select_n3A_1997, %select_n3A_2005, %select_n3A_2013, %select_n3A_2021, %select_n3A_2029 : vector<16xf32>, vector<16xf32>, vector<16xf32>, vector<16xf32>, vector<16xf32>, vector<16xf32>, vector<16xf32>, vector<16xf32>, vector<16xi32>, vector<16xi32>, vector<16xi32>, vector<16xi32>, vector<16xi32>, vector<16xi32>, vector<16xi32>, vector<16xi32>
    }
    %scan3A_504 = arith.constant 256 : i32
    %mul3A_505 = arith.constant 128 : i32
    %mul3A_506 = vector.broadcast %mul3A_505 : i32 to vector<16xi32>
    %mul3A_507 = arith.muli %scan3A_503#8, %mul3A_506 : vector<16xi32>
    %add3A_508 = arith.constant 0 : i32
    %add3A_509 = vector.broadcast %add3A_508 : i32 to vector<16xi32>
    %add3A_510 = arith.addi %add3A_509, %iota3A : vector<16xi32>
    %add3A_511 = arith.addi %mul3A_507, %add3A_510 : vector<16xi32>
    %mul3A_512 = arith.constant 128 : i32
    %mul3A_513 = vector.broadcast %mul3A_512 : i32 to vector<16xi32>
    %mul3A_514 = arith.muli %scan3A_503#9, %mul3A_513 : vector<16xi32>
    %add3A_515 = arith.constant 16 : i32
    %add3A_516 = vector.broadcast %add3A_515 : i32 to vector<16xi32>
    %add3A_517 = arith.addi %add3A_516, %iota3A : vector<16xi32>
    %add3A_518 = arith.addi %mul3A_514, %add3A_517 : vector<16xi32>
    %gt3A_519 = arith.cmpf ogt, %scan3A_503#1, %scan3A_503#0 : vector<16xf32>
    %eq3A_520 = arith.cmpf oeq, %scan3A_503#1, %scan3A_503#0 : vector<16xf32>
    %lt3A_521 = arith.cmpi slt, %add3A_518, %add3A_511 : vector<16xi32>
    %and3A_522 = arith.andi %eq3A_520, %lt3A_521 : vector<16xi1>
    %or3A_523 = arith.ori %gt3A_519, %and3A_522 : vector<16xi1>
    %select_n3A_524 = arith.select %or3A_523, %scan3A_503#1, %scan3A_503#0 : vector<16xi1>, vector<16xf32>
    %select_n3A_525 = arith.select %or3A_523, %add3A_518, %add3A_511 : vector<16xi1>, vector<16xi32>
    %mul3A_526 = arith.constant 128 : i32
    %mul3A_527 = vector.broadcast %mul3A_526 : i32 to vector<16xi32>
    %mul3A_528 = arith.muli %scan3A_503#10, %mul3A_527 : vector<16xi32>
    %add3A_529 = arith.constant 32 : i32
    %add3A_530 = vector.broadcast %add3A_529 : i32 to vector<16xi32>
    %add3A_531 = arith.addi %add3A_530, %iota3A : vector<16xi32>
    %add3A_532 = arith.addi %mul3A_528, %add3A_531 : vector<16xi32>
    %gt3A_533 = arith.cmpf ogt, %scan3A_503#2, %select_n3A_524 : vector<16xf32>
    %eq3A_534 = arith.cmpf oeq, %scan3A_503#2, %select_n3A_524 : vector<16xf32>
    %lt3A_535 = arith.cmpi slt, %add3A_532, %select_n3A_525 : vector<16xi32>
    %and3A_536 = arith.andi %eq3A_534, %lt3A_535 : vector<16xi1>
    %or3A_537 = arith.ori %gt3A_533, %and3A_536 : vector<16xi1>
    %select_n3A_538 = arith.select %or3A_537, %scan3A_503#2, %select_n3A_524 : vector<16xi1>, vector<16xf32>
    %select_n3A_539 = arith.select %or3A_537, %add3A_532, %select_n3A_525 : vector<16xi1>, vector<16xi32>
    %mul3A_540 = arith.constant 128 : i32
    %mul3A_541 = vector.broadcast %mul3A_540 : i32 to vector<16xi32>
    %mul3A_542 = arith.muli %scan3A_503#11, %mul3A_541 : vector<16xi32>
    %add3A_543 = arith.constant 48 : i32
    %add3A_544 = vector.broadcast %add3A_543 : i32 to vector<16xi32>
    %add3A_545 = arith.addi %add3A_544, %iota3A : vector<16xi32>
    %add3A_546 = arith.addi %mul3A_542, %add3A_545 : vector<16xi32>
    %gt3A_547 = arith.cmpf ogt, %scan3A_503#3, %select_n3A_538 : vector<16xf32>
    %eq3A_548 = arith.cmpf oeq, %scan3A_503#3, %select_n3A_538 : vector<16xf32>
    %lt3A_549 = arith.cmpi slt, %add3A_546, %select_n3A_539 : vector<16xi32>
    %and3A_550 = arith.andi %eq3A_548, %lt3A_549 : vector<16xi1>
    %or3A_551 = arith.ori %gt3A_547, %and3A_550 : vector<16xi1>
    %select_n3A_552 = arith.select %or3A_551, %scan3A_503#3, %select_n3A_538 : vector<16xi1>, vector<16xf32>
    %select_n3A_553 = arith.select %or3A_551, %add3A_546, %select_n3A_539 : vector<16xi1>, vector<16xi32>
    %mul3A_554 = arith.constant 128 : i32
    %mul3A_555 = vector.broadcast %mul3A_554 : i32 to vector<16xi32>
    %mul3A_556 = arith.muli %scan3A_503#12, %mul3A_555 : vector<16xi32>
    %add3A_557 = arith.constant 64 : i32
    %add3A_558 = vector.broadcast %add3A_557 : i32 to vector<16xi32>
    %add3A_559 = arith.addi %add3A_558, %iota3A : vector<16xi32>
    %add3A_560 = arith.addi %mul3A_556, %add3A_559 : vector<16xi32>
    %gt3A_561 = arith.cmpf ogt, %scan3A_503#4, %select_n3A_552 : vector<16xf32>
    %eq3A_562 = arith.cmpf oeq, %scan3A_503#4, %select_n3A_552 : vector<16xf32>
    %lt3A_563 = arith.cmpi slt, %add3A_560, %select_n3A_553 : vector<16xi32>
    %and3A_564 = arith.andi %eq3A_562, %lt3A_563 : vector<16xi1>
    %or3A_565 = arith.ori %gt3A_561, %and3A_564 : vector<16xi1>
    %select_n3A_566 = arith.select %or3A_565, %scan3A_503#4, %select_n3A_552 : vector<16xi1>, vector<16xf32>
    %select_n3A_567 = arith.select %or3A_565, %add3A_560, %select_n3A_553 : vector<16xi1>, vector<16xi32>
    %mul3A_568 = arith.constant 128 : i32
    %mul3A_569 = vector.broadcast %mul3A_568 : i32 to vector<16xi32>
    %mul3A_570 = arith.muli %scan3A_503#13, %mul3A_569 : vector<16xi32>
    %add3A_571 = arith.constant 80 : i32
    %add3A_572 = vector.broadcast %add3A_571 : i32 to vector<16xi32>
    %add3A_573 = arith.addi %add3A_572, %iota3A : vector<16xi32>
    %add3A_574 = arith.addi %mul3A_570, %add3A_573 : vector<16xi32>
    %gt3A_575 = arith.cmpf ogt, %scan3A_503#5, %select_n3A_566 : vector<16xf32>
    %eq3A_576 = arith.cmpf oeq, %scan3A_503#5, %select_n3A_566 : vector<16xf32>
    %lt3A_577 = arith.cmpi slt, %add3A_574, %select_n3A_567 : vector<16xi32>
    %and3A_578 = arith.andi %eq3A_576, %lt3A_577 : vector<16xi1>
    %or3A_579 = arith.ori %gt3A_575, %and3A_578 : vector<16xi1>
    %select_n3A_580 = arith.select %or3A_579, %scan3A_503#5, %select_n3A_566 : vector<16xi1>, vector<16xf32>
    %select_n3A_581 = arith.select %or3A_579, %add3A_574, %select_n3A_567 : vector<16xi1>, vector<16xi32>
    %mul3A_582 = arith.constant 128 : i32
    %mul3A_583 = vector.broadcast %mul3A_582 : i32 to vector<16xi32>
    %mul3A_584 = arith.muli %scan3A_503#14, %mul3A_583 : vector<16xi32>
    %add3A_585 = arith.constant 96 : i32
    %add3A_586 = vector.broadcast %add3A_585 : i32 to vector<16xi32>
    %add3A_587 = arith.addi %add3A_586, %iota3A : vector<16xi32>
    %add3A_588 = arith.addi %mul3A_584, %add3A_587 : vector<16xi32>
    %gt3A_589 = arith.cmpf ogt, %scan3A_503#6, %select_n3A_580 : vector<16xf32>
    %eq3A_590 = arith.cmpf oeq, %scan3A_503#6, %select_n3A_580 : vector<16xf32>
    %lt3A_591 = arith.cmpi slt, %add3A_588, %select_n3A_581 : vector<16xi32>
    %and3A_592 = arith.andi %eq3A_590, %lt3A_591 : vector<16xi1>
    %or3A_593 = arith.ori %gt3A_589, %and3A_592 : vector<16xi1>
    %select_n3A_594 = arith.select %or3A_593, %scan3A_503#6, %select_n3A_580 : vector<16xi1>, vector<16xf32>
    %select_n3A_595 = arith.select %or3A_593, %add3A_588, %select_n3A_581 : vector<16xi1>, vector<16xi32>
    %mul3A_596 = arith.constant 128 : i32
    %mul3A_597 = vector.broadcast %mul3A_596 : i32 to vector<16xi32>
    %mul3A_598 = arith.muli %scan3A_503#15, %mul3A_597 : vector<16xi32>
    %add3A_599 = arith.constant 112 : i32
    %add3A_600 = vector.broadcast %add3A_599 : i32 to vector<16xi32>
    %add3A_601 = arith.addi %add3A_600, %iota3A : vector<16xi32>
    %add3A_602 = arith.addi %mul3A_598, %add3A_601 : vector<16xi32>
    %gt3A_603 = arith.cmpf ogt, %scan3A_503#7, %select_n3A_594 : vector<16xf32>
    %eq3A_604 = arith.cmpf oeq, %scan3A_503#7, %select_n3A_594 : vector<16xf32>
    %lt3A_605 = arith.cmpi slt, %add3A_602, %select_n3A_595 : vector<16xi32>
    %and3A_606 = arith.andi %eq3A_604, %lt3A_605 : vector<16xi1>
    %or3A_607 = arith.ori %gt3A_603, %and3A_606 : vector<16xi1>
    %select_n3A_608 = arith.select %or3A_607, %scan3A_503#7, %select_n3A_594 : vector<16xi1>, vector<16xf32>
    %select_n3A_609 = arith.select %or3A_607, %add3A_602, %select_n3A_595 : vector<16xi1>, vector<16xi32>
    %slice3A_610 = vector.extract_strided_slice %select_n3A_608 {offsets = [0], sizes = [1], strides = [1]} : vector<16xf32> to vector<1xf32>
    %squeeze3A_611 = vector.extract %slice3A_610[0] : f32 from vector<1xf32>
    %slice3A_612 = vector.extract_strided_slice %select_n3A_609 {offsets = [0], sizes = [1], strides = [1]} : vector<16xi32> to vector<1xi32>
    %squeeze3A_613 = vector.extract %slice3A_612[0] : i32 from vector<1xi32>
    %slice3A_614 = vector.extract_strided_slice %select_n3A_608 {offsets = [1], sizes = [1], strides = [1]} : vector<16xf32> to vector<1xf32>
    %squeeze3A_615 = vector.extract %slice3A_614[0] : f32 from vector<1xf32>
    %slice3A_616 = vector.extract_strided_slice %select_n3A_609 {offsets = [1], sizes = [1], strides = [1]} : vector<16xi32> to vector<1xi32>
    %squeeze3A_617 = vector.extract %slice3A_616[0] : i32 from vector<1xi32>
    %gt3A_618 = arith.cmpf ogt, %squeeze3A_615, %squeeze3A_611 : f32
    %eq3A_619 = arith.cmpf oeq, %squeeze3A_615, %squeeze3A_611 : f32
    %lt3A_620 = arith.cmpi slt, %squeeze3A_617, %squeeze3A_613 : i32
    %and3A_621 = arith.andi %eq3A_619, %lt3A_620 : i1
    %or3A_622 = arith.ori %gt3A_618, %and3A_621 : i1
    %select_n3A_623 = arith.select %or3A_622, %squeeze3A_615, %squeeze3A_611 : f32
    %select_n3A_624 = arith.select %or3A_622, %squeeze3A_617, %squeeze3A_613 : i32
    %slice3A_625 = vector.extract_strided_slice %select_n3A_608 {offsets = [2], sizes = [1], strides = [1]} : vector<16xf32> to vector<1xf32>
    %squeeze3A_626 = vector.extract %slice3A_625[0] : f32 from vector<1xf32>
    %slice3A_627 = vector.extract_strided_slice %select_n3A_609 {offsets = [2], sizes = [1], strides = [1]} : vector<16xi32> to vector<1xi32>
    %squeeze3A_628 = vector.extract %slice3A_627[0] : i32 from vector<1xi32>
    %gt3A_629 = arith.cmpf ogt, %squeeze3A_626, %select_n3A_623 : f32
    %eq3A_630 = arith.cmpf oeq, %squeeze3A_626, %select_n3A_623 : f32
    %lt3A_631 = arith.cmpi slt, %squeeze3A_628, %select_n3A_624 : i32
    %and3A_632 = arith.andi %eq3A_630, %lt3A_631 : i1
    %or3A_633 = arith.ori %gt3A_629, %and3A_632 : i1
    %select_n3A_634 = arith.select %or3A_633, %squeeze3A_626, %select_n3A_623 : f32
    %select_n3A_635 = arith.select %or3A_633, %squeeze3A_628, %select_n3A_624 : i32
    %slice3A_636 = vector.extract_strided_slice %select_n3A_608 {offsets = [3], sizes = [1], strides = [1]} : vector<16xf32> to vector<1xf32>
    %squeeze3A_637 = vector.extract %slice3A_636[0] : f32 from vector<1xf32>
    %slice3A_638 = vector.extract_strided_slice %select_n3A_609 {offsets = [3], sizes = [1], strides = [1]} : vector<16xi32> to vector<1xi32>
    %squeeze3A_639 = vector.extract %slice3A_638[0] : i32 from vector<1xi32>
    %gt3A_640 = arith.cmpf ogt, %squeeze3A_637, %select_n3A_634 : f32
    %eq3A_641 = arith.cmpf oeq, %squeeze3A_637, %select_n3A_634 : f32
    %lt3A_642 = arith.cmpi slt, %squeeze3A_639, %select_n3A_635 : i32
    %and3A_643 = arith.andi %eq3A_641, %lt3A_642 : i1
    %or3A_644 = arith.ori %gt3A_640, %and3A_643 : i1
    %select_n3A_645 = arith.select %or3A_644, %squeeze3A_637, %select_n3A_634 : f32
    %select_n3A_646 = arith.select %or3A_644, %squeeze3A_639, %select_n3A_635 : i32
    %slice3A_647 = vector.extract_strided_slice %select_n3A_608 {offsets = [4], sizes = [1], strides = [1]} : vector<16xf32> to vector<1xf32>
    %squeeze3A_648 = vector.extract %slice3A_647[0] : f32 from vector<1xf32>
    %slice3A_649 = vector.extract_strided_slice %select_n3A_609 {offsets = [4], sizes = [1], strides = [1]} : vector<16xi32> to vector<1xi32>
    %squeeze3A_650 = vector.extract %slice3A_649[0] : i32 from vector<1xi32>
    %gt3A_651 = arith.cmpf ogt, %squeeze3A_648, %select_n3A_645 : f32
    %eq3A_652 = arith.cmpf oeq, %squeeze3A_648, %select_n3A_645 : f32
    %lt3A_653 = arith.cmpi slt, %squeeze3A_650, %select_n3A_646 : i32
    %and3A_654 = arith.andi %eq3A_652, %lt3A_653 : i1
    %or3A_655 = arith.ori %gt3A_651, %and3A_654 : i1
    %select_n3A_656 = arith.select %or3A_655, %squeeze3A_648, %select_n3A_645 : f32
    %select_n3A_657 = arith.select %or3A_655, %squeeze3A_650, %select_n3A_646 : i32
    %slice3A_658 = vector.extract_strided_slice %select_n3A_608 {offsets = [5], sizes = [1], strides = [1]} : vector<16xf32> to vector<1xf32>
    %squeeze3A_659 = vector.extract %slice3A_658[0] : f32 from vector<1xf32>
    %slice3A_660 = vector.extract_strided_slice %select_n3A_609 {offsets = [5], sizes = [1], strides = [1]} : vector<16xi32> to vector<1xi32>
    %squeeze3A_661 = vector.extract %slice3A_660[0] : i32 from vector<1xi32>
    %gt3A_662 = arith.cmpf ogt, %squeeze3A_659, %select_n3A_656 : f32
    %eq3A_663 = arith.cmpf oeq, %squeeze3A_659, %select_n3A_656 : f32
    %lt3A_664 = arith.cmpi slt, %squeeze3A_661, %select_n3A_657 : i32
    %and3A_665 = arith.andi %eq3A_663, %lt3A_664 : i1
    %or3A_666 = arith.ori %gt3A_662, %and3A_665 : i1
    %select_n3A_667 = arith.select %or3A_666, %squeeze3A_659, %select_n3A_656 : f32
    %select_n3A_668 = arith.select %or3A_666, %squeeze3A_661, %select_n3A_657 : i32
    %slice3A_669 = vector.extract_strided_slice %select_n3A_608 {offsets = [6], sizes = [1], strides = [1]} : vector<16xf32> to vector<1xf32>
    %squeeze3A_670 = vector.extract %slice3A_669[0] : f32 from vector<1xf32>
    %slice3A_671 = vector.extract_strided_slice %select_n3A_609 {offsets = [6], sizes = [1], strides = [1]} : vector<16xi32> to vector<1xi32>
    %squeeze3A_672 = vector.extract %slice3A_671[0] : i32 from vector<1xi32>
    %gt3A_673 = arith.cmpf ogt, %squeeze3A_670, %select_n3A_667 : f32
    %eq3A_674 = arith.cmpf oeq, %squeeze3A_670, %select_n3A_667 : f32
    %lt3A_675 = arith.cmpi slt, %squeeze3A_672, %select_n3A_668 : i32
    %and3A_676 = arith.andi %eq3A_674, %lt3A_675 : i1
    %or3A_677 = arith.ori %gt3A_673, %and3A_676 : i1
    %select_n3A_678 = arith.select %or3A_677, %squeeze3A_670, %select_n3A_667 : f32
    %select_n3A_679 = arith.select %or3A_677, %squeeze3A_672, %select_n3A_668 : i32
    %slice3A_680 = vector.extract_strided_slice %select_n3A_608 {offsets = [7], sizes = [1], strides = [1]} : vector<16xf32> to vector<1xf32>
    %squeeze3A_681 = vector.extract %slice3A_680[0] : f32 from vector<1xf32>
    %slice3A_682 = vector.extract_strided_slice %select_n3A_609 {offsets = [7], sizes = [1], strides = [1]} : vector<16xi32> to vector<1xi32>
    %squeeze3A_683 = vector.extract %slice3A_682[0] : i32 from vector<1xi32>
    %gt3A_684 = arith.cmpf ogt, %squeeze3A_681, %select_n3A_678 : f32
    %eq3A_685 = arith.cmpf oeq, %squeeze3A_681, %select_n3A_678 : f32
    %lt3A_686 = arith.cmpi slt, %squeeze3A_683, %select_n3A_679 : i32
    %and3A_687 = arith.andi %eq3A_685, %lt3A_686 : i1
    %or3A_688 = arith.ori %gt3A_684, %and3A_687 : i1
    %select_n3A_689 = arith.select %or3A_688, %squeeze3A_681, %select_n3A_678 : f32
    %select_n3A_690 = arith.select %or3A_688, %squeeze3A_683, %select_n3A_679 : i32
    %slice3A_691 = vector.extract_strided_slice %select_n3A_608 {offsets = [8], sizes = [1], strides = [1]} : vector<16xf32> to vector<1xf32>
    %squeeze3A_692 = vector.extract %slice3A_691[0] : f32 from vector<1xf32>
    %slice3A_693 = vector.extract_strided_slice %select_n3A_609 {offsets = [8], sizes = [1], strides = [1]} : vector<16xi32> to vector<1xi32>
    %squeeze3A_694 = vector.extract %slice3A_693[0] : i32 from vector<1xi32>
    %gt3A_695 = arith.cmpf ogt, %squeeze3A_692, %select_n3A_689 : f32
    %eq3A_696 = arith.cmpf oeq, %squeeze3A_692, %select_n3A_689 : f32
    %lt3A_697 = arith.cmpi slt, %squeeze3A_694, %select_n3A_690 : i32
    %and3A_698 = arith.andi %eq3A_696, %lt3A_697 : i1
    %or3A_699 = arith.ori %gt3A_695, %and3A_698 : i1
    %select_n3A_700 = arith.select %or3A_699, %squeeze3A_692, %select_n3A_689 : f32
    %select_n3A_701 = arith.select %or3A_699, %squeeze3A_694, %select_n3A_690 : i32
    %slice3A_702 = vector.extract_strided_slice %select_n3A_608 {offsets = [9], sizes = [1], strides = [1]} : vector<16xf32> to vector<1xf32>
    %squeeze3A_703 = vector.extract %slice3A_702[0] : f32 from vector<1xf32>
    %slice3A_704 = vector.extract_strided_slice %select_n3A_609 {offsets = [9], sizes = [1], strides = [1]} : vector<16xi32> to vector<1xi32>
    %squeeze3A_705 = vector.extract %slice3A_704[0] : i32 from vector<1xi32>
    %gt3A_706 = arith.cmpf ogt, %squeeze3A_703, %select_n3A_700 : f32
    %eq3A_707 = arith.cmpf oeq, %squeeze3A_703, %select_n3A_700 : f32
    %lt3A_708 = arith.cmpi slt, %squeeze3A_705, %select_n3A_701 : i32
    %and3A_709 = arith.andi %eq3A_707, %lt3A_708 : i1
    %or3A_710 = arith.ori %gt3A_706, %and3A_709 : i1
    %select_n3A_711 = arith.select %or3A_710, %squeeze3A_703, %select_n3A_700 : f32
    %select_n3A_712 = arith.select %or3A_710, %squeeze3A_705, %select_n3A_701 : i32
    %slice3A_713 = vector.extract_strided_slice %select_n3A_608 {offsets = [10], sizes = [1], strides = [1]} : vector<16xf32> to vector<1xf32>
    %squeeze3A_714 = vector.extract %slice3A_713[0] : f32 from vector<1xf32>
    %slice3A_715 = vector.extract_strided_slice %select_n3A_609 {offsets = [10], sizes = [1], strides = [1]} : vector<16xi32> to vector<1xi32>
    %squeeze3A_716 = vector.extract %slice3A_715[0] : i32 from vector<1xi32>
    %gt3A_717 = arith.cmpf ogt, %squeeze3A_714, %select_n3A_711 : f32
    %eq3A_718 = arith.cmpf oeq, %squeeze3A_714, %select_n3A_711 : f32
    %lt3A_719 = arith.cmpi slt, %squeeze3A_716, %select_n3A_712 : i32
    %and3A_720 = arith.andi %eq3A_718, %lt3A_719 : i1
    %or3A_721 = arith.ori %gt3A_717, %and3A_720 : i1
    %select_n3A_722 = arith.select %or3A_721, %squeeze3A_714, %select_n3A_711 : f32
    %select_n3A_723 = arith.select %or3A_721, %squeeze3A_716, %select_n3A_712 : i32
    %slice3A_724 = vector.extract_strided_slice %select_n3A_608 {offsets = [11], sizes = [1], strides = [1]} : vector<16xf32> to vector<1xf32>
    %squeeze3A_725 = vector.extract %slice3A_724[0] : f32 from vector<1xf32>
    %slice3A_726 = vector.extract_strided_slice %select_n3A_609 {offsets = [11], sizes = [1], strides = [1]} : vector<16xi32> to vector<1xi32>
    %squeeze3A_727 = vector.extract %slice3A_726[0] : i32 from vector<1xi32>
    %gt3A_728 = arith.cmpf ogt, %squeeze3A_725, %select_n3A_722 : f32
    %eq3A_729 = arith.cmpf oeq, %squeeze3A_725, %select_n3A_722 : f32
    %lt3A_730 = arith.cmpi slt, %squeeze3A_727, %select_n3A_723 : i32
    %and3A_731 = arith.andi %eq3A_729, %lt3A_730 : i1
    %or3A_732 = arith.ori %gt3A_728, %and3A_731 : i1
    %select_n3A_733 = arith.select %or3A_732, %squeeze3A_725, %select_n3A_722 : f32
    %select_n3A_734 = arith.select %or3A_732, %squeeze3A_727, %select_n3A_723 : i32
    %slice3A_735 = vector.extract_strided_slice %select_n3A_608 {offsets = [12], sizes = [1], strides = [1]} : vector<16xf32> to vector<1xf32>
    %squeeze3A_736 = vector.extract %slice3A_735[0] : f32 from vector<1xf32>
    %slice3A_737 = vector.extract_strided_slice %select_n3A_609 {offsets = [12], sizes = [1], strides = [1]} : vector<16xi32> to vector<1xi32>
    %squeeze3A_738 = vector.extract %slice3A_737[0] : i32 from vector<1xi32>
    %gt3A_739 = arith.cmpf ogt, %squeeze3A_736, %select_n3A_733 : f32
    %eq3A_740 = arith.cmpf oeq, %squeeze3A_736, %select_n3A_733 : f32
    %lt3A_741 = arith.cmpi slt, %squeeze3A_738, %select_n3A_734 : i32
    %and3A_742 = arith.andi %eq3A_740, %lt3A_741 : i1
    %or3A_743 = arith.ori %gt3A_739, %and3A_742 : i1
    %select_n3A_744 = arith.select %or3A_743, %squeeze3A_736, %select_n3A_733 : f32
    %select_n3A_745 = arith.select %or3A_743, %squeeze3A_738, %select_n3A_734 : i32
    %slice3A_746 = vector.extract_strided_slice %select_n3A_608 {offsets = [13], sizes = [1], strides = [1]} : vector<16xf32> to vector<1xf32>
    %squeeze3A_747 = vector.extract %slice3A_746[0] : f32 from vector<1xf32>
    %slice3A_748 = vector.extract_strided_slice %select_n3A_609 {offsets = [13], sizes = [1], strides = [1]} : vector<16xi32> to vector<1xi32>
    %squeeze3A_749 = vector.extract %slice3A_748[0] : i32 from vector<1xi32>
    %gt3A_750 = arith.cmpf ogt, %squeeze3A_747, %select_n3A_744 : f32
    %eq3A_751 = arith.cmpf oeq, %squeeze3A_747, %select_n3A_744 : f32
    %lt3A_752 = arith.cmpi slt, %squeeze3A_749, %select_n3A_745 : i32
    %and3A_753 = arith.andi %eq3A_751, %lt3A_752 : i1
    %or3A_754 = arith.ori %gt3A_750, %and3A_753 : i1
    %select_n3A_755 = arith.select %or3A_754, %squeeze3A_747, %select_n3A_744 : f32
    %select_n3A_756 = arith.select %or3A_754, %squeeze3A_749, %select_n3A_745 : i32
    %slice3A_757 = vector.extract_strided_slice %select_n3A_608 {offsets = [14], sizes = [1], strides = [1]} : vector<16xf32> to vector<1xf32>
    %squeeze3A_758 = vector.extract %slice3A_757[0] : f32 from vector<1xf32>
    %slice3A_759 = vector.extract_strided_slice %select_n3A_609 {offsets = [14], sizes = [1], strides = [1]} : vector<16xi32> to vector<1xi32>
    %squeeze3A_760 = vector.extract %slice3A_759[0] : i32 from vector<1xi32>
    %gt3A_761 = arith.cmpf ogt, %squeeze3A_758, %select_n3A_755 : f32
    %eq3A_762 = arith.cmpf oeq, %squeeze3A_758, %select_n3A_755 : f32
    %lt3A_763 = arith.cmpi slt, %squeeze3A_760, %select_n3A_756 : i32
    %and3A_764 = arith.andi %eq3A_762, %lt3A_763 : i1
    %or3A_765 = arith.ori %gt3A_761, %and3A_764 : i1
    %select_n3A_766 = arith.select %or3A_765, %squeeze3A_758, %select_n3A_755 : f32
    %select_n3A_767 = arith.select %or3A_765, %squeeze3A_760, %select_n3A_756 : i32
    %slice3A_768 = vector.extract_strided_slice %select_n3A_608 {offsets = [15], sizes = [1], strides = [1]} : vector<16xf32> to vector<1xf32>
    %squeeze3A_769 = vector.extract %slice3A_768[0] : f32 from vector<1xf32>
    %slice3A_770 = vector.extract_strided_slice %select_n3A_609 {offsets = [15], sizes = [1], strides = [1]} : vector<16xi32> to vector<1xi32>
    %squeeze3A_771 = vector.extract %slice3A_770[0] : i32 from vector<1xi32>
    %gt3A_772 = arith.cmpf ogt, %squeeze3A_769, %select_n3A_766 : f32
    %eq3A_773 = arith.cmpf oeq, %squeeze3A_769, %select_n3A_766 : f32
    %lt3A_774 = arith.cmpi slt, %squeeze3A_771, %select_n3A_767 : i32
    %and3A_775 = arith.andi %eq3A_773, %lt3A_774 : i1
    %or3A_776 = arith.ori %gt3A_772, %and3A_775 : i1
    %select_n3A_777 = arith.select %or3A_776, %squeeze3A_769, %select_n3A_766 : f32
    %select_n3A_778 = arith.select %or3A_776, %squeeze3A_771, %select_n3A_767 : i32
    %shift_right_logical3A_779 = arith.constant 7 : i32
    %shift_right_logical3A_780 = arith.shrui %select_n3A_778, %shift_right_logical3A_779 : i32
    %mul3A_781 = arith.constant 128 : i32
    %mul3A_782 = arith.muli %shift_right_logical3A_780, %mul3A_781 : i32
    %sub3A_783 = arith.subi %select_n3A_778, %mul3A_782 : i32
    %add3A_784 = arith.constant 0 : i32
    %add3A_785 = vector.broadcast %add3A_784 : i32 to vector<16xi32>
    %add3A_786 = arith.addi %iota3A, %add3A_785 : vector<16xi32>
    %eq3A_787 = vector.broadcast %sub3A_783 : i32 to vector<16xi32>
    %eq3A_788 = arith.cmpi eq, %add3A_786, %eq3A_787 : vector<16xi32>
    %broadcast_in_dim3A_789 = vector.broadcast %select_n3A_777 : f32 to vector<16xf32>
    %select_n3A_790 = arith.select %eq3A_788, %broadcast_in_dim3A_789, %broadcast_in_dim3A_3 : vector<16xi1>, vector<16xf32>
    %swap3A_791 = arith.constant 128 : index
    %swap3A_792 = tpu.vector_load %arg7[%swap3A_791] {strides = array<i32>} : memref<512xf32, #tpu.memory_space<vmem>>, vector<16xf32>,
    %swap3A_793 = vector.shape_cast %swap3A_792 : vector<16xf32> to vector<16xf32>
    %swap3A_794 = vector.shape_cast %select_n3A_790 : vector<16xf32> to vector<16xf32>
    tpu.vector_store %arg7[%swap3A_791], %swap3A_794 {strides = array<i32>} : memref<512xf32, #tpu.memory_space<vmem>>, vector<16xf32>,
    %add3A_795 = arith.constant 16 : i32
    %add3A_796 = vector.broadcast %add3A_795 : i32 to vector<16xi32>
    %add3A_797 = arith.addi %iota3A, %add3A_796 : vector<16xi32>
    %eq3A_798 = vector.broadcast %sub3A_783 : i32 to vector<16xi32>
    %eq3A_799 = arith.cmpi eq, %add3A_797, %eq3A_798 : vector<16xi32>
    %broadcast_in_dim3A_800 = vector.broadcast %select_n3A_777 : f32 to vector<16xf32>
    %select_n3A_801 = arith.select %eq3A_799, %broadcast_in_dim3A_800, %broadcast_in_dim3A_3 : vector<16xi1>, vector<16xf32>
    %swap3A_802 = arith.constant 144 : index
    %swap3A_803 = tpu.vector_load %arg7[%swap3A_802] {strides = array<i32>} : memref<512xf32, #tpu.memory_space<vmem>>, vector<16xf32>,
    %swap3A_804 = vector.shape_cast %swap3A_803 : vector<16xf32> to vector<16xf32>
    %swap3A_805 = vector.shape_cast %select_n3A_801 : vector<16xf32> to vector<16xf32>
    tpu.vector_store %arg7[%swap3A_802], %swap3A_805 {strides = array<i32>} : memref<512xf32, #tpu.memory_space<vmem>>, vector<16xf32>,
    %add3A_806 = arith.constant 32 : i32
    %add3A_807 = vector.broadcast %add3A_806 : i32 to vector<16xi32>
    %add3A_808 = arith.addi %iota3A, %add3A_807 : vector<16xi32>
    %eq3A_809 = vector.broadcast %sub3A_783 : i32 to vector<16xi32>
    %eq3A_810 = arith.cmpi eq, %add3A_808, %eq3A_809 : vector<16xi32>
    %broadcast_in_dim3A_811 = vector.broadcast %select_n3A_777 : f32 to vector<16xf32>
    %select_n3A_812 = arith.select %eq3A_810, %broadcast_in_dim3A_811, %broadcast_in_dim3A_3 : vector<16xi1>, vector<16xf32>
    %swap3A_813 = arith.constant 160 : index
    %swap3A_814 = tpu.vector_load %arg7[%swap3A_813] {strides = array<i32>} : memref<512xf32, #tpu.memory_space<vmem>>, vector<16xf32>,
    %swap3A_815 = vector.shape_cast %swap3A_814 : vector<16xf32> to vector<16xf32>
    %swap3A_816 = vector.shape_cast %select_n3A_812 : vector<16xf32> to vector<16xf32>
    tpu.vector_store %arg7[%swap3A_813], %swap3A_816 {strides = array<i32>} : memref<512xf32, #tpu.memory_space<vmem>>, vector<16xf32>,
    %add3A_817 = arith.constant 48 : i32
    %add3A_818 = vector.broadcast %add3A_817 : i32 to vector<16xi32>
    %add3A_819 = arith.addi %iota3A, %add3A_818 : vector<16xi32>
    %eq3A_820 = vector.broadcast %sub3A_783 : i32 to vector<16xi32>
    %eq3A_821 = arith.cmpi eq, %add3A_819, %eq3A_820 : vector<16xi32>
    %broadcast_in_dim3A_822 = vector.broadcast %select_n3A_777 : f32 to vector<16xf32>
    %select_n3A_823 = arith.select %eq3A_821, %broadcast_in_dim3A_822, %broadcast_in_dim3A_3 : vector<16xi1>, vector<16xf32>
    %swap3A_824 = arith.constant 176 : index
    %swap3A_825 = tpu.vector_load %arg7[%swap3A_824] {strides = array<i32>} : memref<512xf32, #tpu.memory_space<vmem>>, vector<16xf32>,
    %swap3A_826 = vector.shape_cast %swap3A_825 : vector<16xf32> to vector<16xf32>
    %swap3A_827 = vector.shape_cast %select_n3A_823 : vector<16xf32> to vector<16xf32>
    tpu.vector_store %arg7[%swap3A_824], %swap3A_827 {strides = array<i32>} : memref<512xf32, #tpu.memory_space<vmem>>, vector<16xf32>,
    %add3A_828 = arith.constant 64 : i32
    %add3A_829 = vector.broadcast %add3A_828 : i32 to vector<16xi32>
    %add3A_830 = arith.addi %iota3A, %add3A_829 : vector<16xi32>
    %eq3A_831 = vector.broadcast %sub3A_783 : i32 to vector<16xi32>
    %eq3A_832 = arith.cmpi eq, %add3A_830, %eq3A_831 : vector<16xi32>
    %broadcast_in_dim3A_833 = vector.broadcast %select_n3A_777 : f32 to vector<16xf32>
    %select_n3A_834 = arith.select %eq3A_832, %broadcast_in_dim3A_833, %broadcast_in_dim3A_3 : vector<16xi1>, vector<16xf32>
    %swap3A_835 = arith.constant 192 : index
    %swap3A_836 = tpu.vector_load %arg7[%swap3A_835] {strides = array<i32>} : memref<512xf32, #tpu.memory_space<vmem>>, vector<16xf32>,
    %swap3A_837 = vector.shape_cast %swap3A_836 : vector<16xf32> to vector<16xf32>
    %swap3A_838 = vector.shape_cast %select_n3A_834 : vector<16xf32> to vector<16xf32>
    tpu.vector_store %arg7[%swap3A_835], %swap3A_838 {strides = array<i32>} : memref<512xf32, #tpu.memory_space<vmem>>, vector<16xf32>,
    %add3A_839 = arith.constant 80 : i32
    %add3A_840 = vector.broadcast %add3A_839 : i32 to vector<16xi32>
    %add3A_841 = arith.addi %iota3A, %add3A_840 : vector<16xi32>
    %eq3A_842 = vector.broadcast %sub3A_783 : i32 to vector<16xi32>
    %eq3A_843 = arith.cmpi eq, %add3A_841, %eq3A_842 : vector<16xi32>
    %broadcast_in_dim3A_844 = vector.broadcast %select_n3A_777 : f32 to vector<16xf32>
    %select_n3A_845 = arith.select %eq3A_843, %broadcast_in_dim3A_844, %broadcast_in_dim3A_3 : vector<16xi1>, vector<16xf32>
    %swap3A_846 = arith.constant 208 : index
    %swap3A_847 = tpu.vector_load %arg7[%swap3A_846] {strides = array<i32>} : memref<512xf32, #tpu.memory_space<vmem>>, vector<16xf32>,
    %swap3A_848 = vector.shape_cast %swap3A_847 : vector<16xf32> to vector<16xf32>
    %swap3A_849 = vector.shape_cast %select_n3A_845 : vector<16xf32> to vector<16xf32>
    tpu.vector_store %arg7[%swap3A_846], %swap3A_849 {strides = array<i32>} : memref<512xf32, #tpu.memory_space<vmem>>, vector<16xf32>,
    %add3A_850 = arith.constant 96 : i32
    %add3A_851 = vector.broadcast %add3A_850 : i32 to vector<16xi32>
    %add3A_852 = arith.addi %iota3A, %add3A_851 : vector<16xi32>
    %eq3A_853 = vector.broadcast %sub3A_783 : i32 to vector<16xi32>
    %eq3A_854 = arith.cmpi eq, %add3A_852, %eq3A_853 : vector<16xi32>
    %broadcast_in_dim3A_855 = vector.broadcast %select_n3A_777 : f32 to vector<16xf32>
    %select_n3A_856 = arith.select %eq3A_854, %broadcast_in_dim3A_855, %broadcast_in_dim3A_3 : vector<16xi1>, vector<16xf32>
    %swap3A_857 = arith.constant 224 : index
    %swap3A_858 = tpu.vector_load %arg7[%swap3A_857] {strides = array<i32>} : memref<512xf32, #tpu.memory_space<vmem>>, vector<16xf32>,
    %swap3A_859 = vector.shape_cast %swap3A_858 : vector<16xf32> to vector<16xf32>
    %swap3A_860 = vector.shape_cast %select_n3A_856 : vector<16xf32> to vector<16xf32>
    tpu.vector_store %arg7[%swap3A_857], %swap3A_860 {strides = array<i32>} : memref<512xf32, #tpu.memory_space<vmem>>, vector<16xf32>,
    %add3A_861 = arith.constant 112 : i32
    %add3A_862 = vector.broadcast %add3A_861 : i32 to vector<16xi32>
    %add3A_863 = arith.addi %iota3A, %add3A_862 : vector<16xi32>
    %eq3A_864 = vector.broadcast %sub3A_783 : i32 to vector<16xi32>
    %eq3A_865 = arith.cmpi eq, %add3A_863, %eq3A_864 : vector<16xi32>
    %broadcast_in_dim3A_866 = vector.broadcast %select_n3A_777 : f32 to vector<16xf32>
    %select_n3A_867 = arith.select %eq3A_865, %broadcast_in_dim3A_866, %broadcast_in_dim3A_3 : vector<16xi1>, vector<16xf32>
    %swap3A_868 = arith.constant 240 : index
    %swap3A_869 = tpu.vector_load %arg7[%swap3A_868] {strides = array<i32>} : memref<512xf32, #tpu.memory_space<vmem>>, vector<16xf32>,
    %swap3A_870 = vector.shape_cast %swap3A_869 : vector<16xf32> to vector<16xf32>
    %swap3A_871 = vector.shape_cast %select_n3A_867 : vector<16xf32> to vector<16xf32>
    tpu.vector_store %arg7[%swap3A_868], %swap3A_871 {strides = array<i32>} : memref<512xf32, #tpu.memory_space<vmem>>, vector<16xf32>,
    %broadcast_in_dim3A_872 = vector.broadcast %shift_right_logical3A_780 : i32 to vector<16xi32>
    %swap3A_873 = arith.constant 128 : index
    %swap3A_874 = tpu.vector_load %arg8[%swap3A_873] {strides = array<i32>} : memref<512xi32, #tpu.memory_space<vmem>>, vector<16xi32>,
    %swap3A_875 = vector.shape_cast %swap3A_874 : vector<16xi32> to vector<16xi32>
    %swap3A_876 = vector.shape_cast %broadcast_in_dim3A_872 : vector<16xi32> to vector<16xi32>
    tpu.vector_store %arg8[%swap3A_873], %swap3A_876 {strides = array<i32>} : memref<512xi32, #tpu.memory_space<vmem>>, vector<16xi32>,
    %broadcast_in_dim3A_877 = vector.broadcast %shift_right_logical3A_780 : i32 to vector<16xi32>
    %swap3A_878 = arith.constant 144 : index
    %swap3A_879 = tpu.vector_load %arg8[%swap3A_878] {strides = array<i32>} : memref<512xi32, #tpu.memory_space<vmem>>, vector<16xi32>,
    %swap3A_880 = vector.shape_cast %swap3A_879 : vector<16xi32> to vector<16xi32>
    %swap3A_881 = vector.shape_cast %broadcast_in_dim3A_877 : vector<16xi32> to vector<16xi32>
    tpu.vector_store %arg8[%swap3A_878], %swap3A_881 {strides = array<i32>} : memref<512xi32, #tpu.memory_space<vmem>>, vector<16xi32>,
    %broadcast_in_dim3A_882 = vector.broadcast %shift_right_logical3A_780 : i32 to vector<16xi32>
    %swap3A_883 = arith.constant 160 : index
    %swap3A_884 = tpu.vector_load %arg8[%swap3A_883] {strides = array<i32>} : memref<512xi32, #tpu.memory_space<vmem>>, vector<16xi32>,
    %swap3A_885 = vector.shape_cast %swap3A_884 : vector<16xi32> to vector<16xi32>
    %swap3A_886 = vector.shape_cast %broadcast_in_dim3A_882 : vector<16xi32> to vector<16xi32>
    tpu.vector_store %arg8[%swap3A_883], %swap3A_886 {strides = array<i32>} : memref<512xi32, #tpu.memory_space<vmem>>, vector<16xi32>,
    %broadcast_in_dim3A_887 = vector.broadcast %shift_right_logical3A_780 : i32 to vector<16xi32>
    %swap3A_888 = arith.constant 176 : index
    %swap3A_889 = tpu.vector_load %arg8[%swap3A_888] {strides = array<i32>} : memref<512xi32, #tpu.memory_space<vmem>>, vector<16xi32>,
    %swap3A_890 = vector.shape_cast %swap3A_889 : vector<16xi32> to vector<16xi32>
    %swap3A_891 = vector.shape_cast %broadcast_in_dim3A_887 : vector<16xi32> to vector<16xi32>
    tpu.vector_store %arg8[%swap3A_888], %swap3A_891 {strides = array<i32>} : memref<512xi32, #tpu.memory_space<vmem>>, vector<16xi32>,
    %broadcast_in_dim3A_892 = vector.broadcast %shift_right_logical3A_780 : i32 to vector<16xi32>
    %swap3A_893 = arith.constant 192 : index
    %swap3A_894 = tpu.vector_load %arg8[%swap3A_893] {strides = array<i32>} : memref<512xi32, #tpu.memory_space<vmem>>, vector<16xi32>,
    %swap3A_895 = vector.shape_cast %swap3A_894 : vector<16xi32> to vector<16xi32>
    %swap3A_896 = vector.shape_cast %broadcast_in_dim3A_892 : vector<16xi32> to vector<16xi32>
    tpu.vector_store %arg8[%swap3A_893], %swap3A_896 {strides = array<i32>} : memref<512xi32, #tpu.memory_space<vmem>>, vector<16xi32>,
    %broadcast_in_dim3A_897 = vector.broadcast %shift_right_logical3A_780 : i32 to vector<16xi32>
    %swap3A_898 = arith.constant 208 : index
    %swap3A_899 = tpu.vector_load %arg8[%swap3A_898] {strides = array<i32>} : memref<512xi32, #tpu.memory_space<vmem>>, vector<16xi32>,
    %swap3A_900 = vector.shape_cast %swap3A_899 : vector<16xi32> to vector<16xi32>
    %swap3A_901 = vector.shape_cast %broadcast_in_dim3A_897 : vector<16xi32> to vector<16xi32>
    tpu.vector_store %arg8[%swap3A_898], %swap3A_901 {strides = array<i32>} : memref<512xi32, #tpu.memory_space<vmem>>, vector<16xi32>,
    %broadcast_in_dim3A_902 = vector.broadcast %shift_right_logical3A_780 : i32 to vector<16xi32>
    %swap3A_903 = arith.constant 224 : index
    %swap3A_904 = tpu.vector_load %arg8[%swap3A_903] {strides = array<i32>} : memref<512xi32, #tpu.memory_space<vmem>>, vector<16xi32>,
    %swap3A_905 = vector.shape_cast %swap3A_904 : vector<16xi32> to vector<16xi32>
    %swap3A_906 = vector.shape_cast %broadcast_in_dim3A_902 : vector<16xi32> to vector<16xi32>
    tpu.vector_store %arg8[%swap3A_903], %swap3A_906 {strides = array<i32>} : memref<512xi32, #tpu.memory_space<vmem>>, vector<16xi32>,
    %broadcast_in_dim3A_907 = vector.broadcast %shift_right_logical3A_780 : i32 to vector<16xi32>
    %swap3A_908 = arith.constant 240 : index
    %swap3A_909 = tpu.vector_load %arg8[%swap3A_908] {strides = array<i32>} : memref<512xi32, #tpu.memory_space<vmem>>, vector<16xi32>,
    %swap3A_910 = vector.shape_cast %swap3A_909 : vector<16xi32> to vector<16xi32>
    %swap3A_911 = vector.shape_cast %broadcast_in_dim3A_907 : vector<16xi32> to vector<16xi32>
    tpu.vector_store %arg8[%swap3A_908], %swap3A_911 {strides = array<i32>} : memref<512xi32, #tpu.memory_space<vmem>>, vector<16xi32>,
    %add3A_912 = arith.constant 1 : i32
    %add3A_913 = arith.addi %mul3A_2, %add3A_912 : i32
    %dma_start3A_914 = arith.constant 128 : i32
    %dma_start3A_915 = tpu.memref_slice %arg7[%dma_start3A_914] : memref<512xf32, #tpu.memory_space<vmem>> -> memref<128xf32, #tpu.memory_space<vmem>>
    %dma_start3A_916 = arith.constant 0 : i32
    %dma_start3A_917 = tpu.memref_slice %arg3[%add3A_913, %dma_start3A_916] : memref<128x128xf32, #tpu.memory_space<hbm>> -> memref<1x128xf32, #tpu.memory_space<hbm>>
    %dma_start3A_918 = tpu.memref_squeeze %dma_start3A_917 : memref<1x128xf32, #tpu.memory_space<hbm>> -> memref<128xf32, #tpu.memory_space<hbm>>
    %dma_start3A_919 = arith.constant 0 : i32
    %dma_start3A_920 = tpu.memref_slice %arg3[%add3A_913, %dma_start3A_919] : memref<128x128xf32, #tpu.memory_space<hbm>> -> memref<1x128xf32, #tpu.memory_space<hbm>>
    %dma_start3A_921 = tpu.memref_squeeze %dma_start3A_920 : memref<1x128xf32, #tpu.memory_space<hbm>> -> memref<128xf32, #tpu.memory_space<hbm>>
    %dma_start3A_922 = arith.constant 128 : i32
    %dma_start3A_923 = tpu.memref_slice %arg7[%dma_start3A_922] : memref<512xf32, #tpu.memory_space<vmem>> -> memref<128xf32, #tpu.memory_space<vmem>>
    tpu.enqueue_dma source(%dma_start3A_923 : memref<128xf32, #tpu.memory_space<vmem>>) target(%dma_start3A_921 : memref<128xf32, #tpu.memory_space<hbm>>) target_semaphore(%arg11 : memref<!tpu.dma_semaphore, #tpu.memory_space<semaphore_mem>>)
    %add3A_924 = arith.constant 1 : i32
    %add3A_925 = arith.addi %mul3A_2, %add3A_924 : i32
    %dma_start3A_926 = arith.constant 128 : i32
    %dma_start3A_927 = tpu.memref_slice %arg8[%dma_start3A_926] : memref<512xi32, #tpu.memory_space<vmem>> -> memref<128xi32, #tpu.memory_space<vmem>>
    %dma_start3A_928 = arith.constant 0 : i32
    %dma_start3A_929 = tpu.memref_slice %arg4[%add3A_925, %dma_start3A_928] : memref<128x128xi32, #tpu.memory_space<hbm>> -> memref<1x128xi32, #tpu.memory_space<hbm>>
    %dma_start3A_930 = tpu.memref_squeeze %dma_start3A_929 : memref<1x128xi32, #tpu.memory_space<hbm>> -> memref<128xi32, #tpu.memory_space<hbm>>
    %dma_start3A_931 = arith.constant 0 : i32
    %dma_start3A_932 = tpu.memref_slice %arg4[%add3A_925, %dma_start3A_931] : memref<128x128xi32, #tpu.memory_space<hbm>> -> memref<1x128xi32, #tpu.memory_space<hbm>>
    %dma_start3A_933 = tpu.memref_squeeze %dma_start3A_932 : memref<1x128xi32, #tpu.memory_space<hbm>> -> memref<128xi32, #tpu.memory_space<hbm>>
    %dma_start3A_934 = arith.constant 128 : i32
    %dma_start3A_935 = tpu.memref_slice %arg8[%dma_start3A_934] : memref<512xi32, #tpu.memory_space<vmem>> -> memref<128xi32, #tpu.memory_space<vmem>>
    tpu.enqueue_dma source(%dma_start3A_935 : memref<128xi32, #tpu.memory_space<vmem>>) target(%dma_start3A_933 : memref<128xi32, #tpu.memory_space<hbm>>) target_semaphore(%arg11 : memref<!tpu.dma_semaphore, #tpu.memory_space<semaphore_mem>>)
    %add3A_936 = arith.constant 1 : i32
    %add3A_937 = arith.addi %mul3A_2, %add3A_936 : i32
    %add3A_938 = arith.constant 2 : i32
    %add3A_939 = arith.addi %add3A_937, %add3A_938 : i32
    %dma_start3A_940 = arith.constant 0 : i32
    %dma_start3A_941 = tpu.memref_slice %arg2[%add3A_939, %dma_start3A_940] : memref<128x32768xf32, #tpu.memory_space<hbm>> -> memref<1x32768xf32, #tpu.memory_space<hbm>>
    %dma_start3A_942 = tpu.memref_squeeze %dma_start3A_941 : memref<1x32768xf32, #tpu.memory_space<hbm>> -> memref<32768xf32, #tpu.memory_space<hbm>>
    %dma_start3A_943 = arith.constant 0 : i32
    %dma_start3A_944 = tpu.memref_slice %arg2[%add3A_939, %dma_start3A_943] : memref<128x32768xf32, #tpu.memory_space<hbm>> -> memref<1x32768xf32, #tpu.memory_space<hbm>>
    %dma_start3A_945 = tpu.memref_squeeze %dma_start3A_944 : memref<1x32768xf32, #tpu.memory_space<hbm>> -> memref<32768xf32, #tpu.memory_space<hbm>>
    tpu.enqueue_dma source(%dma_start3A_945 : memref<32768xf32, #tpu.memory_space<hbm>>) target(%arg6 : memref<32768xf32, #tpu.memory_space<vmem>>) target_semaphore(%arg10 : memref<!tpu.dma_semaphore, #tpu.memory_space<semaphore_mem>>)
    %dma_wait3A_946 = arith.constant 0 : i32
    %dma_wait3A_947 = tpu.memref_slice %arg2[%add3A_468, %dma_wait3A_946] : memref<128x32768xf32, #tpu.memory_space<hbm>> -> memref<1x32768xf32, #tpu.memory_space<hbm>>
    %dma_wait3A_948 = tpu.memref_squeeze %dma_wait3A_947 : memref<1x32768xf32, #tpu.memory_space<hbm>> -> memref<32768xf32, #tpu.memory_space<hbm>>
    %dma_wait3A_949 = arith.constant 0 : i32
    %dma_wait3A_950 = tpu.memref_slice %arg2[%add3A_468, %dma_wait3A_949] : memref<128x32768xf32, #tpu.memory_space<hbm>> -> memref<1x32768xf32, #tpu.memory_space<hbm>>
    %dma_wait3A_951 = tpu.memref_squeeze %dma_wait3A_950 : memref<1x32768xf32, #tpu.memory_space<hbm>> -> memref<32768xf32, #tpu.memory_space<hbm>>
    tpu.wait_dma2 semaphore(%arg9 : memref<!tpu.dma_semaphore, #tpu.memory_space<semaphore_mem>>) src(%dma_wait3A_951 : memref<32768xf32, #tpu.memory_space<hbm>>) dst(%arg5 : memref<32768xf32, #tpu.memory_space<vmem>>)
    %broadcast_in_dim3A_952 = arith.constant 0xFF800000 : f32
    %broadcast_in_dim3A_953 = vector.broadcast %broadcast_in_dim3A_952 : f32 to vector<16xf32>
    %broadcast_in_dim3A_954 = arith.constant 0 : i32
    %broadcast_in_dim3A_955 = vector.broadcast %broadcast_in_dim3A_954 : i32 to vector<16xi32>
    %broadcast_in_dim3A_956 = arith.constant 0 : i32
    %broadcast_in_dim3A_957 = vector.broadcast %broadcast_in_dim3A_956 : i32 to vector<16xi32>
    %broadcast_in_dim3A_958 = arith.constant 0 : i32
    %broadcast_in_dim3A_959 = vector.broadcast %broadcast_in_dim3A_958 : i32 to vector<16xi32>
    %broadcast_in_dim3A_960 = arith.constant 0 : i32
    %broadcast_in_dim3A_961 = vector.broadcast %broadcast_in_dim3A_960 : i32 to vector<16xi32>
    %broadcast_in_dim3A_962 = arith.constant 0 : i32
    %broadcast_in_dim3A_963 = vector.broadcast %broadcast_in_dim3A_962 : i32 to vector<16xi32>
    %broadcast_in_dim3A_964 = arith.constant 0 : i32
    %broadcast_in_dim3A_965 = vector.broadcast %broadcast_in_dim3A_964 : i32 to vector<16xi32>
    %broadcast_in_dim3A_966 = arith.constant 0 : i32
    %broadcast_in_dim3A_967 = vector.broadcast %broadcast_in_dim3A_966 : i32 to vector<16xi32>
    %broadcast_in_dim3A_968 = arith.constant 0 : i32
    %broadcast_in_dim3A_969 = vector.broadcast %broadcast_in_dim3A_968 : i32 to vector<16xi32>
    %scan3A_970 = arith.constant 0 : i32
    %scan3A_971 = arith.constant 256 : i32
    %scan3A_972 = arith.addi %scan3A_970, %scan3A_971 : i32
    %scan3A_973 = arith.constant 1 : i32
    %scan3A_974:16 = scf.for %scan3A_1948 = %scan3A_970 to %scan3A_972 step %scan3A_973 iter_args(%scan3A_1949 = %broadcast_in_dim3A_953, %scan3A_1950 = %broadcast_in_dim3A_953, %scan3A_1951 = %broadcast_in_dim3A_953, %scan3A_1952 = %broadcast_in_dim3A_953, %scan3A_1953 = %broadcast_in_dim3A_953, %scan3A_1954 = %broadcast_in_dim3A_953, %scan3A_1955 = %broadcast_in_dim3A_953, %scan3A_1956 = %broadcast_in_dim3A_953, %scan3A_1957 = %broadcast_in_dim3A_955, %scan3A_1958 = %broadcast_in_dim3A_957, %scan3A_1959 = %broadcast_in_dim3A_959, %scan3A_1960 = %broadcast_in_dim3A_961, %scan3A_1961 = %broadcast_in_dim3A_963, %scan3A_1962 = %broadcast_in_dim3A_965, %scan3A_1963 = %broadcast_in_dim3A_967, %scan3A_1964 = %broadcast_in_dim3A_969) -> (vector<16xf32>, vector<16xf32>, vector<16xf32>, vector<16xf32>, vector<16xf32>, vector<16xf32>, vector<16xf32>, vector<16xf32>, vector<16xi32>, vector<16xi32>, vector<16xi32>, vector<16xi32>, vector<16xi32>, vector<16xi32>, vector<16xi32>, vector<16xi32>)  : i32 {
      %mul3A_1965 = arith.constant 128 : i32
      %mul3A_1966 = arith.muli %scan3A_1948, %mul3A_1965 : i32
      %multiple_of3A = tpu.assume_multiple %mul3A_1966, 128 : i32
      %broadcast_in_dim3A_1967 = vector.broadcast %scan3A_1948 : i32 to vector<16xi32>
      %add3A_1968 = arith.constant 0 : i32
      %add3A_1969 = arith.addi %multiple_of3A, %add3A_1968 : i32
      %get3A = arith.index_cast %add3A_1969 : i32 to index
      %get3A_1970 = tpu.vector_load %arg5[%get3A] {strides = array<i32>} : memref<32768xf32, #tpu.memory_space<vmem>>, vector<16xf32>,
      %get3A_1971 = vector.shape_cast %get3A_1970 : vector<16xf32> to vector<16xf32>
      %gt3A_1972 = arith.cmpf ogt, %get3A_1971, %scan3A_1949 : vector<16xf32>
      %max3A = arith.maximumf %scan3A_1949, %get3A_1971 : vector<16xf32>
      %select_n3A_1973 = arith.select %gt3A_1972, %broadcast_in_dim3A_1967, %scan3A_1957 : vector<16xi1>, vector<16xi32>
      %add3A_1974 = arith.constant 16 : i32
      %add3A_1975 = arith.addi %multiple_of3A, %add3A_1974 : i32
      %get3A_1976 = arith.index_cast %add3A_1975 : i32 to index
      %get3A_1977 = tpu.vector_load %arg5[%get3A_1976] {strides = array<i32>} : memref<32768xf32, #tpu.memory_space<vmem>>, vector<16xf32>,
      %get3A_1978 = vector.shape_cast %get3A_1977 : vector<16xf32> to vector<16xf32>
      %gt3A_1979 = arith.cmpf ogt, %get3A_1978, %scan3A_1950 : vector<16xf32>
      %max3A_1980 = arith.maximumf %scan3A_1950, %get3A_1978 : vector<16xf32>
      %select_n3A_1981 = arith.select %gt3A_1979, %broadcast_in_dim3A_1967, %scan3A_1958 : vector<16xi1>, vector<16xi32>
      %add3A_1982 = arith.constant 32 : i32
      %add3A_1983 = arith.addi %multiple_of3A, %add3A_1982 : i32
      %get3A_1984 = arith.index_cast %add3A_1983 : i32 to index
      %get3A_1985 = tpu.vector_load %arg5[%get3A_1984] {strides = array<i32>} : memref<32768xf32, #tpu.memory_space<vmem>>, vector<16xf32>,
      %get3A_1986 = vector.shape_cast %get3A_1985 : vector<16xf32> to vector<16xf32>
      %gt3A_1987 = arith.cmpf ogt, %get3A_1986, %scan3A_1951 : vector<16xf32>
      %max3A_1988 = arith.maximumf %scan3A_1951, %get3A_1986 : vector<16xf32>
      %select_n3A_1989 = arith.select %gt3A_1987, %broadcast_in_dim3A_1967, %scan3A_1959 : vector<16xi1>, vector<16xi32>
      %add3A_1990 = arith.constant 48 : i32
      %add3A_1991 = arith.addi %multiple_of3A, %add3A_1990 : i32
      %get3A_1992 = arith.index_cast %add3A_1991 : i32 to index
      %get3A_1993 = tpu.vector_load %arg5[%get3A_1992] {strides = array<i32>} : memref<32768xf32, #tpu.memory_space<vmem>>, vector<16xf32>,
      %get3A_1994 = vector.shape_cast %get3A_1993 : vector<16xf32> to vector<16xf32>
      %gt3A_1995 = arith.cmpf ogt, %get3A_1994, %scan3A_1952 : vector<16xf32>
      %max3A_1996 = arith.maximumf %scan3A_1952, %get3A_1994 : vector<16xf32>
      %select_n3A_1997 = arith.select %gt3A_1995, %broadcast_in_dim3A_1967, %scan3A_1960 : vector<16xi1>, vector<16xi32>
      %add3A_1998 = arith.constant 64 : i32
      %add3A_1999 = arith.addi %multiple_of3A, %add3A_1998 : i32
      %get3A_2000 = arith.index_cast %add3A_1999 : i32 to index
      %get3A_2001 = tpu.vector_load %arg5[%get3A_2000] {strides = array<i32>} : memref<32768xf32, #tpu.memory_space<vmem>>, vector<16xf32>,
      %get3A_2002 = vector.shape_cast %get3A_2001 : vector<16xf32> to vector<16xf32>
      %gt3A_2003 = arith.cmpf ogt, %get3A_2002, %scan3A_1953 : vector<16xf32>
      %max3A_2004 = arith.maximumf %scan3A_1953, %get3A_2002 : vector<16xf32>
      %select_n3A_2005 = arith.select %gt3A_2003, %broadcast_in_dim3A_1967, %scan3A_1961 : vector<16xi1>, vector<16xi32>
      %add3A_2006 = arith.constant 80 : i32
      %add3A_2007 = arith.addi %multiple_of3A, %add3A_2006 : i32
      %get3A_2008 = arith.index_cast %add3A_2007 : i32 to index
      %get3A_2009 = tpu.vector_load %arg5[%get3A_2008] {strides = array<i32>} : memref<32768xf32, #tpu.memory_space<vmem>>, vector<16xf32>,
      %get3A_2010 = vector.shape_cast %get3A_2009 : vector<16xf32> to vector<16xf32>
      %gt3A_2011 = arith.cmpf ogt, %get3A_2010, %scan3A_1954 : vector<16xf32>
      %max3A_2012 = arith.maximumf %scan3A_1954, %get3A_2010 : vector<16xf32>
      %select_n3A_2013 = arith.select %gt3A_2011, %broadcast_in_dim3A_1967, %scan3A_1962 : vector<16xi1>, vector<16xi32>
      %add3A_2014 = arith.constant 96 : i32
      %add3A_2015 = arith.addi %multiple_of3A, %add3A_2014 : i32
      %get3A_2016 = arith.index_cast %add3A_2015 : i32 to index
      %get3A_2017 = tpu.vector_load %arg5[%get3A_2016] {strides = array<i32>} : memref<32768xf32, #tpu.memory_space<vmem>>, vector<16xf32>,
      %get3A_2018 = vector.shape_cast %get3A_2017 : vector<16xf32> to vector<16xf32>
      %gt3A_2019 = arith.cmpf ogt, %get3A_2018, %scan3A_1955 : vector<16xf32>
      %max3A_2020 = arith.maximumf %scan3A_1955, %get3A_2018 : vector<16xf32>
      %select_n3A_2021 = arith.select %gt3A_2019, %broadcast_in_dim3A_1967, %scan3A_1963 : vector<16xi1>, vector<16xi32>
      %add3A_2022 = arith.constant 112 : i32
      %add3A_2023 = arith.addi %multiple_of3A, %add3A_2022 : i32
      %get3A_2024 = arith.index_cast %add3A_2023 : i32 to index
      %get3A_2025 = tpu.vector_load %arg5[%get3A_2024] {strides = array<i32>} : memref<32768xf32, #tpu.memory_space<vmem>>, vector<16xf32>,
      %get3A_2026 = vector.shape_cast %get3A_2025 : vector<16xf32> to vector<16xf32>
      %gt3A_2027 = arith.cmpf ogt, %get3A_2026, %scan3A_1956 : vector<16xf32>
      %max3A_2028 = arith.maximumf %scan3A_1956, %get3A_2026 : vector<16xf32>
      %select_n3A_2029 = arith.select %gt3A_2027, %broadcast_in_dim3A_1967, %scan3A_1964 : vector<16xi1>, vector<16xi32>
      scf.yield %max3A, %max3A_1980, %max3A_1988, %max3A_1996, %max3A_2004, %max3A_2012, %max3A_2020, %max3A_2028, %select_n3A_1973, %select_n3A_1981, %select_n3A_1989, %select_n3A_1997, %select_n3A_2005, %select_n3A_2013, %select_n3A_2021, %select_n3A_2029 : vector<16xf32>, vector<16xf32>, vector<16xf32>, vector<16xf32>, vector<16xf32>, vector<16xf32>, vector<16xf32>, vector<16xf32>, vector<16xi32>, vector<16xi32>, vector<16xi32>, vector<16xi32>, vector<16xi32>, vector<16xi32>, vector<16xi32>, vector<16xi32>
    }
    %scan3A_975 = arith.constant 256 : i32
    %mul3A_976 = arith.constant 128 : i32
    %mul3A_977 = vector.broadcast %mul3A_976 : i32 to vector<16xi32>
    %mul3A_978 = arith.muli %scan3A_974#8, %mul3A_977 : vector<16xi32>
    %add3A_979 = arith.constant 0 : i32
    %add3A_980 = vector.broadcast %add3A_979 : i32 to vector<16xi32>
    %add3A_981 = arith.addi %add3A_980, %iota3A : vector<16xi32>
    %add3A_982 = arith.addi %mul3A_978, %add3A_981 : vector<16xi32>
    %mul3A_983 = arith.constant 128 : i32
    %mul3A_984 = vector.broadcast %mul3A_983 : i32 to vector<16xi32>
    %mul3A_985 = arith.muli %scan3A_974#9, %mul3A_984 : vector<16xi32>
    %add3A_986 = arith.constant 16 : i32
    %add3A_987 = vector.broadcast %add3A_986 : i32 to vector<16xi32>
    %add3A_988 = arith.addi %add3A_987, %iota3A : vector<16xi32>
    %add3A_989 = arith.addi %mul3A_985, %add3A_988 : vector<16xi32>
    %gt3A_990 = arith.cmpf ogt, %scan3A_974#1, %scan3A_974#0 : vector<16xf32>
    %eq3A_991 = arith.cmpf oeq, %scan3A_974#1, %scan3A_974#0 : vector<16xf32>
    %lt3A_992 = arith.cmpi slt, %add3A_989, %add3A_982 : vector<16xi32>
    %and3A_993 = arith.andi %eq3A_991, %lt3A_992 : vector<16xi1>
    %or3A_994 = arith.ori %gt3A_990, %and3A_993 : vector<16xi1>
    %select_n3A_995 = arith.select %or3A_994, %scan3A_974#1, %scan3A_974#0 : vector<16xi1>, vector<16xf32>
    %select_n3A_996 = arith.select %or3A_994, %add3A_989, %add3A_982 : vector<16xi1>, vector<16xi32>
    %mul3A_997 = arith.constant 128 : i32
    %mul3A_998 = vector.broadcast %mul3A_997 : i32 to vector<16xi32>
    %mul3A_999 = arith.muli %scan3A_974#10, %mul3A_998 : vector<16xi32>
    %add3A_1000 = arith.constant 32 : i32
    %add3A_1001 = vector.broadcast %add3A_1000 : i32 to vector<16xi32>
    %add3A_1002 = arith.addi %add3A_1001, %iota3A : vector<16xi32>
    %add3A_1003 = arith.addi %mul3A_999, %add3A_1002 : vector<16xi32>
    %gt3A_1004 = arith.cmpf ogt, %scan3A_974#2, %select_n3A_995 : vector<16xf32>
    %eq3A_1005 = arith.cmpf oeq, %scan3A_974#2, %select_n3A_995 : vector<16xf32>
    %lt3A_1006 = arith.cmpi slt, %add3A_1003, %select_n3A_996 : vector<16xi32>
    %and3A_1007 = arith.andi %eq3A_1005, %lt3A_1006 : vector<16xi1>
    %or3A_1008 = arith.ori %gt3A_1004, %and3A_1007 : vector<16xi1>
    %select_n3A_1009 = arith.select %or3A_1008, %scan3A_974#2, %select_n3A_995 : vector<16xi1>, vector<16xf32>
    %select_n3A_1010 = arith.select %or3A_1008, %add3A_1003, %select_n3A_996 : vector<16xi1>, vector<16xi32>
    %mul3A_1011 = arith.constant 128 : i32
    %mul3A_1012 = vector.broadcast %mul3A_1011 : i32 to vector<16xi32>
    %mul3A_1013 = arith.muli %scan3A_974#11, %mul3A_1012 : vector<16xi32>
    %add3A_1014 = arith.constant 48 : i32
    %add3A_1015 = vector.broadcast %add3A_1014 : i32 to vector<16xi32>
    %add3A_1016 = arith.addi %add3A_1015, %iota3A : vector<16xi32>
    %add3A_1017 = arith.addi %mul3A_1013, %add3A_1016 : vector<16xi32>
    %gt3A_1018 = arith.cmpf ogt, %scan3A_974#3, %select_n3A_1009 : vector<16xf32>
    %eq3A_1019 = arith.cmpf oeq, %scan3A_974#3, %select_n3A_1009 : vector<16xf32>
    %lt3A_1020 = arith.cmpi slt, %add3A_1017, %select_n3A_1010 : vector<16xi32>
    %and3A_1021 = arith.andi %eq3A_1019, %lt3A_1020 : vector<16xi1>
    %or3A_1022 = arith.ori %gt3A_1018, %and3A_1021 : vector<16xi1>
    %select_n3A_1023 = arith.select %or3A_1022, %scan3A_974#3, %select_n3A_1009 : vector<16xi1>, vector<16xf32>
    %select_n3A_1024 = arith.select %or3A_1022, %add3A_1017, %select_n3A_1010 : vector<16xi1>, vector<16xi32>
    %mul3A_1025 = arith.constant 128 : i32
    %mul3A_1026 = vector.broadcast %mul3A_1025 : i32 to vector<16xi32>
    %mul3A_1027 = arith.muli %scan3A_974#12, %mul3A_1026 : vector<16xi32>
    %add3A_1028 = arith.constant 64 : i32
    %add3A_1029 = vector.broadcast %add3A_1028 : i32 to vector<16xi32>
    %add3A_1030 = arith.addi %add3A_1029, %iota3A : vector<16xi32>
    %add3A_1031 = arith.addi %mul3A_1027, %add3A_1030 : vector<16xi32>
    %gt3A_1032 = arith.cmpf ogt, %scan3A_974#4, %select_n3A_1023 : vector<16xf32>
    %eq3A_1033 = arith.cmpf oeq, %scan3A_974#4, %select_n3A_1023 : vector<16xf32>
    %lt3A_1034 = arith.cmpi slt, %add3A_1031, %select_n3A_1024 : vector<16xi32>
    %and3A_1035 = arith.andi %eq3A_1033, %lt3A_1034 : vector<16xi1>
    %or3A_1036 = arith.ori %gt3A_1032, %and3A_1035 : vector<16xi1>
    %select_n3A_1037 = arith.select %or3A_1036, %scan3A_974#4, %select_n3A_1023 : vector<16xi1>, vector<16xf32>
    %select_n3A_1038 = arith.select %or3A_1036, %add3A_1031, %select_n3A_1024 : vector<16xi1>, vector<16xi32>
    %mul3A_1039 = arith.constant 128 : i32
    %mul3A_1040 = vector.broadcast %mul3A_1039 : i32 to vector<16xi32>
    %mul3A_1041 = arith.muli %scan3A_974#13, %mul3A_1040 : vector<16xi32>
    %add3A_1042 = arith.constant 80 : i32
    %add3A_1043 = vector.broadcast %add3A_1042 : i32 to vector<16xi32>
    %add3A_1044 = arith.addi %add3A_1043, %iota3A : vector<16xi32>
    %add3A_1045 = arith.addi %mul3A_1041, %add3A_1044 : vector<16xi32>
    %gt3A_1046 = arith.cmpf ogt, %scan3A_974#5, %select_n3A_1037 : vector<16xf32>
    %eq3A_1047 = arith.cmpf oeq, %scan3A_974#5, %select_n3A_1037 : vector<16xf32>
    %lt3A_1048 = arith.cmpi slt, %add3A_1045, %select_n3A_1038 : vector<16xi32>
    %and3A_1049 = arith.andi %eq3A_1047, %lt3A_1048 : vector<16xi1>
    %or3A_1050 = arith.ori %gt3A_1046, %and3A_1049 : vector<16xi1>
    %select_n3A_1051 = arith.select %or3A_1050, %scan3A_974#5, %select_n3A_1037 : vector<16xi1>, vector<16xf32>
    %select_n3A_1052 = arith.select %or3A_1050, %add3A_1045, %select_n3A_1038 : vector<16xi1>, vector<16xi32>
    %mul3A_1053 = arith.constant 128 : i32
    %mul3A_1054 = vector.broadcast %mul3A_1053 : i32 to vector<16xi32>
    %mul3A_1055 = arith.muli %scan3A_974#14, %mul3A_1054 : vector<16xi32>
    %add3A_1056 = arith.constant 96 : i32
    %add3A_1057 = vector.broadcast %add3A_1056 : i32 to vector<16xi32>
    %add3A_1058 = arith.addi %add3A_1057, %iota3A : vector<16xi32>
    %add3A_1059 = arith.addi %mul3A_1055, %add3A_1058 : vector<16xi32>
    %gt3A_1060 = arith.cmpf ogt, %scan3A_974#6, %select_n3A_1051 : vector<16xf32>
    %eq3A_1061 = arith.cmpf oeq, %scan3A_974#6, %select_n3A_1051 : vector<16xf32>
    %lt3A_1062 = arith.cmpi slt, %add3A_1059, %select_n3A_1052 : vector<16xi32>
    %and3A_1063 = arith.andi %eq3A_1061, %lt3A_1062 : vector<16xi1>
    %or3A_1064 = arith.ori %gt3A_1060, %and3A_1063 : vector<16xi1>
    %select_n3A_1065 = arith.select %or3A_1064, %scan3A_974#6, %select_n3A_1051 : vector<16xi1>, vector<16xf32>
    %select_n3A_1066 = arith.select %or3A_1064, %add3A_1059, %select_n3A_1052 : vector<16xi1>, vector<16xi32>
    %mul3A_1067 = arith.constant 128 : i32
    %mul3A_1068 = vector.broadcast %mul3A_1067 : i32 to vector<16xi32>
    %mul3A_1069 = arith.muli %scan3A_974#15, %mul3A_1068 : vector<16xi32>
    %add3A_1070 = arith.constant 112 : i32
    %add3A_1071 = vector.broadcast %add3A_1070 : i32 to vector<16xi32>
    %add3A_1072 = arith.addi %add3A_1071, %iota3A : vector<16xi32>
    %add3A_1073 = arith.addi %mul3A_1069, %add3A_1072 : vector<16xi32>
    %gt3A_1074 = arith.cmpf ogt, %scan3A_974#7, %select_n3A_1065 : vector<16xf32>
    %eq3A_1075 = arith.cmpf oeq, %scan3A_974#7, %select_n3A_1065 : vector<16xf32>
    %lt3A_1076 = arith.cmpi slt, %add3A_1073, %select_n3A_1066 : vector<16xi32>
    %and3A_1077 = arith.andi %eq3A_1075, %lt3A_1076 : vector<16xi1>
    %or3A_1078 = arith.ori %gt3A_1074, %and3A_1077 : vector<16xi1>
    %select_n3A_1079 = arith.select %or3A_1078, %scan3A_974#7, %select_n3A_1065 : vector<16xi1>, vector<16xf32>
    %select_n3A_1080 = arith.select %or3A_1078, %add3A_1073, %select_n3A_1066 : vector<16xi1>, vector<16xi32>
    %slice3A_1081 = vector.extract_strided_slice %select_n3A_1079 {offsets = [0], sizes = [1], strides = [1]} : vector<16xf32> to vector<1xf32>
    %squeeze3A_1082 = vector.extract %slice3A_1081[0] : f32 from vector<1xf32>
    %slice3A_1083 = vector.extract_strided_slice %select_n3A_1080 {offsets = [0], sizes = [1], strides = [1]} : vector<16xi32> to vector<1xi32>
    %squeeze3A_1084 = vector.extract %slice3A_1083[0] : i32 from vector<1xi32>
    %slice3A_1085 = vector.extract_strided_slice %select_n3A_1079 {offsets = [1], sizes = [1], strides = [1]} : vector<16xf32> to vector<1xf32>
    %squeeze3A_1086 = vector.extract %slice3A_1085[0] : f32 from vector<1xf32>
    %slice3A_1087 = vector.extract_strided_slice %select_n3A_1080 {offsets = [1], sizes = [1], strides = [1]} : vector<16xi32> to vector<1xi32>
    %squeeze3A_1088 = vector.extract %slice3A_1087[0] : i32 from vector<1xi32>
    %gt3A_1089 = arith.cmpf ogt, %squeeze3A_1086, %squeeze3A_1082 : f32
    %eq3A_1090 = arith.cmpf oeq, %squeeze3A_1086, %squeeze3A_1082 : f32
    %lt3A_1091 = arith.cmpi slt, %squeeze3A_1088, %squeeze3A_1084 : i32
    %and3A_1092 = arith.andi %eq3A_1090, %lt3A_1091 : i1
    %or3A_1093 = arith.ori %gt3A_1089, %and3A_1092 : i1
    %select_n3A_1094 = arith.select %or3A_1093, %squeeze3A_1086, %squeeze3A_1082 : f32
    %select_n3A_1095 = arith.select %or3A_1093, %squeeze3A_1088, %squeeze3A_1084 : i32
    %slice3A_1096 = vector.extract_strided_slice %select_n3A_1079 {offsets = [2], sizes = [1], strides = [1]} : vector<16xf32> to vector<1xf32>
    %squeeze3A_1097 = vector.extract %slice3A_1096[0] : f32 from vector<1xf32>
    %slice3A_1098 = vector.extract_strided_slice %select_n3A_1080 {offsets = [2], sizes = [1], strides = [1]} : vector<16xi32> to vector<1xi32>
    %squeeze3A_1099 = vector.extract %slice3A_1098[0] : i32 from vector<1xi32>
    %gt3A_1100 = arith.cmpf ogt, %squeeze3A_1097, %select_n3A_1094 : f32
    %eq3A_1101 = arith.cmpf oeq, %squeeze3A_1097, %select_n3A_1094 : f32
    %lt3A_1102 = arith.cmpi slt, %squeeze3A_1099, %select_n3A_1095 : i32
    %and3A_1103 = arith.andi %eq3A_1101, %lt3A_1102 : i1
    %or3A_1104 = arith.ori %gt3A_1100, %and3A_1103 : i1
    %select_n3A_1105 = arith.select %or3A_1104, %squeeze3A_1097, %select_n3A_1094 : f32
    %select_n3A_1106 = arith.select %or3A_1104, %squeeze3A_1099, %select_n3A_1095 : i32
    %slice3A_1107 = vector.extract_strided_slice %select_n3A_1079 {offsets = [3], sizes = [1], strides = [1]} : vector<16xf32> to vector<1xf32>
    %squeeze3A_1108 = vector.extract %slice3A_1107[0] : f32 from vector<1xf32>
    %slice3A_1109 = vector.extract_strided_slice %select_n3A_1080 {offsets = [3], sizes = [1], strides = [1]} : vector<16xi32> to vector<1xi32>
    %squeeze3A_1110 = vector.extract %slice3A_1109[0] : i32 from vector<1xi32>
    %gt3A_1111 = arith.cmpf ogt, %squeeze3A_1108, %select_n3A_1105 : f32
    %eq3A_1112 = arith.cmpf oeq, %squeeze3A_1108, %select_n3A_1105 : f32
    %lt3A_1113 = arith.cmpi slt, %squeeze3A_1110, %select_n3A_1106 : i32
    %and3A_1114 = arith.andi %eq3A_1112, %lt3A_1113 : i1
    %or3A_1115 = arith.ori %gt3A_1111, %and3A_1114 : i1
    %select_n3A_1116 = arith.select %or3A_1115, %squeeze3A_1108, %select_n3A_1105 : f32
    %select_n3A_1117 = arith.select %or3A_1115, %squeeze3A_1110, %select_n3A_1106 : i32
    %slice3A_1118 = vector.extract_strided_slice %select_n3A_1079 {offsets = [4], sizes = [1], strides = [1]} : vector<16xf32> to vector<1xf32>
    %squeeze3A_1119 = vector.extract %slice3A_1118[0] : f32 from vector<1xf32>
    %slice3A_1120 = vector.extract_strided_slice %select_n3A_1080 {offsets = [4], sizes = [1], strides = [1]} : vector<16xi32> to vector<1xi32>
    %squeeze3A_1121 = vector.extract %slice3A_1120[0] : i32 from vector<1xi32>
    %gt3A_1122 = arith.cmpf ogt, %squeeze3A_1119, %select_n3A_1116 : f32
    %eq3A_1123 = arith.cmpf oeq, %squeeze3A_1119, %select_n3A_1116 : f32
    %lt3A_1124 = arith.cmpi slt, %squeeze3A_1121, %select_n3A_1117 : i32
    %and3A_1125 = arith.andi %eq3A_1123, %lt3A_1124 : i1
    %or3A_1126 = arith.ori %gt3A_1122, %and3A_1125 : i1
    %select_n3A_1127 = arith.select %or3A_1126, %squeeze3A_1119, %select_n3A_1116 : f32
    %select_n3A_1128 = arith.select %or3A_1126, %squeeze3A_1121, %select_n3A_1117 : i32
    %slice3A_1129 = vector.extract_strided_slice %select_n3A_1079 {offsets = [5], sizes = [1], strides = [1]} : vector<16xf32> to vector<1xf32>
    %squeeze3A_1130 = vector.extract %slice3A_1129[0] : f32 from vector<1xf32>
    %slice3A_1131 = vector.extract_strided_slice %select_n3A_1080 {offsets = [5], sizes = [1], strides = [1]} : vector<16xi32> to vector<1xi32>
    %squeeze3A_1132 = vector.extract %slice3A_1131[0] : i32 from vector<1xi32>
    %gt3A_1133 = arith.cmpf ogt, %squeeze3A_1130, %select_n3A_1127 : f32
    %eq3A_1134 = arith.cmpf oeq, %squeeze3A_1130, %select_n3A_1127 : f32
    %lt3A_1135 = arith.cmpi slt, %squeeze3A_1132, %select_n3A_1128 : i32
    %and3A_1136 = arith.andi %eq3A_1134, %lt3A_1135 : i1
    %or3A_1137 = arith.ori %gt3A_1133, %and3A_1136 : i1
    %select_n3A_1138 = arith.select %or3A_1137, %squeeze3A_1130, %select_n3A_1127 : f32
    %select_n3A_1139 = arith.select %or3A_1137, %squeeze3A_1132, %select_n3A_1128 : i32
    %slice3A_1140 = vector.extract_strided_slice %select_n3A_1079 {offsets = [6], sizes = [1], strides = [1]} : vector<16xf32> to vector<1xf32>
    %squeeze3A_1141 = vector.extract %slice3A_1140[0] : f32 from vector<1xf32>
    %slice3A_1142 = vector.extract_strided_slice %select_n3A_1080 {offsets = [6], sizes = [1], strides = [1]} : vector<16xi32> to vector<1xi32>
    %squeeze3A_1143 = vector.extract %slice3A_1142[0] : i32 from vector<1xi32>
    %gt3A_1144 = arith.cmpf ogt, %squeeze3A_1141, %select_n3A_1138 : f32
    %eq3A_1145 = arith.cmpf oeq, %squeeze3A_1141, %select_n3A_1138 : f32
    %lt3A_1146 = arith.cmpi slt, %squeeze3A_1143, %select_n3A_1139 : i32
    %and3A_1147 = arith.andi %eq3A_1145, %lt3A_1146 : i1
    %or3A_1148 = arith.ori %gt3A_1144, %and3A_1147 : i1
    %select_n3A_1149 = arith.select %or3A_1148, %squeeze3A_1141, %select_n3A_1138 : f32
    %select_n3A_1150 = arith.select %or3A_1148, %squeeze3A_1143, %select_n3A_1139 : i32
    %slice3A_1151 = vector.extract_strided_slice %select_n3A_1079 {offsets = [7], sizes = [1], strides = [1]} : vector<16xf32> to vector<1xf32>
    %squeeze3A_1152 = vector.extract %slice3A_1151[0] : f32 from vector<1xf32>
    %slice3A_1153 = vector.extract_strided_slice %select_n3A_1080 {offsets = [7], sizes = [1], strides = [1]} : vector<16xi32> to vector<1xi32>
    %squeeze3A_1154 = vector.extract %slice3A_1153[0] : i32 from vector<1xi32>
    %gt3A_1155 = arith.cmpf ogt, %squeeze3A_1152, %select_n3A_1149 : f32
    %eq3A_1156 = arith.cmpf oeq, %squeeze3A_1152, %select_n3A_1149 : f32
    %lt3A_1157 = arith.cmpi slt, %squeeze3A_1154, %select_n3A_1150 : i32
    %and3A_1158 = arith.andi %eq3A_1156, %lt3A_1157 : i1
    %or3A_1159 = arith.ori %gt3A_1155, %and3A_1158 : i1
    %select_n3A_1160 = arith.select %or3A_1159, %squeeze3A_1152, %select_n3A_1149 : f32
    %select_n3A_1161 = arith.select %or3A_1159, %squeeze3A_1154, %select_n3A_1150 : i32
    %slice3A_1162 = vector.extract_strided_slice %select_n3A_1079 {offsets = [8], sizes = [1], strides = [1]} : vector<16xf32> to vector<1xf32>
    %squeeze3A_1163 = vector.extract %slice3A_1162[0] : f32 from vector<1xf32>
    %slice3A_1164 = vector.extract_strided_slice %select_n3A_1080 {offsets = [8], sizes = [1], strides = [1]} : vector<16xi32> to vector<1xi32>
    %squeeze3A_1165 = vector.extract %slice3A_1164[0] : i32 from vector<1xi32>
    %gt3A_1166 = arith.cmpf ogt, %squeeze3A_1163, %select_n3A_1160 : f32
    %eq3A_1167 = arith.cmpf oeq, %squeeze3A_1163, %select_n3A_1160 : f32
    %lt3A_1168 = arith.cmpi slt, %squeeze3A_1165, %select_n3A_1161 : i32
    %and3A_1169 = arith.andi %eq3A_1167, %lt3A_1168 : i1
    %or3A_1170 = arith.ori %gt3A_1166, %and3A_1169 : i1
    %select_n3A_1171 = arith.select %or3A_1170, %squeeze3A_1163, %select_n3A_1160 : f32
    %select_n3A_1172 = arith.select %or3A_1170, %squeeze3A_1165, %select_n3A_1161 : i32
    %slice3A_1173 = vector.extract_strided_slice %select_n3A_1079 {offsets = [9], sizes = [1], strides = [1]} : vector<16xf32> to vector<1xf32>
    %squeeze3A_1174 = vector.extract %slice3A_1173[0] : f32 from vector<1xf32>
    %slice3A_1175 = vector.extract_strided_slice %select_n3A_1080 {offsets = [9], sizes = [1], strides = [1]} : vector<16xi32> to vector<1xi32>
    %squeeze3A_1176 = vector.extract %slice3A_1175[0] : i32 from vector<1xi32>
    %gt3A_1177 = arith.cmpf ogt, %squeeze3A_1174, %select_n3A_1171 : f32
    %eq3A_1178 = arith.cmpf oeq, %squeeze3A_1174, %select_n3A_1171 : f32
    %lt3A_1179 = arith.cmpi slt, %squeeze3A_1176, %select_n3A_1172 : i32
    %and3A_1180 = arith.andi %eq3A_1178, %lt3A_1179 : i1
    %or3A_1181 = arith.ori %gt3A_1177, %and3A_1180 : i1
    %select_n3A_1182 = arith.select %or3A_1181, %squeeze3A_1174, %select_n3A_1171 : f32
    %select_n3A_1183 = arith.select %or3A_1181, %squeeze3A_1176, %select_n3A_1172 : i32
    %slice3A_1184 = vector.extract_strided_slice %select_n3A_1079 {offsets = [10], sizes = [1], strides = [1]} : vector<16xf32> to vector<1xf32>
    %squeeze3A_1185 = vector.extract %slice3A_1184[0] : f32 from vector<1xf32>
    %slice3A_1186 = vector.extract_strided_slice %select_n3A_1080 {offsets = [10], sizes = [1], strides = [1]} : vector<16xi32> to vector<1xi32>
    %squeeze3A_1187 = vector.extract %slice3A_1186[0] : i32 from vector<1xi32>
    %gt3A_1188 = arith.cmpf ogt, %squeeze3A_1185, %select_n3A_1182 : f32
    %eq3A_1189 = arith.cmpf oeq, %squeeze3A_1185, %select_n3A_1182 : f32
    %lt3A_1190 = arith.cmpi slt, %squeeze3A_1187, %select_n3A_1183 : i32
    %and3A_1191 = arith.andi %eq3A_1189, %lt3A_1190 : i1
    %or3A_1192 = arith.ori %gt3A_1188, %and3A_1191 : i1
    %select_n3A_1193 = arith.select %or3A_1192, %squeeze3A_1185, %select_n3A_1182 : f32
    %select_n3A_1194 = arith.select %or3A_1192, %squeeze3A_1187, %select_n3A_1183 : i32
    %slice3A_1195 = vector.extract_strided_slice %select_n3A_1079 {offsets = [11], sizes = [1], strides = [1]} : vector<16xf32> to vector<1xf32>
    %squeeze3A_1196 = vector.extract %slice3A_1195[0] : f32 from vector<1xf32>
    %slice3A_1197 = vector.extract_strided_slice %select_n3A_1080 {offsets = [11], sizes = [1], strides = [1]} : vector<16xi32> to vector<1xi32>
    %squeeze3A_1198 = vector.extract %slice3A_1197[0] : i32 from vector<1xi32>
    %gt3A_1199 = arith.cmpf ogt, %squeeze3A_1196, %select_n3A_1193 : f32
    %eq3A_1200 = arith.cmpf oeq, %squeeze3A_1196, %select_n3A_1193 : f32
    %lt3A_1201 = arith.cmpi slt, %squeeze3A_1198, %select_n3A_1194 : i32
    %and3A_1202 = arith.andi %eq3A_1200, %lt3A_1201 : i1
    %or3A_1203 = arith.ori %gt3A_1199, %and3A_1202 : i1
    %select_n3A_1204 = arith.select %or3A_1203, %squeeze3A_1196, %select_n3A_1193 : f32
    %select_n3A_1205 = arith.select %or3A_1203, %squeeze3A_1198, %select_n3A_1194 : i32
    %slice3A_1206 = vector.extract_strided_slice %select_n3A_1079 {offsets = [12], sizes = [1], strides = [1]} : vector<16xf32> to vector<1xf32>
    %squeeze3A_1207 = vector.extract %slice3A_1206[0] : f32 from vector<1xf32>
    %slice3A_1208 = vector.extract_strided_slice %select_n3A_1080 {offsets = [12], sizes = [1], strides = [1]} : vector<16xi32> to vector<1xi32>
    %squeeze3A_1209 = vector.extract %slice3A_1208[0] : i32 from vector<1xi32>
    %gt3A_1210 = arith.cmpf ogt, %squeeze3A_1207, %select_n3A_1204 : f32
    %eq3A_1211 = arith.cmpf oeq, %squeeze3A_1207, %select_n3A_1204 : f32
    %lt3A_1212 = arith.cmpi slt, %squeeze3A_1209, %select_n3A_1205 : i32
    %and3A_1213 = arith.andi %eq3A_1211, %lt3A_1212 : i1
    %or3A_1214 = arith.ori %gt3A_1210, %and3A_1213 : i1
    %select_n3A_1215 = arith.select %or3A_1214, %squeeze3A_1207, %select_n3A_1204 : f32
    %select_n3A_1216 = arith.select %or3A_1214, %squeeze3A_1209, %select_n3A_1205 : i32
    %slice3A_1217 = vector.extract_strided_slice %select_n3A_1079 {offsets = [13], sizes = [1], strides = [1]} : vector<16xf32> to vector<1xf32>
    %squeeze3A_1218 = vector.extract %slice3A_1217[0] : f32 from vector<1xf32>
    %slice3A_1219 = vector.extract_strided_slice %select_n3A_1080 {offsets = [13], sizes = [1], strides = [1]} : vector<16xi32> to vector<1xi32>
    %squeeze3A_1220 = vector.extract %slice3A_1219[0] : i32 from vector<1xi32>
    %gt3A_1221 = arith.cmpf ogt, %squeeze3A_1218, %select_n3A_1215 : f32
    %eq3A_1222 = arith.cmpf oeq, %squeeze3A_1218, %select_n3A_1215 : f32
    %lt3A_1223 = arith.cmpi slt, %squeeze3A_1220, %select_n3A_1216 : i32
    %and3A_1224 = arith.andi %eq3A_1222, %lt3A_1223 : i1
    %or3A_1225 = arith.ori %gt3A_1221, %and3A_1224 : i1
    %select_n3A_1226 = arith.select %or3A_1225, %squeeze3A_1218, %select_n3A_1215 : f32
    %select_n3A_1227 = arith.select %or3A_1225, %squeeze3A_1220, %select_n3A_1216 : i32
    %slice3A_1228 = vector.extract_strided_slice %select_n3A_1079 {offsets = [14], sizes = [1], strides = [1]} : vector<16xf32> to vector<1xf32>
    %squeeze3A_1229 = vector.extract %slice3A_1228[0] : f32 from vector<1xf32>
    %slice3A_1230 = vector.extract_strided_slice %select_n3A_1080 {offsets = [14], sizes = [1], strides = [1]} : vector<16xi32> to vector<1xi32>
    %squeeze3A_1231 = vector.extract %slice3A_1230[0] : i32 from vector<1xi32>
    %gt3A_1232 = arith.cmpf ogt, %squeeze3A_1229, %select_n3A_1226 : f32
    %eq3A_1233 = arith.cmpf oeq, %squeeze3A_1229, %select_n3A_1226 : f32
    %lt3A_1234 = arith.cmpi slt, %squeeze3A_1231, %select_n3A_1227 : i32
    %and3A_1235 = arith.andi %eq3A_1233, %lt3A_1234 : i1
    %or3A_1236 = arith.ori %gt3A_1232, %and3A_1235 : i1
    %select_n3A_1237 = arith.select %or3A_1236, %squeeze3A_1229, %select_n3A_1226 : f32
    %select_n3A_1238 = arith.select %or3A_1236, %squeeze3A_1231, %select_n3A_1227 : i32
    %slice3A_1239 = vector.extract_strided_slice %select_n3A_1079 {offsets = [15], sizes = [1], strides = [1]} : vector<16xf32> to vector<1xf32>
    %squeeze3A_1240 = vector.extract %slice3A_1239[0] : f32 from vector<1xf32>
    %slice3A_1241 = vector.extract_strided_slice %select_n3A_1080 {offsets = [15], sizes = [1], strides = [1]} : vector<16xi32> to vector<1xi32>
    %squeeze3A_1242 = vector.extract %slice3A_1241[0] : i32 from vector<1xi32>
    %gt3A_1243 = arith.cmpf ogt, %squeeze3A_1240, %select_n3A_1237 : f32
    %eq3A_1244 = arith.cmpf oeq, %squeeze3A_1240, %select_n3A_1237 : f32
    %lt3A_1245 = arith.cmpi slt, %squeeze3A_1242, %select_n3A_1238 : i32
    %and3A_1246 = arith.andi %eq3A_1244, %lt3A_1245 : i1
    %or3A_1247 = arith.ori %gt3A_1243, %and3A_1246 : i1
    %select_n3A_1248 = arith.select %or3A_1247, %squeeze3A_1240, %select_n3A_1237 : f32
    %select_n3A_1249 = arith.select %or3A_1247, %squeeze3A_1242, %select_n3A_1238 : i32
    %shift_right_logical3A_1250 = arith.constant 7 : i32
    %shift_right_logical3A_1251 = arith.shrui %select_n3A_1249, %shift_right_logical3A_1250 : i32
    %mul3A_1252 = arith.constant 128 : i32
    %mul3A_1253 = arith.muli %shift_right_logical3A_1251, %mul3A_1252 : i32
    %sub3A_1254 = arith.subi %select_n3A_1249, %mul3A_1253 : i32
    %add3A_1255 = arith.constant 0 : i32
    %add3A_1256 = vector.broadcast %add3A_1255 : i32 to vector<16xi32>
    %add3A_1257 = arith.addi %iota3A, %add3A_1256 : vector<16xi32>
    %eq3A_1258 = vector.broadcast %sub3A_1254 : i32 to vector<16xi32>
    %eq3A_1259 = arith.cmpi eq, %add3A_1257, %eq3A_1258 : vector<16xi32>
    %broadcast_in_dim3A_1260 = vector.broadcast %select_n3A_1248 : f32 to vector<16xf32>
    %select_n3A_1261 = arith.select %eq3A_1259, %broadcast_in_dim3A_1260, %broadcast_in_dim3A_3 : vector<16xi1>, vector<16xf32>
    %swap3A_1262 = arith.constant 256 : index
    %swap3A_1263 = tpu.vector_load %arg7[%swap3A_1262] {strides = array<i32>} : memref<512xf32, #tpu.memory_space<vmem>>, vector<16xf32>,
    %swap3A_1264 = vector.shape_cast %swap3A_1263 : vector<16xf32> to vector<16xf32>
    %swap3A_1265 = vector.shape_cast %select_n3A_1261 : vector<16xf32> to vector<16xf32>
    tpu.vector_store %arg7[%swap3A_1262], %swap3A_1265 {strides = array<i32>} : memref<512xf32, #tpu.memory_space<vmem>>, vector<16xf32>,
    %add3A_1266 = arith.constant 16 : i32
    %add3A_1267 = vector.broadcast %add3A_1266 : i32 to vector<16xi32>
    %add3A_1268 = arith.addi %iota3A, %add3A_1267 : vector<16xi32>
    %eq3A_1269 = vector.broadcast %sub3A_1254 : i32 to vector<16xi32>
    %eq3A_1270 = arith.cmpi eq, %add3A_1268, %eq3A_1269 : vector<16xi32>
    %broadcast_in_dim3A_1271 = vector.broadcast %select_n3A_1248 : f32 to vector<16xf32>
    %select_n3A_1272 = arith.select %eq3A_1270, %broadcast_in_dim3A_1271, %broadcast_in_dim3A_3 : vector<16xi1>, vector<16xf32>
    %swap3A_1273 = arith.constant 272 : index
    %swap3A_1274 = tpu.vector_load %arg7[%swap3A_1273] {strides = array<i32>} : memref<512xf32, #tpu.memory_space<vmem>>, vector<16xf32>,
    %swap3A_1275 = vector.shape_cast %swap3A_1274 : vector<16xf32> to vector<16xf32>
    %swap3A_1276 = vector.shape_cast %select_n3A_1272 : vector<16xf32> to vector<16xf32>
    tpu.vector_store %arg7[%swap3A_1273], %swap3A_1276 {strides = array<i32>} : memref<512xf32, #tpu.memory_space<vmem>>, vector<16xf32>,
    %add3A_1277 = arith.constant 32 : i32
    %add3A_1278 = vector.broadcast %add3A_1277 : i32 to vector<16xi32>
    %add3A_1279 = arith.addi %iota3A, %add3A_1278 : vector<16xi32>
    %eq3A_1280 = vector.broadcast %sub3A_1254 : i32 to vector<16xi32>
    %eq3A_1281 = arith.cmpi eq, %add3A_1279, %eq3A_1280 : vector<16xi32>
    %broadcast_in_dim3A_1282 = vector.broadcast %select_n3A_1248 : f32 to vector<16xf32>
    %select_n3A_1283 = arith.select %eq3A_1281, %broadcast_in_dim3A_1282, %broadcast_in_dim3A_3 : vector<16xi1>, vector<16xf32>
    %swap3A_1284 = arith.constant 288 : index
    %swap3A_1285 = tpu.vector_load %arg7[%swap3A_1284] {strides = array<i32>} : memref<512xf32, #tpu.memory_space<vmem>>, vector<16xf32>,
    %swap3A_1286 = vector.shape_cast %swap3A_1285 : vector<16xf32> to vector<16xf32>
    %swap3A_1287 = vector.shape_cast %select_n3A_1283 : vector<16xf32> to vector<16xf32>
    tpu.vector_store %arg7[%swap3A_1284], %swap3A_1287 {strides = array<i32>} : memref<512xf32, #tpu.memory_space<vmem>>, vector<16xf32>,
    %add3A_1288 = arith.constant 48 : i32
    %add3A_1289 = vector.broadcast %add3A_1288 : i32 to vector<16xi32>
    %add3A_1290 = arith.addi %iota3A, %add3A_1289 : vector<16xi32>
    %eq3A_1291 = vector.broadcast %sub3A_1254 : i32 to vector<16xi32>
    %eq3A_1292 = arith.cmpi eq, %add3A_1290, %eq3A_1291 : vector<16xi32>
    %broadcast_in_dim3A_1293 = vector.broadcast %select_n3A_1248 : f32 to vector<16xf32>
    %select_n3A_1294 = arith.select %eq3A_1292, %broadcast_in_dim3A_1293, %broadcast_in_dim3A_3 : vector<16xi1>, vector<16xf32>
    %swap3A_1295 = arith.constant 304 : index
    %swap3A_1296 = tpu.vector_load %arg7[%swap3A_1295] {strides = array<i32>} : memref<512xf32, #tpu.memory_space<vmem>>, vector<16xf32>,
    %swap3A_1297 = vector.shape_cast %swap3A_1296 : vector<16xf32> to vector<16xf32>
    %swap3A_1298 = vector.shape_cast %select_n3A_1294 : vector<16xf32> to vector<16xf32>
    tpu.vector_store %arg7[%swap3A_1295], %swap3A_1298 {strides = array<i32>} : memref<512xf32, #tpu.memory_space<vmem>>, vector<16xf32>,
    %add3A_1299 = arith.constant 64 : i32
    %add3A_1300 = vector.broadcast %add3A_1299 : i32 to vector<16xi32>
    %add3A_1301 = arith.addi %iota3A, %add3A_1300 : vector<16xi32>
    %eq3A_1302 = vector.broadcast %sub3A_1254 : i32 to vector<16xi32>
    %eq3A_1303 = arith.cmpi eq, %add3A_1301, %eq3A_1302 : vector<16xi32>
    %broadcast_in_dim3A_1304 = vector.broadcast %select_n3A_1248 : f32 to vector<16xf32>
    %select_n3A_1305 = arith.select %eq3A_1303, %broadcast_in_dim3A_1304, %broadcast_in_dim3A_3 : vector<16xi1>, vector<16xf32>
    %swap3A_1306 = arith.constant 320 : index
    %swap3A_1307 = tpu.vector_load %arg7[%swap3A_1306] {strides = array<i32>} : memref<512xf32, #tpu.memory_space<vmem>>, vector<16xf32>,
    %swap3A_1308 = vector.shape_cast %swap3A_1307 : vector<16xf32> to vector<16xf32>
    %swap3A_1309 = vector.shape_cast %select_n3A_1305 : vector<16xf32> to vector<16xf32>
    tpu.vector_store %arg7[%swap3A_1306], %swap3A_1309 {strides = array<i32>} : memref<512xf32, #tpu.memory_space<vmem>>, vector<16xf32>,
    %add3A_1310 = arith.constant 80 : i32
    %add3A_1311 = vector.broadcast %add3A_1310 : i32 to vector<16xi32>
    %add3A_1312 = arith.addi %iota3A, %add3A_1311 : vector<16xi32>
    %eq3A_1313 = vector.broadcast %sub3A_1254 : i32 to vector<16xi32>
    %eq3A_1314 = arith.cmpi eq, %add3A_1312, %eq3A_1313 : vector<16xi32>
    %broadcast_in_dim3A_1315 = vector.broadcast %select_n3A_1248 : f32 to vector<16xf32>
    %select_n3A_1316 = arith.select %eq3A_1314, %broadcast_in_dim3A_1315, %broadcast_in_dim3A_3 : vector<16xi1>, vector<16xf32>
    %swap3A_1317 = arith.constant 336 : index
    %swap3A_1318 = tpu.vector_load %arg7[%swap3A_1317] {strides = array<i32>} : memref<512xf32, #tpu.memory_space<vmem>>, vector<16xf32>,
    %swap3A_1319 = vector.shape_cast %swap3A_1318 : vector<16xf32> to vector<16xf32>
    %swap3A_1320 = vector.shape_cast %select_n3A_1316 : vector<16xf32> to vector<16xf32>
    tpu.vector_store %arg7[%swap3A_1317], %swap3A_1320 {strides = array<i32>} : memref<512xf32, #tpu.memory_space<vmem>>, vector<16xf32>,
    %add3A_1321 = arith.constant 96 : i32
    %add3A_1322 = vector.broadcast %add3A_1321 : i32 to vector<16xi32>
    %add3A_1323 = arith.addi %iota3A, %add3A_1322 : vector<16xi32>
    %eq3A_1324 = vector.broadcast %sub3A_1254 : i32 to vector<16xi32>
    %eq3A_1325 = arith.cmpi eq, %add3A_1323, %eq3A_1324 : vector<16xi32>
    %broadcast_in_dim3A_1326 = vector.broadcast %select_n3A_1248 : f32 to vector<16xf32>
    %select_n3A_1327 = arith.select %eq3A_1325, %broadcast_in_dim3A_1326, %broadcast_in_dim3A_3 : vector<16xi1>, vector<16xf32>
    %swap3A_1328 = arith.constant 352 : index
    %swap3A_1329 = tpu.vector_load %arg7[%swap3A_1328] {strides = array<i32>} : memref<512xf32, #tpu.memory_space<vmem>>, vector<16xf32>,
    %swap3A_1330 = vector.shape_cast %swap3A_1329 : vector<16xf32> to vector<16xf32>
    %swap3A_1331 = vector.shape_cast %select_n3A_1327 : vector<16xf32> to vector<16xf32>
    tpu.vector_store %arg7[%swap3A_1328], %swap3A_1331 {strides = array<i32>} : memref<512xf32, #tpu.memory_space<vmem>>, vector<16xf32>,
    %add3A_1332 = arith.constant 112 : i32
    %add3A_1333 = vector.broadcast %add3A_1332 : i32 to vector<16xi32>
    %add3A_1334 = arith.addi %iota3A, %add3A_1333 : vector<16xi32>
    %eq3A_1335 = vector.broadcast %sub3A_1254 : i32 to vector<16xi32>
    %eq3A_1336 = arith.cmpi eq, %add3A_1334, %eq3A_1335 : vector<16xi32>
    %broadcast_in_dim3A_1337 = vector.broadcast %select_n3A_1248 : f32 to vector<16xf32>
    %select_n3A_1338 = arith.select %eq3A_1336, %broadcast_in_dim3A_1337, %broadcast_in_dim3A_3 : vector<16xi1>, vector<16xf32>
    %swap3A_1339 = arith.constant 368 : index
    %swap3A_1340 = tpu.vector_load %arg7[%swap3A_1339] {strides = array<i32>} : memref<512xf32, #tpu.memory_space<vmem>>, vector<16xf32>,
    %swap3A_1341 = vector.shape_cast %swap3A_1340 : vector<16xf32> to vector<16xf32>
    %swap3A_1342 = vector.shape_cast %select_n3A_1338 : vector<16xf32> to vector<16xf32>
    tpu.vector_store %arg7[%swap3A_1339], %swap3A_1342 {strides = array<i32>} : memref<512xf32, #tpu.memory_space<vmem>>, vector<16xf32>,
    %broadcast_in_dim3A_1343 = vector.broadcast %shift_right_logical3A_1251 : i32 to vector<16xi32>
    %swap3A_1344 = arith.constant 256 : index
    %swap3A_1345 = tpu.vector_load %arg8[%swap3A_1344] {strides = array<i32>} : memref<512xi32, #tpu.memory_space<vmem>>, vector<16xi32>,
    %swap3A_1346 = vector.shape_cast %swap3A_1345 : vector<16xi32> to vector<16xi32>
    %swap3A_1347 = vector.shape_cast %broadcast_in_dim3A_1343 : vector<16xi32> to vector<16xi32>
    tpu.vector_store %arg8[%swap3A_1344], %swap3A_1347 {strides = array<i32>} : memref<512xi32, #tpu.memory_space<vmem>>, vector<16xi32>,
    %broadcast_in_dim3A_1348 = vector.broadcast %shift_right_logical3A_1251 : i32 to vector<16xi32>
    %swap3A_1349 = arith.constant 272 : index
    %swap3A_1350 = tpu.vector_load %arg8[%swap3A_1349] {strides = array<i32>} : memref<512xi32, #tpu.memory_space<vmem>>, vector<16xi32>,
    %swap3A_1351 = vector.shape_cast %swap3A_1350 : vector<16xi32> to vector<16xi32>
    %swap3A_1352 = vector.shape_cast %broadcast_in_dim3A_1348 : vector<16xi32> to vector<16xi32>
    tpu.vector_store %arg8[%swap3A_1349], %swap3A_1352 {strides = array<i32>} : memref<512xi32, #tpu.memory_space<vmem>>, vector<16xi32>,
    %broadcast_in_dim3A_1353 = vector.broadcast %shift_right_logical3A_1251 : i32 to vector<16xi32>
    %swap3A_1354 = arith.constant 288 : index
    %swap3A_1355 = tpu.vector_load %arg8[%swap3A_1354] {strides = array<i32>} : memref<512xi32, #tpu.memory_space<vmem>>, vector<16xi32>,
    %swap3A_1356 = vector.shape_cast %swap3A_1355 : vector<16xi32> to vector<16xi32>
    %swap3A_1357 = vector.shape_cast %broadcast_in_dim3A_1353 : vector<16xi32> to vector<16xi32>
    tpu.vector_store %arg8[%swap3A_1354], %swap3A_1357 {strides = array<i32>} : memref<512xi32, #tpu.memory_space<vmem>>, vector<16xi32>,
    %broadcast_in_dim3A_1358 = vector.broadcast %shift_right_logical3A_1251 : i32 to vector<16xi32>
    %swap3A_1359 = arith.constant 304 : index
    %swap3A_1360 = tpu.vector_load %arg8[%swap3A_1359] {strides = array<i32>} : memref<512xi32, #tpu.memory_space<vmem>>, vector<16xi32>,
    %swap3A_1361 = vector.shape_cast %swap3A_1360 : vector<16xi32> to vector<16xi32>
    %swap3A_1362 = vector.shape_cast %broadcast_in_dim3A_1358 : vector<16xi32> to vector<16xi32>
    tpu.vector_store %arg8[%swap3A_1359], %swap3A_1362 {strides = array<i32>} : memref<512xi32, #tpu.memory_space<vmem>>, vector<16xi32>,
    %broadcast_in_dim3A_1363 = vector.broadcast %shift_right_logical3A_1251 : i32 to vector<16xi32>
    %swap3A_1364 = arith.constant 320 : index
    %swap3A_1365 = tpu.vector_load %arg8[%swap3A_1364] {strides = array<i32>} : memref<512xi32, #tpu.memory_space<vmem>>, vector<16xi32>,
    %swap3A_1366 = vector.shape_cast %swap3A_1365 : vector<16xi32> to vector<16xi32>
    %swap3A_1367 = vector.shape_cast %broadcast_in_dim3A_1363 : vector<16xi32> to vector<16xi32>
    tpu.vector_store %arg8[%swap3A_1364], %swap3A_1367 {strides = array<i32>} : memref<512xi32, #tpu.memory_space<vmem>>, vector<16xi32>,
    %broadcast_in_dim3A_1368 = vector.broadcast %shift_right_logical3A_1251 : i32 to vector<16xi32>
    %swap3A_1369 = arith.constant 336 : index
    %swap3A_1370 = tpu.vector_load %arg8[%swap3A_1369] {strides = array<i32>} : memref<512xi32, #tpu.memory_space<vmem>>, vector<16xi32>,
    %swap3A_1371 = vector.shape_cast %swap3A_1370 : vector<16xi32> to vector<16xi32>
    %swap3A_1372 = vector.shape_cast %broadcast_in_dim3A_1368 : vector<16xi32> to vector<16xi32>
    tpu.vector_store %arg8[%swap3A_1369], %swap3A_1372 {strides = array<i32>} : memref<512xi32, #tpu.memory_space<vmem>>, vector<16xi32>,
    %broadcast_in_dim3A_1373 = vector.broadcast %shift_right_logical3A_1251 : i32 to vector<16xi32>
    %swap3A_1374 = arith.constant 352 : index
    %swap3A_1375 = tpu.vector_load %arg8[%swap3A_1374] {strides = array<i32>} : memref<512xi32, #tpu.memory_space<vmem>>, vector<16xi32>,
    %swap3A_1376 = vector.shape_cast %swap3A_1375 : vector<16xi32> to vector<16xi32>
    %swap3A_1377 = vector.shape_cast %broadcast_in_dim3A_1373 : vector<16xi32> to vector<16xi32>
    tpu.vector_store %arg8[%swap3A_1374], %swap3A_1377 {strides = array<i32>} : memref<512xi32, #tpu.memory_space<vmem>>, vector<16xi32>,
    %broadcast_in_dim3A_1378 = vector.broadcast %shift_right_logical3A_1251 : i32 to vector<16xi32>
    %swap3A_1379 = arith.constant 368 : index
    %swap3A_1380 = tpu.vector_load %arg8[%swap3A_1379] {strides = array<i32>} : memref<512xi32, #tpu.memory_space<vmem>>, vector<16xi32>,
    %swap3A_1381 = vector.shape_cast %swap3A_1380 : vector<16xi32> to vector<16xi32>
    %swap3A_1382 = vector.shape_cast %broadcast_in_dim3A_1378 : vector<16xi32> to vector<16xi32>
    tpu.vector_store %arg8[%swap3A_1379], %swap3A_1382 {strides = array<i32>} : memref<512xi32, #tpu.memory_space<vmem>>, vector<16xi32>,
    %add3A_1383 = arith.constant 2 : i32
    %add3A_1384 = arith.addi %mul3A_2, %add3A_1383 : i32
    %dma_start3A_1385 = arith.constant 256 : i32
    %dma_start3A_1386 = tpu.memref_slice %arg7[%dma_start3A_1385] : memref<512xf32, #tpu.memory_space<vmem>> -> memref<128xf32, #tpu.memory_space<vmem>>
    %dma_start3A_1387 = arith.constant 0 : i32
    %dma_start3A_1388 = tpu.memref_slice %arg3[%add3A_1384, %dma_start3A_1387] : memref<128x128xf32, #tpu.memory_space<hbm>> -> memref<1x128xf32, #tpu.memory_space<hbm>>
    %dma_start3A_1389 = tpu.memref_squeeze %dma_start3A_1388 : memref<1x128xf32, #tpu.memory_space<hbm>> -> memref<128xf32, #tpu.memory_space<hbm>>
    %dma_start3A_1390 = arith.constant 0 : i32
    %dma_start3A_1391 = tpu.memref_slice %arg3[%add3A_1384, %dma_start3A_1390] : memref<128x128xf32, #tpu.memory_space<hbm>> -> memref<1x128xf32, #tpu.memory_space<hbm>>
    %dma_start3A_1392 = tpu.memref_squeeze %dma_start3A_1391 : memref<1x128xf32, #tpu.memory_space<hbm>> -> memref<128xf32, #tpu.memory_space<hbm>>
    %dma_start3A_1393 = arith.constant 256 : i32
    %dma_start3A_1394 = tpu.memref_slice %arg7[%dma_start3A_1393] : memref<512xf32, #tpu.memory_space<vmem>> -> memref<128xf32, #tpu.memory_space<vmem>>
    tpu.enqueue_dma source(%dma_start3A_1394 : memref<128xf32, #tpu.memory_space<vmem>>) target(%dma_start3A_1392 : memref<128xf32, #tpu.memory_space<hbm>>) target_semaphore(%arg11 : memref<!tpu.dma_semaphore, #tpu.memory_space<semaphore_mem>>)
    %add3A_1395 = arith.constant 2 : i32
    %add3A_1396 = arith.addi %mul3A_2, %add3A_1395 : i32
    %dma_start3A_1397 = arith.constant 256 : i32
    %dma_start3A_1398 = tpu.memref_slice %arg8[%dma_start3A_1397] : memref<512xi32, #tpu.memory_space<vmem>> -> memref<128xi32, #tpu.memory_space<vmem>>
    %dma_start3A_1399 = arith.constant 0 : i32
    %dma_start3A_1400 = tpu.memref_slice %arg4[%add3A_1396, %dma_start3A_1399] : memref<128x128xi32, #tpu.memory_space<hbm>> -> memref<1x128xi32, #tpu.memory_space<hbm>>
    %dma_start3A_1401 = tpu.memref_squeeze %dma_start3A_1400 : memref<1x128xi32, #tpu.memory_space<hbm>> -> memref<128xi32, #tpu.memory_space<hbm>>
    %dma_start3A_1402 = arith.constant 0 : i32
    %dma_start3A_1403 = tpu.memref_slice %arg4[%add3A_1396, %dma_start3A_1402] : memref<128x128xi32, #tpu.memory_space<hbm>> -> memref<1x128xi32, #tpu.memory_space<hbm>>
    %dma_start3A_1404 = tpu.memref_squeeze %dma_start3A_1403 : memref<1x128xi32, #tpu.memory_space<hbm>> -> memref<128xi32, #tpu.memory_space<hbm>>
    %dma_start3A_1405 = arith.constant 256 : i32
    %dma_start3A_1406 = tpu.memref_slice %arg8[%dma_start3A_1405] : memref<512xi32, #tpu.memory_space<vmem>> -> memref<128xi32, #tpu.memory_space<vmem>>
    tpu.enqueue_dma source(%dma_start3A_1406 : memref<128xi32, #tpu.memory_space<vmem>>) target(%dma_start3A_1404 : memref<128xi32, #tpu.memory_space<hbm>>) target_semaphore(%arg11 : memref<!tpu.dma_semaphore, #tpu.memory_space<semaphore_mem>>)
    %dma_wait3A_1407 = arith.constant 0 : i32
    %dma_wait3A_1408 = tpu.memref_slice %arg2[%add3A_939, %dma_wait3A_1407] : memref<128x32768xf32, #tpu.memory_space<hbm>> -> memref<1x32768xf32, #tpu.memory_space<hbm>>
    %dma_wait3A_1409 = tpu.memref_squeeze %dma_wait3A_1408 : memref<1x32768xf32, #tpu.memory_space<hbm>> -> memref<32768xf32, #tpu.memory_space<hbm>>
    %dma_wait3A_1410 = arith.constant 0 : i32
    %dma_wait3A_1411 = tpu.memref_slice %arg2[%add3A_939, %dma_wait3A_1410] : memref<128x32768xf32, #tpu.memory_space<hbm>> -> memref<1x32768xf32, #tpu.memory_space<hbm>>
    %dma_wait3A_1412 = tpu.memref_squeeze %dma_wait3A_1411 : memref<1x32768xf32, #tpu.memory_space<hbm>> -> memref<32768xf32, #tpu.memory_space<hbm>>
    tpu.wait_dma2 semaphore(%arg10 : memref<!tpu.dma_semaphore, #tpu.memory_space<semaphore_mem>>) src(%dma_wait3A_1412 : memref<32768xf32, #tpu.memory_space<hbm>>) dst(%arg6 : memref<32768xf32, #tpu.memory_space<vmem>>)
    %broadcast_in_dim3A_1413 = arith.constant 0xFF800000 : f32
    %broadcast_in_dim3A_1414 = vector.broadcast %broadcast_in_dim3A_1413 : f32 to vector<16xf32>
    %broadcast_in_dim3A_1415 = arith.constant 0 : i32
    %broadcast_in_dim3A_1416 = vector.broadcast %broadcast_in_dim3A_1415 : i32 to vector<16xi32>
    %broadcast_in_dim3A_1417 = arith.constant 0 : i32
    %broadcast_in_dim3A_1418 = vector.broadcast %broadcast_in_dim3A_1417 : i32 to vector<16xi32>
    %broadcast_in_dim3A_1419 = arith.constant 0 : i32
    %broadcast_in_dim3A_1420 = vector.broadcast %broadcast_in_dim3A_1419 : i32 to vector<16xi32>
    %broadcast_in_dim3A_1421 = arith.constant 0 : i32
    %broadcast_in_dim3A_1422 = vector.broadcast %broadcast_in_dim3A_1421 : i32 to vector<16xi32>
    %broadcast_in_dim3A_1423 = arith.constant 0 : i32
    %broadcast_in_dim3A_1424 = vector.broadcast %broadcast_in_dim3A_1423 : i32 to vector<16xi32>
    %broadcast_in_dim3A_1425 = arith.constant 0 : i32
    %broadcast_in_dim3A_1426 = vector.broadcast %broadcast_in_dim3A_1425 : i32 to vector<16xi32>
    %broadcast_in_dim3A_1427 = arith.constant 0 : i32
    %broadcast_in_dim3A_1428 = vector.broadcast %broadcast_in_dim3A_1427 : i32 to vector<16xi32>
    %broadcast_in_dim3A_1429 = arith.constant 0 : i32
    %broadcast_in_dim3A_1430 = vector.broadcast %broadcast_in_dim3A_1429 : i32 to vector<16xi32>
    %scan3A_1431 = arith.constant 0 : i32
    %scan3A_1432 = arith.constant 256 : i32
    %scan3A_1433 = arith.addi %scan3A_1431, %scan3A_1432 : i32
    %scan3A_1434 = arith.constant 1 : i32
    %scan3A_1435:16 = scf.for %scan3A_1948 = %scan3A_1431 to %scan3A_1433 step %scan3A_1434 iter_args(%scan3A_1949 = %broadcast_in_dim3A_1414, %scan3A_1950 = %broadcast_in_dim3A_1414, %scan3A_1951 = %broadcast_in_dim3A_1414, %scan3A_1952 = %broadcast_in_dim3A_1414, %scan3A_1953 = %broadcast_in_dim3A_1414, %scan3A_1954 = %broadcast_in_dim3A_1414, %scan3A_1955 = %broadcast_in_dim3A_1414, %scan3A_1956 = %broadcast_in_dim3A_1414, %scan3A_1957 = %broadcast_in_dim3A_1416, %scan3A_1958 = %broadcast_in_dim3A_1418, %scan3A_1959 = %broadcast_in_dim3A_1420, %scan3A_1960 = %broadcast_in_dim3A_1422, %scan3A_1961 = %broadcast_in_dim3A_1424, %scan3A_1962 = %broadcast_in_dim3A_1426, %scan3A_1963 = %broadcast_in_dim3A_1428, %scan3A_1964 = %broadcast_in_dim3A_1430) -> (vector<16xf32>, vector<16xf32>, vector<16xf32>, vector<16xf32>, vector<16xf32>, vector<16xf32>, vector<16xf32>, vector<16xf32>, vector<16xi32>, vector<16xi32>, vector<16xi32>, vector<16xi32>, vector<16xi32>, vector<16xi32>, vector<16xi32>, vector<16xi32>)  : i32 {
      %mul3A_1965 = arith.constant 128 : i32
      %mul3A_1966 = arith.muli %scan3A_1948, %mul3A_1965 : i32
      %multiple_of3A = tpu.assume_multiple %mul3A_1966, 128 : i32
      %broadcast_in_dim3A_1967 = vector.broadcast %scan3A_1948 : i32 to vector<16xi32>
      %add3A_1968 = arith.constant 0 : i32
      %add3A_1969 = arith.addi %multiple_of3A, %add3A_1968 : i32
      %get3A = arith.index_cast %add3A_1969 : i32 to index
      %get3A_1970 = tpu.vector_load %arg6[%get3A] {strides = array<i32>} : memref<32768xf32, #tpu.memory_space<vmem>>, vector<16xf32>,
      %get3A_1971 = vector.shape_cast %get3A_1970 : vector<16xf32> to vector<16xf32>
      %gt3A_1972 = arith.cmpf ogt, %get3A_1971, %scan3A_1949 : vector<16xf32>
      %max3A = arith.maximumf %scan3A_1949, %get3A_1971 : vector<16xf32>
      %select_n3A_1973 = arith.select %gt3A_1972, %broadcast_in_dim3A_1967, %scan3A_1957 : vector<16xi1>, vector<16xi32>
      %add3A_1974 = arith.constant 16 : i32
      %add3A_1975 = arith.addi %multiple_of3A, %add3A_1974 : i32
      %get3A_1976 = arith.index_cast %add3A_1975 : i32 to index
      %get3A_1977 = tpu.vector_load %arg6[%get3A_1976] {strides = array<i32>} : memref<32768xf32, #tpu.memory_space<vmem>>, vector<16xf32>,
      %get3A_1978 = vector.shape_cast %get3A_1977 : vector<16xf32> to vector<16xf32>
      %gt3A_1979 = arith.cmpf ogt, %get3A_1978, %scan3A_1950 : vector<16xf32>
      %max3A_1980 = arith.maximumf %scan3A_1950, %get3A_1978 : vector<16xf32>
      %select_n3A_1981 = arith.select %gt3A_1979, %broadcast_in_dim3A_1967, %scan3A_1958 : vector<16xi1>, vector<16xi32>
      %add3A_1982 = arith.constant 32 : i32
      %add3A_1983 = arith.addi %multiple_of3A, %add3A_1982 : i32
      %get3A_1984 = arith.index_cast %add3A_1983 : i32 to index
      %get3A_1985 = tpu.vector_load %arg6[%get3A_1984] {strides = array<i32>} : memref<32768xf32, #tpu.memory_space<vmem>>, vector<16xf32>,
      %get3A_1986 = vector.shape_cast %get3A_1985 : vector<16xf32> to vector<16xf32>
      %gt3A_1987 = arith.cmpf ogt, %get3A_1986, %scan3A_1951 : vector<16xf32>
      %max3A_1988 = arith.maximumf %scan3A_1951, %get3A_1986 : vector<16xf32>
      %select_n3A_1989 = arith.select %gt3A_1987, %broadcast_in_dim3A_1967, %scan3A_1959 : vector<16xi1>, vector<16xi32>
      %add3A_1990 = arith.constant 48 : i32
      %add3A_1991 = arith.addi %multiple_of3A, %add3A_1990 : i32
      %get3A_1992 = arith.index_cast %add3A_1991 : i32 to index
      %get3A_1993 = tpu.vector_load %arg6[%get3A_1992] {strides = array<i32>} : memref<32768xf32, #tpu.memory_space<vmem>>, vector<16xf32>,
      %get3A_1994 = vector.shape_cast %get3A_1993 : vector<16xf32> to vector<16xf32>
      %gt3A_1995 = arith.cmpf ogt, %get3A_1994, %scan3A_1952 : vector<16xf32>
      %max3A_1996 = arith.maximumf %scan3A_1952, %get3A_1994 : vector<16xf32>
      %select_n3A_1997 = arith.select %gt3A_1995, %broadcast_in_dim3A_1967, %scan3A_1960 : vector<16xi1>, vector<16xi32>
      %add3A_1998 = arith.constant 64 : i32
      %add3A_1999 = arith.addi %multiple_of3A, %add3A_1998 : i32
      %get3A_2000 = arith.index_cast %add3A_1999 : i32 to index
      %get3A_2001 = tpu.vector_load %arg6[%get3A_2000] {strides = array<i32>} : memref<32768xf32, #tpu.memory_space<vmem>>, vector<16xf32>,
      %get3A_2002 = vector.shape_cast %get3A_2001 : vector<16xf32> to vector<16xf32>
      %gt3A_2003 = arith.cmpf ogt, %get3A_2002, %scan3A_1953 : vector<16xf32>
      %max3A_2004 = arith.maximumf %scan3A_1953, %get3A_2002 : vector<16xf32>
      %select_n3A_2005 = arith.select %gt3A_2003, %broadcast_in_dim3A_1967, %scan3A_1961 : vector<16xi1>, vector<16xi32>
      %add3A_2006 = arith.constant 80 : i32
      %add3A_2007 = arith.addi %multiple_of3A, %add3A_2006 : i32
      %get3A_2008 = arith.index_cast %add3A_2007 : i32 to index
      %get3A_2009 = tpu.vector_load %arg6[%get3A_2008] {strides = array<i32>} : memref<32768xf32, #tpu.memory_space<vmem>>, vector<16xf32>,
      %get3A_2010 = vector.shape_cast %get3A_2009 : vector<16xf32> to vector<16xf32>
      %gt3A_2011 = arith.cmpf ogt, %get3A_2010, %scan3A_1954 : vector<16xf32>
      %max3A_2012 = arith.maximumf %scan3A_1954, %get3A_2010 : vector<16xf32>
      %select_n3A_2013 = arith.select %gt3A_2011, %broadcast_in_dim3A_1967, %scan3A_1962 : vector<16xi1>, vector<16xi32>
      %add3A_2014 = arith.constant 96 : i32
      %add3A_2015 = arith.addi %multiple_of3A, %add3A_2014 : i32
      %get3A_2016 = arith.index_cast %add3A_2015 : i32 to index
      %get3A_2017 = tpu.vector_load %arg6[%get3A_2016] {strides = array<i32>} : memref<32768xf32, #tpu.memory_space<vmem>>, vector<16xf32>,
      %get3A_2018 = vector.shape_cast %get3A_2017 : vector<16xf32> to vector<16xf32>
      %gt3A_2019 = arith.cmpf ogt, %get3A_2018, %scan3A_1955 : vector<16xf32>
      %max3A_2020 = arith.maximumf %scan3A_1955, %get3A_2018 : vector<16xf32>
      %select_n3A_2021 = arith.select %gt3A_2019, %broadcast_in_dim3A_1967, %scan3A_1963 : vector<16xi1>, vector<16xi32>
      %add3A_2022 = arith.constant 112 : i32
      %add3A_2023 = arith.addi %multiple_of3A, %add3A_2022 : i32
      %get3A_2024 = arith.index_cast %add3A_2023 : i32 to index
      %get3A_2025 = tpu.vector_load %arg6[%get3A_2024] {strides = array<i32>} : memref<32768xf32, #tpu.memory_space<vmem>>, vector<16xf32>,
      %get3A_2026 = vector.shape_cast %get3A_2025 : vector<16xf32> to vector<16xf32>
      %gt3A_2027 = arith.cmpf ogt, %get3A_2026, %scan3A_1956 : vector<16xf32>
      %max3A_2028 = arith.maximumf %scan3A_1956, %get3A_2026 : vector<16xf32>
      %select_n3A_2029 = arith.select %gt3A_2027, %broadcast_in_dim3A_1967, %scan3A_1964 : vector<16xi1>, vector<16xi32>
      scf.yield %max3A, %max3A_1980, %max3A_1988, %max3A_1996, %max3A_2004, %max3A_2012, %max3A_2020, %max3A_2028, %select_n3A_1973, %select_n3A_1981, %select_n3A_1989, %select_n3A_1997, %select_n3A_2005, %select_n3A_2013, %select_n3A_2021, %select_n3A_2029 : vector<16xf32>, vector<16xf32>, vector<16xf32>, vector<16xf32>, vector<16xf32>, vector<16xf32>, vector<16xf32>, vector<16xf32>, vector<16xi32>, vector<16xi32>, vector<16xi32>, vector<16xi32>, vector<16xi32>, vector<16xi32>, vector<16xi32>, vector<16xi32>
    }
    %scan3A_1436 = arith.constant 256 : i32
    %mul3A_1437 = arith.constant 128 : i32
    %mul3A_1438 = vector.broadcast %mul3A_1437 : i32 to vector<16xi32>
    %mul3A_1439 = arith.muli %scan3A_1435#8, %mul3A_1438 : vector<16xi32>
    %add3A_1440 = arith.constant 0 : i32
    %add3A_1441 = vector.broadcast %add3A_1440 : i32 to vector<16xi32>
    %add3A_1442 = arith.addi %add3A_1441, %iota3A : vector<16xi32>
    %add3A_1443 = arith.addi %mul3A_1439, %add3A_1442 : vector<16xi32>
    %mul3A_1444 = arith.constant 128 : i32
    %mul3A_1445 = vector.broadcast %mul3A_1444 : i32 to vector<16xi32>
    %mul3A_1446 = arith.muli %scan3A_1435#9, %mul3A_1445 : vector<16xi32>
    %add3A_1447 = arith.constant 16 : i32
    %add3A_1448 = vector.broadcast %add3A_1447 : i32 to vector<16xi32>
    %add3A_1449 = arith.addi %add3A_1448, %iota3A : vector<16xi32>
    %add3A_1450 = arith.addi %mul3A_1446, %add3A_1449 : vector<16xi32>
    %gt3A_1451 = arith.cmpf ogt, %scan3A_1435#1, %scan3A_1435#0 : vector<16xf32>
    %eq3A_1452 = arith.cmpf oeq, %scan3A_1435#1, %scan3A_1435#0 : vector<16xf32>
    %lt3A_1453 = arith.cmpi slt, %add3A_1450, %add3A_1443 : vector<16xi32>
    %and3A_1454 = arith.andi %eq3A_1452, %lt3A_1453 : vector<16xi1>
    %or3A_1455 = arith.ori %gt3A_1451, %and3A_1454 : vector<16xi1>
    %select_n3A_1456 = arith.select %or3A_1455, %scan3A_1435#1, %scan3A_1435#0 : vector<16xi1>, vector<16xf32>
    %select_n3A_1457 = arith.select %or3A_1455, %add3A_1450, %add3A_1443 : vector<16xi1>, vector<16xi32>
    %mul3A_1458 = arith.constant 128 : i32
    %mul3A_1459 = vector.broadcast %mul3A_1458 : i32 to vector<16xi32>
    %mul3A_1460 = arith.muli %scan3A_1435#10, %mul3A_1459 : vector<16xi32>
    %add3A_1461 = arith.constant 32 : i32
    %add3A_1462 = vector.broadcast %add3A_1461 : i32 to vector<16xi32>
    %add3A_1463 = arith.addi %add3A_1462, %iota3A : vector<16xi32>
    %add3A_1464 = arith.addi %mul3A_1460, %add3A_1463 : vector<16xi32>
    %gt3A_1465 = arith.cmpf ogt, %scan3A_1435#2, %select_n3A_1456 : vector<16xf32>
    %eq3A_1466 = arith.cmpf oeq, %scan3A_1435#2, %select_n3A_1456 : vector<16xf32>
    %lt3A_1467 = arith.cmpi slt, %add3A_1464, %select_n3A_1457 : vector<16xi32>
    %and3A_1468 = arith.andi %eq3A_1466, %lt3A_1467 : vector<16xi1>
    %or3A_1469 = arith.ori %gt3A_1465, %and3A_1468 : vector<16xi1>
    %select_n3A_1470 = arith.select %or3A_1469, %scan3A_1435#2, %select_n3A_1456 : vector<16xi1>, vector<16xf32>
    %select_n3A_1471 = arith.select %or3A_1469, %add3A_1464, %select_n3A_1457 : vector<16xi1>, vector<16xi32>
    %mul3A_1472 = arith.constant 128 : i32
    %mul3A_1473 = vector.broadcast %mul3A_1472 : i32 to vector<16xi32>
    %mul3A_1474 = arith.muli %scan3A_1435#11, %mul3A_1473 : vector<16xi32>
    %add3A_1475 = arith.constant 48 : i32
    %add3A_1476 = vector.broadcast %add3A_1475 : i32 to vector<16xi32>
    %add3A_1477 = arith.addi %add3A_1476, %iota3A : vector<16xi32>
    %add3A_1478 = arith.addi %mul3A_1474, %add3A_1477 : vector<16xi32>
    %gt3A_1479 = arith.cmpf ogt, %scan3A_1435#3, %select_n3A_1470 : vector<16xf32>
    %eq3A_1480 = arith.cmpf oeq, %scan3A_1435#3, %select_n3A_1470 : vector<16xf32>
    %lt3A_1481 = arith.cmpi slt, %add3A_1478, %select_n3A_1471 : vector<16xi32>
    %and3A_1482 = arith.andi %eq3A_1480, %lt3A_1481 : vector<16xi1>
    %or3A_1483 = arith.ori %gt3A_1479, %and3A_1482 : vector<16xi1>
    %select_n3A_1484 = arith.select %or3A_1483, %scan3A_1435#3, %select_n3A_1470 : vector<16xi1>, vector<16xf32>
    %select_n3A_1485 = arith.select %or3A_1483, %add3A_1478, %select_n3A_1471 : vector<16xi1>, vector<16xi32>
    %mul3A_1486 = arith.constant 128 : i32
    %mul3A_1487 = vector.broadcast %mul3A_1486 : i32 to vector<16xi32>
    %mul3A_1488 = arith.muli %scan3A_1435#12, %mul3A_1487 : vector<16xi32>
    %add3A_1489 = arith.constant 64 : i32
    %add3A_1490 = vector.broadcast %add3A_1489 : i32 to vector<16xi32>
    %add3A_1491 = arith.addi %add3A_1490, %iota3A : vector<16xi32>
    %add3A_1492 = arith.addi %mul3A_1488, %add3A_1491 : vector<16xi32>
    %gt3A_1493 = arith.cmpf ogt, %scan3A_1435#4, %select_n3A_1484 : vector<16xf32>
    %eq3A_1494 = arith.cmpf oeq, %scan3A_1435#4, %select_n3A_1484 : vector<16xf32>
    %lt3A_1495 = arith.cmpi slt, %add3A_1492, %select_n3A_1485 : vector<16xi32>
    %and3A_1496 = arith.andi %eq3A_1494, %lt3A_1495 : vector<16xi1>
    %or3A_1497 = arith.ori %gt3A_1493, %and3A_1496 : vector<16xi1>
    %select_n3A_1498 = arith.select %or3A_1497, %scan3A_1435#4, %select_n3A_1484 : vector<16xi1>, vector<16xf32>
    %select_n3A_1499 = arith.select %or3A_1497, %add3A_1492, %select_n3A_1485 : vector<16xi1>, vector<16xi32>
    %mul3A_1500 = arith.constant 128 : i32
    %mul3A_1501 = vector.broadcast %mul3A_1500 : i32 to vector<16xi32>
    %mul3A_1502 = arith.muli %scan3A_1435#13, %mul3A_1501 : vector<16xi32>
    %add3A_1503 = arith.constant 80 : i32
    %add3A_1504 = vector.broadcast %add3A_1503 : i32 to vector<16xi32>
    %add3A_1505 = arith.addi %add3A_1504, %iota3A : vector<16xi32>
    %add3A_1506 = arith.addi %mul3A_1502, %add3A_1505 : vector<16xi32>
    %gt3A_1507 = arith.cmpf ogt, %scan3A_1435#5, %select_n3A_1498 : vector<16xf32>
    %eq3A_1508 = arith.cmpf oeq, %scan3A_1435#5, %select_n3A_1498 : vector<16xf32>
    %lt3A_1509 = arith.cmpi slt, %add3A_1506, %select_n3A_1499 : vector<16xi32>
    %and3A_1510 = arith.andi %eq3A_1508, %lt3A_1509 : vector<16xi1>
    %or3A_1511 = arith.ori %gt3A_1507, %and3A_1510 : vector<16xi1>
    %select_n3A_1512 = arith.select %or3A_1511, %scan3A_1435#5, %select_n3A_1498 : vector<16xi1>, vector<16xf32>
    %select_n3A_1513 = arith.select %or3A_1511, %add3A_1506, %select_n3A_1499 : vector<16xi1>, vector<16xi32>
    %mul3A_1514 = arith.constant 128 : i32
    %mul3A_1515 = vector.broadcast %mul3A_1514 : i32 to vector<16xi32>
    %mul3A_1516 = arith.muli %scan3A_1435#14, %mul3A_1515 : vector<16xi32>
    %add3A_1517 = arith.constant 96 : i32
    %add3A_1518 = vector.broadcast %add3A_1517 : i32 to vector<16xi32>
    %add3A_1519 = arith.addi %add3A_1518, %iota3A : vector<16xi32>
    %add3A_1520 = arith.addi %mul3A_1516, %add3A_1519 : vector<16xi32>
    %gt3A_1521 = arith.cmpf ogt, %scan3A_1435#6, %select_n3A_1512 : vector<16xf32>
    %eq3A_1522 = arith.cmpf oeq, %scan3A_1435#6, %select_n3A_1512 : vector<16xf32>
    %lt3A_1523 = arith.cmpi slt, %add3A_1520, %select_n3A_1513 : vector<16xi32>
    %and3A_1524 = arith.andi %eq3A_1522, %lt3A_1523 : vector<16xi1>
    %or3A_1525 = arith.ori %gt3A_1521, %and3A_1524 : vector<16xi1>
    %select_n3A_1526 = arith.select %or3A_1525, %scan3A_1435#6, %select_n3A_1512 : vector<16xi1>, vector<16xf32>
    %select_n3A_1527 = arith.select %or3A_1525, %add3A_1520, %select_n3A_1513 : vector<16xi1>, vector<16xi32>
    %mul3A_1528 = arith.constant 128 : i32
    %mul3A_1529 = vector.broadcast %mul3A_1528 : i32 to vector<16xi32>
    %mul3A_1530 = arith.muli %scan3A_1435#15, %mul3A_1529 : vector<16xi32>
    %add3A_1531 = arith.constant 112 : i32
    %add3A_1532 = vector.broadcast %add3A_1531 : i32 to vector<16xi32>
    %add3A_1533 = arith.addi %add3A_1532, %iota3A : vector<16xi32>
    %add3A_1534 = arith.addi %mul3A_1530, %add3A_1533 : vector<16xi32>
    %gt3A_1535 = arith.cmpf ogt, %scan3A_1435#7, %select_n3A_1526 : vector<16xf32>
    %eq3A_1536 = arith.cmpf oeq, %scan3A_1435#7, %select_n3A_1526 : vector<16xf32>
    %lt3A_1537 = arith.cmpi slt, %add3A_1534, %select_n3A_1527 : vector<16xi32>
    %and3A_1538 = arith.andi %eq3A_1536, %lt3A_1537 : vector<16xi1>
    %or3A_1539 = arith.ori %gt3A_1535, %and3A_1538 : vector<16xi1>
    %select_n3A_1540 = arith.select %or3A_1539, %scan3A_1435#7, %select_n3A_1526 : vector<16xi1>, vector<16xf32>
    %select_n3A_1541 = arith.select %or3A_1539, %add3A_1534, %select_n3A_1527 : vector<16xi1>, vector<16xi32>
    %slice3A_1542 = vector.extract_strided_slice %select_n3A_1540 {offsets = [0], sizes = [1], strides = [1]} : vector<16xf32> to vector<1xf32>
    %squeeze3A_1543 = vector.extract %slice3A_1542[0] : f32 from vector<1xf32>
    %slice3A_1544 = vector.extract_strided_slice %select_n3A_1541 {offsets = [0], sizes = [1], strides = [1]} : vector<16xi32> to vector<1xi32>
    %squeeze3A_1545 = vector.extract %slice3A_1544[0] : i32 from vector<1xi32>
    %slice3A_1546 = vector.extract_strided_slice %select_n3A_1540 {offsets = [1], sizes = [1], strides = [1]} : vector<16xf32> to vector<1xf32>
    %squeeze3A_1547 = vector.extract %slice3A_1546[0] : f32 from vector<1xf32>
    %slice3A_1548 = vector.extract_strided_slice %select_n3A_1541 {offsets = [1], sizes = [1], strides = [1]} : vector<16xi32> to vector<1xi32>
    %squeeze3A_1549 = vector.extract %slice3A_1548[0] : i32 from vector<1xi32>
    %gt3A_1550 = arith.cmpf ogt, %squeeze3A_1547, %squeeze3A_1543 : f32
    %eq3A_1551 = arith.cmpf oeq, %squeeze3A_1547, %squeeze3A_1543 : f32
    %lt3A_1552 = arith.cmpi slt, %squeeze3A_1549, %squeeze3A_1545 : i32
    %and3A_1553 = arith.andi %eq3A_1551, %lt3A_1552 : i1
    %or3A_1554 = arith.ori %gt3A_1550, %and3A_1553 : i1
    %select_n3A_1555 = arith.select %or3A_1554, %squeeze3A_1547, %squeeze3A_1543 : f32
    %select_n3A_1556 = arith.select %or3A_1554, %squeeze3A_1549, %squeeze3A_1545 : i32
    %slice3A_1557 = vector.extract_strided_slice %select_n3A_1540 {offsets = [2], sizes = [1], strides = [1]} : vector<16xf32> to vector<1xf32>
    %squeeze3A_1558 = vector.extract %slice3A_1557[0] : f32 from vector<1xf32>
    %slice3A_1559 = vector.extract_strided_slice %select_n3A_1541 {offsets = [2], sizes = [1], strides = [1]} : vector<16xi32> to vector<1xi32>
    %squeeze3A_1560 = vector.extract %slice3A_1559[0] : i32 from vector<1xi32>
    %gt3A_1561 = arith.cmpf ogt, %squeeze3A_1558, %select_n3A_1555 : f32
    %eq3A_1562 = arith.cmpf oeq, %squeeze3A_1558, %select_n3A_1555 : f32
    %lt3A_1563 = arith.cmpi slt, %squeeze3A_1560, %select_n3A_1556 : i32
    %and3A_1564 = arith.andi %eq3A_1562, %lt3A_1563 : i1
    %or3A_1565 = arith.ori %gt3A_1561, %and3A_1564 : i1
    %select_n3A_1566 = arith.select %or3A_1565, %squeeze3A_1558, %select_n3A_1555 : f32
    %select_n3A_1567 = arith.select %or3A_1565, %squeeze3A_1560, %select_n3A_1556 : i32
    %slice3A_1568 = vector.extract_strided_slice %select_n3A_1540 {offsets = [3], sizes = [1], strides = [1]} : vector<16xf32> to vector<1xf32>
    %squeeze3A_1569 = vector.extract %slice3A_1568[0] : f32 from vector<1xf32>
    %slice3A_1570 = vector.extract_strided_slice %select_n3A_1541 {offsets = [3], sizes = [1], strides = [1]} : vector<16xi32> to vector<1xi32>
    %squeeze3A_1571 = vector.extract %slice3A_1570[0] : i32 from vector<1xi32>
    %gt3A_1572 = arith.cmpf ogt, %squeeze3A_1569, %select_n3A_1566 : f32
    %eq3A_1573 = arith.cmpf oeq, %squeeze3A_1569, %select_n3A_1566 : f32
    %lt3A_1574 = arith.cmpi slt, %squeeze3A_1571, %select_n3A_1567 : i32
    %and3A_1575 = arith.andi %eq3A_1573, %lt3A_1574 : i1
    %or3A_1576 = arith.ori %gt3A_1572, %and3A_1575 : i1
    %select_n3A_1577 = arith.select %or3A_1576, %squeeze3A_1569, %select_n3A_1566 : f32
    %select_n3A_1578 = arith.select %or3A_1576, %squeeze3A_1571, %select_n3A_1567 : i32
    %slice3A_1579 = vector.extract_strided_slice %select_n3A_1540 {offsets = [4], sizes = [1], strides = [1]} : vector<16xf32> to vector<1xf32>
    %squeeze3A_1580 = vector.extract %slice3A_1579[0] : f32 from vector<1xf32>
    %slice3A_1581 = vector.extract_strided_slice %select_n3A_1541 {offsets = [4], sizes = [1], strides = [1]} : vector<16xi32> to vector<1xi32>
    %squeeze3A_1582 = vector.extract %slice3A_1581[0] : i32 from vector<1xi32>
    %gt3A_1583 = arith.cmpf ogt, %squeeze3A_1580, %select_n3A_1577 : f32
    %eq3A_1584 = arith.cmpf oeq, %squeeze3A_1580, %select_n3A_1577 : f32
    %lt3A_1585 = arith.cmpi slt, %squeeze3A_1582, %select_n3A_1578 : i32
    %and3A_1586 = arith.andi %eq3A_1584, %lt3A_1585 : i1
    %or3A_1587 = arith.ori %gt3A_1583, %and3A_1586 : i1
    %select_n3A_1588 = arith.select %or3A_1587, %squeeze3A_1580, %select_n3A_1577 : f32
    %select_n3A_1589 = arith.select %or3A_1587, %squeeze3A_1582, %select_n3A_1578 : i32
    %slice3A_1590 = vector.extract_strided_slice %select_n3A_1540 {offsets = [5], sizes = [1], strides = [1]} : vector<16xf32> to vector<1xf32>
    %squeeze3A_1591 = vector.extract %slice3A_1590[0] : f32 from vector<1xf32>
    %slice3A_1592 = vector.extract_strided_slice %select_n3A_1541 {offsets = [5], sizes = [1], strides = [1]} : vector<16xi32> to vector<1xi32>
    %squeeze3A_1593 = vector.extract %slice3A_1592[0] : i32 from vector<1xi32>
    %gt3A_1594 = arith.cmpf ogt, %squeeze3A_1591, %select_n3A_1588 : f32
    %eq3A_1595 = arith.cmpf oeq, %squeeze3A_1591, %select_n3A_1588 : f32
    %lt3A_1596 = arith.cmpi slt, %squeeze3A_1593, %select_n3A_1589 : i32
    %and3A_1597 = arith.andi %eq3A_1595, %lt3A_1596 : i1
    %or3A_1598 = arith.ori %gt3A_1594, %and3A_1597 : i1
    %select_n3A_1599 = arith.select %or3A_1598, %squeeze3A_1591, %select_n3A_1588 : f32
    %select_n3A_1600 = arith.select %or3A_1598, %squeeze3A_1593, %select_n3A_1589 : i32
    %slice3A_1601 = vector.extract_strided_slice %select_n3A_1540 {offsets = [6], sizes = [1], strides = [1]} : vector<16xf32> to vector<1xf32>
    %squeeze3A_1602 = vector.extract %slice3A_1601[0] : f32 from vector<1xf32>
    %slice3A_1603 = vector.extract_strided_slice %select_n3A_1541 {offsets = [6], sizes = [1], strides = [1]} : vector<16xi32> to vector<1xi32>
    %squeeze3A_1604 = vector.extract %slice3A_1603[0] : i32 from vector<1xi32>
    %gt3A_1605 = arith.cmpf ogt, %squeeze3A_1602, %select_n3A_1599 : f32
    %eq3A_1606 = arith.cmpf oeq, %squeeze3A_1602, %select_n3A_1599 : f32
    %lt3A_1607 = arith.cmpi slt, %squeeze3A_1604, %select_n3A_1600 : i32
    %and3A_1608 = arith.andi %eq3A_1606, %lt3A_1607 : i1
    %or3A_1609 = arith.ori %gt3A_1605, %and3A_1608 : i1
    %select_n3A_1610 = arith.select %or3A_1609, %squeeze3A_1602, %select_n3A_1599 : f32
    %select_n3A_1611 = arith.select %or3A_1609, %squeeze3A_1604, %select_n3A_1600 : i32
    %slice3A_1612 = vector.extract_strided_slice %select_n3A_1540 {offsets = [7], sizes = [1], strides = [1]} : vector<16xf32> to vector<1xf32>
    %squeeze3A_1613 = vector.extract %slice3A_1612[0] : f32 from vector<1xf32>
    %slice3A_1614 = vector.extract_strided_slice %select_n3A_1541 {offsets = [7], sizes = [1], strides = [1]} : vector<16xi32> to vector<1xi32>
    %squeeze3A_1615 = vector.extract %slice3A_1614[0] : i32 from vector<1xi32>
    %gt3A_1616 = arith.cmpf ogt, %squeeze3A_1613, %select_n3A_1610 : f32
    %eq3A_1617 = arith.cmpf oeq, %squeeze3A_1613, %select_n3A_1610 : f32
    %lt3A_1618 = arith.cmpi slt, %squeeze3A_1615, %select_n3A_1611 : i32
    %and3A_1619 = arith.andi %eq3A_1617, %lt3A_1618 : i1
    %or3A_1620 = arith.ori %gt3A_1616, %and3A_1619 : i1
    %select_n3A_1621 = arith.select %or3A_1620, %squeeze3A_1613, %select_n3A_1610 : f32
    %select_n3A_1622 = arith.select %or3A_1620, %squeeze3A_1615, %select_n3A_1611 : i32
    %slice3A_1623 = vector.extract_strided_slice %select_n3A_1540 {offsets = [8], sizes = [1], strides = [1]} : vector<16xf32> to vector<1xf32>
    %squeeze3A_1624 = vector.extract %slice3A_1623[0] : f32 from vector<1xf32>
    %slice3A_1625 = vector.extract_strided_slice %select_n3A_1541 {offsets = [8], sizes = [1], strides = [1]} : vector<16xi32> to vector<1xi32>
    %squeeze3A_1626 = vector.extract %slice3A_1625[0] : i32 from vector<1xi32>
    %gt3A_1627 = arith.cmpf ogt, %squeeze3A_1624, %select_n3A_1621 : f32
    %eq3A_1628 = arith.cmpf oeq, %squeeze3A_1624, %select_n3A_1621 : f32
    %lt3A_1629 = arith.cmpi slt, %squeeze3A_1626, %select_n3A_1622 : i32
    %and3A_1630 = arith.andi %eq3A_1628, %lt3A_1629 : i1
    %or3A_1631 = arith.ori %gt3A_1627, %and3A_1630 : i1
    %select_n3A_1632 = arith.select %or3A_1631, %squeeze3A_1624, %select_n3A_1621 : f32
    %select_n3A_1633 = arith.select %or3A_1631, %squeeze3A_1626, %select_n3A_1622 : i32
    %slice3A_1634 = vector.extract_strided_slice %select_n3A_1540 {offsets = [9], sizes = [1], strides = [1]} : vector<16xf32> to vector<1xf32>
    %squeeze3A_1635 = vector.extract %slice3A_1634[0] : f32 from vector<1xf32>
    %slice3A_1636 = vector.extract_strided_slice %select_n3A_1541 {offsets = [9], sizes = [1], strides = [1]} : vector<16xi32> to vector<1xi32>
    %squeeze3A_1637 = vector.extract %slice3A_1636[0] : i32 from vector<1xi32>
    %gt3A_1638 = arith.cmpf ogt, %squeeze3A_1635, %select_n3A_1632 : f32
    %eq3A_1639 = arith.cmpf oeq, %squeeze3A_1635, %select_n3A_1632 : f32
    %lt3A_1640 = arith.cmpi slt, %squeeze3A_1637, %select_n3A_1633 : i32
    %and3A_1641 = arith.andi %eq3A_1639, %lt3A_1640 : i1
    %or3A_1642 = arith.ori %gt3A_1638, %and3A_1641 : i1
    %select_n3A_1643 = arith.select %or3A_1642, %squeeze3A_1635, %select_n3A_1632 : f32
    %select_n3A_1644 = arith.select %or3A_1642, %squeeze3A_1637, %select_n3A_1633 : i32
    %slice3A_1645 = vector.extract_strided_slice %select_n3A_1540 {offsets = [10], sizes = [1], strides = [1]} : vector<16xf32> to vector<1xf32>
    %squeeze3A_1646 = vector.extract %slice3A_1645[0] : f32 from vector<1xf32>
    %slice3A_1647 = vector.extract_strided_slice %select_n3A_1541 {offsets = [10], sizes = [1], strides = [1]} : vector<16xi32> to vector<1xi32>
    %squeeze3A_1648 = vector.extract %slice3A_1647[0] : i32 from vector<1xi32>
    %gt3A_1649 = arith.cmpf ogt, %squeeze3A_1646, %select_n3A_1643 : f32
    %eq3A_1650 = arith.cmpf oeq, %squeeze3A_1646, %select_n3A_1643 : f32
    %lt3A_1651 = arith.cmpi slt, %squeeze3A_1648, %select_n3A_1644 : i32
    %and3A_1652 = arith.andi %eq3A_1650, %lt3A_1651 : i1
    %or3A_1653 = arith.ori %gt3A_1649, %and3A_1652 : i1
    %select_n3A_1654 = arith.select %or3A_1653, %squeeze3A_1646, %select_n3A_1643 : f32
    %select_n3A_1655 = arith.select %or3A_1653, %squeeze3A_1648, %select_n3A_1644 : i32
    %slice3A_1656 = vector.extract_strided_slice %select_n3A_1540 {offsets = [11], sizes = [1], strides = [1]} : vector<16xf32> to vector<1xf32>
    %squeeze3A_1657 = vector.extract %slice3A_1656[0] : f32 from vector<1xf32>
    %slice3A_1658 = vector.extract_strided_slice %select_n3A_1541 {offsets = [11], sizes = [1], strides = [1]} : vector<16xi32> to vector<1xi32>
    %squeeze3A_1659 = vector.extract %slice3A_1658[0] : i32 from vector<1xi32>
    %gt3A_1660 = arith.cmpf ogt, %squeeze3A_1657, %select_n3A_1654 : f32
    %eq3A_1661 = arith.cmpf oeq, %squeeze3A_1657, %select_n3A_1654 : f32
    %lt3A_1662 = arith.cmpi slt, %squeeze3A_1659, %select_n3A_1655 : i32
    %and3A_1663 = arith.andi %eq3A_1661, %lt3A_1662 : i1
    %or3A_1664 = arith.ori %gt3A_1660, %and3A_1663 : i1
    %select_n3A_1665 = arith.select %or3A_1664, %squeeze3A_1657, %select_n3A_1654 : f32
    %select_n3A_1666 = arith.select %or3A_1664, %squeeze3A_1659, %select_n3A_1655 : i32
    %slice3A_1667 = vector.extract_strided_slice %select_n3A_1540 {offsets = [12], sizes = [1], strides = [1]} : vector<16xf32> to vector<1xf32>
    %squeeze3A_1668 = vector.extract %slice3A_1667[0] : f32 from vector<1xf32>
    %slice3A_1669 = vector.extract_strided_slice %select_n3A_1541 {offsets = [12], sizes = [1], strides = [1]} : vector<16xi32> to vector<1xi32>
    %squeeze3A_1670 = vector.extract %slice3A_1669[0] : i32 from vector<1xi32>
    %gt3A_1671 = arith.cmpf ogt, %squeeze3A_1668, %select_n3A_1665 : f32
    %eq3A_1672 = arith.cmpf oeq, %squeeze3A_1668, %select_n3A_1665 : f32
    %lt3A_1673 = arith.cmpi slt, %squeeze3A_1670, %select_n3A_1666 : i32
    %and3A_1674 = arith.andi %eq3A_1672, %lt3A_1673 : i1
    %or3A_1675 = arith.ori %gt3A_1671, %and3A_1674 : i1
    %select_n3A_1676 = arith.select %or3A_1675, %squeeze3A_1668, %select_n3A_1665 : f32
    %select_n3A_1677 = arith.select %or3A_1675, %squeeze3A_1670, %select_n3A_1666 : i32
    %slice3A_1678 = vector.extract_strided_slice %select_n3A_1540 {offsets = [13], sizes = [1], strides = [1]} : vector<16xf32> to vector<1xf32>
    %squeeze3A_1679 = vector.extract %slice3A_1678[0] : f32 from vector<1xf32>
    %slice3A_1680 = vector.extract_strided_slice %select_n3A_1541 {offsets = [13], sizes = [1], strides = [1]} : vector<16xi32> to vector<1xi32>
    %squeeze3A_1681 = vector.extract %slice3A_1680[0] : i32 from vector<1xi32>
    %gt3A_1682 = arith.cmpf ogt, %squeeze3A_1679, %select_n3A_1676 : f32
    %eq3A_1683 = arith.cmpf oeq, %squeeze3A_1679, %select_n3A_1676 : f32
    %lt3A_1684 = arith.cmpi slt, %squeeze3A_1681, %select_n3A_1677 : i32
    %and3A_1685 = arith.andi %eq3A_1683, %lt3A_1684 : i1
    %or3A_1686 = arith.ori %gt3A_1682, %and3A_1685 : i1
    %select_n3A_1687 = arith.select %or3A_1686, %squeeze3A_1679, %select_n3A_1676 : f32
    %select_n3A_1688 = arith.select %or3A_1686, %squeeze3A_1681, %select_n3A_1677 : i32
    %slice3A_1689 = vector.extract_strided_slice %select_n3A_1540 {offsets = [14], sizes = [1], strides = [1]} : vector<16xf32> to vector<1xf32>
    %squeeze3A_1690 = vector.extract %slice3A_1689[0] : f32 from vector<1xf32>
    %slice3A_1691 = vector.extract_strided_slice %select_n3A_1541 {offsets = [14], sizes = [1], strides = [1]} : vector<16xi32> to vector<1xi32>
    %squeeze3A_1692 = vector.extract %slice3A_1691[0] : i32 from vector<1xi32>
    %gt3A_1693 = arith.cmpf ogt, %squeeze3A_1690, %select_n3A_1687 : f32
    %eq3A_1694 = arith.cmpf oeq, %squeeze3A_1690, %select_n3A_1687 : f32
    %lt3A_1695 = arith.cmpi slt, %squeeze3A_1692, %select_n3A_1688 : i32
    %and3A_1696 = arith.andi %eq3A_1694, %lt3A_1695 : i1
    %or3A_1697 = arith.ori %gt3A_1693, %and3A_1696 : i1
    %select_n3A_1698 = arith.select %or3A_1697, %squeeze3A_1690, %select_n3A_1687 : f32
    %select_n3A_1699 = arith.select %or3A_1697, %squeeze3A_1692, %select_n3A_1688 : i32
    %slice3A_1700 = vector.extract_strided_slice %select_n3A_1540 {offsets = [15], sizes = [1], strides = [1]} : vector<16xf32> to vector<1xf32>
    %squeeze3A_1701 = vector.extract %slice3A_1700[0] : f32 from vector<1xf32>
    %slice3A_1702 = vector.extract_strided_slice %select_n3A_1541 {offsets = [15], sizes = [1], strides = [1]} : vector<16xi32> to vector<1xi32>
    %squeeze3A_1703 = vector.extract %slice3A_1702[0] : i32 from vector<1xi32>
    %gt3A_1704 = arith.cmpf ogt, %squeeze3A_1701, %select_n3A_1698 : f32
    %eq3A_1705 = arith.cmpf oeq, %squeeze3A_1701, %select_n3A_1698 : f32
    %lt3A_1706 = arith.cmpi slt, %squeeze3A_1703, %select_n3A_1699 : i32
    %and3A_1707 = arith.andi %eq3A_1705, %lt3A_1706 : i1
    %or3A_1708 = arith.ori %gt3A_1704, %and3A_1707 : i1
    %select_n3A_1709 = arith.select %or3A_1708, %squeeze3A_1701, %select_n3A_1698 : f32
    %select_n3A_1710 = arith.select %or3A_1708, %squeeze3A_1703, %select_n3A_1699 : i32
    %shift_right_logical3A_1711 = arith.constant 7 : i32
    %shift_right_logical3A_1712 = arith.shrui %select_n3A_1710, %shift_right_logical3A_1711 : i32
    %mul3A_1713 = arith.constant 128 : i32
    %mul3A_1714 = arith.muli %shift_right_logical3A_1712, %mul3A_1713 : i32
    %sub3A_1715 = arith.subi %select_n3A_1710, %mul3A_1714 : i32
    %add3A_1716 = arith.constant 0 : i32
    %add3A_1717 = vector.broadcast %add3A_1716 : i32 to vector<16xi32>
    %add3A_1718 = arith.addi %iota3A, %add3A_1717 : vector<16xi32>
    %eq3A_1719 = vector.broadcast %sub3A_1715 : i32 to vector<16xi32>
    %eq3A_1720 = arith.cmpi eq, %add3A_1718, %eq3A_1719 : vector<16xi32>
    %broadcast_in_dim3A_1721 = vector.broadcast %select_n3A_1709 : f32 to vector<16xf32>
    %select_n3A_1722 = arith.select %eq3A_1720, %broadcast_in_dim3A_1721, %broadcast_in_dim3A_3 : vector<16xi1>, vector<16xf32>
    %swap3A_1723 = arith.constant 384 : index
    %swap3A_1724 = tpu.vector_load %arg7[%swap3A_1723] {strides = array<i32>} : memref<512xf32, #tpu.memory_space<vmem>>, vector<16xf32>,
    %swap3A_1725 = vector.shape_cast %swap3A_1724 : vector<16xf32> to vector<16xf32>
    %swap3A_1726 = vector.shape_cast %select_n3A_1722 : vector<16xf32> to vector<16xf32>
    tpu.vector_store %arg7[%swap3A_1723], %swap3A_1726 {strides = array<i32>} : memref<512xf32, #tpu.memory_space<vmem>>, vector<16xf32>,
    %add3A_1727 = arith.constant 16 : i32
    %add3A_1728 = vector.broadcast %add3A_1727 : i32 to vector<16xi32>
    %add3A_1729 = arith.addi %iota3A, %add3A_1728 : vector<16xi32>
    %eq3A_1730 = vector.broadcast %sub3A_1715 : i32 to vector<16xi32>
    %eq3A_1731 = arith.cmpi eq, %add3A_1729, %eq3A_1730 : vector<16xi32>
    %broadcast_in_dim3A_1732 = vector.broadcast %select_n3A_1709 : f32 to vector<16xf32>
    %select_n3A_1733 = arith.select %eq3A_1731, %broadcast_in_dim3A_1732, %broadcast_in_dim3A_3 : vector<16xi1>, vector<16xf32>
    %swap3A_1734 = arith.constant 400 : index
    %swap3A_1735 = tpu.vector_load %arg7[%swap3A_1734] {strides = array<i32>} : memref<512xf32, #tpu.memory_space<vmem>>, vector<16xf32>,
    %swap3A_1736 = vector.shape_cast %swap3A_1735 : vector<16xf32> to vector<16xf32>
    %swap3A_1737 = vector.shape_cast %select_n3A_1733 : vector<16xf32> to vector<16xf32>
    tpu.vector_store %arg7[%swap3A_1734], %swap3A_1737 {strides = array<i32>} : memref<512xf32, #tpu.memory_space<vmem>>, vector<16xf32>,
    %add3A_1738 = arith.constant 32 : i32
    %add3A_1739 = vector.broadcast %add3A_1738 : i32 to vector<16xi32>
    %add3A_1740 = arith.addi %iota3A, %add3A_1739 : vector<16xi32>
    %eq3A_1741 = vector.broadcast %sub3A_1715 : i32 to vector<16xi32>
    %eq3A_1742 = arith.cmpi eq, %add3A_1740, %eq3A_1741 : vector<16xi32>
    %broadcast_in_dim3A_1743 = vector.broadcast %select_n3A_1709 : f32 to vector<16xf32>
    %select_n3A_1744 = arith.select %eq3A_1742, %broadcast_in_dim3A_1743, %broadcast_in_dim3A_3 : vector<16xi1>, vector<16xf32>
    %swap3A_1745 = arith.constant 416 : index
    %swap3A_1746 = tpu.vector_load %arg7[%swap3A_1745] {strides = array<i32>} : memref<512xf32, #tpu.memory_space<vmem>>, vector<16xf32>,
    %swap3A_1747 = vector.shape_cast %swap3A_1746 : vector<16xf32> to vector<16xf32>
    %swap3A_1748 = vector.shape_cast %select_n3A_1744 : vector<16xf32> to vector<16xf32>
    tpu.vector_store %arg7[%swap3A_1745], %swap3A_1748 {strides = array<i32>} : memref<512xf32, #tpu.memory_space<vmem>>, vector<16xf32>,
    %add3A_1749 = arith.constant 48 : i32
    %add3A_1750 = vector.broadcast %add3A_1749 : i32 to vector<16xi32>
    %add3A_1751 = arith.addi %iota3A, %add3A_1750 : vector<16xi32>
    %eq3A_1752 = vector.broadcast %sub3A_1715 : i32 to vector<16xi32>
    %eq3A_1753 = arith.cmpi eq, %add3A_1751, %eq3A_1752 : vector<16xi32>
    %broadcast_in_dim3A_1754 = vector.broadcast %select_n3A_1709 : f32 to vector<16xf32>
    %select_n3A_1755 = arith.select %eq3A_1753, %broadcast_in_dim3A_1754, %broadcast_in_dim3A_3 : vector<16xi1>, vector<16xf32>
    %swap3A_1756 = arith.constant 432 : index
    %swap3A_1757 = tpu.vector_load %arg7[%swap3A_1756] {strides = array<i32>} : memref<512xf32, #tpu.memory_space<vmem>>, vector<16xf32>,
    %swap3A_1758 = vector.shape_cast %swap3A_1757 : vector<16xf32> to vector<16xf32>
    %swap3A_1759 = vector.shape_cast %select_n3A_1755 : vector<16xf32> to vector<16xf32>
    tpu.vector_store %arg7[%swap3A_1756], %swap3A_1759 {strides = array<i32>} : memref<512xf32, #tpu.memory_space<vmem>>, vector<16xf32>,
    %add3A_1760 = arith.constant 64 : i32
    %add3A_1761 = vector.broadcast %add3A_1760 : i32 to vector<16xi32>
    %add3A_1762 = arith.addi %iota3A, %add3A_1761 : vector<16xi32>
    %eq3A_1763 = vector.broadcast %sub3A_1715 : i32 to vector<16xi32>
    %eq3A_1764 = arith.cmpi eq, %add3A_1762, %eq3A_1763 : vector<16xi32>
    %broadcast_in_dim3A_1765 = vector.broadcast %select_n3A_1709 : f32 to vector<16xf32>
    %select_n3A_1766 = arith.select %eq3A_1764, %broadcast_in_dim3A_1765, %broadcast_in_dim3A_3 : vector<16xi1>, vector<16xf32>
    %swap3A_1767 = arith.constant 448 : index
    %swap3A_1768 = tpu.vector_load %arg7[%swap3A_1767] {strides = array<i32>} : memref<512xf32, #tpu.memory_space<vmem>>, vector<16xf32>,
    %swap3A_1769 = vector.shape_cast %swap3A_1768 : vector<16xf32> to vector<16xf32>
    %swap3A_1770 = vector.shape_cast %select_n3A_1766 : vector<16xf32> to vector<16xf32>
    tpu.vector_store %arg7[%swap3A_1767], %swap3A_1770 {strides = array<i32>} : memref<512xf32, #tpu.memory_space<vmem>>, vector<16xf32>,
    %add3A_1771 = arith.constant 80 : i32
    %add3A_1772 = vector.broadcast %add3A_1771 : i32 to vector<16xi32>
    %add3A_1773 = arith.addi %iota3A, %add3A_1772 : vector<16xi32>
    %eq3A_1774 = vector.broadcast %sub3A_1715 : i32 to vector<16xi32>
    %eq3A_1775 = arith.cmpi eq, %add3A_1773, %eq3A_1774 : vector<16xi32>
    %broadcast_in_dim3A_1776 = vector.broadcast %select_n3A_1709 : f32 to vector<16xf32>
    %select_n3A_1777 = arith.select %eq3A_1775, %broadcast_in_dim3A_1776, %broadcast_in_dim3A_3 : vector<16xi1>, vector<16xf32>
    %swap3A_1778 = arith.constant 464 : index
    %swap3A_1779 = tpu.vector_load %arg7[%swap3A_1778] {strides = array<i32>} : memref<512xf32, #tpu.memory_space<vmem>>, vector<16xf32>,
    %swap3A_1780 = vector.shape_cast %swap3A_1779 : vector<16xf32> to vector<16xf32>
    %swap3A_1781 = vector.shape_cast %select_n3A_1777 : vector<16xf32> to vector<16xf32>
    tpu.vector_store %arg7[%swap3A_1778], %swap3A_1781 {strides = array<i32>} : memref<512xf32, #tpu.memory_space<vmem>>, vector<16xf32>,
    %add3A_1782 = arith.constant 96 : i32
    %add3A_1783 = vector.broadcast %add3A_1782 : i32 to vector<16xi32>
    %add3A_1784 = arith.addi %iota3A, %add3A_1783 : vector<16xi32>
    %eq3A_1785 = vector.broadcast %sub3A_1715 : i32 to vector<16xi32>
    %eq3A_1786 = arith.cmpi eq, %add3A_1784, %eq3A_1785 : vector<16xi32>
    %broadcast_in_dim3A_1787 = vector.broadcast %select_n3A_1709 : f32 to vector<16xf32>
    %select_n3A_1788 = arith.select %eq3A_1786, %broadcast_in_dim3A_1787, %broadcast_in_dim3A_3 : vector<16xi1>, vector<16xf32>
    %swap3A_1789 = arith.constant 480 : index
    %swap3A_1790 = tpu.vector_load %arg7[%swap3A_1789] {strides = array<i32>} : memref<512xf32, #tpu.memory_space<vmem>>, vector<16xf32>,
    %swap3A_1791 = vector.shape_cast %swap3A_1790 : vector<16xf32> to vector<16xf32>
    %swap3A_1792 = vector.shape_cast %select_n3A_1788 : vector<16xf32> to vector<16xf32>
    tpu.vector_store %arg7[%swap3A_1789], %swap3A_1792 {strides = array<i32>} : memref<512xf32, #tpu.memory_space<vmem>>, vector<16xf32>,
    %add3A_1793 = arith.constant 112 : i32
    %add3A_1794 = vector.broadcast %add3A_1793 : i32 to vector<16xi32>
    %add3A_1795 = arith.addi %iota3A, %add3A_1794 : vector<16xi32>
    %eq3A_1796 = vector.broadcast %sub3A_1715 : i32 to vector<16xi32>
    %eq3A_1797 = arith.cmpi eq, %add3A_1795, %eq3A_1796 : vector<16xi32>
    %broadcast_in_dim3A_1798 = vector.broadcast %select_n3A_1709 : f32 to vector<16xf32>
    %select_n3A_1799 = arith.select %eq3A_1797, %broadcast_in_dim3A_1798, %broadcast_in_dim3A_3 : vector<16xi1>, vector<16xf32>
    %swap3A_1800 = arith.constant 496 : index
    %swap3A_1801 = tpu.vector_load %arg7[%swap3A_1800] {strides = array<i32>} : memref<512xf32, #tpu.memory_space<vmem>>, vector<16xf32>,
    %swap3A_1802 = vector.shape_cast %swap3A_1801 : vector<16xf32> to vector<16xf32>
    %swap3A_1803 = vector.shape_cast %select_n3A_1799 : vector<16xf32> to vector<16xf32>
    tpu.vector_store %arg7[%swap3A_1800], %swap3A_1803 {strides = array<i32>} : memref<512xf32, #tpu.memory_space<vmem>>, vector<16xf32>,
    %broadcast_in_dim3A_1804 = vector.broadcast %shift_right_logical3A_1712 : i32 to vector<16xi32>
    %swap3A_1805 = arith.constant 384 : index
    %swap3A_1806 = tpu.vector_load %arg8[%swap3A_1805] {strides = array<i32>} : memref<512xi32, #tpu.memory_space<vmem>>, vector<16xi32>,
    %swap3A_1807 = vector.shape_cast %swap3A_1806 : vector<16xi32> to vector<16xi32>
    %swap3A_1808 = vector.shape_cast %broadcast_in_dim3A_1804 : vector<16xi32> to vector<16xi32>
    tpu.vector_store %arg8[%swap3A_1805], %swap3A_1808 {strides = array<i32>} : memref<512xi32, #tpu.memory_space<vmem>>, vector<16xi32>,
    %broadcast_in_dim3A_1809 = vector.broadcast %shift_right_logical3A_1712 : i32 to vector<16xi32>
    %swap3A_1810 = arith.constant 400 : index
    %swap3A_1811 = tpu.vector_load %arg8[%swap3A_1810] {strides = array<i32>} : memref<512xi32, #tpu.memory_space<vmem>>, vector<16xi32>,
    %swap3A_1812 = vector.shape_cast %swap3A_1811 : vector<16xi32> to vector<16xi32>
    %swap3A_1813 = vector.shape_cast %broadcast_in_dim3A_1809 : vector<16xi32> to vector<16xi32>
    tpu.vector_store %arg8[%swap3A_1810], %swap3A_1813 {strides = array<i32>} : memref<512xi32, #tpu.memory_space<vmem>>, vector<16xi32>,
    %broadcast_in_dim3A_1814 = vector.broadcast %shift_right_logical3A_1712 : i32 to vector<16xi32>
    %swap3A_1815 = arith.constant 416 : index
    %swap3A_1816 = tpu.vector_load %arg8[%swap3A_1815] {strides = array<i32>} : memref<512xi32, #tpu.memory_space<vmem>>, vector<16xi32>,
    %swap3A_1817 = vector.shape_cast %swap3A_1816 : vector<16xi32> to vector<16xi32>
    %swap3A_1818 = vector.shape_cast %broadcast_in_dim3A_1814 : vector<16xi32> to vector<16xi32>
    tpu.vector_store %arg8[%swap3A_1815], %swap3A_1818 {strides = array<i32>} : memref<512xi32, #tpu.memory_space<vmem>>, vector<16xi32>,
    %broadcast_in_dim3A_1819 = vector.broadcast %shift_right_logical3A_1712 : i32 to vector<16xi32>
    %swap3A_1820 = arith.constant 432 : index
    %swap3A_1821 = tpu.vector_load %arg8[%swap3A_1820] {strides = array<i32>} : memref<512xi32, #tpu.memory_space<vmem>>, vector<16xi32>,
    %swap3A_1822 = vector.shape_cast %swap3A_1821 : vector<16xi32> to vector<16xi32>
    %swap3A_1823 = vector.shape_cast %broadcast_in_dim3A_1819 : vector<16xi32> to vector<16xi32>
    tpu.vector_store %arg8[%swap3A_1820], %swap3A_1823 {strides = array<i32>} : memref<512xi32, #tpu.memory_space<vmem>>, vector<16xi32>,
    %broadcast_in_dim3A_1824 = vector.broadcast %shift_right_logical3A_1712 : i32 to vector<16xi32>
    %swap3A_1825 = arith.constant 448 : index
    %swap3A_1826 = tpu.vector_load %arg8[%swap3A_1825] {strides = array<i32>} : memref<512xi32, #tpu.memory_space<vmem>>, vector<16xi32>,
    %swap3A_1827 = vector.shape_cast %swap3A_1826 : vector<16xi32> to vector<16xi32>
    %swap3A_1828 = vector.shape_cast %broadcast_in_dim3A_1824 : vector<16xi32> to vector<16xi32>
    tpu.vector_store %arg8[%swap3A_1825], %swap3A_1828 {strides = array<i32>} : memref<512xi32, #tpu.memory_space<vmem>>, vector<16xi32>,
    %broadcast_in_dim3A_1829 = vector.broadcast %shift_right_logical3A_1712 : i32 to vector<16xi32>
    %swap3A_1830 = arith.constant 464 : index
    %swap3A_1831 = tpu.vector_load %arg8[%swap3A_1830] {strides = array<i32>} : memref<512xi32, #tpu.memory_space<vmem>>, vector<16xi32>,
    %swap3A_1832 = vector.shape_cast %swap3A_1831 : vector<16xi32> to vector<16xi32>
    %swap3A_1833 = vector.shape_cast %broadcast_in_dim3A_1829 : vector<16xi32> to vector<16xi32>
    tpu.vector_store %arg8[%swap3A_1830], %swap3A_1833 {strides = array<i32>} : memref<512xi32, #tpu.memory_space<vmem>>, vector<16xi32>,
    %broadcast_in_dim3A_1834 = vector.broadcast %shift_right_logical3A_1712 : i32 to vector<16xi32>
    %swap3A_1835 = arith.constant 480 : index
    %swap3A_1836 = tpu.vector_load %arg8[%swap3A_1835] {strides = array<i32>} : memref<512xi32, #tpu.memory_space<vmem>>, vector<16xi32>,
    %swap3A_1837 = vector.shape_cast %swap3A_1836 : vector<16xi32> to vector<16xi32>
    %swap3A_1838 = vector.shape_cast %broadcast_in_dim3A_1834 : vector<16xi32> to vector<16xi32>
    tpu.vector_store %arg8[%swap3A_1835], %swap3A_1838 {strides = array<i32>} : memref<512xi32, #tpu.memory_space<vmem>>, vector<16xi32>,
    %broadcast_in_dim3A_1839 = vector.broadcast %shift_right_logical3A_1712 : i32 to vector<16xi32>
    %swap3A_1840 = arith.constant 496 : index
    %swap3A_1841 = tpu.vector_load %arg8[%swap3A_1840] {strides = array<i32>} : memref<512xi32, #tpu.memory_space<vmem>>, vector<16xi32>,
    %swap3A_1842 = vector.shape_cast %swap3A_1841 : vector<16xi32> to vector<16xi32>
    %swap3A_1843 = vector.shape_cast %broadcast_in_dim3A_1839 : vector<16xi32> to vector<16xi32>
    tpu.vector_store %arg8[%swap3A_1840], %swap3A_1843 {strides = array<i32>} : memref<512xi32, #tpu.memory_space<vmem>>, vector<16xi32>,
    %add3A_1844 = arith.constant 3 : i32
    %add3A_1845 = arith.addi %mul3A_2, %add3A_1844 : i32
    %dma_start3A_1846 = arith.constant 384 : i32
    %dma_start3A_1847 = tpu.memref_slice %arg7[%dma_start3A_1846] : memref<512xf32, #tpu.memory_space<vmem>> -> memref<128xf32, #tpu.memory_space<vmem>>
    %dma_start3A_1848 = arith.constant 0 : i32
    %dma_start3A_1849 = tpu.memref_slice %arg3[%add3A_1845, %dma_start3A_1848] : memref<128x128xf32, #tpu.memory_space<hbm>> -> memref<1x128xf32, #tpu.memory_space<hbm>>
    %dma_start3A_1850 = tpu.memref_squeeze %dma_start3A_1849 : memref<1x128xf32, #tpu.memory_space<hbm>> -> memref<128xf32, #tpu.memory_space<hbm>>
    %dma_start3A_1851 = arith.constant 0 : i32
    %dma_start3A_1852 = tpu.memref_slice %arg3[%add3A_1845, %dma_start3A_1851] : memref<128x128xf32, #tpu.memory_space<hbm>> -> memref<1x128xf32, #tpu.memory_space<hbm>>
    %dma_start3A_1853 = tpu.memref_squeeze %dma_start3A_1852 : memref<1x128xf32, #tpu.memory_space<hbm>> -> memref<128xf32, #tpu.memory_space<hbm>>
    %dma_start3A_1854 = arith.constant 384 : i32
    %dma_start3A_1855 = tpu.memref_slice %arg7[%dma_start3A_1854] : memref<512xf32, #tpu.memory_space<vmem>> -> memref<128xf32, #tpu.memory_space<vmem>>
    tpu.enqueue_dma source(%dma_start3A_1855 : memref<128xf32, #tpu.memory_space<vmem>>) target(%dma_start3A_1853 : memref<128xf32, #tpu.memory_space<hbm>>) target_semaphore(%arg11 : memref<!tpu.dma_semaphore, #tpu.memory_space<semaphore_mem>>)
    %add3A_1856 = arith.constant 3 : i32
    %add3A_1857 = arith.addi %mul3A_2, %add3A_1856 : i32
    %dma_start3A_1858 = arith.constant 384 : i32
    %dma_start3A_1859 = tpu.memref_slice %arg8[%dma_start3A_1858] : memref<512xi32, #tpu.memory_space<vmem>> -> memref<128xi32, #tpu.memory_space<vmem>>
    %dma_start3A_1860 = arith.constant 0 : i32
    %dma_start3A_1861 = tpu.memref_slice %arg4[%add3A_1857, %dma_start3A_1860] : memref<128x128xi32, #tpu.memory_space<hbm>> -> memref<1x128xi32, #tpu.memory_space<hbm>>
    %dma_start3A_1862 = tpu.memref_squeeze %dma_start3A_1861 : memref<1x128xi32, #tpu.memory_space<hbm>> -> memref<128xi32, #tpu.memory_space<hbm>>
    %dma_start3A_1863 = arith.constant 0 : i32
    %dma_start3A_1864 = tpu.memref_slice %arg4[%add3A_1857, %dma_start3A_1863] : memref<128x128xi32, #tpu.memory_space<hbm>> -> memref<1x128xi32, #tpu.memory_space<hbm>>
    %dma_start3A_1865 = tpu.memref_squeeze %dma_start3A_1864 : memref<1x128xi32, #tpu.memory_space<hbm>> -> memref<128xi32, #tpu.memory_space<hbm>>
    %dma_start3A_1866 = arith.constant 384 : i32
    %dma_start3A_1867 = tpu.memref_slice %arg8[%dma_start3A_1866] : memref<512xi32, #tpu.memory_space<vmem>> -> memref<128xi32, #tpu.memory_space<vmem>>
    tpu.enqueue_dma source(%dma_start3A_1867 : memref<128xi32, #tpu.memory_space<vmem>>) target(%dma_start3A_1865 : memref<128xi32, #tpu.memory_space<hbm>>) target_semaphore(%arg11 : memref<!tpu.dma_semaphore, #tpu.memory_space<semaphore_mem>>)
    %dma_wait3A_1868 = arith.constant 0 : i32
    %dma_wait3A_1869 = tpu.memref_slice %arg7[%dma_wait3A_1868] : memref<512xf32, #tpu.memory_space<vmem>> -> memref<128xf32, #tpu.memory_space<vmem>>
    %dma_wait3A_1870 = arith.constant 0 : i32
    %dma_wait3A_1871 = tpu.memref_slice %arg3[%add3A_442, %dma_wait3A_1870] : memref<128x128xf32, #tpu.memory_space<hbm>> -> memref<1x128xf32, #tpu.memory_space<hbm>>
    %dma_wait3A_1872 = tpu.memref_squeeze %dma_wait3A_1871 : memref<1x128xf32, #tpu.memory_space<hbm>> -> memref<128xf32, #tpu.memory_space<hbm>>
    %dma_wait3A_1873 = arith.constant 0 : i32
    %dma_wait3A_1874 = tpu.memref_slice %arg3[%add3A_442, %dma_wait3A_1873] : memref<128x128xf32, #tpu.memory_space<hbm>> -> memref<1x128xf32, #tpu.memory_space<hbm>>
    %dma_wait3A_1875 = tpu.memref_squeeze %dma_wait3A_1874 : memref<1x128xf32, #tpu.memory_space<hbm>> -> memref<128xf32, #tpu.memory_space<hbm>>
    %dma_wait3A_1876 = arith.constant 0 : i32
    %dma_wait3A_1877 = tpu.memref_slice %arg7[%dma_wait3A_1876] : memref<512xf32, #tpu.memory_space<vmem>> -> memref<128xf32, #tpu.memory_space<vmem>>
    tpu.wait_dma2 semaphore(%arg11 : memref<!tpu.dma_semaphore, #tpu.memory_space<semaphore_mem>>) src(%dma_wait3A_1877 : memref<128xf32, #tpu.memory_space<vmem>>) dst(%dma_wait3A_1875 : memref<128xf32, #tpu.memory_space<hbm>>)
    %dma_wait3A_1878 = arith.constant 0 : i32
    %dma_wait3A_1879 = tpu.memref_slice %arg8[%dma_wait3A_1878] : memref<512xi32, #tpu.memory_space<vmem>> -> memref<128xi32, #tpu.memory_space<vmem>>
    %dma_wait3A_1880 = arith.constant 0 : i32
    %dma_wait3A_1881 = tpu.memref_slice %arg4[%add3A_454, %dma_wait3A_1880] : memref<128x128xi32, #tpu.memory_space<hbm>> -> memref<1x128xi32, #tpu.memory_space<hbm>>
    %dma_wait3A_1882 = tpu.memref_squeeze %dma_wait3A_1881 : memref<1x128xi32, #tpu.memory_space<hbm>> -> memref<128xi32, #tpu.memory_space<hbm>>
    %dma_wait3A_1883 = arith.constant 0 : i32
    %dma_wait3A_1884 = tpu.memref_slice %arg4[%add3A_454, %dma_wait3A_1883] : memref<128x128xi32, #tpu.memory_space<hbm>> -> memref<1x128xi32, #tpu.memory_space<hbm>>
    %dma_wait3A_1885 = tpu.memref_squeeze %dma_wait3A_1884 : memref<1x128xi32, #tpu.memory_space<hbm>> -> memref<128xi32, #tpu.memory_space<hbm>>
    %dma_wait3A_1886 = arith.constant 0 : i32
    %dma_wait3A_1887 = tpu.memref_slice %arg8[%dma_wait3A_1886] : memref<512xi32, #tpu.memory_space<vmem>> -> memref<128xi32, #tpu.memory_space<vmem>>
    tpu.wait_dma2 semaphore(%arg11 : memref<!tpu.dma_semaphore, #tpu.memory_space<semaphore_mem>>) src(%dma_wait3A_1887 : memref<128xi32, #tpu.memory_space<vmem>>) dst(%dma_wait3A_1885 : memref<128xi32, #tpu.memory_space<hbm>>)
    %dma_wait3A_1888 = arith.constant 128 : i32
    %dma_wait3A_1889 = tpu.memref_slice %arg7[%dma_wait3A_1888] : memref<512xf32, #tpu.memory_space<vmem>> -> memref<128xf32, #tpu.memory_space<vmem>>
    %dma_wait3A_1890 = arith.constant 0 : i32
    %dma_wait3A_1891 = tpu.memref_slice %arg3[%add3A_913, %dma_wait3A_1890] : memref<128x128xf32, #tpu.memory_space<hbm>> -> memref<1x128xf32, #tpu.memory_space<hbm>>
    %dma_wait3A_1892 = tpu.memref_squeeze %dma_wait3A_1891 : memref<1x128xf32, #tpu.memory_space<hbm>> -> memref<128xf32, #tpu.memory_space<hbm>>
    %dma_wait3A_1893 = arith.constant 0 : i32
    %dma_wait3A_1894 = tpu.memref_slice %arg3[%add3A_913, %dma_wait3A_1893] : memref<128x128xf32, #tpu.memory_space<hbm>> -> memref<1x128xf32, #tpu.memory_space<hbm>>
    %dma_wait3A_1895 = tpu.memref_squeeze %dma_wait3A_1894 : memref<1x128xf32, #tpu.memory_space<hbm>> -> memref<128xf32, #tpu.memory_space<hbm>>
    %dma_wait3A_1896 = arith.constant 128 : i32
    %dma_wait3A_1897 = tpu.memref_slice %arg7[%dma_wait3A_1896] : memref<512xf32, #tpu.memory_space<vmem>> -> memref<128xf32, #tpu.memory_space<vmem>>
    tpu.wait_dma2 semaphore(%arg11 : memref<!tpu.dma_semaphore, #tpu.memory_space<semaphore_mem>>) src(%dma_wait3A_1897 : memref<128xf32, #tpu.memory_space<vmem>>) dst(%dma_wait3A_1895 : memref<128xf32, #tpu.memory_space<hbm>>)
    %dma_wait3A_1898 = arith.constant 128 : i32
    %dma_wait3A_1899 = tpu.memref_slice %arg8[%dma_wait3A_1898] : memref<512xi32, #tpu.memory_space<vmem>> -> memref<128xi32, #tpu.memory_space<vmem>>
    %dma_wait3A_1900 = arith.constant 0 : i32
    %dma_wait3A_1901 = tpu.memref_slice %arg4[%add3A_925, %dma_wait3A_1900] : memref<128x128xi32, #tpu.memory_space<hbm>> -> memref<1x128xi32, #tpu.memory_space<hbm>>
    %dma_wait3A_1902 = tpu.memref_squeeze %dma_wait3A_1901 : memref<1x128xi32, #tpu.memory_space<hbm>> -> memref<128xi32, #tpu.memory_space<hbm>>
    %dma_wait3A_1903 = arith.constant 0 : i32
    %dma_wait3A_1904 = tpu.memref_slice %arg4[%add3A_925, %dma_wait3A_1903] : memref<128x128xi32, #tpu.memory_space<hbm>> -> memref<1x128xi32, #tpu.memory_space<hbm>>
    %dma_wait3A_1905 = tpu.memref_squeeze %dma_wait3A_1904 : memref<1x128xi32, #tpu.memory_space<hbm>> -> memref<128xi32, #tpu.memory_space<hbm>>
    %dma_wait3A_1906 = arith.constant 128 : i32
    %dma_wait3A_1907 = tpu.memref_slice %arg8[%dma_wait3A_1906] : memref<512xi32, #tpu.memory_space<vmem>> -> memref<128xi32, #tpu.memory_space<vmem>>
    tpu.wait_dma2 semaphore(%arg11 : memref<!tpu.dma_semaphore, #tpu.memory_space<semaphore_mem>>) src(%dma_wait3A_1907 : memref<128xi32, #tpu.memory_space<vmem>>) dst(%dma_wait3A_1905 : memref<128xi32, #tpu.memory_space<hbm>>)
    %dma_wait3A_1908 = arith.constant 256 : i32
    %dma_wait3A_1909 = tpu.memref_slice %arg7[%dma_wait3A_1908] : memref<512xf32, #tpu.memory_space<vmem>> -> memref<128xf32, #tpu.memory_space<vmem>>
    %dma_wait3A_1910 = arith.constant 0 : i32
    %dma_wait3A_1911 = tpu.memref_slice %arg3[%add3A_1384, %dma_wait3A_1910] : memref<128x128xf32, #tpu.memory_space<hbm>> -> memref<1x128xf32, #tpu.memory_space<hbm>>
    %dma_wait3A_1912 = tpu.memref_squeeze %dma_wait3A_1911 : memref<1x128xf32, #tpu.memory_space<hbm>> -> memref<128xf32, #tpu.memory_space<hbm>>
    %dma_wait3A_1913 = arith.constant 0 : i32
    %dma_wait3A_1914 = tpu.memref_slice %arg3[%add3A_1384, %dma_wait3A_1913] : memref<128x128xf32, #tpu.memory_space<hbm>> -> memref<1x128xf32, #tpu.memory_space<hbm>>
    %dma_wait3A_1915 = tpu.memref_squeeze %dma_wait3A_1914 : memref<1x128xf32, #tpu.memory_space<hbm>> -> memref<128xf32, #tpu.memory_space<hbm>>
    %dma_wait3A_1916 = arith.constant 256 : i32
    %dma_wait3A_1917 = tpu.memref_slice %arg7[%dma_wait3A_1916] : memref<512xf32, #tpu.memory_space<vmem>> -> memref<128xf32, #tpu.memory_space<vmem>>
    tpu.wait_dma2 semaphore(%arg11 : memref<!tpu.dma_semaphore, #tpu.memory_space<semaphore_mem>>) src(%dma_wait3A_1917 : memref<128xf32, #tpu.memory_space<vmem>>) dst(%dma_wait3A_1915 : memref<128xf32, #tpu.memory_space<hbm>>)
    %dma_wait3A_1918 = arith.constant 256 : i32
    %dma_wait3A_1919 = tpu.memref_slice %arg8[%dma_wait3A_1918] : memref<512xi32, #tpu.memory_space<vmem>> -> memref<128xi32, #tpu.memory_space<vmem>>
    %dma_wait3A_1920 = arith.constant 0 : i32
    %dma_wait3A_1921 = tpu.memref_slice %arg4[%add3A_1396, %dma_wait3A_1920] : memref<128x128xi32, #tpu.memory_space<hbm>> -> memref<1x128xi32, #tpu.memory_space<hbm>>
    %dma_wait3A_1922 = tpu.memref_squeeze %dma_wait3A_1921 : memref<1x128xi32, #tpu.memory_space<hbm>> -> memref<128xi32, #tpu.memory_space<hbm>>
    %dma_wait3A_1923 = arith.constant 0 : i32
    %dma_wait3A_1924 = tpu.memref_slice %arg4[%add3A_1396, %dma_wait3A_1923] : memref<128x128xi32, #tpu.memory_space<hbm>> -> memref<1x128xi32, #tpu.memory_space<hbm>>
    %dma_wait3A_1925 = tpu.memref_squeeze %dma_wait3A_1924 : memref<1x128xi32, #tpu.memory_space<hbm>> -> memref<128xi32, #tpu.memory_space<hbm>>
    %dma_wait3A_1926 = arith.constant 256 : i32
    %dma_wait3A_1927 = tpu.memref_slice %arg8[%dma_wait3A_1926] : memref<512xi32, #tpu.memory_space<vmem>> -> memref<128xi32, #tpu.memory_space<vmem>>
    tpu.wait_dma2 semaphore(%arg11 : memref<!tpu.dma_semaphore, #tpu.memory_space<semaphore_mem>>) src(%dma_wait3A_1927 : memref<128xi32, #tpu.memory_space<vmem>>) dst(%dma_wait3A_1925 : memref<128xi32, #tpu.memory_space<hbm>>)
    %dma_wait3A_1928 = arith.constant 384 : i32
    %dma_wait3A_1929 = tpu.memref_slice %arg7[%dma_wait3A_1928] : memref<512xf32, #tpu.memory_space<vmem>> -> memref<128xf32, #tpu.memory_space<vmem>>
    %dma_wait3A_1930 = arith.constant 0 : i32
    %dma_wait3A_1931 = tpu.memref_slice %arg3[%add3A_1845, %dma_wait3A_1930] : memref<128x128xf32, #tpu.memory_space<hbm>> -> memref<1x128xf32, #tpu.memory_space<hbm>>
    %dma_wait3A_1932 = tpu.memref_squeeze %dma_wait3A_1931 : memref<1x128xf32, #tpu.memory_space<hbm>> -> memref<128xf32, #tpu.memory_space<hbm>>
    %dma_wait3A_1933 = arith.constant 0 : i32
    %dma_wait3A_1934 = tpu.memref_slice %arg3[%add3A_1845, %dma_wait3A_1933] : memref<128x128xf32, #tpu.memory_space<hbm>> -> memref<1x128xf32, #tpu.memory_space<hbm>>
    %dma_wait3A_1935 = tpu.memref_squeeze %dma_wait3A_1934 : memref<1x128xf32, #tpu.memory_space<hbm>> -> memref<128xf32, #tpu.memory_space<hbm>>
    %dma_wait3A_1936 = arith.constant 384 : i32
    %dma_wait3A_1937 = tpu.memref_slice %arg7[%dma_wait3A_1936] : memref<512xf32, #tpu.memory_space<vmem>> -> memref<128xf32, #tpu.memory_space<vmem>>
    tpu.wait_dma2 semaphore(%arg11 : memref<!tpu.dma_semaphore, #tpu.memory_space<semaphore_mem>>) src(%dma_wait3A_1937 : memref<128xf32, #tpu.memory_space<vmem>>) dst(%dma_wait3A_1935 : memref<128xf32, #tpu.memory_space<hbm>>)
    %dma_wait3A_1938 = arith.constant 384 : i32
    %dma_wait3A_1939 = tpu.memref_slice %arg8[%dma_wait3A_1938] : memref<512xi32, #tpu.memory_space<vmem>> -> memref<128xi32, #tpu.memory_space<vmem>>
    %dma_wait3A_1940 = arith.constant 0 : i32
    %dma_wait3A_1941 = tpu.memref_slice %arg4[%add3A_1857, %dma_wait3A_1940] : memref<128x128xi32, #tpu.memory_space<hbm>> -> memref<1x128xi32, #tpu.memory_space<hbm>>
    %dma_wait3A_1942 = tpu.memref_squeeze %dma_wait3A_1941 : memref<1x128xi32, #tpu.memory_space<hbm>> -> memref<128xi32, #tpu.memory_space<hbm>>
    %dma_wait3A_1943 = arith.constant 0 : i32
    %dma_wait3A_1944 = tpu.memref_slice %arg4[%add3A_1857, %dma_wait3A_1943] : memref<128x128xi32, #tpu.memory_space<hbm>> -> memref<1x128xi32, #tpu.memory_space<hbm>>
    %dma_wait3A_1945 = tpu.memref_squeeze %dma_wait3A_1944 : memref<1x128xi32, #tpu.memory_space<hbm>> -> memref<128xi32, #tpu.memory_space<hbm>>
    %dma_wait3A_1946 = arith.constant 384 : i32
    %dma_wait3A_1947 = tpu.memref_slice %arg8[%dma_wait3A_1946] : memref<512xi32, #tpu.memory_space<vmem>> -> memref<128xi32, #tpu.memory_space<vmem>>
    tpu.wait_dma2 semaphore(%arg11 : memref<!tpu.dma_semaphore, #tpu.memory_space<semaphore_mem>>) src(%dma_wait3A_1947 : memref<128xi32, #tpu.memory_space<vmem>>) dst(%dma_wait3A_1945 : memref<128xi32, #tpu.memory_space<hbm>>)
    return
  }
}

module attributes {stable_mosaic.version = 14 : i64} {
  func.func @_zeros_body(%arg0: i32, %arg1: memref<8x32768xf32, #tpu.memory_space<vmem>>) attributes {dimension_semantics = [#tpu.dimension_semantics<arbitrary>], iteration_bounds = array<i64: 16>, scalar_prefetch = 0 : i64, scratch_operands = 0 : i64, tpu.core_type = #tpu.core_type<tc>, window_params = [{transform_indices = @transform_0, window_bounds = array<i64: 8, 32768>}]} {
    %broadcast_in_dim3A = arith.constant 0.000000e+00 : f32
    %broadcast_in_dim3A_0 = vector.broadcast %broadcast_in_dim3A : f32 to vector<8x32768xf32>
    %swap3A = arith.constant 0 : index
    %swap3A_1 = arith.constant 0 : index
    %swap3A_2 = vector.load %arg1[%swap3A, %swap3A_1] : memref<8x32768xf32, #tpu.memory_space<vmem>>, vector<8x32768xf32>
    tpu.vector_store %arg1[%swap3A, %swap3A_1], %broadcast_in_dim3A_0 {strides = array<i32>} : memref<8x32768xf32, #tpu.memory_space<vmem>>, vector<8x32768xf32>,
    return
  }
  func.func @transform_0(%arg0: i32) -> (i32, i32) {
    %c0_i32 = arith.constant 0 : i32
    %c0_i32_0 = arith.constant 0 : i32
    return %arg0, %c0_i32 : i32, i32
  }
}

module attributes {stable_mosaic.version = 14 : i64} {
  func.func @_poke_body(%arg0: memref<128x128xi32, #tpu.memory_space<smem>>, %arg1: memref<128x128xf32, #tpu.memory_space<vmem>>, %arg2: memref<128x32768xf32, #tpu.memory_space<any>>, %arg3: memref<128x32768xf32, #tpu.memory_space<any>>, %arg4: memref<!tpu.dma_semaphore, #tpu.memory_space<semaphore_mem>>) attributes {dimension_semantics = [], scalar_prefetch = 0 : i64, scratch_operands = 1 : i64, tpu.core_type = #tpu.core_type<tc>} {
    %get3A = arith.constant 0 : index
    %get3A_0 = arith.constant 0 : index
    %get3A_1 = memref.load %arg0[%get3A, %get3A_0] : memref<128x128xi32, #tpu.memory_space<smem>>
    %mul3A = arith.constant 128 : i32
    %mul3A_2 = arith.muli %get3A_1, %mul3A : i32
    %dma_start3A = arith.constant 0 : i32
    %dma_start3A_3 = tpu.memref_slice %arg3[%dma_start3A, %mul3A_2] : memref<128x32768xf32, #tpu.memory_space<any>> -> memref<1x128xf32, #tpu.memory_space<any>>
    %dma_start3A_4 = arith.constant 0 : i32
    %dma_start3A_5 = arith.constant 0 : i32
    %dma_start3A_6 = tpu.memref_slice %arg1[%dma_start3A_4, %dma_start3A_5] : memref<128x128xf32, #tpu.memory_space<vmem>> -> memref<1x128xf32, #tpu.memory_space<vmem>>
    tpu.enqueue_dma source(%dma_start3A_6 : memref<1x128xf32, #tpu.memory_space<vmem>>) target(%dma_start3A_3 : memref<1x128xf32, #tpu.memory_space<any>>) target_semaphore(%arg4 : memref<!tpu.dma_semaphore, #tpu.memory_space<semaphore_mem>>)
    %get3A_7 = arith.constant 1 : index
    %get3A_8 = arith.constant 0 : index
    %get3A_9 = memref.load %arg0[%get3A_7, %get3A_8] : memref<128x128xi32, #tpu.memory_space<smem>>
    %mul3A_10 = arith.constant 128 : i32
    %mul3A_11 = arith.muli %get3A_9, %mul3A_10 : i32
    %dma_start3A_12 = arith.constant 1 : i32
    %dma_start3A_13 = tpu.memref_slice %arg3[%dma_start3A_12, %mul3A_11] : memref<128x32768xf32, #tpu.memory_space<any>> -> memref<1x128xf32, #tpu.memory_space<any>>
    %dma_start3A_14 = arith.constant 1 : i32
    %dma_start3A_15 = arith.constant 0 : i32
    %dma_start3A_16 = tpu.memref_slice %arg1[%dma_start3A_14, %dma_start3A_15] : memref<128x128xf32, #tpu.memory_space<vmem>> -> memref<1x128xf32, #tpu.memory_space<vmem>>
    tpu.enqueue_dma source(%dma_start3A_16 : memref<1x128xf32, #tpu.memory_space<vmem>>) target(%dma_start3A_13 : memref<1x128xf32, #tpu.memory_space<any>>) target_semaphore(%arg4 : memref<!tpu.dma_semaphore, #tpu.memory_space<semaphore_mem>>)
    %get3A_17 = arith.constant 2 : index
    %get3A_18 = arith.constant 0 : index
    %get3A_19 = memref.load %arg0[%get3A_17, %get3A_18] : memref<128x128xi32, #tpu.memory_space<smem>>
    %mul3A_20 = arith.constant 128 : i32
    %mul3A_21 = arith.muli %get3A_19, %mul3A_20 : i32
    %dma_start3A_22 = arith.constant 2 : i32
    %dma_start3A_23 = tpu.memref_slice %arg3[%dma_start3A_22, %mul3A_21] : memref<128x32768xf32, #tpu.memory_space<any>> -> memref<1x128xf32, #tpu.memory_space<any>>
    %dma_start3A_24 = arith.constant 2 : i32
    %dma_start3A_25 = arith.constant 0 : i32
    %dma_start3A_26 = tpu.memref_slice %arg1[%dma_start3A_24, %dma_start3A_25] : memref<128x128xf32, #tpu.memory_space<vmem>> -> memref<1x128xf32, #tpu.memory_space<vmem>>
    tpu.enqueue_dma source(%dma_start3A_26 : memref<1x128xf32, #tpu.memory_space<vmem>>) target(%dma_start3A_23 : memref<1x128xf32, #tpu.memory_space<any>>) target_semaphore(%arg4 : memref<!tpu.dma_semaphore, #tpu.memory_space<semaphore_mem>>)
    %get3A_27 = arith.constant 3 : index
    %get3A_28 = arith.constant 0 : index
    %get3A_29 = memref.load %arg0[%get3A_27, %get3A_28] : memref<128x128xi32, #tpu.memory_space<smem>>
    %mul3A_30 = arith.constant 128 : i32
    %mul3A_31 = arith.muli %get3A_29, %mul3A_30 : i32
    %dma_start3A_32 = arith.constant 3 : i32
    %dma_start3A_33 = tpu.memref_slice %arg3[%dma_start3A_32, %mul3A_31] : memref<128x32768xf32, #tpu.memory_space<any>> -> memref<1x128xf32, #tpu.memory_space<any>>
    %dma_start3A_34 = arith.constant 3 : i32
    %dma_start3A_35 = arith.constant 0 : i32
    %dma_start3A_36 = tpu.memref_slice %arg1[%dma_start3A_34, %dma_start3A_35] : memref<128x128xf32, #tpu.memory_space<vmem>> -> memref<1x128xf32, #tpu.memory_space<vmem>>
    tpu.enqueue_dma source(%dma_start3A_36 : memref<1x128xf32, #tpu.memory_space<vmem>>) target(%dma_start3A_33 : memref<1x128xf32, #tpu.memory_space<any>>) target_semaphore(%arg4 : memref<!tpu.dma_semaphore, #tpu.memory_space<semaphore_mem>>)
    %get3A_37 = arith.constant 4 : index
    %get3A_38 = arith.constant 0 : index
    %get3A_39 = memref.load %arg0[%get3A_37, %get3A_38] : memref<128x128xi32, #tpu.memory_space<smem>>
    %mul3A_40 = arith.constant 128 : i32
    %mul3A_41 = arith.muli %get3A_39, %mul3A_40 : i32
    %dma_start3A_42 = arith.constant 4 : i32
    %dma_start3A_43 = tpu.memref_slice %arg3[%dma_start3A_42, %mul3A_41] : memref<128x32768xf32, #tpu.memory_space<any>> -> memref<1x128xf32, #tpu.memory_space<any>>
    %dma_start3A_44 = arith.constant 4 : i32
    %dma_start3A_45 = arith.constant 0 : i32
    %dma_start3A_46 = tpu.memref_slice %arg1[%dma_start3A_44, %dma_start3A_45] : memref<128x128xf32, #tpu.memory_space<vmem>> -> memref<1x128xf32, #tpu.memory_space<vmem>>
    tpu.enqueue_dma source(%dma_start3A_46 : memref<1x128xf32, #tpu.memory_space<vmem>>) target(%dma_start3A_43 : memref<1x128xf32, #tpu.memory_space<any>>) target_semaphore(%arg4 : memref<!tpu.dma_semaphore, #tpu.memory_space<semaphore_mem>>)
    %get3A_47 = arith.constant 5 : index
    %get3A_48 = arith.constant 0 : index
    %get3A_49 = memref.load %arg0[%get3A_47, %get3A_48] : memref<128x128xi32, #tpu.memory_space<smem>>
    %mul3A_50 = arith.constant 128 : i32
    %mul3A_51 = arith.muli %get3A_49, %mul3A_50 : i32
    %dma_start3A_52 = arith.constant 5 : i32
    %dma_start3A_53 = tpu.memref_slice %arg3[%dma_start3A_52, %mul3A_51] : memref<128x32768xf32, #tpu.memory_space<any>> -> memref<1x128xf32, #tpu.memory_space<any>>
    %dma_start3A_54 = arith.constant 5 : i32
    %dma_start3A_55 = arith.constant 0 : i32
    %dma_start3A_56 = tpu.memref_slice %arg1[%dma_start3A_54, %dma_start3A_55] : memref<128x128xf32, #tpu.memory_space<vmem>> -> memref<1x128xf32, #tpu.memory_space<vmem>>
    tpu.enqueue_dma source(%dma_start3A_56 : memref<1x128xf32, #tpu.memory_space<vmem>>) target(%dma_start3A_53 : memref<1x128xf32, #tpu.memory_space<any>>) target_semaphore(%arg4 : memref<!tpu.dma_semaphore, #tpu.memory_space<semaphore_mem>>)
    %get3A_57 = arith.constant 6 : index
    %get3A_58 = arith.constant 0 : index
    %get3A_59 = memref.load %arg0[%get3A_57, %get3A_58] : memref<128x128xi32, #tpu.memory_space<smem>>
    %mul3A_60 = arith.constant 128 : i32
    %mul3A_61 = arith.muli %get3A_59, %mul3A_60 : i32
    %dma_start3A_62 = arith.constant 6 : i32
    %dma_start3A_63 = tpu.memref_slice %arg3[%dma_start3A_62, %mul3A_61] : memref<128x32768xf32, #tpu.memory_space<any>> -> memref<1x128xf32, #tpu.memory_space<any>>
    %dma_start3A_64 = arith.constant 6 : i32
    %dma_start3A_65 = arith.constant 0 : i32
    %dma_start3A_66 = tpu.memref_slice %arg1[%dma_start3A_64, %dma_start3A_65] : memref<128x128xf32, #tpu.memory_space<vmem>> -> memref<1x128xf32, #tpu.memory_space<vmem>>
    tpu.enqueue_dma source(%dma_start3A_66 : memref<1x128xf32, #tpu.memory_space<vmem>>) target(%dma_start3A_63 : memref<1x128xf32, #tpu.memory_space<any>>) target_semaphore(%arg4 : memref<!tpu.dma_semaphore, #tpu.memory_space<semaphore_mem>>)
    %get3A_67 = arith.constant 7 : index
    %get3A_68 = arith.constant 0 : index
    %get3A_69 = memref.load %arg0[%get3A_67, %get3A_68] : memref<128x128xi32, #tpu.memory_space<smem>>
    %mul3A_70 = arith.constant 128 : i32
    %mul3A_71 = arith.muli %get3A_69, %mul3A_70 : i32
    %dma_start3A_72 = arith.constant 7 : i32
    %dma_start3A_73 = tpu.memref_slice %arg3[%dma_start3A_72, %mul3A_71] : memref<128x32768xf32, #tpu.memory_space<any>> -> memref<1x128xf32, #tpu.memory_space<any>>
    %dma_start3A_74 = arith.constant 7 : i32
    %dma_start3A_75 = arith.constant 0 : i32
    %dma_start3A_76 = tpu.memref_slice %arg1[%dma_start3A_74, %dma_start3A_75] : memref<128x128xf32, #tpu.memory_space<vmem>> -> memref<1x128xf32, #tpu.memory_space<vmem>>
    tpu.enqueue_dma source(%dma_start3A_76 : memref<1x128xf32, #tpu.memory_space<vmem>>) target(%dma_start3A_73 : memref<1x128xf32, #tpu.memory_space<any>>) target_semaphore(%arg4 : memref<!tpu.dma_semaphore, #tpu.memory_space<semaphore_mem>>)
    %get3A_77 = arith.constant 8 : index
    %get3A_78 = arith.constant 0 : index
    %get3A_79 = memref.load %arg0[%get3A_77, %get3A_78] : memref<128x128xi32, #tpu.memory_space<smem>>
    %mul3A_80 = arith.constant 128 : i32
    %mul3A_81 = arith.muli %get3A_79, %mul3A_80 : i32
    %dma_start3A_82 = arith.constant 8 : i32
    %dma_start3A_83 = tpu.memref_slice %arg3[%dma_start3A_82, %mul3A_81] : memref<128x32768xf32, #tpu.memory_space<any>> -> memref<1x128xf32, #tpu.memory_space<any>>
    %dma_start3A_84 = arith.constant 8 : i32
    %dma_start3A_85 = arith.constant 0 : i32
    %dma_start3A_86 = tpu.memref_slice %arg1[%dma_start3A_84, %dma_start3A_85] : memref<128x128xf32, #tpu.memory_space<vmem>> -> memref<1x128xf32, #tpu.memory_space<vmem>>
    tpu.enqueue_dma source(%dma_start3A_86 : memref<1x128xf32, #tpu.memory_space<vmem>>) target(%dma_start3A_83 : memref<1x128xf32, #tpu.memory_space<any>>) target_semaphore(%arg4 : memref<!tpu.dma_semaphore, #tpu.memory_space<semaphore_mem>>)
    %get3A_87 = arith.constant 9 : index
    %get3A_88 = arith.constant 0 : index
    %get3A_89 = memref.load %arg0[%get3A_87, %get3A_88] : memref<128x128xi32, #tpu.memory_space<smem>>
    %mul3A_90 = arith.constant 128 : i32
    %mul3A_91 = arith.muli %get3A_89, %mul3A_90 : i32
    %dma_start3A_92 = arith.constant 9 : i32
    %dma_start3A_93 = tpu.memref_slice %arg3[%dma_start3A_92, %mul3A_91] : memref<128x32768xf32, #tpu.memory_space<any>> -> memref<1x128xf32, #tpu.memory_space<any>>
    %dma_start3A_94 = arith.constant 9 : i32
    %dma_start3A_95 = arith.constant 0 : i32
    %dma_start3A_96 = tpu.memref_slice %arg1[%dma_start3A_94, %dma_start3A_95] : memref<128x128xf32, #tpu.memory_space<vmem>> -> memref<1x128xf32, #tpu.memory_space<vmem>>
    tpu.enqueue_dma source(%dma_start3A_96 : memref<1x128xf32, #tpu.memory_space<vmem>>) target(%dma_start3A_93 : memref<1x128xf32, #tpu.memory_space<any>>) target_semaphore(%arg4 : memref<!tpu.dma_semaphore, #tpu.memory_space<semaphore_mem>>)
    %get3A_97 = arith.constant 10 : index
    %get3A_98 = arith.constant 0 : index
    %get3A_99 = memref.load %arg0[%get3A_97, %get3A_98] : memref<128x128xi32, #tpu.memory_space<smem>>
    %mul3A_100 = arith.constant 128 : i32
    %mul3A_101 = arith.muli %get3A_99, %mul3A_100 : i32
    %dma_start3A_102 = arith.constant 10 : i32
    %dma_start3A_103 = tpu.memref_slice %arg3[%dma_start3A_102, %mul3A_101] : memref<128x32768xf32, #tpu.memory_space<any>> -> memref<1x128xf32, #tpu.memory_space<any>>
    %dma_start3A_104 = arith.constant 10 : i32
    %dma_start3A_105 = arith.constant 0 : i32
    %dma_start3A_106 = tpu.memref_slice %arg1[%dma_start3A_104, %dma_start3A_105] : memref<128x128xf32, #tpu.memory_space<vmem>> -> memref<1x128xf32, #tpu.memory_space<vmem>>
    tpu.enqueue_dma source(%dma_start3A_106 : memref<1x128xf32, #tpu.memory_space<vmem>>) target(%dma_start3A_103 : memref<1x128xf32, #tpu.memory_space<any>>) target_semaphore(%arg4 : memref<!tpu.dma_semaphore, #tpu.memory_space<semaphore_mem>>)
    %get3A_107 = arith.constant 11 : index
    %get3A_108 = arith.constant 0 : index
    %get3A_109 = memref.load %arg0[%get3A_107, %get3A_108] : memref<128x128xi32, #tpu.memory_space<smem>>
    %mul3A_110 = arith.constant 128 : i32
    %mul3A_111 = arith.muli %get3A_109, %mul3A_110 : i32
    %dma_start3A_112 = arith.constant 11 : i32
    %dma_start3A_113 = tpu.memref_slice %arg3[%dma_start3A_112, %mul3A_111] : memref<128x32768xf32, #tpu.memory_space<any>> -> memref<1x128xf32, #tpu.memory_space<any>>
    %dma_start3A_114 = arith.constant 11 : i32
    %dma_start3A_115 = arith.constant 0 : i32
    %dma_start3A_116 = tpu.memref_slice %arg1[%dma_start3A_114, %dma_start3A_115] : memref<128x128xf32, #tpu.memory_space<vmem>> -> memref<1x128xf32, #tpu.memory_space<vmem>>
    tpu.enqueue_dma source(%dma_start3A_116 : memref<1x128xf32, #tpu.memory_space<vmem>>) target(%dma_start3A_113 : memref<1x128xf32, #tpu.memory_space<any>>) target_semaphore(%arg4 : memref<!tpu.dma_semaphore, #tpu.memory_space<semaphore_mem>>)
    %get3A_117 = arith.constant 12 : index
    %get3A_118 = arith.constant 0 : index
    %get3A_119 = memref.load %arg0[%get3A_117, %get3A_118] : memref<128x128xi32, #tpu.memory_space<smem>>
    %mul3A_120 = arith.constant 128 : i32
    %mul3A_121 = arith.muli %get3A_119, %mul3A_120 : i32
    %dma_start3A_122 = arith.constant 12 : i32
    %dma_start3A_123 = tpu.memref_slice %arg3[%dma_start3A_122, %mul3A_121] : memref<128x32768xf32, #tpu.memory_space<any>> -> memref<1x128xf32, #tpu.memory_space<any>>
    %dma_start3A_124 = arith.constant 12 : i32
    %dma_start3A_125 = arith.constant 0 : i32
    %dma_start3A_126 = tpu.memref_slice %arg1[%dma_start3A_124, %dma_start3A_125] : memref<128x128xf32, #tpu.memory_space<vmem>> -> memref<1x128xf32, #tpu.memory_space<vmem>>
    tpu.enqueue_dma source(%dma_start3A_126 : memref<1x128xf32, #tpu.memory_space<vmem>>) target(%dma_start3A_123 : memref<1x128xf32, #tpu.memory_space<any>>) target_semaphore(%arg4 : memref<!tpu.dma_semaphore, #tpu.memory_space<semaphore_mem>>)
    %get3A_127 = arith.constant 13 : index
    %get3A_128 = arith.constant 0 : index
    %get3A_129 = memref.load %arg0[%get3A_127, %get3A_128] : memref<128x128xi32, #tpu.memory_space<smem>>
    %mul3A_130 = arith.constant 128 : i32
    %mul3A_131 = arith.muli %get3A_129, %mul3A_130 : i32
    %dma_start3A_132 = arith.constant 13 : i32
    %dma_start3A_133 = tpu.memref_slice %arg3[%dma_start3A_132, %mul3A_131] : memref<128x32768xf32, #tpu.memory_space<any>> -> memref<1x128xf32, #tpu.memory_space<any>>
    %dma_start3A_134 = arith.constant 13 : i32
    %dma_start3A_135 = arith.constant 0 : i32
    %dma_start3A_136 = tpu.memref_slice %arg1[%dma_start3A_134, %dma_start3A_135] : memref<128x128xf32, #tpu.memory_space<vmem>> -> memref<1x128xf32, #tpu.memory_space<vmem>>
    tpu.enqueue_dma source(%dma_start3A_136 : memref<1x128xf32, #tpu.memory_space<vmem>>) target(%dma_start3A_133 : memref<1x128xf32, #tpu.memory_space<any>>) target_semaphore(%arg4 : memref<!tpu.dma_semaphore, #tpu.memory_space<semaphore_mem>>)
    %get3A_137 = arith.constant 14 : index
    %get3A_138 = arith.constant 0 : index
    %get3A_139 = memref.load %arg0[%get3A_137, %get3A_138] : memref<128x128xi32, #tpu.memory_space<smem>>
    %mul3A_140 = arith.constant 128 : i32
    %mul3A_141 = arith.muli %get3A_139, %mul3A_140 : i32
    %dma_start3A_142 = arith.constant 14 : i32
    %dma_start3A_143 = tpu.memref_slice %arg3[%dma_start3A_142, %mul3A_141] : memref<128x32768xf32, #tpu.memory_space<any>> -> memref<1x128xf32, #tpu.memory_space<any>>
    %dma_start3A_144 = arith.constant 14 : i32
    %dma_start3A_145 = arith.constant 0 : i32
    %dma_start3A_146 = tpu.memref_slice %arg1[%dma_start3A_144, %dma_start3A_145] : memref<128x128xf32, #tpu.memory_space<vmem>> -> memref<1x128xf32, #tpu.memory_space<vmem>>
    tpu.enqueue_dma source(%dma_start3A_146 : memref<1x128xf32, #tpu.memory_space<vmem>>) target(%dma_start3A_143 : memref<1x128xf32, #tpu.memory_space<any>>) target_semaphore(%arg4 : memref<!tpu.dma_semaphore, #tpu.memory_space<semaphore_mem>>)
    %get3A_147 = arith.constant 15 : index
    %get3A_148 = arith.constant 0 : index
    %get3A_149 = memref.load %arg0[%get3A_147, %get3A_148] : memref<128x128xi32, #tpu.memory_space<smem>>
    %mul3A_150 = arith.constant 128 : i32
    %mul3A_151 = arith.muli %get3A_149, %mul3A_150 : i32
    %dma_start3A_152 = arith.constant 15 : i32
    %dma_start3A_153 = tpu.memref_slice %arg3[%dma_start3A_152, %mul3A_151] : memref<128x32768xf32, #tpu.memory_space<any>> -> memref<1x128xf32, #tpu.memory_space<any>>
    %dma_start3A_154 = arith.constant 15 : i32
    %dma_start3A_155 = arith.constant 0 : i32
    %dma_start3A_156 = tpu.memref_slice %arg1[%dma_start3A_154, %dma_start3A_155] : memref<128x128xf32, #tpu.memory_space<vmem>> -> memref<1x128xf32, #tpu.memory_space<vmem>>
    tpu.enqueue_dma source(%dma_start3A_156 : memref<1x128xf32, #tpu.memory_space<vmem>>) target(%dma_start3A_153 : memref<1x128xf32, #tpu.memory_space<any>>) target_semaphore(%arg4 : memref<!tpu.dma_semaphore, #tpu.memory_space<semaphore_mem>>)
    %get3A_157 = arith.constant 16 : index
    %get3A_158 = arith.constant 0 : index
    %get3A_159 = memref.load %arg0[%get3A_157, %get3A_158] : memref<128x128xi32, #tpu.memory_space<smem>>
    %mul3A_160 = arith.constant 128 : i32
    %mul3A_161 = arith.muli %get3A_159, %mul3A_160 : i32
    %dma_start3A_162 = arith.constant 16 : i32
    %dma_start3A_163 = tpu.memref_slice %arg3[%dma_start3A_162, %mul3A_161] : memref<128x32768xf32, #tpu.memory_space<any>> -> memref<1x128xf32, #tpu.memory_space<any>>
    %dma_start3A_164 = arith.constant 16 : i32
    %dma_start3A_165 = arith.constant 0 : i32
    %dma_start3A_166 = tpu.memref_slice %arg1[%dma_start3A_164, %dma_start3A_165] : memref<128x128xf32, #tpu.memory_space<vmem>> -> memref<1x128xf32, #tpu.memory_space<vmem>>
    tpu.enqueue_dma source(%dma_start3A_166 : memref<1x128xf32, #tpu.memory_space<vmem>>) target(%dma_start3A_163 : memref<1x128xf32, #tpu.memory_space<any>>) target_semaphore(%arg4 : memref<!tpu.dma_semaphore, #tpu.memory_space<semaphore_mem>>)
    %get3A_167 = arith.constant 17 : index
    %get3A_168 = arith.constant 0 : index
    %get3A_169 = memref.load %arg0[%get3A_167, %get3A_168] : memref<128x128xi32, #tpu.memory_space<smem>>
    %mul3A_170 = arith.constant 128 : i32
    %mul3A_171 = arith.muli %get3A_169, %mul3A_170 : i32
    %dma_start3A_172 = arith.constant 17 : i32
    %dma_start3A_173 = tpu.memref_slice %arg3[%dma_start3A_172, %mul3A_171] : memref<128x32768xf32, #tpu.memory_space<any>> -> memref<1x128xf32, #tpu.memory_space<any>>
    %dma_start3A_174 = arith.constant 17 : i32
    %dma_start3A_175 = arith.constant 0 : i32
    %dma_start3A_176 = tpu.memref_slice %arg1[%dma_start3A_174, %dma_start3A_175] : memref<128x128xf32, #tpu.memory_space<vmem>> -> memref<1x128xf32, #tpu.memory_space<vmem>>
    tpu.enqueue_dma source(%dma_start3A_176 : memref<1x128xf32, #tpu.memory_space<vmem>>) target(%dma_start3A_173 : memref<1x128xf32, #tpu.memory_space<any>>) target_semaphore(%arg4 : memref<!tpu.dma_semaphore, #tpu.memory_space<semaphore_mem>>)
    %get3A_177 = arith.constant 18 : index
    %get3A_178 = arith.constant 0 : index
    %get3A_179 = memref.load %arg0[%get3A_177, %get3A_178] : memref<128x128xi32, #tpu.memory_space<smem>>
    %mul3A_180 = arith.constant 128 : i32
    %mul3A_181 = arith.muli %get3A_179, %mul3A_180 : i32
    %dma_start3A_182 = arith.constant 18 : i32
    %dma_start3A_183 = tpu.memref_slice %arg3[%dma_start3A_182, %mul3A_181] : memref<128x32768xf32, #tpu.memory_space<any>> -> memref<1x128xf32, #tpu.memory_space<any>>
    %dma_start3A_184 = arith.constant 18 : i32
    %dma_start3A_185 = arith.constant 0 : i32
    %dma_start3A_186 = tpu.memref_slice %arg1[%dma_start3A_184, %dma_start3A_185] : memref<128x128xf32, #tpu.memory_space<vmem>> -> memref<1x128xf32, #tpu.memory_space<vmem>>
    tpu.enqueue_dma source(%dma_start3A_186 : memref<1x128xf32, #tpu.memory_space<vmem>>) target(%dma_start3A_183 : memref<1x128xf32, #tpu.memory_space<any>>) target_semaphore(%arg4 : memref<!tpu.dma_semaphore, #tpu.memory_space<semaphore_mem>>)
    %get3A_187 = arith.constant 19 : index
    %get3A_188 = arith.constant 0 : index
    %get3A_189 = memref.load %arg0[%get3A_187, %get3A_188] : memref<128x128xi32, #tpu.memory_space<smem>>
    %mul3A_190 = arith.constant 128 : i32
    %mul3A_191 = arith.muli %get3A_189, %mul3A_190 : i32
    %dma_start3A_192 = arith.constant 19 : i32
    %dma_start3A_193 = tpu.memref_slice %arg3[%dma_start3A_192, %mul3A_191] : memref<128x32768xf32, #tpu.memory_space<any>> -> memref<1x128xf32, #tpu.memory_space<any>>
    %dma_start3A_194 = arith.constant 19 : i32
    %dma_start3A_195 = arith.constant 0 : i32
    %dma_start3A_196 = tpu.memref_slice %arg1[%dma_start3A_194, %dma_start3A_195] : memref<128x128xf32, #tpu.memory_space<vmem>> -> memref<1x128xf32, #tpu.memory_space<vmem>>
    tpu.enqueue_dma source(%dma_start3A_196 : memref<1x128xf32, #tpu.memory_space<vmem>>) target(%dma_start3A_193 : memref<1x128xf32, #tpu.memory_space<any>>) target_semaphore(%arg4 : memref<!tpu.dma_semaphore, #tpu.memory_space<semaphore_mem>>)
    %get3A_197 = arith.constant 20 : index
    %get3A_198 = arith.constant 0 : index
    %get3A_199 = memref.load %arg0[%get3A_197, %get3A_198] : memref<128x128xi32, #tpu.memory_space<smem>>
    %mul3A_200 = arith.constant 128 : i32
    %mul3A_201 = arith.muli %get3A_199, %mul3A_200 : i32
    %dma_start3A_202 = arith.constant 20 : i32
    %dma_start3A_203 = tpu.memref_slice %arg3[%dma_start3A_202, %mul3A_201] : memref<128x32768xf32, #tpu.memory_space<any>> -> memref<1x128xf32, #tpu.memory_space<any>>
    %dma_start3A_204 = arith.constant 20 : i32
    %dma_start3A_205 = arith.constant 0 : i32
    %dma_start3A_206 = tpu.memref_slice %arg1[%dma_start3A_204, %dma_start3A_205] : memref<128x128xf32, #tpu.memory_space<vmem>> -> memref<1x128xf32, #tpu.memory_space<vmem>>
    tpu.enqueue_dma source(%dma_start3A_206 : memref<1x128xf32, #tpu.memory_space<vmem>>) target(%dma_start3A_203 : memref<1x128xf32, #tpu.memory_space<any>>) target_semaphore(%arg4 : memref<!tpu.dma_semaphore, #tpu.memory_space<semaphore_mem>>)
    %get3A_207 = arith.constant 21 : index
    %get3A_208 = arith.constant 0 : index
    %get3A_209 = memref.load %arg0[%get3A_207, %get3A_208] : memref<128x128xi32, #tpu.memory_space<smem>>
    %mul3A_210 = arith.constant 128 : i32
    %mul3A_211 = arith.muli %get3A_209, %mul3A_210 : i32
    %dma_start3A_212 = arith.constant 21 : i32
    %dma_start3A_213 = tpu.memref_slice %arg3[%dma_start3A_212, %mul3A_211] : memref<128x32768xf32, #tpu.memory_space<any>> -> memref<1x128xf32, #tpu.memory_space<any>>
    %dma_start3A_214 = arith.constant 21 : i32
    %dma_start3A_215 = arith.constant 0 : i32
    %dma_start3A_216 = tpu.memref_slice %arg1[%dma_start3A_214, %dma_start3A_215] : memref<128x128xf32, #tpu.memory_space<vmem>> -> memref<1x128xf32, #tpu.memory_space<vmem>>
    tpu.enqueue_dma source(%dma_start3A_216 : memref<1x128xf32, #tpu.memory_space<vmem>>) target(%dma_start3A_213 : memref<1x128xf32, #tpu.memory_space<any>>) target_semaphore(%arg4 : memref<!tpu.dma_semaphore, #tpu.memory_space<semaphore_mem>>)
    %get3A_217 = arith.constant 22 : index
    %get3A_218 = arith.constant 0 : index
    %get3A_219 = memref.load %arg0[%get3A_217, %get3A_218] : memref<128x128xi32, #tpu.memory_space<smem>>
    %mul3A_220 = arith.constant 128 : i32
    %mul3A_221 = arith.muli %get3A_219, %mul3A_220 : i32
    %dma_start3A_222 = arith.constant 22 : i32
    %dma_start3A_223 = tpu.memref_slice %arg3[%dma_start3A_222, %mul3A_221] : memref<128x32768xf32, #tpu.memory_space<any>> -> memref<1x128xf32, #tpu.memory_space<any>>
    %dma_start3A_224 = arith.constant 22 : i32
    %dma_start3A_225 = arith.constant 0 : i32
    %dma_start3A_226 = tpu.memref_slice %arg1[%dma_start3A_224, %dma_start3A_225] : memref<128x128xf32, #tpu.memory_space<vmem>> -> memref<1x128xf32, #tpu.memory_space<vmem>>
    tpu.enqueue_dma source(%dma_start3A_226 : memref<1x128xf32, #tpu.memory_space<vmem>>) target(%dma_start3A_223 : memref<1x128xf32, #tpu.memory_space<any>>) target_semaphore(%arg4 : memref<!tpu.dma_semaphore, #tpu.memory_space<semaphore_mem>>)
    %get3A_227 = arith.constant 23 : index
    %get3A_228 = arith.constant 0 : index
    %get3A_229 = memref.load %arg0[%get3A_227, %get3A_228] : memref<128x128xi32, #tpu.memory_space<smem>>
    %mul3A_230 = arith.constant 128 : i32
    %mul3A_231 = arith.muli %get3A_229, %mul3A_230 : i32
    %dma_start3A_232 = arith.constant 23 : i32
    %dma_start3A_233 = tpu.memref_slice %arg3[%dma_start3A_232, %mul3A_231] : memref<128x32768xf32, #tpu.memory_space<any>> -> memref<1x128xf32, #tpu.memory_space<any>>
    %dma_start3A_234 = arith.constant 23 : i32
    %dma_start3A_235 = arith.constant 0 : i32
    %dma_start3A_236 = tpu.memref_slice %arg1[%dma_start3A_234, %dma_start3A_235] : memref<128x128xf32, #tpu.memory_space<vmem>> -> memref<1x128xf32, #tpu.memory_space<vmem>>
    tpu.enqueue_dma source(%dma_start3A_236 : memref<1x128xf32, #tpu.memory_space<vmem>>) target(%dma_start3A_233 : memref<1x128xf32, #tpu.memory_space<any>>) target_semaphore(%arg4 : memref<!tpu.dma_semaphore, #tpu.memory_space<semaphore_mem>>)
    %get3A_237 = arith.constant 24 : index
    %get3A_238 = arith.constant 0 : index
    %get3A_239 = memref.load %arg0[%get3A_237, %get3A_238] : memref<128x128xi32, #tpu.memory_space<smem>>
    %mul3A_240 = arith.constant 128 : i32
    %mul3A_241 = arith.muli %get3A_239, %mul3A_240 : i32
    %dma_start3A_242 = arith.constant 24 : i32
    %dma_start3A_243 = tpu.memref_slice %arg3[%dma_start3A_242, %mul3A_241] : memref<128x32768xf32, #tpu.memory_space<any>> -> memref<1x128xf32, #tpu.memory_space<any>>
    %dma_start3A_244 = arith.constant 24 : i32
    %dma_start3A_245 = arith.constant 0 : i32
    %dma_start3A_246 = tpu.memref_slice %arg1[%dma_start3A_244, %dma_start3A_245] : memref<128x128xf32, #tpu.memory_space<vmem>> -> memref<1x128xf32, #tpu.memory_space<vmem>>
    tpu.enqueue_dma source(%dma_start3A_246 : memref<1x128xf32, #tpu.memory_space<vmem>>) target(%dma_start3A_243 : memref<1x128xf32, #tpu.memory_space<any>>) target_semaphore(%arg4 : memref<!tpu.dma_semaphore, #tpu.memory_space<semaphore_mem>>)
    %get3A_247 = arith.constant 25 : index
    %get3A_248 = arith.constant 0 : index
    %get3A_249 = memref.load %arg0[%get3A_247, %get3A_248] : memref<128x128xi32, #tpu.memory_space<smem>>
    %mul3A_250 = arith.constant 128 : i32
    %mul3A_251 = arith.muli %get3A_249, %mul3A_250 : i32
    %dma_start3A_252 = arith.constant 25 : i32
    %dma_start3A_253 = tpu.memref_slice %arg3[%dma_start3A_252, %mul3A_251] : memref<128x32768xf32, #tpu.memory_space<any>> -> memref<1x128xf32, #tpu.memory_space<any>>
    %dma_start3A_254 = arith.constant 25 : i32
    %dma_start3A_255 = arith.constant 0 : i32
    %dma_start3A_256 = tpu.memref_slice %arg1[%dma_start3A_254, %dma_start3A_255] : memref<128x128xf32, #tpu.memory_space<vmem>> -> memref<1x128xf32, #tpu.memory_space<vmem>>
    tpu.enqueue_dma source(%dma_start3A_256 : memref<1x128xf32, #tpu.memory_space<vmem>>) target(%dma_start3A_253 : memref<1x128xf32, #tpu.memory_space<any>>) target_semaphore(%arg4 : memref<!tpu.dma_semaphore, #tpu.memory_space<semaphore_mem>>)
    %get3A_257 = arith.constant 26 : index
    %get3A_258 = arith.constant 0 : index
    %get3A_259 = memref.load %arg0[%get3A_257, %get3A_258] : memref<128x128xi32, #tpu.memory_space<smem>>
    %mul3A_260 = arith.constant 128 : i32
    %mul3A_261 = arith.muli %get3A_259, %mul3A_260 : i32
    %dma_start3A_262 = arith.constant 26 : i32
    %dma_start3A_263 = tpu.memref_slice %arg3[%dma_start3A_262, %mul3A_261] : memref<128x32768xf32, #tpu.memory_space<any>> -> memref<1x128xf32, #tpu.memory_space<any>>
    %dma_start3A_264 = arith.constant 26 : i32
    %dma_start3A_265 = arith.constant 0 : i32
    %dma_start3A_266 = tpu.memref_slice %arg1[%dma_start3A_264, %dma_start3A_265] : memref<128x128xf32, #tpu.memory_space<vmem>> -> memref<1x128xf32, #tpu.memory_space<vmem>>
    tpu.enqueue_dma source(%dma_start3A_266 : memref<1x128xf32, #tpu.memory_space<vmem>>) target(%dma_start3A_263 : memref<1x128xf32, #tpu.memory_space<any>>) target_semaphore(%arg4 : memref<!tpu.dma_semaphore, #tpu.memory_space<semaphore_mem>>)
    %get3A_267 = arith.constant 27 : index
    %get3A_268 = arith.constant 0 : index
    %get3A_269 = memref.load %arg0[%get3A_267, %get3A_268] : memref<128x128xi32, #tpu.memory_space<smem>>
    %mul3A_270 = arith.constant 128 : i32
    %mul3A_271 = arith.muli %get3A_269, %mul3A_270 : i32
    %dma_start3A_272 = arith.constant 27 : i32
    %dma_start3A_273 = tpu.memref_slice %arg3[%dma_start3A_272, %mul3A_271] : memref<128x32768xf32, #tpu.memory_space<any>> -> memref<1x128xf32, #tpu.memory_space<any>>
    %dma_start3A_274 = arith.constant 27 : i32
    %dma_start3A_275 = arith.constant 0 : i32
    %dma_start3A_276 = tpu.memref_slice %arg1[%dma_start3A_274, %dma_start3A_275] : memref<128x128xf32, #tpu.memory_space<vmem>> -> memref<1x128xf32, #tpu.memory_space<vmem>>
    tpu.enqueue_dma source(%dma_start3A_276 : memref<1x128xf32, #tpu.memory_space<vmem>>) target(%dma_start3A_273 : memref<1x128xf32, #tpu.memory_space<any>>) target_semaphore(%arg4 : memref<!tpu.dma_semaphore, #tpu.memory_space<semaphore_mem>>)
    %get3A_277 = arith.constant 28 : index
    %get3A_278 = arith.constant 0 : index
    %get3A_279 = memref.load %arg0[%get3A_277, %get3A_278] : memref<128x128xi32, #tpu.memory_space<smem>>
    %mul3A_280 = arith.constant 128 : i32
    %mul3A_281 = arith.muli %get3A_279, %mul3A_280 : i32
    %dma_start3A_282 = arith.constant 28 : i32
    %dma_start3A_283 = tpu.memref_slice %arg3[%dma_start3A_282, %mul3A_281] : memref<128x32768xf32, #tpu.memory_space<any>> -> memref<1x128xf32, #tpu.memory_space<any>>
    %dma_start3A_284 = arith.constant 28 : i32
    %dma_start3A_285 = arith.constant 0 : i32
    %dma_start3A_286 = tpu.memref_slice %arg1[%dma_start3A_284, %dma_start3A_285] : memref<128x128xf32, #tpu.memory_space<vmem>> -> memref<1x128xf32, #tpu.memory_space<vmem>>
    tpu.enqueue_dma source(%dma_start3A_286 : memref<1x128xf32, #tpu.memory_space<vmem>>) target(%dma_start3A_283 : memref<1x128xf32, #tpu.memory_space<any>>) target_semaphore(%arg4 : memref<!tpu.dma_semaphore, #tpu.memory_space<semaphore_mem>>)
    %get3A_287 = arith.constant 29 : index
    %get3A_288 = arith.constant 0 : index
    %get3A_289 = memref.load %arg0[%get3A_287, %get3A_288] : memref<128x128xi32, #tpu.memory_space<smem>>
    %mul3A_290 = arith.constant 128 : i32
    %mul3A_291 = arith.muli %get3A_289, %mul3A_290 : i32
    %dma_start3A_292 = arith.constant 29 : i32
    %dma_start3A_293 = tpu.memref_slice %arg3[%dma_start3A_292, %mul3A_291] : memref<128x32768xf32, #tpu.memory_space<any>> -> memref<1x128xf32, #tpu.memory_space<any>>
    %dma_start3A_294 = arith.constant 29 : i32
    %dma_start3A_295 = arith.constant 0 : i32
    %dma_start3A_296 = tpu.memref_slice %arg1[%dma_start3A_294, %dma_start3A_295] : memref<128x128xf32, #tpu.memory_space<vmem>> -> memref<1x128xf32, #tpu.memory_space<vmem>>
    tpu.enqueue_dma source(%dma_start3A_296 : memref<1x128xf32, #tpu.memory_space<vmem>>) target(%dma_start3A_293 : memref<1x128xf32, #tpu.memory_space<any>>) target_semaphore(%arg4 : memref<!tpu.dma_semaphore, #tpu.memory_space<semaphore_mem>>)
    %get3A_297 = arith.constant 30 : index
    %get3A_298 = arith.constant 0 : index
    %get3A_299 = memref.load %arg0[%get3A_297, %get3A_298] : memref<128x128xi32, #tpu.memory_space<smem>>
    %mul3A_300 = arith.constant 128 : i32
    %mul3A_301 = arith.muli %get3A_299, %mul3A_300 : i32
    %dma_start3A_302 = arith.constant 30 : i32
    %dma_start3A_303 = tpu.memref_slice %arg3[%dma_start3A_302, %mul3A_301] : memref<128x32768xf32, #tpu.memory_space<any>> -> memref<1x128xf32, #tpu.memory_space<any>>
    %dma_start3A_304 = arith.constant 30 : i32
    %dma_start3A_305 = arith.constant 0 : i32
    %dma_start3A_306 = tpu.memref_slice %arg1[%dma_start3A_304, %dma_start3A_305] : memref<128x128xf32, #tpu.memory_space<vmem>> -> memref<1x128xf32, #tpu.memory_space<vmem>>
    tpu.enqueue_dma source(%dma_start3A_306 : memref<1x128xf32, #tpu.memory_space<vmem>>) target(%dma_start3A_303 : memref<1x128xf32, #tpu.memory_space<any>>) target_semaphore(%arg4 : memref<!tpu.dma_semaphore, #tpu.memory_space<semaphore_mem>>)
    %get3A_307 = arith.constant 31 : index
    %get3A_308 = arith.constant 0 : index
    %get3A_309 = memref.load %arg0[%get3A_307, %get3A_308] : memref<128x128xi32, #tpu.memory_space<smem>>
    %mul3A_310 = arith.constant 128 : i32
    %mul3A_311 = arith.muli %get3A_309, %mul3A_310 : i32
    %dma_start3A_312 = arith.constant 31 : i32
    %dma_start3A_313 = tpu.memref_slice %arg3[%dma_start3A_312, %mul3A_311] : memref<128x32768xf32, #tpu.memory_space<any>> -> memref<1x128xf32, #tpu.memory_space<any>>
    %dma_start3A_314 = arith.constant 31 : i32
    %dma_start3A_315 = arith.constant 0 : i32
    %dma_start3A_316 = tpu.memref_slice %arg1[%dma_start3A_314, %dma_start3A_315] : memref<128x128xf32, #tpu.memory_space<vmem>> -> memref<1x128xf32, #tpu.memory_space<vmem>>
    tpu.enqueue_dma source(%dma_start3A_316 : memref<1x128xf32, #tpu.memory_space<vmem>>) target(%dma_start3A_313 : memref<1x128xf32, #tpu.memory_space<any>>) target_semaphore(%arg4 : memref<!tpu.dma_semaphore, #tpu.memory_space<semaphore_mem>>)
    %get3A_317 = arith.constant 32 : index
    %get3A_318 = arith.constant 0 : index
    %get3A_319 = memref.load %arg0[%get3A_317, %get3A_318] : memref<128x128xi32, #tpu.memory_space<smem>>
    %mul3A_320 = arith.constant 128 : i32
    %mul3A_321 = arith.muli %get3A_319, %mul3A_320 : i32
    %dma_start3A_322 = arith.constant 32 : i32
    %dma_start3A_323 = tpu.memref_slice %arg3[%dma_start3A_322, %mul3A_321] : memref<128x32768xf32, #tpu.memory_space<any>> -> memref<1x128xf32, #tpu.memory_space<any>>
    %dma_start3A_324 = arith.constant 32 : i32
    %dma_start3A_325 = arith.constant 0 : i32
    %dma_start3A_326 = tpu.memref_slice %arg1[%dma_start3A_324, %dma_start3A_325] : memref<128x128xf32, #tpu.memory_space<vmem>> -> memref<1x128xf32, #tpu.memory_space<vmem>>
    tpu.enqueue_dma source(%dma_start3A_326 : memref<1x128xf32, #tpu.memory_space<vmem>>) target(%dma_start3A_323 : memref<1x128xf32, #tpu.memory_space<any>>) target_semaphore(%arg4 : memref<!tpu.dma_semaphore, #tpu.memory_space<semaphore_mem>>)
    %get3A_327 = arith.constant 33 : index
    %get3A_328 = arith.constant 0 : index
    %get3A_329 = memref.load %arg0[%get3A_327, %get3A_328] : memref<128x128xi32, #tpu.memory_space<smem>>
    %mul3A_330 = arith.constant 128 : i32
    %mul3A_331 = arith.muli %get3A_329, %mul3A_330 : i32
    %dma_start3A_332 = arith.constant 33 : i32
    %dma_start3A_333 = tpu.memref_slice %arg3[%dma_start3A_332, %mul3A_331] : memref<128x32768xf32, #tpu.memory_space<any>> -> memref<1x128xf32, #tpu.memory_space<any>>
    %dma_start3A_334 = arith.constant 33 : i32
    %dma_start3A_335 = arith.constant 0 : i32
    %dma_start3A_336 = tpu.memref_slice %arg1[%dma_start3A_334, %dma_start3A_335] : memref<128x128xf32, #tpu.memory_space<vmem>> -> memref<1x128xf32, #tpu.memory_space<vmem>>
    tpu.enqueue_dma source(%dma_start3A_336 : memref<1x128xf32, #tpu.memory_space<vmem>>) target(%dma_start3A_333 : memref<1x128xf32, #tpu.memory_space<any>>) target_semaphore(%arg4 : memref<!tpu.dma_semaphore, #tpu.memory_space<semaphore_mem>>)
    %get3A_337 = arith.constant 34 : index
    %get3A_338 = arith.constant 0 : index
    %get3A_339 = memref.load %arg0[%get3A_337, %get3A_338] : memref<128x128xi32, #tpu.memory_space<smem>>
    %mul3A_340 = arith.constant 128 : i32
    %mul3A_341 = arith.muli %get3A_339, %mul3A_340 : i32
    %dma_start3A_342 = arith.constant 34 : i32
    %dma_start3A_343 = tpu.memref_slice %arg3[%dma_start3A_342, %mul3A_341] : memref<128x32768xf32, #tpu.memory_space<any>> -> memref<1x128xf32, #tpu.memory_space<any>>
    %dma_start3A_344 = arith.constant 34 : i32
    %dma_start3A_345 = arith.constant 0 : i32
    %dma_start3A_346 = tpu.memref_slice %arg1[%dma_start3A_344, %dma_start3A_345] : memref<128x128xf32, #tpu.memory_space<vmem>> -> memref<1x128xf32, #tpu.memory_space<vmem>>
    tpu.enqueue_dma source(%dma_start3A_346 : memref<1x128xf32, #tpu.memory_space<vmem>>) target(%dma_start3A_343 : memref<1x128xf32, #tpu.memory_space<any>>) target_semaphore(%arg4 : memref<!tpu.dma_semaphore, #tpu.memory_space<semaphore_mem>>)
    %get3A_347 = arith.constant 35 : index
    %get3A_348 = arith.constant 0 : index
    %get3A_349 = memref.load %arg0[%get3A_347, %get3A_348] : memref<128x128xi32, #tpu.memory_space<smem>>
    %mul3A_350 = arith.constant 128 : i32
    %mul3A_351 = arith.muli %get3A_349, %mul3A_350 : i32
    %dma_start3A_352 = arith.constant 35 : i32
    %dma_start3A_353 = tpu.memref_slice %arg3[%dma_start3A_352, %mul3A_351] : memref<128x32768xf32, #tpu.memory_space<any>> -> memref<1x128xf32, #tpu.memory_space<any>>
    %dma_start3A_354 = arith.constant 35 : i32
    %dma_start3A_355 = arith.constant 0 : i32
    %dma_start3A_356 = tpu.memref_slice %arg1[%dma_start3A_354, %dma_start3A_355] : memref<128x128xf32, #tpu.memory_space<vmem>> -> memref<1x128xf32, #tpu.memory_space<vmem>>
    tpu.enqueue_dma source(%dma_start3A_356 : memref<1x128xf32, #tpu.memory_space<vmem>>) target(%dma_start3A_353 : memref<1x128xf32, #tpu.memory_space<any>>) target_semaphore(%arg4 : memref<!tpu.dma_semaphore, #tpu.memory_space<semaphore_mem>>)
    %get3A_357 = arith.constant 36 : index
    %get3A_358 = arith.constant 0 : index
    %get3A_359 = memref.load %arg0[%get3A_357, %get3A_358] : memref<128x128xi32, #tpu.memory_space<smem>>
    %mul3A_360 = arith.constant 128 : i32
    %mul3A_361 = arith.muli %get3A_359, %mul3A_360 : i32
    %dma_start3A_362 = arith.constant 36 : i32
    %dma_start3A_363 = tpu.memref_slice %arg3[%dma_start3A_362, %mul3A_361] : memref<128x32768xf32, #tpu.memory_space<any>> -> memref<1x128xf32, #tpu.memory_space<any>>
    %dma_start3A_364 = arith.constant 36 : i32
    %dma_start3A_365 = arith.constant 0 : i32
    %dma_start3A_366 = tpu.memref_slice %arg1[%dma_start3A_364, %dma_start3A_365] : memref<128x128xf32, #tpu.memory_space<vmem>> -> memref<1x128xf32, #tpu.memory_space<vmem>>
    tpu.enqueue_dma source(%dma_start3A_366 : memref<1x128xf32, #tpu.memory_space<vmem>>) target(%dma_start3A_363 : memref<1x128xf32, #tpu.memory_space<any>>) target_semaphore(%arg4 : memref<!tpu.dma_semaphore, #tpu.memory_space<semaphore_mem>>)
    %get3A_367 = arith.constant 37 : index
    %get3A_368 = arith.constant 0 : index
    %get3A_369 = memref.load %arg0[%get3A_367, %get3A_368] : memref<128x128xi32, #tpu.memory_space<smem>>
    %mul3A_370 = arith.constant 128 : i32
    %mul3A_371 = arith.muli %get3A_369, %mul3A_370 : i32
    %dma_start3A_372 = arith.constant 37 : i32
    %dma_start3A_373 = tpu.memref_slice %arg3[%dma_start3A_372, %mul3A_371] : memref<128x32768xf32, #tpu.memory_space<any>> -> memref<1x128xf32, #tpu.memory_space<any>>
    %dma_start3A_374 = arith.constant 37 : i32
    %dma_start3A_375 = arith.constant 0 : i32
    %dma_start3A_376 = tpu.memref_slice %arg1[%dma_start3A_374, %dma_start3A_375] : memref<128x128xf32, #tpu.memory_space<vmem>> -> memref<1x128xf32, #tpu.memory_space<vmem>>
    tpu.enqueue_dma source(%dma_start3A_376 : memref<1x128xf32, #tpu.memory_space<vmem>>) target(%dma_start3A_373 : memref<1x128xf32, #tpu.memory_space<any>>) target_semaphore(%arg4 : memref<!tpu.dma_semaphore, #tpu.memory_space<semaphore_mem>>)
    %get3A_377 = arith.constant 38 : index
    %get3A_378 = arith.constant 0 : index
    %get3A_379 = memref.load %arg0[%get3A_377, %get3A_378] : memref<128x128xi32, #tpu.memory_space<smem>>
    %mul3A_380 = arith.constant 128 : i32
    %mul3A_381 = arith.muli %get3A_379, %mul3A_380 : i32
    %dma_start3A_382 = arith.constant 38 : i32
    %dma_start3A_383 = tpu.memref_slice %arg3[%dma_start3A_382, %mul3A_381] : memref<128x32768xf32, #tpu.memory_space<any>> -> memref<1x128xf32, #tpu.memory_space<any>>
    %dma_start3A_384 = arith.constant 38 : i32
    %dma_start3A_385 = arith.constant 0 : i32
    %dma_start3A_386 = tpu.memref_slice %arg1[%dma_start3A_384, %dma_start3A_385] : memref<128x128xf32, #tpu.memory_space<vmem>> -> memref<1x128xf32, #tpu.memory_space<vmem>>
    tpu.enqueue_dma source(%dma_start3A_386 : memref<1x128xf32, #tpu.memory_space<vmem>>) target(%dma_start3A_383 : memref<1x128xf32, #tpu.memory_space<any>>) target_semaphore(%arg4 : memref<!tpu.dma_semaphore, #tpu.memory_space<semaphore_mem>>)
    %get3A_387 = arith.constant 39 : index
    %get3A_388 = arith.constant 0 : index
    %get3A_389 = memref.load %arg0[%get3A_387, %get3A_388] : memref<128x128xi32, #tpu.memory_space<smem>>
    %mul3A_390 = arith.constant 128 : i32
    %mul3A_391 = arith.muli %get3A_389, %mul3A_390 : i32
    %dma_start3A_392 = arith.constant 39 : i32
    %dma_start3A_393 = tpu.memref_slice %arg3[%dma_start3A_392, %mul3A_391] : memref<128x32768xf32, #tpu.memory_space<any>> -> memref<1x128xf32, #tpu.memory_space<any>>
    %dma_start3A_394 = arith.constant 39 : i32
    %dma_start3A_395 = arith.constant 0 : i32
    %dma_start3A_396 = tpu.memref_slice %arg1[%dma_start3A_394, %dma_start3A_395] : memref<128x128xf32, #tpu.memory_space<vmem>> -> memref<1x128xf32, #tpu.memory_space<vmem>>
    tpu.enqueue_dma source(%dma_start3A_396 : memref<1x128xf32, #tpu.memory_space<vmem>>) target(%dma_start3A_393 : memref<1x128xf32, #tpu.memory_space<any>>) target_semaphore(%arg4 : memref<!tpu.dma_semaphore, #tpu.memory_space<semaphore_mem>>)
    %get3A_397 = arith.constant 40 : index
    %get3A_398 = arith.constant 0 : index
    %get3A_399 = memref.load %arg0[%get3A_397, %get3A_398] : memref<128x128xi32, #tpu.memory_space<smem>>
    %mul3A_400 = arith.constant 128 : i32
    %mul3A_401 = arith.muli %get3A_399, %mul3A_400 : i32
    %dma_start3A_402 = arith.constant 40 : i32
    %dma_start3A_403 = tpu.memref_slice %arg3[%dma_start3A_402, %mul3A_401] : memref<128x32768xf32, #tpu.memory_space<any>> -> memref<1x128xf32, #tpu.memory_space<any>>
    %dma_start3A_404 = arith.constant 40 : i32
    %dma_start3A_405 = arith.constant 0 : i32
    %dma_start3A_406 = tpu.memref_slice %arg1[%dma_start3A_404, %dma_start3A_405] : memref<128x128xf32, #tpu.memory_space<vmem>> -> memref<1x128xf32, #tpu.memory_space<vmem>>
    tpu.enqueue_dma source(%dma_start3A_406 : memref<1x128xf32, #tpu.memory_space<vmem>>) target(%dma_start3A_403 : memref<1x128xf32, #tpu.memory_space<any>>) target_semaphore(%arg4 : memref<!tpu.dma_semaphore, #tpu.memory_space<semaphore_mem>>)
    %get3A_407 = arith.constant 41 : index
    %get3A_408 = arith.constant 0 : index
    %get3A_409 = memref.load %arg0[%get3A_407, %get3A_408] : memref<128x128xi32, #tpu.memory_space<smem>>
    %mul3A_410 = arith.constant 128 : i32
    %mul3A_411 = arith.muli %get3A_409, %mul3A_410 : i32
    %dma_start3A_412 = arith.constant 41 : i32
    %dma_start3A_413 = tpu.memref_slice %arg3[%dma_start3A_412, %mul3A_411] : memref<128x32768xf32, #tpu.memory_space<any>> -> memref<1x128xf32, #tpu.memory_space<any>>
    %dma_start3A_414 = arith.constant 41 : i32
    %dma_start3A_415 = arith.constant 0 : i32
    %dma_start3A_416 = tpu.memref_slice %arg1[%dma_start3A_414, %dma_start3A_415] : memref<128x128xf32, #tpu.memory_space<vmem>> -> memref<1x128xf32, #tpu.memory_space<vmem>>
    tpu.enqueue_dma source(%dma_start3A_416 : memref<1x128xf32, #tpu.memory_space<vmem>>) target(%dma_start3A_413 : memref<1x128xf32, #tpu.memory_space<any>>) target_semaphore(%arg4 : memref<!tpu.dma_semaphore, #tpu.memory_space<semaphore_mem>>)
    %get3A_417 = arith.constant 42 : index
    %get3A_418 = arith.constant 0 : index
    %get3A_419 = memref.load %arg0[%get3A_417, %get3A_418] : memref<128x128xi32, #tpu.memory_space<smem>>
    %mul3A_420 = arith.constant 128 : i32
    %mul3A_421 = arith.muli %get3A_419, %mul3A_420 : i32
    %dma_start3A_422 = arith.constant 42 : i32
    %dma_start3A_423 = tpu.memref_slice %arg3[%dma_start3A_422, %mul3A_421] : memref<128x32768xf32, #tpu.memory_space<any>> -> memref<1x128xf32, #tpu.memory_space<any>>
    %dma_start3A_424 = arith.constant 42 : i32
    %dma_start3A_425 = arith.constant 0 : i32
    %dma_start3A_426 = tpu.memref_slice %arg1[%dma_start3A_424, %dma_start3A_425] : memref<128x128xf32, #tpu.memory_space<vmem>> -> memref<1x128xf32, #tpu.memory_space<vmem>>
    tpu.enqueue_dma source(%dma_start3A_426 : memref<1x128xf32, #tpu.memory_space<vmem>>) target(%dma_start3A_423 : memref<1x128xf32, #tpu.memory_space<any>>) target_semaphore(%arg4 : memref<!tpu.dma_semaphore, #tpu.memory_space<semaphore_mem>>)
    %get3A_427 = arith.constant 43 : index
    %get3A_428 = arith.constant 0 : index
    %get3A_429 = memref.load %arg0[%get3A_427, %get3A_428] : memref<128x128xi32, #tpu.memory_space<smem>>
    %mul3A_430 = arith.constant 128 : i32
    %mul3A_431 = arith.muli %get3A_429, %mul3A_430 : i32
    %dma_start3A_432 = arith.constant 43 : i32
    %dma_start3A_433 = tpu.memref_slice %arg3[%dma_start3A_432, %mul3A_431] : memref<128x32768xf32, #tpu.memory_space<any>> -> memref<1x128xf32, #tpu.memory_space<any>>
    %dma_start3A_434 = arith.constant 43 : i32
    %dma_start3A_435 = arith.constant 0 : i32
    %dma_start3A_436 = tpu.memref_slice %arg1[%dma_start3A_434, %dma_start3A_435] : memref<128x128xf32, #tpu.memory_space<vmem>> -> memref<1x128xf32, #tpu.memory_space<vmem>>
    tpu.enqueue_dma source(%dma_start3A_436 : memref<1x128xf32, #tpu.memory_space<vmem>>) target(%dma_start3A_433 : memref<1x128xf32, #tpu.memory_space<any>>) target_semaphore(%arg4 : memref<!tpu.dma_semaphore, #tpu.memory_space<semaphore_mem>>)
    %get3A_437 = arith.constant 44 : index
    %get3A_438 = arith.constant 0 : index
    %get3A_439 = memref.load %arg0[%get3A_437, %get3A_438] : memref<128x128xi32, #tpu.memory_space<smem>>
    %mul3A_440 = arith.constant 128 : i32
    %mul3A_441 = arith.muli %get3A_439, %mul3A_440 : i32
    %dma_start3A_442 = arith.constant 44 : i32
    %dma_start3A_443 = tpu.memref_slice %arg3[%dma_start3A_442, %mul3A_441] : memref<128x32768xf32, #tpu.memory_space<any>> -> memref<1x128xf32, #tpu.memory_space<any>>
    %dma_start3A_444 = arith.constant 44 : i32
    %dma_start3A_445 = arith.constant 0 : i32
    %dma_start3A_446 = tpu.memref_slice %arg1[%dma_start3A_444, %dma_start3A_445] : memref<128x128xf32, #tpu.memory_space<vmem>> -> memref<1x128xf32, #tpu.memory_space<vmem>>
    tpu.enqueue_dma source(%dma_start3A_446 : memref<1x128xf32, #tpu.memory_space<vmem>>) target(%dma_start3A_443 : memref<1x128xf32, #tpu.memory_space<any>>) target_semaphore(%arg4 : memref<!tpu.dma_semaphore, #tpu.memory_space<semaphore_mem>>)
    %get3A_447 = arith.constant 45 : index
    %get3A_448 = arith.constant 0 : index
    %get3A_449 = memref.load %arg0[%get3A_447, %get3A_448] : memref<128x128xi32, #tpu.memory_space<smem>>
    %mul3A_450 = arith.constant 128 : i32
    %mul3A_451 = arith.muli %get3A_449, %mul3A_450 : i32
    %dma_start3A_452 = arith.constant 45 : i32
    %dma_start3A_453 = tpu.memref_slice %arg3[%dma_start3A_452, %mul3A_451] : memref<128x32768xf32, #tpu.memory_space<any>> -> memref<1x128xf32, #tpu.memory_space<any>>
    %dma_start3A_454 = arith.constant 45 : i32
    %dma_start3A_455 = arith.constant 0 : i32
    %dma_start3A_456 = tpu.memref_slice %arg1[%dma_start3A_454, %dma_start3A_455] : memref<128x128xf32, #tpu.memory_space<vmem>> -> memref<1x128xf32, #tpu.memory_space<vmem>>
    tpu.enqueue_dma source(%dma_start3A_456 : memref<1x128xf32, #tpu.memory_space<vmem>>) target(%dma_start3A_453 : memref<1x128xf32, #tpu.memory_space<any>>) target_semaphore(%arg4 : memref<!tpu.dma_semaphore, #tpu.memory_space<semaphore_mem>>)
    %get3A_457 = arith.constant 46 : index
    %get3A_458 = arith.constant 0 : index
    %get3A_459 = memref.load %arg0[%get3A_457, %get3A_458] : memref<128x128xi32, #tpu.memory_space<smem>>
    %mul3A_460 = arith.constant 128 : i32
    %mul3A_461 = arith.muli %get3A_459, %mul3A_460 : i32
    %dma_start3A_462 = arith.constant 46 : i32
    %dma_start3A_463 = tpu.memref_slice %arg3[%dma_start3A_462, %mul3A_461] : memref<128x32768xf32, #tpu.memory_space<any>> -> memref<1x128xf32, #tpu.memory_space<any>>
    %dma_start3A_464 = arith.constant 46 : i32
    %dma_start3A_465 = arith.constant 0 : i32
    %dma_start3A_466 = tpu.memref_slice %arg1[%dma_start3A_464, %dma_start3A_465] : memref<128x128xf32, #tpu.memory_space<vmem>> -> memref<1x128xf32, #tpu.memory_space<vmem>>
    tpu.enqueue_dma source(%dma_start3A_466 : memref<1x128xf32, #tpu.memory_space<vmem>>) target(%dma_start3A_463 : memref<1x128xf32, #tpu.memory_space<any>>) target_semaphore(%arg4 : memref<!tpu.dma_semaphore, #tpu.memory_space<semaphore_mem>>)
    %get3A_467 = arith.constant 47 : index
    %get3A_468 = arith.constant 0 : index
    %get3A_469 = memref.load %arg0[%get3A_467, %get3A_468] : memref<128x128xi32, #tpu.memory_space<smem>>
    %mul3A_470 = arith.constant 128 : i32
    %mul3A_471 = arith.muli %get3A_469, %mul3A_470 : i32
    %dma_start3A_472 = arith.constant 47 : i32
    %dma_start3A_473 = tpu.memref_slice %arg3[%dma_start3A_472, %mul3A_471] : memref<128x32768xf32, #tpu.memory_space<any>> -> memref<1x128xf32, #tpu.memory_space<any>>
    %dma_start3A_474 = arith.constant 47 : i32
    %dma_start3A_475 = arith.constant 0 : i32
    %dma_start3A_476 = tpu.memref_slice %arg1[%dma_start3A_474, %dma_start3A_475] : memref<128x128xf32, #tpu.memory_space<vmem>> -> memref<1x128xf32, #tpu.memory_space<vmem>>
    tpu.enqueue_dma source(%dma_start3A_476 : memref<1x128xf32, #tpu.memory_space<vmem>>) target(%dma_start3A_473 : memref<1x128xf32, #tpu.memory_space<any>>) target_semaphore(%arg4 : memref<!tpu.dma_semaphore, #tpu.memory_space<semaphore_mem>>)
    %get3A_477 = arith.constant 48 : index
    %get3A_478 = arith.constant 0 : index
    %get3A_479 = memref.load %arg0[%get3A_477, %get3A_478] : memref<128x128xi32, #tpu.memory_space<smem>>
    %mul3A_480 = arith.constant 128 : i32
    %mul3A_481 = arith.muli %get3A_479, %mul3A_480 : i32
    %dma_start3A_482 = arith.constant 48 : i32
    %dma_start3A_483 = tpu.memref_slice %arg3[%dma_start3A_482, %mul3A_481] : memref<128x32768xf32, #tpu.memory_space<any>> -> memref<1x128xf32, #tpu.memory_space<any>>
    %dma_start3A_484 = arith.constant 48 : i32
    %dma_start3A_485 = arith.constant 0 : i32
    %dma_start3A_486 = tpu.memref_slice %arg1[%dma_start3A_484, %dma_start3A_485] : memref<128x128xf32, #tpu.memory_space<vmem>> -> memref<1x128xf32, #tpu.memory_space<vmem>>
    tpu.enqueue_dma source(%dma_start3A_486 : memref<1x128xf32, #tpu.memory_space<vmem>>) target(%dma_start3A_483 : memref<1x128xf32, #tpu.memory_space<any>>) target_semaphore(%arg4 : memref<!tpu.dma_semaphore, #tpu.memory_space<semaphore_mem>>)
    %get3A_487 = arith.constant 49 : index
    %get3A_488 = arith.constant 0 : index
    %get3A_489 = memref.load %arg0[%get3A_487, %get3A_488] : memref<128x128xi32, #tpu.memory_space<smem>>
    %mul3A_490 = arith.constant 128 : i32
    %mul3A_491 = arith.muli %get3A_489, %mul3A_490 : i32
    %dma_start3A_492 = arith.constant 49 : i32
    %dma_start3A_493 = tpu.memref_slice %arg3[%dma_start3A_492, %mul3A_491] : memref<128x32768xf32, #tpu.memory_space<any>> -> memref<1x128xf32, #tpu.memory_space<any>>
    %dma_start3A_494 = arith.constant 49 : i32
    %dma_start3A_495 = arith.constant 0 : i32
    %dma_start3A_496 = tpu.memref_slice %arg1[%dma_start3A_494, %dma_start3A_495] : memref<128x128xf32, #tpu.memory_space<vmem>> -> memref<1x128xf32, #tpu.memory_space<vmem>>
    tpu.enqueue_dma source(%dma_start3A_496 : memref<1x128xf32, #tpu.memory_space<vmem>>) target(%dma_start3A_493 : memref<1x128xf32, #tpu.memory_space<any>>) target_semaphore(%arg4 : memref<!tpu.dma_semaphore, #tpu.memory_space<semaphore_mem>>)
    %get3A_497 = arith.constant 50 : index
    %get3A_498 = arith.constant 0 : index
    %get3A_499 = memref.load %arg0[%get3A_497, %get3A_498] : memref<128x128xi32, #tpu.memory_space<smem>>
    %mul3A_500 = arith.constant 128 : i32
    %mul3A_501 = arith.muli %get3A_499, %mul3A_500 : i32
    %dma_start3A_502 = arith.constant 50 : i32
    %dma_start3A_503 = tpu.memref_slice %arg3[%dma_start3A_502, %mul3A_501] : memref<128x32768xf32, #tpu.memory_space<any>> -> memref<1x128xf32, #tpu.memory_space<any>>
    %dma_start3A_504 = arith.constant 50 : i32
    %dma_start3A_505 = arith.constant 0 : i32
    %dma_start3A_506 = tpu.memref_slice %arg1[%dma_start3A_504, %dma_start3A_505] : memref<128x128xf32, #tpu.memory_space<vmem>> -> memref<1x128xf32, #tpu.memory_space<vmem>>
    tpu.enqueue_dma source(%dma_start3A_506 : memref<1x128xf32, #tpu.memory_space<vmem>>) target(%dma_start3A_503 : memref<1x128xf32, #tpu.memory_space<any>>) target_semaphore(%arg4 : memref<!tpu.dma_semaphore, #tpu.memory_space<semaphore_mem>>)
    %get3A_507 = arith.constant 51 : index
    %get3A_508 = arith.constant 0 : index
    %get3A_509 = memref.load %arg0[%get3A_507, %get3A_508] : memref<128x128xi32, #tpu.memory_space<smem>>
    %mul3A_510 = arith.constant 128 : i32
    %mul3A_511 = arith.muli %get3A_509, %mul3A_510 : i32
    %dma_start3A_512 = arith.constant 51 : i32
    %dma_start3A_513 = tpu.memref_slice %arg3[%dma_start3A_512, %mul3A_511] : memref<128x32768xf32, #tpu.memory_space<any>> -> memref<1x128xf32, #tpu.memory_space<any>>
    %dma_start3A_514 = arith.constant 51 : i32
    %dma_start3A_515 = arith.constant 0 : i32
    %dma_start3A_516 = tpu.memref_slice %arg1[%dma_start3A_514, %dma_start3A_515] : memref<128x128xf32, #tpu.memory_space<vmem>> -> memref<1x128xf32, #tpu.memory_space<vmem>>
    tpu.enqueue_dma source(%dma_start3A_516 : memref<1x128xf32, #tpu.memory_space<vmem>>) target(%dma_start3A_513 : memref<1x128xf32, #tpu.memory_space<any>>) target_semaphore(%arg4 : memref<!tpu.dma_semaphore, #tpu.memory_space<semaphore_mem>>)
    %get3A_517 = arith.constant 52 : index
    %get3A_518 = arith.constant 0 : index
    %get3A_519 = memref.load %arg0[%get3A_517, %get3A_518] : memref<128x128xi32, #tpu.memory_space<smem>>
    %mul3A_520 = arith.constant 128 : i32
    %mul3A_521 = arith.muli %get3A_519, %mul3A_520 : i32
    %dma_start3A_522 = arith.constant 52 : i32
    %dma_start3A_523 = tpu.memref_slice %arg3[%dma_start3A_522, %mul3A_521] : memref<128x32768xf32, #tpu.memory_space<any>> -> memref<1x128xf32, #tpu.memory_space<any>>
    %dma_start3A_524 = arith.constant 52 : i32
    %dma_start3A_525 = arith.constant 0 : i32
    %dma_start3A_526 = tpu.memref_slice %arg1[%dma_start3A_524, %dma_start3A_525] : memref<128x128xf32, #tpu.memory_space<vmem>> -> memref<1x128xf32, #tpu.memory_space<vmem>>
    tpu.enqueue_dma source(%dma_start3A_526 : memref<1x128xf32, #tpu.memory_space<vmem>>) target(%dma_start3A_523 : memref<1x128xf32, #tpu.memory_space<any>>) target_semaphore(%arg4 : memref<!tpu.dma_semaphore, #tpu.memory_space<semaphore_mem>>)
    %get3A_527 = arith.constant 53 : index
    %get3A_528 = arith.constant 0 : index
    %get3A_529 = memref.load %arg0[%get3A_527, %get3A_528] : memref<128x128xi32, #tpu.memory_space<smem>>
    %mul3A_530 = arith.constant 128 : i32
    %mul3A_531 = arith.muli %get3A_529, %mul3A_530 : i32
    %dma_start3A_532 = arith.constant 53 : i32
    %dma_start3A_533 = tpu.memref_slice %arg3[%dma_start3A_532, %mul3A_531] : memref<128x32768xf32, #tpu.memory_space<any>> -> memref<1x128xf32, #tpu.memory_space<any>>
    %dma_start3A_534 = arith.constant 53 : i32
    %dma_start3A_535 = arith.constant 0 : i32
    %dma_start3A_536 = tpu.memref_slice %arg1[%dma_start3A_534, %dma_start3A_535] : memref<128x128xf32, #tpu.memory_space<vmem>> -> memref<1x128xf32, #tpu.memory_space<vmem>>
    tpu.enqueue_dma source(%dma_start3A_536 : memref<1x128xf32, #tpu.memory_space<vmem>>) target(%dma_start3A_533 : memref<1x128xf32, #tpu.memory_space<any>>) target_semaphore(%arg4 : memref<!tpu.dma_semaphore, #tpu.memory_space<semaphore_mem>>)
    %get3A_537 = arith.constant 54 : index
    %get3A_538 = arith.constant 0 : index
    %get3A_539 = memref.load %arg0[%get3A_537, %get3A_538] : memref<128x128xi32, #tpu.memory_space<smem>>
    %mul3A_540 = arith.constant 128 : i32
    %mul3A_541 = arith.muli %get3A_539, %mul3A_540 : i32
    %dma_start3A_542 = arith.constant 54 : i32
    %dma_start3A_543 = tpu.memref_slice %arg3[%dma_start3A_542, %mul3A_541] : memref<128x32768xf32, #tpu.memory_space<any>> -> memref<1x128xf32, #tpu.memory_space<any>>
    %dma_start3A_544 = arith.constant 54 : i32
    %dma_start3A_545 = arith.constant 0 : i32
    %dma_start3A_546 = tpu.memref_slice %arg1[%dma_start3A_544, %dma_start3A_545] : memref<128x128xf32, #tpu.memory_space<vmem>> -> memref<1x128xf32, #tpu.memory_space<vmem>>
    tpu.enqueue_dma source(%dma_start3A_546 : memref<1x128xf32, #tpu.memory_space<vmem>>) target(%dma_start3A_543 : memref<1x128xf32, #tpu.memory_space<any>>) target_semaphore(%arg4 : memref<!tpu.dma_semaphore, #tpu.memory_space<semaphore_mem>>)
    %get3A_547 = arith.constant 55 : index
    %get3A_548 = arith.constant 0 : index
    %get3A_549 = memref.load %arg0[%get3A_547, %get3A_548] : memref<128x128xi32, #tpu.memory_space<smem>>
    %mul3A_550 = arith.constant 128 : i32
    %mul3A_551 = arith.muli %get3A_549, %mul3A_550 : i32
    %dma_start3A_552 = arith.constant 55 : i32
    %dma_start3A_553 = tpu.memref_slice %arg3[%dma_start3A_552, %mul3A_551] : memref<128x32768xf32, #tpu.memory_space<any>> -> memref<1x128xf32, #tpu.memory_space<any>>
    %dma_start3A_554 = arith.constant 55 : i32
    %dma_start3A_555 = arith.constant 0 : i32
    %dma_start3A_556 = tpu.memref_slice %arg1[%dma_start3A_554, %dma_start3A_555] : memref<128x128xf32, #tpu.memory_space<vmem>> -> memref<1x128xf32, #tpu.memory_space<vmem>>
    tpu.enqueue_dma source(%dma_start3A_556 : memref<1x128xf32, #tpu.memory_space<vmem>>) target(%dma_start3A_553 : memref<1x128xf32, #tpu.memory_space<any>>) target_semaphore(%arg4 : memref<!tpu.dma_semaphore, #tpu.memory_space<semaphore_mem>>)
    %get3A_557 = arith.constant 56 : index
    %get3A_558 = arith.constant 0 : index
    %get3A_559 = memref.load %arg0[%get3A_557, %get3A_558] : memref<128x128xi32, #tpu.memory_space<smem>>
    %mul3A_560 = arith.constant 128 : i32
    %mul3A_561 = arith.muli %get3A_559, %mul3A_560 : i32
    %dma_start3A_562 = arith.constant 56 : i32
    %dma_start3A_563 = tpu.memref_slice %arg3[%dma_start3A_562, %mul3A_561] : memref<128x32768xf32, #tpu.memory_space<any>> -> memref<1x128xf32, #tpu.memory_space<any>>
    %dma_start3A_564 = arith.constant 56 : i32
    %dma_start3A_565 = arith.constant 0 : i32
    %dma_start3A_566 = tpu.memref_slice %arg1[%dma_start3A_564, %dma_start3A_565] : memref<128x128xf32, #tpu.memory_space<vmem>> -> memref<1x128xf32, #tpu.memory_space<vmem>>
    tpu.enqueue_dma source(%dma_start3A_566 : memref<1x128xf32, #tpu.memory_space<vmem>>) target(%dma_start3A_563 : memref<1x128xf32, #tpu.memory_space<any>>) target_semaphore(%arg4 : memref<!tpu.dma_semaphore, #tpu.memory_space<semaphore_mem>>)
    %get3A_567 = arith.constant 57 : index
    %get3A_568 = arith.constant 0 : index
    %get3A_569 = memref.load %arg0[%get3A_567, %get3A_568] : memref<128x128xi32, #tpu.memory_space<smem>>
    %mul3A_570 = arith.constant 128 : i32
    %mul3A_571 = arith.muli %get3A_569, %mul3A_570 : i32
    %dma_start3A_572 = arith.constant 57 : i32
    %dma_start3A_573 = tpu.memref_slice %arg3[%dma_start3A_572, %mul3A_571] : memref<128x32768xf32, #tpu.memory_space<any>> -> memref<1x128xf32, #tpu.memory_space<any>>
    %dma_start3A_574 = arith.constant 57 : i32
    %dma_start3A_575 = arith.constant 0 : i32
    %dma_start3A_576 = tpu.memref_slice %arg1[%dma_start3A_574, %dma_start3A_575] : memref<128x128xf32, #tpu.memory_space<vmem>> -> memref<1x128xf32, #tpu.memory_space<vmem>>
    tpu.enqueue_dma source(%dma_start3A_576 : memref<1x128xf32, #tpu.memory_space<vmem>>) target(%dma_start3A_573 : memref<1x128xf32, #tpu.memory_space<any>>) target_semaphore(%arg4 : memref<!tpu.dma_semaphore, #tpu.memory_space<semaphore_mem>>)
    %get3A_577 = arith.constant 58 : index
    %get3A_578 = arith.constant 0 : index
    %get3A_579 = memref.load %arg0[%get3A_577, %get3A_578] : memref<128x128xi32, #tpu.memory_space<smem>>
    %mul3A_580 = arith.constant 128 : i32
    %mul3A_581 = arith.muli %get3A_579, %mul3A_580 : i32
    %dma_start3A_582 = arith.constant 58 : i32
    %dma_start3A_583 = tpu.memref_slice %arg3[%dma_start3A_582, %mul3A_581] : memref<128x32768xf32, #tpu.memory_space<any>> -> memref<1x128xf32, #tpu.memory_space<any>>
    %dma_start3A_584 = arith.constant 58 : i32
    %dma_start3A_585 = arith.constant 0 : i32
    %dma_start3A_586 = tpu.memref_slice %arg1[%dma_start3A_584, %dma_start3A_585] : memref<128x128xf32, #tpu.memory_space<vmem>> -> memref<1x128xf32, #tpu.memory_space<vmem>>
    tpu.enqueue_dma source(%dma_start3A_586 : memref<1x128xf32, #tpu.memory_space<vmem>>) target(%dma_start3A_583 : memref<1x128xf32, #tpu.memory_space<any>>) target_semaphore(%arg4 : memref<!tpu.dma_semaphore, #tpu.memory_space<semaphore_mem>>)
    %get3A_587 = arith.constant 59 : index
    %get3A_588 = arith.constant 0 : index
    %get3A_589 = memref.load %arg0[%get3A_587, %get3A_588] : memref<128x128xi32, #tpu.memory_space<smem>>
    %mul3A_590 = arith.constant 128 : i32
    %mul3A_591 = arith.muli %get3A_589, %mul3A_590 : i32
    %dma_start3A_592 = arith.constant 59 : i32
    %dma_start3A_593 = tpu.memref_slice %arg3[%dma_start3A_592, %mul3A_591] : memref<128x32768xf32, #tpu.memory_space<any>> -> memref<1x128xf32, #tpu.memory_space<any>>
    %dma_start3A_594 = arith.constant 59 : i32
    %dma_start3A_595 = arith.constant 0 : i32
    %dma_start3A_596 = tpu.memref_slice %arg1[%dma_start3A_594, %dma_start3A_595] : memref<128x128xf32, #tpu.memory_space<vmem>> -> memref<1x128xf32, #tpu.memory_space<vmem>>
    tpu.enqueue_dma source(%dma_start3A_596 : memref<1x128xf32, #tpu.memory_space<vmem>>) target(%dma_start3A_593 : memref<1x128xf32, #tpu.memory_space<any>>) target_semaphore(%arg4 : memref<!tpu.dma_semaphore, #tpu.memory_space<semaphore_mem>>)
    %get3A_597 = arith.constant 60 : index
    %get3A_598 = arith.constant 0 : index
    %get3A_599 = memref.load %arg0[%get3A_597, %get3A_598] : memref<128x128xi32, #tpu.memory_space<smem>>
    %mul3A_600 = arith.constant 128 : i32
    %mul3A_601 = arith.muli %get3A_599, %mul3A_600 : i32
    %dma_start3A_602 = arith.constant 60 : i32
    %dma_start3A_603 = tpu.memref_slice %arg3[%dma_start3A_602, %mul3A_601] : memref<128x32768xf32, #tpu.memory_space<any>> -> memref<1x128xf32, #tpu.memory_space<any>>
    %dma_start3A_604 = arith.constant 60 : i32
    %dma_start3A_605 = arith.constant 0 : i32
    %dma_start3A_606 = tpu.memref_slice %arg1[%dma_start3A_604, %dma_start3A_605] : memref<128x128xf32, #tpu.memory_space<vmem>> -> memref<1x128xf32, #tpu.memory_space<vmem>>
    tpu.enqueue_dma source(%dma_start3A_606 : memref<1x128xf32, #tpu.memory_space<vmem>>) target(%dma_start3A_603 : memref<1x128xf32, #tpu.memory_space<any>>) target_semaphore(%arg4 : memref<!tpu.dma_semaphore, #tpu.memory_space<semaphore_mem>>)
    %get3A_607 = arith.constant 61 : index
    %get3A_608 = arith.constant 0 : index
    %get3A_609 = memref.load %arg0[%get3A_607, %get3A_608] : memref<128x128xi32, #tpu.memory_space<smem>>
    %mul3A_610 = arith.constant 128 : i32
    %mul3A_611 = arith.muli %get3A_609, %mul3A_610 : i32
    %dma_start3A_612 = arith.constant 61 : i32
    %dma_start3A_613 = tpu.memref_slice %arg3[%dma_start3A_612, %mul3A_611] : memref<128x32768xf32, #tpu.memory_space<any>> -> memref<1x128xf32, #tpu.memory_space<any>>
    %dma_start3A_614 = arith.constant 61 : i32
    %dma_start3A_615 = arith.constant 0 : i32
    %dma_start3A_616 = tpu.memref_slice %arg1[%dma_start3A_614, %dma_start3A_615] : memref<128x128xf32, #tpu.memory_space<vmem>> -> memref<1x128xf32, #tpu.memory_space<vmem>>
    tpu.enqueue_dma source(%dma_start3A_616 : memref<1x128xf32, #tpu.memory_space<vmem>>) target(%dma_start3A_613 : memref<1x128xf32, #tpu.memory_space<any>>) target_semaphore(%arg4 : memref<!tpu.dma_semaphore, #tpu.memory_space<semaphore_mem>>)
    %get3A_617 = arith.constant 62 : index
    %get3A_618 = arith.constant 0 : index
    %get3A_619 = memref.load %arg0[%get3A_617, %get3A_618] : memref<128x128xi32, #tpu.memory_space<smem>>
    %mul3A_620 = arith.constant 128 : i32
    %mul3A_621 = arith.muli %get3A_619, %mul3A_620 : i32
    %dma_start3A_622 = arith.constant 62 : i32
    %dma_start3A_623 = tpu.memref_slice %arg3[%dma_start3A_622, %mul3A_621] : memref<128x32768xf32, #tpu.memory_space<any>> -> memref<1x128xf32, #tpu.memory_space<any>>
    %dma_start3A_624 = arith.constant 62 : i32
    %dma_start3A_625 = arith.constant 0 : i32
    %dma_start3A_626 = tpu.memref_slice %arg1[%dma_start3A_624, %dma_start3A_625] : memref<128x128xf32, #tpu.memory_space<vmem>> -> memref<1x128xf32, #tpu.memory_space<vmem>>
    tpu.enqueue_dma source(%dma_start3A_626 : memref<1x128xf32, #tpu.memory_space<vmem>>) target(%dma_start3A_623 : memref<1x128xf32, #tpu.memory_space<any>>) target_semaphore(%arg4 : memref<!tpu.dma_semaphore, #tpu.memory_space<semaphore_mem>>)
    %get3A_627 = arith.constant 63 : index
    %get3A_628 = arith.constant 0 : index
    %get3A_629 = memref.load %arg0[%get3A_627, %get3A_628] : memref<128x128xi32, #tpu.memory_space<smem>>
    %mul3A_630 = arith.constant 128 : i32
    %mul3A_631 = arith.muli %get3A_629, %mul3A_630 : i32
    %dma_start3A_632 = arith.constant 63 : i32
    %dma_start3A_633 = tpu.memref_slice %arg3[%dma_start3A_632, %mul3A_631] : memref<128x32768xf32, #tpu.memory_space<any>> -> memref<1x128xf32, #tpu.memory_space<any>>
    %dma_start3A_634 = arith.constant 63 : i32
    %dma_start3A_635 = arith.constant 0 : i32
    %dma_start3A_636 = tpu.memref_slice %arg1[%dma_start3A_634, %dma_start3A_635] : memref<128x128xf32, #tpu.memory_space<vmem>> -> memref<1x128xf32, #tpu.memory_space<vmem>>
    tpu.enqueue_dma source(%dma_start3A_636 : memref<1x128xf32, #tpu.memory_space<vmem>>) target(%dma_start3A_633 : memref<1x128xf32, #tpu.memory_space<any>>) target_semaphore(%arg4 : memref<!tpu.dma_semaphore, #tpu.memory_space<semaphore_mem>>)
    %get3A_637 = arith.constant 64 : index
    %get3A_638 = arith.constant 0 : index
    %get3A_639 = memref.load %arg0[%get3A_637, %get3A_638] : memref<128x128xi32, #tpu.memory_space<smem>>
    %mul3A_640 = arith.constant 128 : i32
    %mul3A_641 = arith.muli %get3A_639, %mul3A_640 : i32
    %dma_start3A_642 = arith.constant 64 : i32
    %dma_start3A_643 = tpu.memref_slice %arg3[%dma_start3A_642, %mul3A_641] : memref<128x32768xf32, #tpu.memory_space<any>> -> memref<1x128xf32, #tpu.memory_space<any>>
    %dma_start3A_644 = arith.constant 64 : i32
    %dma_start3A_645 = arith.constant 0 : i32
    %dma_start3A_646 = tpu.memref_slice %arg1[%dma_start3A_644, %dma_start3A_645] : memref<128x128xf32, #tpu.memory_space<vmem>> -> memref<1x128xf32, #tpu.memory_space<vmem>>
    tpu.enqueue_dma source(%dma_start3A_646 : memref<1x128xf32, #tpu.memory_space<vmem>>) target(%dma_start3A_643 : memref<1x128xf32, #tpu.memory_space<any>>) target_semaphore(%arg4 : memref<!tpu.dma_semaphore, #tpu.memory_space<semaphore_mem>>)
    %get3A_647 = arith.constant 65 : index
    %get3A_648 = arith.constant 0 : index
    %get3A_649 = memref.load %arg0[%get3A_647, %get3A_648] : memref<128x128xi32, #tpu.memory_space<smem>>
    %mul3A_650 = arith.constant 128 : i32
    %mul3A_651 = arith.muli %get3A_649, %mul3A_650 : i32
    %dma_start3A_652 = arith.constant 65 : i32
    %dma_start3A_653 = tpu.memref_slice %arg3[%dma_start3A_652, %mul3A_651] : memref<128x32768xf32, #tpu.memory_space<any>> -> memref<1x128xf32, #tpu.memory_space<any>>
    %dma_start3A_654 = arith.constant 65 : i32
    %dma_start3A_655 = arith.constant 0 : i32
    %dma_start3A_656 = tpu.memref_slice %arg1[%dma_start3A_654, %dma_start3A_655] : memref<128x128xf32, #tpu.memory_space<vmem>> -> memref<1x128xf32, #tpu.memory_space<vmem>>
    tpu.enqueue_dma source(%dma_start3A_656 : memref<1x128xf32, #tpu.memory_space<vmem>>) target(%dma_start3A_653 : memref<1x128xf32, #tpu.memory_space<any>>) target_semaphore(%arg4 : memref<!tpu.dma_semaphore, #tpu.memory_space<semaphore_mem>>)
    %get3A_657 = arith.constant 66 : index
    %get3A_658 = arith.constant 0 : index
    %get3A_659 = memref.load %arg0[%get3A_657, %get3A_658] : memref<128x128xi32, #tpu.memory_space<smem>>
    %mul3A_660 = arith.constant 128 : i32
    %mul3A_661 = arith.muli %get3A_659, %mul3A_660 : i32
    %dma_start3A_662 = arith.constant 66 : i32
    %dma_start3A_663 = tpu.memref_slice %arg3[%dma_start3A_662, %mul3A_661] : memref<128x32768xf32, #tpu.memory_space<any>> -> memref<1x128xf32, #tpu.memory_space<any>>
    %dma_start3A_664 = arith.constant 66 : i32
    %dma_start3A_665 = arith.constant 0 : i32
    %dma_start3A_666 = tpu.memref_slice %arg1[%dma_start3A_664, %dma_start3A_665] : memref<128x128xf32, #tpu.memory_space<vmem>> -> memref<1x128xf32, #tpu.memory_space<vmem>>
    tpu.enqueue_dma source(%dma_start3A_666 : memref<1x128xf32, #tpu.memory_space<vmem>>) target(%dma_start3A_663 : memref<1x128xf32, #tpu.memory_space<any>>) target_semaphore(%arg4 : memref<!tpu.dma_semaphore, #tpu.memory_space<semaphore_mem>>)
    %get3A_667 = arith.constant 67 : index
    %get3A_668 = arith.constant 0 : index
    %get3A_669 = memref.load %arg0[%get3A_667, %get3A_668] : memref<128x128xi32, #tpu.memory_space<smem>>
    %mul3A_670 = arith.constant 128 : i32
    %mul3A_671 = arith.muli %get3A_669, %mul3A_670 : i32
    %dma_start3A_672 = arith.constant 67 : i32
    %dma_start3A_673 = tpu.memref_slice %arg3[%dma_start3A_672, %mul3A_671] : memref<128x32768xf32, #tpu.memory_space<any>> -> memref<1x128xf32, #tpu.memory_space<any>>
    %dma_start3A_674 = arith.constant 67 : i32
    %dma_start3A_675 = arith.constant 0 : i32
    %dma_start3A_676 = tpu.memref_slice %arg1[%dma_start3A_674, %dma_start3A_675] : memref<128x128xf32, #tpu.memory_space<vmem>> -> memref<1x128xf32, #tpu.memory_space<vmem>>
    tpu.enqueue_dma source(%dma_start3A_676 : memref<1x128xf32, #tpu.memory_space<vmem>>) target(%dma_start3A_673 : memref<1x128xf32, #tpu.memory_space<any>>) target_semaphore(%arg4 : memref<!tpu.dma_semaphore, #tpu.memory_space<semaphore_mem>>)
    %get3A_677 = arith.constant 68 : index
    %get3A_678 = arith.constant 0 : index
    %get3A_679 = memref.load %arg0[%get3A_677, %get3A_678] : memref<128x128xi32, #tpu.memory_space<smem>>
    %mul3A_680 = arith.constant 128 : i32
    %mul3A_681 = arith.muli %get3A_679, %mul3A_680 : i32
    %dma_start3A_682 = arith.constant 68 : i32
    %dma_start3A_683 = tpu.memref_slice %arg3[%dma_start3A_682, %mul3A_681] : memref<128x32768xf32, #tpu.memory_space<any>> -> memref<1x128xf32, #tpu.memory_space<any>>
    %dma_start3A_684 = arith.constant 68 : i32
    %dma_start3A_685 = arith.constant 0 : i32
    %dma_start3A_686 = tpu.memref_slice %arg1[%dma_start3A_684, %dma_start3A_685] : memref<128x128xf32, #tpu.memory_space<vmem>> -> memref<1x128xf32, #tpu.memory_space<vmem>>
    tpu.enqueue_dma source(%dma_start3A_686 : memref<1x128xf32, #tpu.memory_space<vmem>>) target(%dma_start3A_683 : memref<1x128xf32, #tpu.memory_space<any>>) target_semaphore(%arg4 : memref<!tpu.dma_semaphore, #tpu.memory_space<semaphore_mem>>)
    %get3A_687 = arith.constant 69 : index
    %get3A_688 = arith.constant 0 : index
    %get3A_689 = memref.load %arg0[%get3A_687, %get3A_688] : memref<128x128xi32, #tpu.memory_space<smem>>
    %mul3A_690 = arith.constant 128 : i32
    %mul3A_691 = arith.muli %get3A_689, %mul3A_690 : i32
    %dma_start3A_692 = arith.constant 69 : i32
    %dma_start3A_693 = tpu.memref_slice %arg3[%dma_start3A_692, %mul3A_691] : memref<128x32768xf32, #tpu.memory_space<any>> -> memref<1x128xf32, #tpu.memory_space<any>>
    %dma_start3A_694 = arith.constant 69 : i32
    %dma_start3A_695 = arith.constant 0 : i32
    %dma_start3A_696 = tpu.memref_slice %arg1[%dma_start3A_694, %dma_start3A_695] : memref<128x128xf32, #tpu.memory_space<vmem>> -> memref<1x128xf32, #tpu.memory_space<vmem>>
    tpu.enqueue_dma source(%dma_start3A_696 : memref<1x128xf32, #tpu.memory_space<vmem>>) target(%dma_start3A_693 : memref<1x128xf32, #tpu.memory_space<any>>) target_semaphore(%arg4 : memref<!tpu.dma_semaphore, #tpu.memory_space<semaphore_mem>>)
    %get3A_697 = arith.constant 70 : index
    %get3A_698 = arith.constant 0 : index
    %get3A_699 = memref.load %arg0[%get3A_697, %get3A_698] : memref<128x128xi32, #tpu.memory_space<smem>>
    %mul3A_700 = arith.constant 128 : i32
    %mul3A_701 = arith.muli %get3A_699, %mul3A_700 : i32
    %dma_start3A_702 = arith.constant 70 : i32
    %dma_start3A_703 = tpu.memref_slice %arg3[%dma_start3A_702, %mul3A_701] : memref<128x32768xf32, #tpu.memory_space<any>> -> memref<1x128xf32, #tpu.memory_space<any>>
    %dma_start3A_704 = arith.constant 70 : i32
    %dma_start3A_705 = arith.constant 0 : i32
    %dma_start3A_706 = tpu.memref_slice %arg1[%dma_start3A_704, %dma_start3A_705] : memref<128x128xf32, #tpu.memory_space<vmem>> -> memref<1x128xf32, #tpu.memory_space<vmem>>
    tpu.enqueue_dma source(%dma_start3A_706 : memref<1x128xf32, #tpu.memory_space<vmem>>) target(%dma_start3A_703 : memref<1x128xf32, #tpu.memory_space<any>>) target_semaphore(%arg4 : memref<!tpu.dma_semaphore, #tpu.memory_space<semaphore_mem>>)
    %get3A_707 = arith.constant 71 : index
    %get3A_708 = arith.constant 0 : index
    %get3A_709 = memref.load %arg0[%get3A_707, %get3A_708] : memref<128x128xi32, #tpu.memory_space<smem>>
    %mul3A_710 = arith.constant 128 : i32
    %mul3A_711 = arith.muli %get3A_709, %mul3A_710 : i32
    %dma_start3A_712 = arith.constant 71 : i32
    %dma_start3A_713 = tpu.memref_slice %arg3[%dma_start3A_712, %mul3A_711] : memref<128x32768xf32, #tpu.memory_space<any>> -> memref<1x128xf32, #tpu.memory_space<any>>
    %dma_start3A_714 = arith.constant 71 : i32
    %dma_start3A_715 = arith.constant 0 : i32
    %dma_start3A_716 = tpu.memref_slice %arg1[%dma_start3A_714, %dma_start3A_715] : memref<128x128xf32, #tpu.memory_space<vmem>> -> memref<1x128xf32, #tpu.memory_space<vmem>>
    tpu.enqueue_dma source(%dma_start3A_716 : memref<1x128xf32, #tpu.memory_space<vmem>>) target(%dma_start3A_713 : memref<1x128xf32, #tpu.memory_space<any>>) target_semaphore(%arg4 : memref<!tpu.dma_semaphore, #tpu.memory_space<semaphore_mem>>)
    %get3A_717 = arith.constant 72 : index
    %get3A_718 = arith.constant 0 : index
    %get3A_719 = memref.load %arg0[%get3A_717, %get3A_718] : memref<128x128xi32, #tpu.memory_space<smem>>
    %mul3A_720 = arith.constant 128 : i32
    %mul3A_721 = arith.muli %get3A_719, %mul3A_720 : i32
    %dma_start3A_722 = arith.constant 72 : i32
    %dma_start3A_723 = tpu.memref_slice %arg3[%dma_start3A_722, %mul3A_721] : memref<128x32768xf32, #tpu.memory_space<any>> -> memref<1x128xf32, #tpu.memory_space<any>>
    %dma_start3A_724 = arith.constant 72 : i32
    %dma_start3A_725 = arith.constant 0 : i32
    %dma_start3A_726 = tpu.memref_slice %arg1[%dma_start3A_724, %dma_start3A_725] : memref<128x128xf32, #tpu.memory_space<vmem>> -> memref<1x128xf32, #tpu.memory_space<vmem>>
    tpu.enqueue_dma source(%dma_start3A_726 : memref<1x128xf32, #tpu.memory_space<vmem>>) target(%dma_start3A_723 : memref<1x128xf32, #tpu.memory_space<any>>) target_semaphore(%arg4 : memref<!tpu.dma_semaphore, #tpu.memory_space<semaphore_mem>>)
    %get3A_727 = arith.constant 73 : index
    %get3A_728 = arith.constant 0 : index
    %get3A_729 = memref.load %arg0[%get3A_727, %get3A_728] : memref<128x128xi32, #tpu.memory_space<smem>>
    %mul3A_730 = arith.constant 128 : i32
    %mul3A_731 = arith.muli %get3A_729, %mul3A_730 : i32
    %dma_start3A_732 = arith.constant 73 : i32
    %dma_start3A_733 = tpu.memref_slice %arg3[%dma_start3A_732, %mul3A_731] : memref<128x32768xf32, #tpu.memory_space<any>> -> memref<1x128xf32, #tpu.memory_space<any>>
    %dma_start3A_734 = arith.constant 73 : i32
    %dma_start3A_735 = arith.constant 0 : i32
    %dma_start3A_736 = tpu.memref_slice %arg1[%dma_start3A_734, %dma_start3A_735] : memref<128x128xf32, #tpu.memory_space<vmem>> -> memref<1x128xf32, #tpu.memory_space<vmem>>
    tpu.enqueue_dma source(%dma_start3A_736 : memref<1x128xf32, #tpu.memory_space<vmem>>) target(%dma_start3A_733 : memref<1x128xf32, #tpu.memory_space<any>>) target_semaphore(%arg4 : memref<!tpu.dma_semaphore, #tpu.memory_space<semaphore_mem>>)
    %get3A_737 = arith.constant 74 : index
    %get3A_738 = arith.constant 0 : index
    %get3A_739 = memref.load %arg0[%get3A_737, %get3A_738] : memref<128x128xi32, #tpu.memory_space<smem>>
    %mul3A_740 = arith.constant 128 : i32
    %mul3A_741 = arith.muli %get3A_739, %mul3A_740 : i32
    %dma_start3A_742 = arith.constant 74 : i32
    %dma_start3A_743 = tpu.memref_slice %arg3[%dma_start3A_742, %mul3A_741] : memref<128x32768xf32, #tpu.memory_space<any>> -> memref<1x128xf32, #tpu.memory_space<any>>
    %dma_start3A_744 = arith.constant 74 : i32
    %dma_start3A_745 = arith.constant 0 : i32
    %dma_start3A_746 = tpu.memref_slice %arg1[%dma_start3A_744, %dma_start3A_745] : memref<128x128xf32, #tpu.memory_space<vmem>> -> memref<1x128xf32, #tpu.memory_space<vmem>>
    tpu.enqueue_dma source(%dma_start3A_746 : memref<1x128xf32, #tpu.memory_space<vmem>>) target(%dma_start3A_743 : memref<1x128xf32, #tpu.memory_space<any>>) target_semaphore(%arg4 : memref<!tpu.dma_semaphore, #tpu.memory_space<semaphore_mem>>)
    %get3A_747 = arith.constant 75 : index
    %get3A_748 = arith.constant 0 : index
    %get3A_749 = memref.load %arg0[%get3A_747, %get3A_748] : memref<128x128xi32, #tpu.memory_space<smem>>
    %mul3A_750 = arith.constant 128 : i32
    %mul3A_751 = arith.muli %get3A_749, %mul3A_750 : i32
    %dma_start3A_752 = arith.constant 75 : i32
    %dma_start3A_753 = tpu.memref_slice %arg3[%dma_start3A_752, %mul3A_751] : memref<128x32768xf32, #tpu.memory_space<any>> -> memref<1x128xf32, #tpu.memory_space<any>>
    %dma_start3A_754 = arith.constant 75 : i32
    %dma_start3A_755 = arith.constant 0 : i32
    %dma_start3A_756 = tpu.memref_slice %arg1[%dma_start3A_754, %dma_start3A_755] : memref<128x128xf32, #tpu.memory_space<vmem>> -> memref<1x128xf32, #tpu.memory_space<vmem>>
    tpu.enqueue_dma source(%dma_start3A_756 : memref<1x128xf32, #tpu.memory_space<vmem>>) target(%dma_start3A_753 : memref<1x128xf32, #tpu.memory_space<any>>) target_semaphore(%arg4 : memref<!tpu.dma_semaphore, #tpu.memory_space<semaphore_mem>>)
    %get3A_757 = arith.constant 76 : index
    %get3A_758 = arith.constant 0 : index
    %get3A_759 = memref.load %arg0[%get3A_757, %get3A_758] : memref<128x128xi32, #tpu.memory_space<smem>>
    %mul3A_760 = arith.constant 128 : i32
    %mul3A_761 = arith.muli %get3A_759, %mul3A_760 : i32
    %dma_start3A_762 = arith.constant 76 : i32
    %dma_start3A_763 = tpu.memref_slice %arg3[%dma_start3A_762, %mul3A_761] : memref<128x32768xf32, #tpu.memory_space<any>> -> memref<1x128xf32, #tpu.memory_space<any>>
    %dma_start3A_764 = arith.constant 76 : i32
    %dma_start3A_765 = arith.constant 0 : i32
    %dma_start3A_766 = tpu.memref_slice %arg1[%dma_start3A_764, %dma_start3A_765] : memref<128x128xf32, #tpu.memory_space<vmem>> -> memref<1x128xf32, #tpu.memory_space<vmem>>
    tpu.enqueue_dma source(%dma_start3A_766 : memref<1x128xf32, #tpu.memory_space<vmem>>) target(%dma_start3A_763 : memref<1x128xf32, #tpu.memory_space<any>>) target_semaphore(%arg4 : memref<!tpu.dma_semaphore, #tpu.memory_space<semaphore_mem>>)
    %get3A_767 = arith.constant 77 : index
    %get3A_768 = arith.constant 0 : index
    %get3A_769 = memref.load %arg0[%get3A_767, %get3A_768] : memref<128x128xi32, #tpu.memory_space<smem>>
    %mul3A_770 = arith.constant 128 : i32
    %mul3A_771 = arith.muli %get3A_769, %mul3A_770 : i32
    %dma_start3A_772 = arith.constant 77 : i32
    %dma_start3A_773 = tpu.memref_slice %arg3[%dma_start3A_772, %mul3A_771] : memref<128x32768xf32, #tpu.memory_space<any>> -> memref<1x128xf32, #tpu.memory_space<any>>
    %dma_start3A_774 = arith.constant 77 : i32
    %dma_start3A_775 = arith.constant 0 : i32
    %dma_start3A_776 = tpu.memref_slice %arg1[%dma_start3A_774, %dma_start3A_775] : memref<128x128xf32, #tpu.memory_space<vmem>> -> memref<1x128xf32, #tpu.memory_space<vmem>>
    tpu.enqueue_dma source(%dma_start3A_776 : memref<1x128xf32, #tpu.memory_space<vmem>>) target(%dma_start3A_773 : memref<1x128xf32, #tpu.memory_space<any>>) target_semaphore(%arg4 : memref<!tpu.dma_semaphore, #tpu.memory_space<semaphore_mem>>)
    %get3A_777 = arith.constant 78 : index
    %get3A_778 = arith.constant 0 : index
    %get3A_779 = memref.load %arg0[%get3A_777, %get3A_778] : memref<128x128xi32, #tpu.memory_space<smem>>
    %mul3A_780 = arith.constant 128 : i32
    %mul3A_781 = arith.muli %get3A_779, %mul3A_780 : i32
    %dma_start3A_782 = arith.constant 78 : i32
    %dma_start3A_783 = tpu.memref_slice %arg3[%dma_start3A_782, %mul3A_781] : memref<128x32768xf32, #tpu.memory_space<any>> -> memref<1x128xf32, #tpu.memory_space<any>>
    %dma_start3A_784 = arith.constant 78 : i32
    %dma_start3A_785 = arith.constant 0 : i32
    %dma_start3A_786 = tpu.memref_slice %arg1[%dma_start3A_784, %dma_start3A_785] : memref<128x128xf32, #tpu.memory_space<vmem>> -> memref<1x128xf32, #tpu.memory_space<vmem>>
    tpu.enqueue_dma source(%dma_start3A_786 : memref<1x128xf32, #tpu.memory_space<vmem>>) target(%dma_start3A_783 : memref<1x128xf32, #tpu.memory_space<any>>) target_semaphore(%arg4 : memref<!tpu.dma_semaphore, #tpu.memory_space<semaphore_mem>>)
    %get3A_787 = arith.constant 79 : index
    %get3A_788 = arith.constant 0 : index
    %get3A_789 = memref.load %arg0[%get3A_787, %get3A_788] : memref<128x128xi32, #tpu.memory_space<smem>>
    %mul3A_790 = arith.constant 128 : i32
    %mul3A_791 = arith.muli %get3A_789, %mul3A_790 : i32
    %dma_start3A_792 = arith.constant 79 : i32
    %dma_start3A_793 = tpu.memref_slice %arg3[%dma_start3A_792, %mul3A_791] : memref<128x32768xf32, #tpu.memory_space<any>> -> memref<1x128xf32, #tpu.memory_space<any>>
    %dma_start3A_794 = arith.constant 79 : i32
    %dma_start3A_795 = arith.constant 0 : i32
    %dma_start3A_796 = tpu.memref_slice %arg1[%dma_start3A_794, %dma_start3A_795] : memref<128x128xf32, #tpu.memory_space<vmem>> -> memref<1x128xf32, #tpu.memory_space<vmem>>
    tpu.enqueue_dma source(%dma_start3A_796 : memref<1x128xf32, #tpu.memory_space<vmem>>) target(%dma_start3A_793 : memref<1x128xf32, #tpu.memory_space<any>>) target_semaphore(%arg4 : memref<!tpu.dma_semaphore, #tpu.memory_space<semaphore_mem>>)
    %get3A_797 = arith.constant 80 : index
    %get3A_798 = arith.constant 0 : index
    %get3A_799 = memref.load %arg0[%get3A_797, %get3A_798] : memref<128x128xi32, #tpu.memory_space<smem>>
    %mul3A_800 = arith.constant 128 : i32
    %mul3A_801 = arith.muli %get3A_799, %mul3A_800 : i32
    %dma_start3A_802 = arith.constant 80 : i32
    %dma_start3A_803 = tpu.memref_slice %arg3[%dma_start3A_802, %mul3A_801] : memref<128x32768xf32, #tpu.memory_space<any>> -> memref<1x128xf32, #tpu.memory_space<any>>
    %dma_start3A_804 = arith.constant 80 : i32
    %dma_start3A_805 = arith.constant 0 : i32
    %dma_start3A_806 = tpu.memref_slice %arg1[%dma_start3A_804, %dma_start3A_805] : memref<128x128xf32, #tpu.memory_space<vmem>> -> memref<1x128xf32, #tpu.memory_space<vmem>>
    tpu.enqueue_dma source(%dma_start3A_806 : memref<1x128xf32, #tpu.memory_space<vmem>>) target(%dma_start3A_803 : memref<1x128xf32, #tpu.memory_space<any>>) target_semaphore(%arg4 : memref<!tpu.dma_semaphore, #tpu.memory_space<semaphore_mem>>)
    %get3A_807 = arith.constant 81 : index
    %get3A_808 = arith.constant 0 : index
    %get3A_809 = memref.load %arg0[%get3A_807, %get3A_808] : memref<128x128xi32, #tpu.memory_space<smem>>
    %mul3A_810 = arith.constant 128 : i32
    %mul3A_811 = arith.muli %get3A_809, %mul3A_810 : i32
    %dma_start3A_812 = arith.constant 81 : i32
    %dma_start3A_813 = tpu.memref_slice %arg3[%dma_start3A_812, %mul3A_811] : memref<128x32768xf32, #tpu.memory_space<any>> -> memref<1x128xf32, #tpu.memory_space<any>>
    %dma_start3A_814 = arith.constant 81 : i32
    %dma_start3A_815 = arith.constant 0 : i32
    %dma_start3A_816 = tpu.memref_slice %arg1[%dma_start3A_814, %dma_start3A_815] : memref<128x128xf32, #tpu.memory_space<vmem>> -> memref<1x128xf32, #tpu.memory_space<vmem>>
    tpu.enqueue_dma source(%dma_start3A_816 : memref<1x128xf32, #tpu.memory_space<vmem>>) target(%dma_start3A_813 : memref<1x128xf32, #tpu.memory_space<any>>) target_semaphore(%arg4 : memref<!tpu.dma_semaphore, #tpu.memory_space<semaphore_mem>>)
    %get3A_817 = arith.constant 82 : index
    %get3A_818 = arith.constant 0 : index
    %get3A_819 = memref.load %arg0[%get3A_817, %get3A_818] : memref<128x128xi32, #tpu.memory_space<smem>>
    %mul3A_820 = arith.constant 128 : i32
    %mul3A_821 = arith.muli %get3A_819, %mul3A_820 : i32
    %dma_start3A_822 = arith.constant 82 : i32
    %dma_start3A_823 = tpu.memref_slice %arg3[%dma_start3A_822, %mul3A_821] : memref<128x32768xf32, #tpu.memory_space<any>> -> memref<1x128xf32, #tpu.memory_space<any>>
    %dma_start3A_824 = arith.constant 82 : i32
    %dma_start3A_825 = arith.constant 0 : i32
    %dma_start3A_826 = tpu.memref_slice %arg1[%dma_start3A_824, %dma_start3A_825] : memref<128x128xf32, #tpu.memory_space<vmem>> -> memref<1x128xf32, #tpu.memory_space<vmem>>
    tpu.enqueue_dma source(%dma_start3A_826 : memref<1x128xf32, #tpu.memory_space<vmem>>) target(%dma_start3A_823 : memref<1x128xf32, #tpu.memory_space<any>>) target_semaphore(%arg4 : memref<!tpu.dma_semaphore, #tpu.memory_space<semaphore_mem>>)
    %get3A_827 = arith.constant 83 : index
    %get3A_828 = arith.constant 0 : index
    %get3A_829 = memref.load %arg0[%get3A_827, %get3A_828] : memref<128x128xi32, #tpu.memory_space<smem>>
    %mul3A_830 = arith.constant 128 : i32
    %mul3A_831 = arith.muli %get3A_829, %mul3A_830 : i32
    %dma_start3A_832 = arith.constant 83 : i32
    %dma_start3A_833 = tpu.memref_slice %arg3[%dma_start3A_832, %mul3A_831] : memref<128x32768xf32, #tpu.memory_space<any>> -> memref<1x128xf32, #tpu.memory_space<any>>
    %dma_start3A_834 = arith.constant 83 : i32
    %dma_start3A_835 = arith.constant 0 : i32
    %dma_start3A_836 = tpu.memref_slice %arg1[%dma_start3A_834, %dma_start3A_835] : memref<128x128xf32, #tpu.memory_space<vmem>> -> memref<1x128xf32, #tpu.memory_space<vmem>>
    tpu.enqueue_dma source(%dma_start3A_836 : memref<1x128xf32, #tpu.memory_space<vmem>>) target(%dma_start3A_833 : memref<1x128xf32, #tpu.memory_space<any>>) target_semaphore(%arg4 : memref<!tpu.dma_semaphore, #tpu.memory_space<semaphore_mem>>)
    %get3A_837 = arith.constant 84 : index
    %get3A_838 = arith.constant 0 : index
    %get3A_839 = memref.load %arg0[%get3A_837, %get3A_838] : memref<128x128xi32, #tpu.memory_space<smem>>
    %mul3A_840 = arith.constant 128 : i32
    %mul3A_841 = arith.muli %get3A_839, %mul3A_840 : i32
    %dma_start3A_842 = arith.constant 84 : i32
    %dma_start3A_843 = tpu.memref_slice %arg3[%dma_start3A_842, %mul3A_841] : memref<128x32768xf32, #tpu.memory_space<any>> -> memref<1x128xf32, #tpu.memory_space<any>>
    %dma_start3A_844 = arith.constant 84 : i32
    %dma_start3A_845 = arith.constant 0 : i32
    %dma_start3A_846 = tpu.memref_slice %arg1[%dma_start3A_844, %dma_start3A_845] : memref<128x128xf32, #tpu.memory_space<vmem>> -> memref<1x128xf32, #tpu.memory_space<vmem>>
    tpu.enqueue_dma source(%dma_start3A_846 : memref<1x128xf32, #tpu.memory_space<vmem>>) target(%dma_start3A_843 : memref<1x128xf32, #tpu.memory_space<any>>) target_semaphore(%arg4 : memref<!tpu.dma_semaphore, #tpu.memory_space<semaphore_mem>>)
    %get3A_847 = arith.constant 85 : index
    %get3A_848 = arith.constant 0 : index
    %get3A_849 = memref.load %arg0[%get3A_847, %get3A_848] : memref<128x128xi32, #tpu.memory_space<smem>>
    %mul3A_850 = arith.constant 128 : i32
    %mul3A_851 = arith.muli %get3A_849, %mul3A_850 : i32
    %dma_start3A_852 = arith.constant 85 : i32
    %dma_start3A_853 = tpu.memref_slice %arg3[%dma_start3A_852, %mul3A_851] : memref<128x32768xf32, #tpu.memory_space<any>> -> memref<1x128xf32, #tpu.memory_space<any>>
    %dma_start3A_854 = arith.constant 85 : i32
    %dma_start3A_855 = arith.constant 0 : i32
    %dma_start3A_856 = tpu.memref_slice %arg1[%dma_start3A_854, %dma_start3A_855] : memref<128x128xf32, #tpu.memory_space<vmem>> -> memref<1x128xf32, #tpu.memory_space<vmem>>
    tpu.enqueue_dma source(%dma_start3A_856 : memref<1x128xf32, #tpu.memory_space<vmem>>) target(%dma_start3A_853 : memref<1x128xf32, #tpu.memory_space<any>>) target_semaphore(%arg4 : memref<!tpu.dma_semaphore, #tpu.memory_space<semaphore_mem>>)
    %get3A_857 = arith.constant 86 : index
    %get3A_858 = arith.constant 0 : index
    %get3A_859 = memref.load %arg0[%get3A_857, %get3A_858] : memref<128x128xi32, #tpu.memory_space<smem>>
    %mul3A_860 = arith.constant 128 : i32
    %mul3A_861 = arith.muli %get3A_859, %mul3A_860 : i32
    %dma_start3A_862 = arith.constant 86 : i32
    %dma_start3A_863 = tpu.memref_slice %arg3[%dma_start3A_862, %mul3A_861] : memref<128x32768xf32, #tpu.memory_space<any>> -> memref<1x128xf32, #tpu.memory_space<any>>
    %dma_start3A_864 = arith.constant 86 : i32
    %dma_start3A_865 = arith.constant 0 : i32
    %dma_start3A_866 = tpu.memref_slice %arg1[%dma_start3A_864, %dma_start3A_865] : memref<128x128xf32, #tpu.memory_space<vmem>> -> memref<1x128xf32, #tpu.memory_space<vmem>>
    tpu.enqueue_dma source(%dma_start3A_866 : memref<1x128xf32, #tpu.memory_space<vmem>>) target(%dma_start3A_863 : memref<1x128xf32, #tpu.memory_space<any>>) target_semaphore(%arg4 : memref<!tpu.dma_semaphore, #tpu.memory_space<semaphore_mem>>)
    %get3A_867 = arith.constant 87 : index
    %get3A_868 = arith.constant 0 : index
    %get3A_869 = memref.load %arg0[%get3A_867, %get3A_868] : memref<128x128xi32, #tpu.memory_space<smem>>
    %mul3A_870 = arith.constant 128 : i32
    %mul3A_871 = arith.muli %get3A_869, %mul3A_870 : i32
    %dma_start3A_872 = arith.constant 87 : i32
    %dma_start3A_873 = tpu.memref_slice %arg3[%dma_start3A_872, %mul3A_871] : memref<128x32768xf32, #tpu.memory_space<any>> -> memref<1x128xf32, #tpu.memory_space<any>>
    %dma_start3A_874 = arith.constant 87 : i32
    %dma_start3A_875 = arith.constant 0 : i32
    %dma_start3A_876 = tpu.memref_slice %arg1[%dma_start3A_874, %dma_start3A_875] : memref<128x128xf32, #tpu.memory_space<vmem>> -> memref<1x128xf32, #tpu.memory_space<vmem>>
    tpu.enqueue_dma source(%dma_start3A_876 : memref<1x128xf32, #tpu.memory_space<vmem>>) target(%dma_start3A_873 : memref<1x128xf32, #tpu.memory_space<any>>) target_semaphore(%arg4 : memref<!tpu.dma_semaphore, #tpu.memory_space<semaphore_mem>>)
    %get3A_877 = arith.constant 88 : index
    %get3A_878 = arith.constant 0 : index
    %get3A_879 = memref.load %arg0[%get3A_877, %get3A_878] : memref<128x128xi32, #tpu.memory_space<smem>>
    %mul3A_880 = arith.constant 128 : i32
    %mul3A_881 = arith.muli %get3A_879, %mul3A_880 : i32
    %dma_start3A_882 = arith.constant 88 : i32
    %dma_start3A_883 = tpu.memref_slice %arg3[%dma_start3A_882, %mul3A_881] : memref<128x32768xf32, #tpu.memory_space<any>> -> memref<1x128xf32, #tpu.memory_space<any>>
    %dma_start3A_884 = arith.constant 88 : i32
    %dma_start3A_885 = arith.constant 0 : i32
    %dma_start3A_886 = tpu.memref_slice %arg1[%dma_start3A_884, %dma_start3A_885] : memref<128x128xf32, #tpu.memory_space<vmem>> -> memref<1x128xf32, #tpu.memory_space<vmem>>
    tpu.enqueue_dma source(%dma_start3A_886 : memref<1x128xf32, #tpu.memory_space<vmem>>) target(%dma_start3A_883 : memref<1x128xf32, #tpu.memory_space<any>>) target_semaphore(%arg4 : memref<!tpu.dma_semaphore, #tpu.memory_space<semaphore_mem>>)
    %get3A_887 = arith.constant 89 : index
    %get3A_888 = arith.constant 0 : index
    %get3A_889 = memref.load %arg0[%get3A_887, %get3A_888] : memref<128x128xi32, #tpu.memory_space<smem>>
    %mul3A_890 = arith.constant 128 : i32
    %mul3A_891 = arith.muli %get3A_889, %mul3A_890 : i32
    %dma_start3A_892 = arith.constant 89 : i32
    %dma_start3A_893 = tpu.memref_slice %arg3[%dma_start3A_892, %mul3A_891] : memref<128x32768xf32, #tpu.memory_space<any>> -> memref<1x128xf32, #tpu.memory_space<any>>
    %dma_start3A_894 = arith.constant 89 : i32
    %dma_start3A_895 = arith.constant 0 : i32
    %dma_start3A_896 = tpu.memref_slice %arg1[%dma_start3A_894, %dma_start3A_895] : memref<128x128xf32, #tpu.memory_space<vmem>> -> memref<1x128xf32, #tpu.memory_space<vmem>>
    tpu.enqueue_dma source(%dma_start3A_896 : memref<1x128xf32, #tpu.memory_space<vmem>>) target(%dma_start3A_893 : memref<1x128xf32, #tpu.memory_space<any>>) target_semaphore(%arg4 : memref<!tpu.dma_semaphore, #tpu.memory_space<semaphore_mem>>)
    %get3A_897 = arith.constant 90 : index
    %get3A_898 = arith.constant 0 : index
    %get3A_899 = memref.load %arg0[%get3A_897, %get3A_898] : memref<128x128xi32, #tpu.memory_space<smem>>
    %mul3A_900 = arith.constant 128 : i32
    %mul3A_901 = arith.muli %get3A_899, %mul3A_900 : i32
    %dma_start3A_902 = arith.constant 90 : i32
    %dma_start3A_903 = tpu.memref_slice %arg3[%dma_start3A_902, %mul3A_901] : memref<128x32768xf32, #tpu.memory_space<any>> -> memref<1x128xf32, #tpu.memory_space<any>>
    %dma_start3A_904 = arith.constant 90 : i32
    %dma_start3A_905 = arith.constant 0 : i32
    %dma_start3A_906 = tpu.memref_slice %arg1[%dma_start3A_904, %dma_start3A_905] : memref<128x128xf32, #tpu.memory_space<vmem>> -> memref<1x128xf32, #tpu.memory_space<vmem>>
    tpu.enqueue_dma source(%dma_start3A_906 : memref<1x128xf32, #tpu.memory_space<vmem>>) target(%dma_start3A_903 : memref<1x128xf32, #tpu.memory_space<any>>) target_semaphore(%arg4 : memref<!tpu.dma_semaphore, #tpu.memory_space<semaphore_mem>>)
    %get3A_907 = arith.constant 91 : index
    %get3A_908 = arith.constant 0 : index
    %get3A_909 = memref.load %arg0[%get3A_907, %get3A_908] : memref<128x128xi32, #tpu.memory_space<smem>>
    %mul3A_910 = arith.constant 128 : i32
    %mul3A_911 = arith.muli %get3A_909, %mul3A_910 : i32
    %dma_start3A_912 = arith.constant 91 : i32
    %dma_start3A_913 = tpu.memref_slice %arg3[%dma_start3A_912, %mul3A_911] : memref<128x32768xf32, #tpu.memory_space<any>> -> memref<1x128xf32, #tpu.memory_space<any>>
    %dma_start3A_914 = arith.constant 91 : i32
    %dma_start3A_915 = arith.constant 0 : i32
    %dma_start3A_916 = tpu.memref_slice %arg1[%dma_start3A_914, %dma_start3A_915] : memref<128x128xf32, #tpu.memory_space<vmem>> -> memref<1x128xf32, #tpu.memory_space<vmem>>
    tpu.enqueue_dma source(%dma_start3A_916 : memref<1x128xf32, #tpu.memory_space<vmem>>) target(%dma_start3A_913 : memref<1x128xf32, #tpu.memory_space<any>>) target_semaphore(%arg4 : memref<!tpu.dma_semaphore, #tpu.memory_space<semaphore_mem>>)
    %get3A_917 = arith.constant 92 : index
    %get3A_918 = arith.constant 0 : index
    %get3A_919 = memref.load %arg0[%get3A_917, %get3A_918] : memref<128x128xi32, #tpu.memory_space<smem>>
    %mul3A_920 = arith.constant 128 : i32
    %mul3A_921 = arith.muli %get3A_919, %mul3A_920 : i32
    %dma_start3A_922 = arith.constant 92 : i32
    %dma_start3A_923 = tpu.memref_slice %arg3[%dma_start3A_922, %mul3A_921] : memref<128x32768xf32, #tpu.memory_space<any>> -> memref<1x128xf32, #tpu.memory_space<any>>
    %dma_start3A_924 = arith.constant 92 : i32
    %dma_start3A_925 = arith.constant 0 : i32
    %dma_start3A_926 = tpu.memref_slice %arg1[%dma_start3A_924, %dma_start3A_925] : memref<128x128xf32, #tpu.memory_space<vmem>> -> memref<1x128xf32, #tpu.memory_space<vmem>>
    tpu.enqueue_dma source(%dma_start3A_926 : memref<1x128xf32, #tpu.memory_space<vmem>>) target(%dma_start3A_923 : memref<1x128xf32, #tpu.memory_space<any>>) target_semaphore(%arg4 : memref<!tpu.dma_semaphore, #tpu.memory_space<semaphore_mem>>)
    %get3A_927 = arith.constant 93 : index
    %get3A_928 = arith.constant 0 : index
    %get3A_929 = memref.load %arg0[%get3A_927, %get3A_928] : memref<128x128xi32, #tpu.memory_space<smem>>
    %mul3A_930 = arith.constant 128 : i32
    %mul3A_931 = arith.muli %get3A_929, %mul3A_930 : i32
    %dma_start3A_932 = arith.constant 93 : i32
    %dma_start3A_933 = tpu.memref_slice %arg3[%dma_start3A_932, %mul3A_931] : memref<128x32768xf32, #tpu.memory_space<any>> -> memref<1x128xf32, #tpu.memory_space<any>>
    %dma_start3A_934 = arith.constant 93 : i32
    %dma_start3A_935 = arith.constant 0 : i32
    %dma_start3A_936 = tpu.memref_slice %arg1[%dma_start3A_934, %dma_start3A_935] : memref<128x128xf32, #tpu.memory_space<vmem>> -> memref<1x128xf32, #tpu.memory_space<vmem>>
    tpu.enqueue_dma source(%dma_start3A_936 : memref<1x128xf32, #tpu.memory_space<vmem>>) target(%dma_start3A_933 : memref<1x128xf32, #tpu.memory_space<any>>) target_semaphore(%arg4 : memref<!tpu.dma_semaphore, #tpu.memory_space<semaphore_mem>>)
    %get3A_937 = arith.constant 94 : index
    %get3A_938 = arith.constant 0 : index
    %get3A_939 = memref.load %arg0[%get3A_937, %get3A_938] : memref<128x128xi32, #tpu.memory_space<smem>>
    %mul3A_940 = arith.constant 128 : i32
    %mul3A_941 = arith.muli %get3A_939, %mul3A_940 : i32
    %dma_start3A_942 = arith.constant 94 : i32
    %dma_start3A_943 = tpu.memref_slice %arg3[%dma_start3A_942, %mul3A_941] : memref<128x32768xf32, #tpu.memory_space<any>> -> memref<1x128xf32, #tpu.memory_space<any>>
    %dma_start3A_944 = arith.constant 94 : i32
    %dma_start3A_945 = arith.constant 0 : i32
    %dma_start3A_946 = tpu.memref_slice %arg1[%dma_start3A_944, %dma_start3A_945] : memref<128x128xf32, #tpu.memory_space<vmem>> -> memref<1x128xf32, #tpu.memory_space<vmem>>
    tpu.enqueue_dma source(%dma_start3A_946 : memref<1x128xf32, #tpu.memory_space<vmem>>) target(%dma_start3A_943 : memref<1x128xf32, #tpu.memory_space<any>>) target_semaphore(%arg4 : memref<!tpu.dma_semaphore, #tpu.memory_space<semaphore_mem>>)
    %get3A_947 = arith.constant 95 : index
    %get3A_948 = arith.constant 0 : index
    %get3A_949 = memref.load %arg0[%get3A_947, %get3A_948] : memref<128x128xi32, #tpu.memory_space<smem>>
    %mul3A_950 = arith.constant 128 : i32
    %mul3A_951 = arith.muli %get3A_949, %mul3A_950 : i32
    %dma_start3A_952 = arith.constant 95 : i32
    %dma_start3A_953 = tpu.memref_slice %arg3[%dma_start3A_952, %mul3A_951] : memref<128x32768xf32, #tpu.memory_space<any>> -> memref<1x128xf32, #tpu.memory_space<any>>
    %dma_start3A_954 = arith.constant 95 : i32
    %dma_start3A_955 = arith.constant 0 : i32
    %dma_start3A_956 = tpu.memref_slice %arg1[%dma_start3A_954, %dma_start3A_955] : memref<128x128xf32, #tpu.memory_space<vmem>> -> memref<1x128xf32, #tpu.memory_space<vmem>>
    tpu.enqueue_dma source(%dma_start3A_956 : memref<1x128xf32, #tpu.memory_space<vmem>>) target(%dma_start3A_953 : memref<1x128xf32, #tpu.memory_space<any>>) target_semaphore(%arg4 : memref<!tpu.dma_semaphore, #tpu.memory_space<semaphore_mem>>)
    %get3A_957 = arith.constant 96 : index
    %get3A_958 = arith.constant 0 : index
    %get3A_959 = memref.load %arg0[%get3A_957, %get3A_958] : memref<128x128xi32, #tpu.memory_space<smem>>
    %mul3A_960 = arith.constant 128 : i32
    %mul3A_961 = arith.muli %get3A_959, %mul3A_960 : i32
    %dma_start3A_962 = arith.constant 96 : i32
    %dma_start3A_963 = tpu.memref_slice %arg3[%dma_start3A_962, %mul3A_961] : memref<128x32768xf32, #tpu.memory_space<any>> -> memref<1x128xf32, #tpu.memory_space<any>>
    %dma_start3A_964 = arith.constant 96 : i32
    %dma_start3A_965 = arith.constant 0 : i32
    %dma_start3A_966 = tpu.memref_slice %arg1[%dma_start3A_964, %dma_start3A_965] : memref<128x128xf32, #tpu.memory_space<vmem>> -> memref<1x128xf32, #tpu.memory_space<vmem>>
    tpu.enqueue_dma source(%dma_start3A_966 : memref<1x128xf32, #tpu.memory_space<vmem>>) target(%dma_start3A_963 : memref<1x128xf32, #tpu.memory_space<any>>) target_semaphore(%arg4 : memref<!tpu.dma_semaphore, #tpu.memory_space<semaphore_mem>>)
    %get3A_967 = arith.constant 97 : index
    %get3A_968 = arith.constant 0 : index
    %get3A_969 = memref.load %arg0[%get3A_967, %get3A_968] : memref<128x128xi32, #tpu.memory_space<smem>>
    %mul3A_970 = arith.constant 128 : i32
    %mul3A_971 = arith.muli %get3A_969, %mul3A_970 : i32
    %dma_start3A_972 = arith.constant 97 : i32
    %dma_start3A_973 = tpu.memref_slice %arg3[%dma_start3A_972, %mul3A_971] : memref<128x32768xf32, #tpu.memory_space<any>> -> memref<1x128xf32, #tpu.memory_space<any>>
    %dma_start3A_974 = arith.constant 97 : i32
    %dma_start3A_975 = arith.constant 0 : i32
    %dma_start3A_976 = tpu.memref_slice %arg1[%dma_start3A_974, %dma_start3A_975] : memref<128x128xf32, #tpu.memory_space<vmem>> -> memref<1x128xf32, #tpu.memory_space<vmem>>
    tpu.enqueue_dma source(%dma_start3A_976 : memref<1x128xf32, #tpu.memory_space<vmem>>) target(%dma_start3A_973 : memref<1x128xf32, #tpu.memory_space<any>>) target_semaphore(%arg4 : memref<!tpu.dma_semaphore, #tpu.memory_space<semaphore_mem>>)
    %get3A_977 = arith.constant 98 : index
    %get3A_978 = arith.constant 0 : index
    %get3A_979 = memref.load %arg0[%get3A_977, %get3A_978] : memref<128x128xi32, #tpu.memory_space<smem>>
    %mul3A_980 = arith.constant 128 : i32
    %mul3A_981 = arith.muli %get3A_979, %mul3A_980 : i32
    %dma_start3A_982 = arith.constant 98 : i32
    %dma_start3A_983 = tpu.memref_slice %arg3[%dma_start3A_982, %mul3A_981] : memref<128x32768xf32, #tpu.memory_space<any>> -> memref<1x128xf32, #tpu.memory_space<any>>
    %dma_start3A_984 = arith.constant 98 : i32
    %dma_start3A_985 = arith.constant 0 : i32
    %dma_start3A_986 = tpu.memref_slice %arg1[%dma_start3A_984, %dma_start3A_985] : memref<128x128xf32, #tpu.memory_space<vmem>> -> memref<1x128xf32, #tpu.memory_space<vmem>>
    tpu.enqueue_dma source(%dma_start3A_986 : memref<1x128xf32, #tpu.memory_space<vmem>>) target(%dma_start3A_983 : memref<1x128xf32, #tpu.memory_space<any>>) target_semaphore(%arg4 : memref<!tpu.dma_semaphore, #tpu.memory_space<semaphore_mem>>)
    %get3A_987 = arith.constant 99 : index
    %get3A_988 = arith.constant 0 : index
    %get3A_989 = memref.load %arg0[%get3A_987, %get3A_988] : memref<128x128xi32, #tpu.memory_space<smem>>
    %mul3A_990 = arith.constant 128 : i32
    %mul3A_991 = arith.muli %get3A_989, %mul3A_990 : i32
    %dma_start3A_992 = arith.constant 99 : i32
    %dma_start3A_993 = tpu.memref_slice %arg3[%dma_start3A_992, %mul3A_991] : memref<128x32768xf32, #tpu.memory_space<any>> -> memref<1x128xf32, #tpu.memory_space<any>>
    %dma_start3A_994 = arith.constant 99 : i32
    %dma_start3A_995 = arith.constant 0 : i32
    %dma_start3A_996 = tpu.memref_slice %arg1[%dma_start3A_994, %dma_start3A_995] : memref<128x128xf32, #tpu.memory_space<vmem>> -> memref<1x128xf32, #tpu.memory_space<vmem>>
    tpu.enqueue_dma source(%dma_start3A_996 : memref<1x128xf32, #tpu.memory_space<vmem>>) target(%dma_start3A_993 : memref<1x128xf32, #tpu.memory_space<any>>) target_semaphore(%arg4 : memref<!tpu.dma_semaphore, #tpu.memory_space<semaphore_mem>>)
    %get3A_997 = arith.constant 100 : index
    %get3A_998 = arith.constant 0 : index
    %get3A_999 = memref.load %arg0[%get3A_997, %get3A_998] : memref<128x128xi32, #tpu.memory_space<smem>>
    %mul3A_1000 = arith.constant 128 : i32
    %mul3A_1001 = arith.muli %get3A_999, %mul3A_1000 : i32
    %dma_start3A_1002 = arith.constant 100 : i32
    %dma_start3A_1003 = tpu.memref_slice %arg3[%dma_start3A_1002, %mul3A_1001] : memref<128x32768xf32, #tpu.memory_space<any>> -> memref<1x128xf32, #tpu.memory_space<any>>
    %dma_start3A_1004 = arith.constant 100 : i32
    %dma_start3A_1005 = arith.constant 0 : i32
    %dma_start3A_1006 = tpu.memref_slice %arg1[%dma_start3A_1004, %dma_start3A_1005] : memref<128x128xf32, #tpu.memory_space<vmem>> -> memref<1x128xf32, #tpu.memory_space<vmem>>
    tpu.enqueue_dma source(%dma_start3A_1006 : memref<1x128xf32, #tpu.memory_space<vmem>>) target(%dma_start3A_1003 : memref<1x128xf32, #tpu.memory_space<any>>) target_semaphore(%arg4 : memref<!tpu.dma_semaphore, #tpu.memory_space<semaphore_mem>>)
    %get3A_1007 = arith.constant 101 : index
    %get3A_1008 = arith.constant 0 : index
    %get3A_1009 = memref.load %arg0[%get3A_1007, %get3A_1008] : memref<128x128xi32, #tpu.memory_space<smem>>
    %mul3A_1010 = arith.constant 128 : i32
    %mul3A_1011 = arith.muli %get3A_1009, %mul3A_1010 : i32
    %dma_start3A_1012 = arith.constant 101 : i32
    %dma_start3A_1013 = tpu.memref_slice %arg3[%dma_start3A_1012, %mul3A_1011] : memref<128x32768xf32, #tpu.memory_space<any>> -> memref<1x128xf32, #tpu.memory_space<any>>
    %dma_start3A_1014 = arith.constant 101 : i32
    %dma_start3A_1015 = arith.constant 0 : i32
    %dma_start3A_1016 = tpu.memref_slice %arg1[%dma_start3A_1014, %dma_start3A_1015] : memref<128x128xf32, #tpu.memory_space<vmem>> -> memref<1x128xf32, #tpu.memory_space<vmem>>
    tpu.enqueue_dma source(%dma_start3A_1016 : memref<1x128xf32, #tpu.memory_space<vmem>>) target(%dma_start3A_1013 : memref<1x128xf32, #tpu.memory_space<any>>) target_semaphore(%arg4 : memref<!tpu.dma_semaphore, #tpu.memory_space<semaphore_mem>>)
    %get3A_1017 = arith.constant 102 : index
    %get3A_1018 = arith.constant 0 : index
    %get3A_1019 = memref.load %arg0[%get3A_1017, %get3A_1018] : memref<128x128xi32, #tpu.memory_space<smem>>
    %mul3A_1020 = arith.constant 128 : i32
    %mul3A_1021 = arith.muli %get3A_1019, %mul3A_1020 : i32
    %dma_start3A_1022 = arith.constant 102 : i32
    %dma_start3A_1023 = tpu.memref_slice %arg3[%dma_start3A_1022, %mul3A_1021] : memref<128x32768xf32, #tpu.memory_space<any>> -> memref<1x128xf32, #tpu.memory_space<any>>
    %dma_start3A_1024 = arith.constant 102 : i32
    %dma_start3A_1025 = arith.constant 0 : i32
    %dma_start3A_1026 = tpu.memref_slice %arg1[%dma_start3A_1024, %dma_start3A_1025] : memref<128x128xf32, #tpu.memory_space<vmem>> -> memref<1x128xf32, #tpu.memory_space<vmem>>
    tpu.enqueue_dma source(%dma_start3A_1026 : memref<1x128xf32, #tpu.memory_space<vmem>>) target(%dma_start3A_1023 : memref<1x128xf32, #tpu.memory_space<any>>) target_semaphore(%arg4 : memref<!tpu.dma_semaphore, #tpu.memory_space<semaphore_mem>>)
    %get3A_1027 = arith.constant 103 : index
    %get3A_1028 = arith.constant 0 : index
    %get3A_1029 = memref.load %arg0[%get3A_1027, %get3A_1028] : memref<128x128xi32, #tpu.memory_space<smem>>
    %mul3A_1030 = arith.constant 128 : i32
    %mul3A_1031 = arith.muli %get3A_1029, %mul3A_1030 : i32
    %dma_start3A_1032 = arith.constant 103 : i32
    %dma_start3A_1033 = tpu.memref_slice %arg3[%dma_start3A_1032, %mul3A_1031] : memref<128x32768xf32, #tpu.memory_space<any>> -> memref<1x128xf32, #tpu.memory_space<any>>
    %dma_start3A_1034 = arith.constant 103 : i32
    %dma_start3A_1035 = arith.constant 0 : i32
    %dma_start3A_1036 = tpu.memref_slice %arg1[%dma_start3A_1034, %dma_start3A_1035] : memref<128x128xf32, #tpu.memory_space<vmem>> -> memref<1x128xf32, #tpu.memory_space<vmem>>
    tpu.enqueue_dma source(%dma_start3A_1036 : memref<1x128xf32, #tpu.memory_space<vmem>>) target(%dma_start3A_1033 : memref<1x128xf32, #tpu.memory_space<any>>) target_semaphore(%arg4 : memref<!tpu.dma_semaphore, #tpu.memory_space<semaphore_mem>>)
    %get3A_1037 = arith.constant 104 : index
    %get3A_1038 = arith.constant 0 : index
    %get3A_1039 = memref.load %arg0[%get3A_1037, %get3A_1038] : memref<128x128xi32, #tpu.memory_space<smem>>
    %mul3A_1040 = arith.constant 128 : i32
    %mul3A_1041 = arith.muli %get3A_1039, %mul3A_1040 : i32
    %dma_start3A_1042 = arith.constant 104 : i32
    %dma_start3A_1043 = tpu.memref_slice %arg3[%dma_start3A_1042, %mul3A_1041] : memref<128x32768xf32, #tpu.memory_space<any>> -> memref<1x128xf32, #tpu.memory_space<any>>
    %dma_start3A_1044 = arith.constant 104 : i32
    %dma_start3A_1045 = arith.constant 0 : i32
    %dma_start3A_1046 = tpu.memref_slice %arg1[%dma_start3A_1044, %dma_start3A_1045] : memref<128x128xf32, #tpu.memory_space<vmem>> -> memref<1x128xf32, #tpu.memory_space<vmem>>
    tpu.enqueue_dma source(%dma_start3A_1046 : memref<1x128xf32, #tpu.memory_space<vmem>>) target(%dma_start3A_1043 : memref<1x128xf32, #tpu.memory_space<any>>) target_semaphore(%arg4 : memref<!tpu.dma_semaphore, #tpu.memory_space<semaphore_mem>>)
    %get3A_1047 = arith.constant 105 : index
    %get3A_1048 = arith.constant 0 : index
    %get3A_1049 = memref.load %arg0[%get3A_1047, %get3A_1048] : memref<128x128xi32, #tpu.memory_space<smem>>
    %mul3A_1050 = arith.constant 128 : i32
    %mul3A_1051 = arith.muli %get3A_1049, %mul3A_1050 : i32
    %dma_start3A_1052 = arith.constant 105 : i32
    %dma_start3A_1053 = tpu.memref_slice %arg3[%dma_start3A_1052, %mul3A_1051] : memref<128x32768xf32, #tpu.memory_space<any>> -> memref<1x128xf32, #tpu.memory_space<any>>
    %dma_start3A_1054 = arith.constant 105 : i32
    %dma_start3A_1055 = arith.constant 0 : i32
    %dma_start3A_1056 = tpu.memref_slice %arg1[%dma_start3A_1054, %dma_start3A_1055] : memref<128x128xf32, #tpu.memory_space<vmem>> -> memref<1x128xf32, #tpu.memory_space<vmem>>
    tpu.enqueue_dma source(%dma_start3A_1056 : memref<1x128xf32, #tpu.memory_space<vmem>>) target(%dma_start3A_1053 : memref<1x128xf32, #tpu.memory_space<any>>) target_semaphore(%arg4 : memref<!tpu.dma_semaphore, #tpu.memory_space<semaphore_mem>>)
    %get3A_1057 = arith.constant 106 : index
    %get3A_1058 = arith.constant 0 : index
    %get3A_1059 = memref.load %arg0[%get3A_1057, %get3A_1058] : memref<128x128xi32, #tpu.memory_space<smem>>
    %mul3A_1060 = arith.constant 128 : i32
    %mul3A_1061 = arith.muli %get3A_1059, %mul3A_1060 : i32
    %dma_start3A_1062 = arith.constant 106 : i32
    %dma_start3A_1063 = tpu.memref_slice %arg3[%dma_start3A_1062, %mul3A_1061] : memref<128x32768xf32, #tpu.memory_space<any>> -> memref<1x128xf32, #tpu.memory_space<any>>
    %dma_start3A_1064 = arith.constant 106 : i32
    %dma_start3A_1065 = arith.constant 0 : i32
    %dma_start3A_1066 = tpu.memref_slice %arg1[%dma_start3A_1064, %dma_start3A_1065] : memref<128x128xf32, #tpu.memory_space<vmem>> -> memref<1x128xf32, #tpu.memory_space<vmem>>
    tpu.enqueue_dma source(%dma_start3A_1066 : memref<1x128xf32, #tpu.memory_space<vmem>>) target(%dma_start3A_1063 : memref<1x128xf32, #tpu.memory_space<any>>) target_semaphore(%arg4 : memref<!tpu.dma_semaphore, #tpu.memory_space<semaphore_mem>>)
    %get3A_1067 = arith.constant 107 : index
    %get3A_1068 = arith.constant 0 : index
    %get3A_1069 = memref.load %arg0[%get3A_1067, %get3A_1068] : memref<128x128xi32, #tpu.memory_space<smem>>
    %mul3A_1070 = arith.constant 128 : i32
    %mul3A_1071 = arith.muli %get3A_1069, %mul3A_1070 : i32
    %dma_start3A_1072 = arith.constant 107 : i32
    %dma_start3A_1073 = tpu.memref_slice %arg3[%dma_start3A_1072, %mul3A_1071] : memref<128x32768xf32, #tpu.memory_space<any>> -> memref<1x128xf32, #tpu.memory_space<any>>
    %dma_start3A_1074 = arith.constant 107 : i32
    %dma_start3A_1075 = arith.constant 0 : i32
    %dma_start3A_1076 = tpu.memref_slice %arg1[%dma_start3A_1074, %dma_start3A_1075] : memref<128x128xf32, #tpu.memory_space<vmem>> -> memref<1x128xf32, #tpu.memory_space<vmem>>
    tpu.enqueue_dma source(%dma_start3A_1076 : memref<1x128xf32, #tpu.memory_space<vmem>>) target(%dma_start3A_1073 : memref<1x128xf32, #tpu.memory_space<any>>) target_semaphore(%arg4 : memref<!tpu.dma_semaphore, #tpu.memory_space<semaphore_mem>>)
    %get3A_1077 = arith.constant 108 : index
    %get3A_1078 = arith.constant 0 : index
    %get3A_1079 = memref.load %arg0[%get3A_1077, %get3A_1078] : memref<128x128xi32, #tpu.memory_space<smem>>
    %mul3A_1080 = arith.constant 128 : i32
    %mul3A_1081 = arith.muli %get3A_1079, %mul3A_1080 : i32
    %dma_start3A_1082 = arith.constant 108 : i32
    %dma_start3A_1083 = tpu.memref_slice %arg3[%dma_start3A_1082, %mul3A_1081] : memref<128x32768xf32, #tpu.memory_space<any>> -> memref<1x128xf32, #tpu.memory_space<any>>
    %dma_start3A_1084 = arith.constant 108 : i32
    %dma_start3A_1085 = arith.constant 0 : i32
    %dma_start3A_1086 = tpu.memref_slice %arg1[%dma_start3A_1084, %dma_start3A_1085] : memref<128x128xf32, #tpu.memory_space<vmem>> -> memref<1x128xf32, #tpu.memory_space<vmem>>
    tpu.enqueue_dma source(%dma_start3A_1086 : memref<1x128xf32, #tpu.memory_space<vmem>>) target(%dma_start3A_1083 : memref<1x128xf32, #tpu.memory_space<any>>) target_semaphore(%arg4 : memref<!tpu.dma_semaphore, #tpu.memory_space<semaphore_mem>>)
    %get3A_1087 = arith.constant 109 : index
    %get3A_1088 = arith.constant 0 : index
    %get3A_1089 = memref.load %arg0[%get3A_1087, %get3A_1088] : memref<128x128xi32, #tpu.memory_space<smem>>
    %mul3A_1090 = arith.constant 128 : i32
    %mul3A_1091 = arith.muli %get3A_1089, %mul3A_1090 : i32
    %dma_start3A_1092 = arith.constant 109 : i32
    %dma_start3A_1093 = tpu.memref_slice %arg3[%dma_start3A_1092, %mul3A_1091] : memref<128x32768xf32, #tpu.memory_space<any>> -> memref<1x128xf32, #tpu.memory_space<any>>
    %dma_start3A_1094 = arith.constant 109 : i32
    %dma_start3A_1095 = arith.constant 0 : i32
    %dma_start3A_1096 = tpu.memref_slice %arg1[%dma_start3A_1094, %dma_start3A_1095] : memref<128x128xf32, #tpu.memory_space<vmem>> -> memref<1x128xf32, #tpu.memory_space<vmem>>
    tpu.enqueue_dma source(%dma_start3A_1096 : memref<1x128xf32, #tpu.memory_space<vmem>>) target(%dma_start3A_1093 : memref<1x128xf32, #tpu.memory_space<any>>) target_semaphore(%arg4 : memref<!tpu.dma_semaphore, #tpu.memory_space<semaphore_mem>>)
    %get3A_1097 = arith.constant 110 : index
    %get3A_1098 = arith.constant 0 : index
    %get3A_1099 = memref.load %arg0[%get3A_1097, %get3A_1098] : memref<128x128xi32, #tpu.memory_space<smem>>
    %mul3A_1100 = arith.constant 128 : i32
    %mul3A_1101 = arith.muli %get3A_1099, %mul3A_1100 : i32
    %dma_start3A_1102 = arith.constant 110 : i32
    %dma_start3A_1103 = tpu.memref_slice %arg3[%dma_start3A_1102, %mul3A_1101] : memref<128x32768xf32, #tpu.memory_space<any>> -> memref<1x128xf32, #tpu.memory_space<any>>
    %dma_start3A_1104 = arith.constant 110 : i32
    %dma_start3A_1105 = arith.constant 0 : i32
    %dma_start3A_1106 = tpu.memref_slice %arg1[%dma_start3A_1104, %dma_start3A_1105] : memref<128x128xf32, #tpu.memory_space<vmem>> -> memref<1x128xf32, #tpu.memory_space<vmem>>
    tpu.enqueue_dma source(%dma_start3A_1106 : memref<1x128xf32, #tpu.memory_space<vmem>>) target(%dma_start3A_1103 : memref<1x128xf32, #tpu.memory_space<any>>) target_semaphore(%arg4 : memref<!tpu.dma_semaphore, #tpu.memory_space<semaphore_mem>>)
    %get3A_1107 = arith.constant 111 : index
    %get3A_1108 = arith.constant 0 : index
    %get3A_1109 = memref.load %arg0[%get3A_1107, %get3A_1108] : memref<128x128xi32, #tpu.memory_space<smem>>
    %mul3A_1110 = arith.constant 128 : i32
    %mul3A_1111 = arith.muli %get3A_1109, %mul3A_1110 : i32
    %dma_start3A_1112 = arith.constant 111 : i32
    %dma_start3A_1113 = tpu.memref_slice %arg3[%dma_start3A_1112, %mul3A_1111] : memref<128x32768xf32, #tpu.memory_space<any>> -> memref<1x128xf32, #tpu.memory_space<any>>
    %dma_start3A_1114 = arith.constant 111 : i32
    %dma_start3A_1115 = arith.constant 0 : i32
    %dma_start3A_1116 = tpu.memref_slice %arg1[%dma_start3A_1114, %dma_start3A_1115] : memref<128x128xf32, #tpu.memory_space<vmem>> -> memref<1x128xf32, #tpu.memory_space<vmem>>
    tpu.enqueue_dma source(%dma_start3A_1116 : memref<1x128xf32, #tpu.memory_space<vmem>>) target(%dma_start3A_1113 : memref<1x128xf32, #tpu.memory_space<any>>) target_semaphore(%arg4 : memref<!tpu.dma_semaphore, #tpu.memory_space<semaphore_mem>>)
    %get3A_1117 = arith.constant 112 : index
    %get3A_1118 = arith.constant 0 : index
    %get3A_1119 = memref.load %arg0[%get3A_1117, %get3A_1118] : memref<128x128xi32, #tpu.memory_space<smem>>
    %mul3A_1120 = arith.constant 128 : i32
    %mul3A_1121 = arith.muli %get3A_1119, %mul3A_1120 : i32
    %dma_start3A_1122 = arith.constant 112 : i32
    %dma_start3A_1123 = tpu.memref_slice %arg3[%dma_start3A_1122, %mul3A_1121] : memref<128x32768xf32, #tpu.memory_space<any>> -> memref<1x128xf32, #tpu.memory_space<any>>
    %dma_start3A_1124 = arith.constant 112 : i32
    %dma_start3A_1125 = arith.constant 0 : i32
    %dma_start3A_1126 = tpu.memref_slice %arg1[%dma_start3A_1124, %dma_start3A_1125] : memref<128x128xf32, #tpu.memory_space<vmem>> -> memref<1x128xf32, #tpu.memory_space<vmem>>
    tpu.enqueue_dma source(%dma_start3A_1126 : memref<1x128xf32, #tpu.memory_space<vmem>>) target(%dma_start3A_1123 : memref<1x128xf32, #tpu.memory_space<any>>) target_semaphore(%arg4 : memref<!tpu.dma_semaphore, #tpu.memory_space<semaphore_mem>>)
    %get3A_1127 = arith.constant 113 : index
    %get3A_1128 = arith.constant 0 : index
    %get3A_1129 = memref.load %arg0[%get3A_1127, %get3A_1128] : memref<128x128xi32, #tpu.memory_space<smem>>
    %mul3A_1130 = arith.constant 128 : i32
    %mul3A_1131 = arith.muli %get3A_1129, %mul3A_1130 : i32
    %dma_start3A_1132 = arith.constant 113 : i32
    %dma_start3A_1133 = tpu.memref_slice %arg3[%dma_start3A_1132, %mul3A_1131] : memref<128x32768xf32, #tpu.memory_space<any>> -> memref<1x128xf32, #tpu.memory_space<any>>
    %dma_start3A_1134 = arith.constant 113 : i32
    %dma_start3A_1135 = arith.constant 0 : i32
    %dma_start3A_1136 = tpu.memref_slice %arg1[%dma_start3A_1134, %dma_start3A_1135] : memref<128x128xf32, #tpu.memory_space<vmem>> -> memref<1x128xf32, #tpu.memory_space<vmem>>
    tpu.enqueue_dma source(%dma_start3A_1136 : memref<1x128xf32, #tpu.memory_space<vmem>>) target(%dma_start3A_1133 : memref<1x128xf32, #tpu.memory_space<any>>) target_semaphore(%arg4 : memref<!tpu.dma_semaphore, #tpu.memory_space<semaphore_mem>>)
    %get3A_1137 = arith.constant 114 : index
    %get3A_1138 = arith.constant 0 : index
    %get3A_1139 = memref.load %arg0[%get3A_1137, %get3A_1138] : memref<128x128xi32, #tpu.memory_space<smem>>
    %mul3A_1140 = arith.constant 128 : i32
    %mul3A_1141 = arith.muli %get3A_1139, %mul3A_1140 : i32
    %dma_start3A_1142 = arith.constant 114 : i32
    %dma_start3A_1143 = tpu.memref_slice %arg3[%dma_start3A_1142, %mul3A_1141] : memref<128x32768xf32, #tpu.memory_space<any>> -> memref<1x128xf32, #tpu.memory_space<any>>
    %dma_start3A_1144 = arith.constant 114 : i32
    %dma_start3A_1145 = arith.constant 0 : i32
    %dma_start3A_1146 = tpu.memref_slice %arg1[%dma_start3A_1144, %dma_start3A_1145] : memref<128x128xf32, #tpu.memory_space<vmem>> -> memref<1x128xf32, #tpu.memory_space<vmem>>
    tpu.enqueue_dma source(%dma_start3A_1146 : memref<1x128xf32, #tpu.memory_space<vmem>>) target(%dma_start3A_1143 : memref<1x128xf32, #tpu.memory_space<any>>) target_semaphore(%arg4 : memref<!tpu.dma_semaphore, #tpu.memory_space<semaphore_mem>>)
    %get3A_1147 = arith.constant 115 : index
    %get3A_1148 = arith.constant 0 : index
    %get3A_1149 = memref.load %arg0[%get3A_1147, %get3A_1148] : memref<128x128xi32, #tpu.memory_space<smem>>
    %mul3A_1150 = arith.constant 128 : i32
    %mul3A_1151 = arith.muli %get3A_1149, %mul3A_1150 : i32
    %dma_start3A_1152 = arith.constant 115 : i32
    %dma_start3A_1153 = tpu.memref_slice %arg3[%dma_start3A_1152, %mul3A_1151] : memref<128x32768xf32, #tpu.memory_space<any>> -> memref<1x128xf32, #tpu.memory_space<any>>
    %dma_start3A_1154 = arith.constant 115 : i32
    %dma_start3A_1155 = arith.constant 0 : i32
    %dma_start3A_1156 = tpu.memref_slice %arg1[%dma_start3A_1154, %dma_start3A_1155] : memref<128x128xf32, #tpu.memory_space<vmem>> -> memref<1x128xf32, #tpu.memory_space<vmem>>
    tpu.enqueue_dma source(%dma_start3A_1156 : memref<1x128xf32, #tpu.memory_space<vmem>>) target(%dma_start3A_1153 : memref<1x128xf32, #tpu.memory_space<any>>) target_semaphore(%arg4 : memref<!tpu.dma_semaphore, #tpu.memory_space<semaphore_mem>>)
    %get3A_1157 = arith.constant 116 : index
    %get3A_1158 = arith.constant 0 : index
    %get3A_1159 = memref.load %arg0[%get3A_1157, %get3A_1158] : memref<128x128xi32, #tpu.memory_space<smem>>
    %mul3A_1160 = arith.constant 128 : i32
    %mul3A_1161 = arith.muli %get3A_1159, %mul3A_1160 : i32
    %dma_start3A_1162 = arith.constant 116 : i32
    %dma_start3A_1163 = tpu.memref_slice %arg3[%dma_start3A_1162, %mul3A_1161] : memref<128x32768xf32, #tpu.memory_space<any>> -> memref<1x128xf32, #tpu.memory_space<any>>
    %dma_start3A_1164 = arith.constant 116 : i32
    %dma_start3A_1165 = arith.constant 0 : i32
    %dma_start3A_1166 = tpu.memref_slice %arg1[%dma_start3A_1164, %dma_start3A_1165] : memref<128x128xf32, #tpu.memory_space<vmem>> -> memref<1x128xf32, #tpu.memory_space<vmem>>
    tpu.enqueue_dma source(%dma_start3A_1166 : memref<1x128xf32, #tpu.memory_space<vmem>>) target(%dma_start3A_1163 : memref<1x128xf32, #tpu.memory_space<any>>) target_semaphore(%arg4 : memref<!tpu.dma_semaphore, #tpu.memory_space<semaphore_mem>>)
    %get3A_1167 = arith.constant 117 : index
    %get3A_1168 = arith.constant 0 : index
    %get3A_1169 = memref.load %arg0[%get3A_1167, %get3A_1168] : memref<128x128xi32, #tpu.memory_space<smem>>
    %mul3A_1170 = arith.constant 128 : i32
    %mul3A_1171 = arith.muli %get3A_1169, %mul3A_1170 : i32
    %dma_start3A_1172 = arith.constant 117 : i32
    %dma_start3A_1173 = tpu.memref_slice %arg3[%dma_start3A_1172, %mul3A_1171] : memref<128x32768xf32, #tpu.memory_space<any>> -> memref<1x128xf32, #tpu.memory_space<any>>
    %dma_start3A_1174 = arith.constant 117 : i32
    %dma_start3A_1175 = arith.constant 0 : i32
    %dma_start3A_1176 = tpu.memref_slice %arg1[%dma_start3A_1174, %dma_start3A_1175] : memref<128x128xf32, #tpu.memory_space<vmem>> -> memref<1x128xf32, #tpu.memory_space<vmem>>
    tpu.enqueue_dma source(%dma_start3A_1176 : memref<1x128xf32, #tpu.memory_space<vmem>>) target(%dma_start3A_1173 : memref<1x128xf32, #tpu.memory_space<any>>) target_semaphore(%arg4 : memref<!tpu.dma_semaphore, #tpu.memory_space<semaphore_mem>>)
    %get3A_1177 = arith.constant 118 : index
    %get3A_1178 = arith.constant 0 : index
    %get3A_1179 = memref.load %arg0[%get3A_1177, %get3A_1178] : memref<128x128xi32, #tpu.memory_space<smem>>
    %mul3A_1180 = arith.constant 128 : i32
    %mul3A_1181 = arith.muli %get3A_1179, %mul3A_1180 : i32
    %dma_start3A_1182 = arith.constant 118 : i32
    %dma_start3A_1183 = tpu.memref_slice %arg3[%dma_start3A_1182, %mul3A_1181] : memref<128x32768xf32, #tpu.memory_space<any>> -> memref<1x128xf32, #tpu.memory_space<any>>
    %dma_start3A_1184 = arith.constant 118 : i32
    %dma_start3A_1185 = arith.constant 0 : i32
    %dma_start3A_1186 = tpu.memref_slice %arg1[%dma_start3A_1184, %dma_start3A_1185] : memref<128x128xf32, #tpu.memory_space<vmem>> -> memref<1x128xf32, #tpu.memory_space<vmem>>
    tpu.enqueue_dma source(%dma_start3A_1186 : memref<1x128xf32, #tpu.memory_space<vmem>>) target(%dma_start3A_1183 : memref<1x128xf32, #tpu.memory_space<any>>) target_semaphore(%arg4 : memref<!tpu.dma_semaphore, #tpu.memory_space<semaphore_mem>>)
    %get3A_1187 = arith.constant 119 : index
    %get3A_1188 = arith.constant 0 : index
    %get3A_1189 = memref.load %arg0[%get3A_1187, %get3A_1188] : memref<128x128xi32, #tpu.memory_space<smem>>
    %mul3A_1190 = arith.constant 128 : i32
    %mul3A_1191 = arith.muli %get3A_1189, %mul3A_1190 : i32
    %dma_start3A_1192 = arith.constant 119 : i32
    %dma_start3A_1193 = tpu.memref_slice %arg3[%dma_start3A_1192, %mul3A_1191] : memref<128x32768xf32, #tpu.memory_space<any>> -> memref<1x128xf32, #tpu.memory_space<any>>
    %dma_start3A_1194 = arith.constant 119 : i32
    %dma_start3A_1195 = arith.constant 0 : i32
    %dma_start3A_1196 = tpu.memref_slice %arg1[%dma_start3A_1194, %dma_start3A_1195] : memref<128x128xf32, #tpu.memory_space<vmem>> -> memref<1x128xf32, #tpu.memory_space<vmem>>
    tpu.enqueue_dma source(%dma_start3A_1196 : memref<1x128xf32, #tpu.memory_space<vmem>>) target(%dma_start3A_1193 : memref<1x128xf32, #tpu.memory_space<any>>) target_semaphore(%arg4 : memref<!tpu.dma_semaphore, #tpu.memory_space<semaphore_mem>>)
    %get3A_1197 = arith.constant 120 : index
    %get3A_1198 = arith.constant 0 : index
    %get3A_1199 = memref.load %arg0[%get3A_1197, %get3A_1198] : memref<128x128xi32, #tpu.memory_space<smem>>
    %mul3A_1200 = arith.constant 128 : i32
    %mul3A_1201 = arith.muli %get3A_1199, %mul3A_1200 : i32
    %dma_start3A_1202 = arith.constant 120 : i32
    %dma_start3A_1203 = tpu.memref_slice %arg3[%dma_start3A_1202, %mul3A_1201] : memref<128x32768xf32, #tpu.memory_space<any>> -> memref<1x128xf32, #tpu.memory_space<any>>
    %dma_start3A_1204 = arith.constant 120 : i32
    %dma_start3A_1205 = arith.constant 0 : i32
    %dma_start3A_1206 = tpu.memref_slice %arg1[%dma_start3A_1204, %dma_start3A_1205] : memref<128x128xf32, #tpu.memory_space<vmem>> -> memref<1x128xf32, #tpu.memory_space<vmem>>
    tpu.enqueue_dma source(%dma_start3A_1206 : memref<1x128xf32, #tpu.memory_space<vmem>>) target(%dma_start3A_1203 : memref<1x128xf32, #tpu.memory_space<any>>) target_semaphore(%arg4 : memref<!tpu.dma_semaphore, #tpu.memory_space<semaphore_mem>>)
    %get3A_1207 = arith.constant 121 : index
    %get3A_1208 = arith.constant 0 : index
    %get3A_1209 = memref.load %arg0[%get3A_1207, %get3A_1208] : memref<128x128xi32, #tpu.memory_space<smem>>
    %mul3A_1210 = arith.constant 128 : i32
    %mul3A_1211 = arith.muli %get3A_1209, %mul3A_1210 : i32
    %dma_start3A_1212 = arith.constant 121 : i32
    %dma_start3A_1213 = tpu.memref_slice %arg3[%dma_start3A_1212, %mul3A_1211] : memref<128x32768xf32, #tpu.memory_space<any>> -> memref<1x128xf32, #tpu.memory_space<any>>
    %dma_start3A_1214 = arith.constant 121 : i32
    %dma_start3A_1215 = arith.constant 0 : i32
    %dma_start3A_1216 = tpu.memref_slice %arg1[%dma_start3A_1214, %dma_start3A_1215] : memref<128x128xf32, #tpu.memory_space<vmem>> -> memref<1x128xf32, #tpu.memory_space<vmem>>
    tpu.enqueue_dma source(%dma_start3A_1216 : memref<1x128xf32, #tpu.memory_space<vmem>>) target(%dma_start3A_1213 : memref<1x128xf32, #tpu.memory_space<any>>) target_semaphore(%arg4 : memref<!tpu.dma_semaphore, #tpu.memory_space<semaphore_mem>>)
    %get3A_1217 = arith.constant 122 : index
    %get3A_1218 = arith.constant 0 : index
    %get3A_1219 = memref.load %arg0[%get3A_1217, %get3A_1218] : memref<128x128xi32, #tpu.memory_space<smem>>
    %mul3A_1220 = arith.constant 128 : i32
    %mul3A_1221 = arith.muli %get3A_1219, %mul3A_1220 : i32
    %dma_start3A_1222 = arith.constant 122 : i32
    %dma_start3A_1223 = tpu.memref_slice %arg3[%dma_start3A_1222, %mul3A_1221] : memref<128x32768xf32, #tpu.memory_space<any>> -> memref<1x128xf32, #tpu.memory_space<any>>
    %dma_start3A_1224 = arith.constant 122 : i32
    %dma_start3A_1225 = arith.constant 0 : i32
    %dma_start3A_1226 = tpu.memref_slice %arg1[%dma_start3A_1224, %dma_start3A_1225] : memref<128x128xf32, #tpu.memory_space<vmem>> -> memref<1x128xf32, #tpu.memory_space<vmem>>
    tpu.enqueue_dma source(%dma_start3A_1226 : memref<1x128xf32, #tpu.memory_space<vmem>>) target(%dma_start3A_1223 : memref<1x128xf32, #tpu.memory_space<any>>) target_semaphore(%arg4 : memref<!tpu.dma_semaphore, #tpu.memory_space<semaphore_mem>>)
    %get3A_1227 = arith.constant 123 : index
    %get3A_1228 = arith.constant 0 : index
    %get3A_1229 = memref.load %arg0[%get3A_1227, %get3A_1228] : memref<128x128xi32, #tpu.memory_space<smem>>
    %mul3A_1230 = arith.constant 128 : i32
    %mul3A_1231 = arith.muli %get3A_1229, %mul3A_1230 : i32
    %dma_start3A_1232 = arith.constant 123 : i32
    %dma_start3A_1233 = tpu.memref_slice %arg3[%dma_start3A_1232, %mul3A_1231] : memref<128x32768xf32, #tpu.memory_space<any>> -> memref<1x128xf32, #tpu.memory_space<any>>
    %dma_start3A_1234 = arith.constant 123 : i32
    %dma_start3A_1235 = arith.constant 0 : i32
    %dma_start3A_1236 = tpu.memref_slice %arg1[%dma_start3A_1234, %dma_start3A_1235] : memref<128x128xf32, #tpu.memory_space<vmem>> -> memref<1x128xf32, #tpu.memory_space<vmem>>
    tpu.enqueue_dma source(%dma_start3A_1236 : memref<1x128xf32, #tpu.memory_space<vmem>>) target(%dma_start3A_1233 : memref<1x128xf32, #tpu.memory_space<any>>) target_semaphore(%arg4 : memref<!tpu.dma_semaphore, #tpu.memory_space<semaphore_mem>>)
    %get3A_1237 = arith.constant 124 : index
    %get3A_1238 = arith.constant 0 : index
    %get3A_1239 = memref.load %arg0[%get3A_1237, %get3A_1238] : memref<128x128xi32, #tpu.memory_space<smem>>
    %mul3A_1240 = arith.constant 128 : i32
    %mul3A_1241 = arith.muli %get3A_1239, %mul3A_1240 : i32
    %dma_start3A_1242 = arith.constant 124 : i32
    %dma_start3A_1243 = tpu.memref_slice %arg3[%dma_start3A_1242, %mul3A_1241] : memref<128x32768xf32, #tpu.memory_space<any>> -> memref<1x128xf32, #tpu.memory_space<any>>
    %dma_start3A_1244 = arith.constant 124 : i32
    %dma_start3A_1245 = arith.constant 0 : i32
    %dma_start3A_1246 = tpu.memref_slice %arg1[%dma_start3A_1244, %dma_start3A_1245] : memref<128x128xf32, #tpu.memory_space<vmem>> -> memref<1x128xf32, #tpu.memory_space<vmem>>
    tpu.enqueue_dma source(%dma_start3A_1246 : memref<1x128xf32, #tpu.memory_space<vmem>>) target(%dma_start3A_1243 : memref<1x128xf32, #tpu.memory_space<any>>) target_semaphore(%arg4 : memref<!tpu.dma_semaphore, #tpu.memory_space<semaphore_mem>>)
    %get3A_1247 = arith.constant 125 : index
    %get3A_1248 = arith.constant 0 : index
    %get3A_1249 = memref.load %arg0[%get3A_1247, %get3A_1248] : memref<128x128xi32, #tpu.memory_space<smem>>
    %mul3A_1250 = arith.constant 128 : i32
    %mul3A_1251 = arith.muli %get3A_1249, %mul3A_1250 : i32
    %dma_start3A_1252 = arith.constant 125 : i32
    %dma_start3A_1253 = tpu.memref_slice %arg3[%dma_start3A_1252, %mul3A_1251] : memref<128x32768xf32, #tpu.memory_space<any>> -> memref<1x128xf32, #tpu.memory_space<any>>
    %dma_start3A_1254 = arith.constant 125 : i32
    %dma_start3A_1255 = arith.constant 0 : i32
    %dma_start3A_1256 = tpu.memref_slice %arg1[%dma_start3A_1254, %dma_start3A_1255] : memref<128x128xf32, #tpu.memory_space<vmem>> -> memref<1x128xf32, #tpu.memory_space<vmem>>
    tpu.enqueue_dma source(%dma_start3A_1256 : memref<1x128xf32, #tpu.memory_space<vmem>>) target(%dma_start3A_1253 : memref<1x128xf32, #tpu.memory_space<any>>) target_semaphore(%arg4 : memref<!tpu.dma_semaphore, #tpu.memory_space<semaphore_mem>>)
    %get3A_1257 = arith.constant 126 : index
    %get3A_1258 = arith.constant 0 : index
    %get3A_1259 = memref.load %arg0[%get3A_1257, %get3A_1258] : memref<128x128xi32, #tpu.memory_space<smem>>
    %mul3A_1260 = arith.constant 128 : i32
    %mul3A_1261 = arith.muli %get3A_1259, %mul3A_1260 : i32
    %dma_start3A_1262 = arith.constant 126 : i32
    %dma_start3A_1263 = tpu.memref_slice %arg3[%dma_start3A_1262, %mul3A_1261] : memref<128x32768xf32, #tpu.memory_space<any>> -> memref<1x128xf32, #tpu.memory_space<any>>
    %dma_start3A_1264 = arith.constant 126 : i32
    %dma_start3A_1265 = arith.constant 0 : i32
    %dma_start3A_1266 = tpu.memref_slice %arg1[%dma_start3A_1264, %dma_start3A_1265] : memref<128x128xf32, #tpu.memory_space<vmem>> -> memref<1x128xf32, #tpu.memory_space<vmem>>
    tpu.enqueue_dma source(%dma_start3A_1266 : memref<1x128xf32, #tpu.memory_space<vmem>>) target(%dma_start3A_1263 : memref<1x128xf32, #tpu.memory_space<any>>) target_semaphore(%arg4 : memref<!tpu.dma_semaphore, #tpu.memory_space<semaphore_mem>>)
    %get3A_1267 = arith.constant 127 : index
    %get3A_1268 = arith.constant 0 : index
    %get3A_1269 = memref.load %arg0[%get3A_1267, %get3A_1268] : memref<128x128xi32, #tpu.memory_space<smem>>
    %mul3A_1270 = arith.constant 128 : i32
    %mul3A_1271 = arith.muli %get3A_1269, %mul3A_1270 : i32
    %dma_start3A_1272 = arith.constant 127 : i32
    %dma_start3A_1273 = tpu.memref_slice %arg3[%dma_start3A_1272, %mul3A_1271] : memref<128x32768xf32, #tpu.memory_space<any>> -> memref<1x128xf32, #tpu.memory_space<any>>
    %dma_start3A_1274 = arith.constant 127 : i32
    %dma_start3A_1275 = arith.constant 0 : i32
    %dma_start3A_1276 = tpu.memref_slice %arg1[%dma_start3A_1274, %dma_start3A_1275] : memref<128x128xf32, #tpu.memory_space<vmem>> -> memref<1x128xf32, #tpu.memory_space<vmem>>
    tpu.enqueue_dma source(%dma_start3A_1276 : memref<1x128xf32, #tpu.memory_space<vmem>>) target(%dma_start3A_1273 : memref<1x128xf32, #tpu.memory_space<any>>) target_semaphore(%arg4 : memref<!tpu.dma_semaphore, #tpu.memory_space<semaphore_mem>>)
    %dma_wait3A = arith.constant 0 : i32
    %dma_wait3A_1277 = tpu.memref_slice %arg3[%dma_wait3A, %mul3A_2] : memref<128x32768xf32, #tpu.memory_space<any>> -> memref<1x128xf32, #tpu.memory_space<any>>
    %dma_wait3A_1278 = arith.constant 0 : i32
    %dma_wait3A_1279 = arith.constant 0 : i32
    %dma_wait3A_1280 = tpu.memref_slice %arg1[%dma_wait3A_1278, %dma_wait3A_1279] : memref<128x128xf32, #tpu.memory_space<vmem>> -> memref<1x128xf32, #tpu.memory_space<vmem>>
    tpu.wait_dma2 semaphore(%arg4 : memref<!tpu.dma_semaphore, #tpu.memory_space<semaphore_mem>>) src(%dma_wait3A_1280 : memref<1x128xf32, #tpu.memory_space<vmem>>) dst(%dma_wait3A_1277 : memref<1x128xf32, #tpu.memory_space<any>>)
    %dma_wait3A_1281 = arith.constant 1 : i32
    %dma_wait3A_1282 = tpu.memref_slice %arg3[%dma_wait3A_1281, %mul3A_11] : memref<128x32768xf32, #tpu.memory_space<any>> -> memref<1x128xf32, #tpu.memory_space<any>>
    %dma_wait3A_1283 = arith.constant 1 : i32
    %dma_wait3A_1284 = arith.constant 0 : i32
    %dma_wait3A_1285 = tpu.memref_slice %arg1[%dma_wait3A_1283, %dma_wait3A_1284] : memref<128x128xf32, #tpu.memory_space<vmem>> -> memref<1x128xf32, #tpu.memory_space<vmem>>
    tpu.wait_dma2 semaphore(%arg4 : memref<!tpu.dma_semaphore, #tpu.memory_space<semaphore_mem>>) src(%dma_wait3A_1285 : memref<1x128xf32, #tpu.memory_space<vmem>>) dst(%dma_wait3A_1282 : memref<1x128xf32, #tpu.memory_space<any>>)
    %dma_wait3A_1286 = arith.constant 2 : i32
    %dma_wait3A_1287 = tpu.memref_slice %arg3[%dma_wait3A_1286, %mul3A_21] : memref<128x32768xf32, #tpu.memory_space<any>> -> memref<1x128xf32, #tpu.memory_space<any>>
    %dma_wait3A_1288 = arith.constant 2 : i32
    %dma_wait3A_1289 = arith.constant 0 : i32
    %dma_wait3A_1290 = tpu.memref_slice %arg1[%dma_wait3A_1288, %dma_wait3A_1289] : memref<128x128xf32, #tpu.memory_space<vmem>> -> memref<1x128xf32, #tpu.memory_space<vmem>>
    tpu.wait_dma2 semaphore(%arg4 : memref<!tpu.dma_semaphore, #tpu.memory_space<semaphore_mem>>) src(%dma_wait3A_1290 : memref<1x128xf32, #tpu.memory_space<vmem>>) dst(%dma_wait3A_1287 : memref<1x128xf32, #tpu.memory_space<any>>)
    %dma_wait3A_1291 = arith.constant 3 : i32
    %dma_wait3A_1292 = tpu.memref_slice %arg3[%dma_wait3A_1291, %mul3A_31] : memref<128x32768xf32, #tpu.memory_space<any>> -> memref<1x128xf32, #tpu.memory_space<any>>
    %dma_wait3A_1293 = arith.constant 3 : i32
    %dma_wait3A_1294 = arith.constant 0 : i32
    %dma_wait3A_1295 = tpu.memref_slice %arg1[%dma_wait3A_1293, %dma_wait3A_1294] : memref<128x128xf32, #tpu.memory_space<vmem>> -> memref<1x128xf32, #tpu.memory_space<vmem>>
    tpu.wait_dma2 semaphore(%arg4 : memref<!tpu.dma_semaphore, #tpu.memory_space<semaphore_mem>>) src(%dma_wait3A_1295 : memref<1x128xf32, #tpu.memory_space<vmem>>) dst(%dma_wait3A_1292 : memref<1x128xf32, #tpu.memory_space<any>>)
    %dma_wait3A_1296 = arith.constant 4 : i32
    %dma_wait3A_1297 = tpu.memref_slice %arg3[%dma_wait3A_1296, %mul3A_41] : memref<128x32768xf32, #tpu.memory_space<any>> -> memref<1x128xf32, #tpu.memory_space<any>>
    %dma_wait3A_1298 = arith.constant 4 : i32
    %dma_wait3A_1299 = arith.constant 0 : i32
    %dma_wait3A_1300 = tpu.memref_slice %arg1[%dma_wait3A_1298, %dma_wait3A_1299] : memref<128x128xf32, #tpu.memory_space<vmem>> -> memref<1x128xf32, #tpu.memory_space<vmem>>
    tpu.wait_dma2 semaphore(%arg4 : memref<!tpu.dma_semaphore, #tpu.memory_space<semaphore_mem>>) src(%dma_wait3A_1300 : memref<1x128xf32, #tpu.memory_space<vmem>>) dst(%dma_wait3A_1297 : memref<1x128xf32, #tpu.memory_space<any>>)
    %dma_wait3A_1301 = arith.constant 5 : i32
    %dma_wait3A_1302 = tpu.memref_slice %arg3[%dma_wait3A_1301, %mul3A_51] : memref<128x32768xf32, #tpu.memory_space<any>> -> memref<1x128xf32, #tpu.memory_space<any>>
    %dma_wait3A_1303 = arith.constant 5 : i32
    %dma_wait3A_1304 = arith.constant 0 : i32
    %dma_wait3A_1305 = tpu.memref_slice %arg1[%dma_wait3A_1303, %dma_wait3A_1304] : memref<128x128xf32, #tpu.memory_space<vmem>> -> memref<1x128xf32, #tpu.memory_space<vmem>>
    tpu.wait_dma2 semaphore(%arg4 : memref<!tpu.dma_semaphore, #tpu.memory_space<semaphore_mem>>) src(%dma_wait3A_1305 : memref<1x128xf32, #tpu.memory_space<vmem>>) dst(%dma_wait3A_1302 : memref<1x128xf32, #tpu.memory_space<any>>)
    %dma_wait3A_1306 = arith.constant 6 : i32
    %dma_wait3A_1307 = tpu.memref_slice %arg3[%dma_wait3A_1306, %mul3A_61] : memref<128x32768xf32, #tpu.memory_space<any>> -> memref<1x128xf32, #tpu.memory_space<any>>
    %dma_wait3A_1308 = arith.constant 6 : i32
    %dma_wait3A_1309 = arith.constant 0 : i32
    %dma_wait3A_1310 = tpu.memref_slice %arg1[%dma_wait3A_1308, %dma_wait3A_1309] : memref<128x128xf32, #tpu.memory_space<vmem>> -> memref<1x128xf32, #tpu.memory_space<vmem>>
    tpu.wait_dma2 semaphore(%arg4 : memref<!tpu.dma_semaphore, #tpu.memory_space<semaphore_mem>>) src(%dma_wait3A_1310 : memref<1x128xf32, #tpu.memory_space<vmem>>) dst(%dma_wait3A_1307 : memref<1x128xf32, #tpu.memory_space<any>>)
    %dma_wait3A_1311 = arith.constant 7 : i32
    %dma_wait3A_1312 = tpu.memref_slice %arg3[%dma_wait3A_1311, %mul3A_71] : memref<128x32768xf32, #tpu.memory_space<any>> -> memref<1x128xf32, #tpu.memory_space<any>>
    %dma_wait3A_1313 = arith.constant 7 : i32
    %dma_wait3A_1314 = arith.constant 0 : i32
    %dma_wait3A_1315 = tpu.memref_slice %arg1[%dma_wait3A_1313, %dma_wait3A_1314] : memref<128x128xf32, #tpu.memory_space<vmem>> -> memref<1x128xf32, #tpu.memory_space<vmem>>
    tpu.wait_dma2 semaphore(%arg4 : memref<!tpu.dma_semaphore, #tpu.memory_space<semaphore_mem>>) src(%dma_wait3A_1315 : memref<1x128xf32, #tpu.memory_space<vmem>>) dst(%dma_wait3A_1312 : memref<1x128xf32, #tpu.memory_space<any>>)
    %dma_wait3A_1316 = arith.constant 8 : i32
    %dma_wait3A_1317 = tpu.memref_slice %arg3[%dma_wait3A_1316, %mul3A_81] : memref<128x32768xf32, #tpu.memory_space<any>> -> memref<1x128xf32, #tpu.memory_space<any>>
    %dma_wait3A_1318 = arith.constant 8 : i32
    %dma_wait3A_1319 = arith.constant 0 : i32
    %dma_wait3A_1320 = tpu.memref_slice %arg1[%dma_wait3A_1318, %dma_wait3A_1319] : memref<128x128xf32, #tpu.memory_space<vmem>> -> memref<1x128xf32, #tpu.memory_space<vmem>>
    tpu.wait_dma2 semaphore(%arg4 : memref<!tpu.dma_semaphore, #tpu.memory_space<semaphore_mem>>) src(%dma_wait3A_1320 : memref<1x128xf32, #tpu.memory_space<vmem>>) dst(%dma_wait3A_1317 : memref<1x128xf32, #tpu.memory_space<any>>)
    %dma_wait3A_1321 = arith.constant 9 : i32
    %dma_wait3A_1322 = tpu.memref_slice %arg3[%dma_wait3A_1321, %mul3A_91] : memref<128x32768xf32, #tpu.memory_space<any>> -> memref<1x128xf32, #tpu.memory_space<any>>
    %dma_wait3A_1323 = arith.constant 9 : i32
    %dma_wait3A_1324 = arith.constant 0 : i32
    %dma_wait3A_1325 = tpu.memref_slice %arg1[%dma_wait3A_1323, %dma_wait3A_1324] : memref<128x128xf32, #tpu.memory_space<vmem>> -> memref<1x128xf32, #tpu.memory_space<vmem>>
    tpu.wait_dma2 semaphore(%arg4 : memref<!tpu.dma_semaphore, #tpu.memory_space<semaphore_mem>>) src(%dma_wait3A_1325 : memref<1x128xf32, #tpu.memory_space<vmem>>) dst(%dma_wait3A_1322 : memref<1x128xf32, #tpu.memory_space<any>>)
    %dma_wait3A_1326 = arith.constant 10 : i32
    %dma_wait3A_1327 = tpu.memref_slice %arg3[%dma_wait3A_1326, %mul3A_101] : memref<128x32768xf32, #tpu.memory_space<any>> -> memref<1x128xf32, #tpu.memory_space<any>>
    %dma_wait3A_1328 = arith.constant 10 : i32
    %dma_wait3A_1329 = arith.constant 0 : i32
    %dma_wait3A_1330 = tpu.memref_slice %arg1[%dma_wait3A_1328, %dma_wait3A_1329] : memref<128x128xf32, #tpu.memory_space<vmem>> -> memref<1x128xf32, #tpu.memory_space<vmem>>
    tpu.wait_dma2 semaphore(%arg4 : memref<!tpu.dma_semaphore, #tpu.memory_space<semaphore_mem>>) src(%dma_wait3A_1330 : memref<1x128xf32, #tpu.memory_space<vmem>>) dst(%dma_wait3A_1327 : memref<1x128xf32, #tpu.memory_space<any>>)
    %dma_wait3A_1331 = arith.constant 11 : i32
    %dma_wait3A_1332 = tpu.memref_slice %arg3[%dma_wait3A_1331, %mul3A_111] : memref<128x32768xf32, #tpu.memory_space<any>> -> memref<1x128xf32, #tpu.memory_space<any>>
    %dma_wait3A_1333 = arith.constant 11 : i32
    %dma_wait3A_1334 = arith.constant 0 : i32
    %dma_wait3A_1335 = tpu.memref_slice %arg1[%dma_wait3A_1333, %dma_wait3A_1334] : memref<128x128xf32, #tpu.memory_space<vmem>> -> memref<1x128xf32, #tpu.memory_space<vmem>>
    tpu.wait_dma2 semaphore(%arg4 : memref<!tpu.dma_semaphore, #tpu.memory_space<semaphore_mem>>) src(%dma_wait3A_1335 : memref<1x128xf32, #tpu.memory_space<vmem>>) dst(%dma_wait3A_1332 : memref<1x128xf32, #tpu.memory_space<any>>)
    %dma_wait3A_1336 = arith.constant 12 : i32
    %dma_wait3A_1337 = tpu.memref_slice %arg3[%dma_wait3A_1336, %mul3A_121] : memref<128x32768xf32, #tpu.memory_space<any>> -> memref<1x128xf32, #tpu.memory_space<any>>
    %dma_wait3A_1338 = arith.constant 12 : i32
    %dma_wait3A_1339 = arith.constant 0 : i32
    %dma_wait3A_1340 = tpu.memref_slice %arg1[%dma_wait3A_1338, %dma_wait3A_1339] : memref<128x128xf32, #tpu.memory_space<vmem>> -> memref<1x128xf32, #tpu.memory_space<vmem>>
    tpu.wait_dma2 semaphore(%arg4 : memref<!tpu.dma_semaphore, #tpu.memory_space<semaphore_mem>>) src(%dma_wait3A_1340 : memref<1x128xf32, #tpu.memory_space<vmem>>) dst(%dma_wait3A_1337 : memref<1x128xf32, #tpu.memory_space<any>>)
    %dma_wait3A_1341 = arith.constant 13 : i32
    %dma_wait3A_1342 = tpu.memref_slice %arg3[%dma_wait3A_1341, %mul3A_131] : memref<128x32768xf32, #tpu.memory_space<any>> -> memref<1x128xf32, #tpu.memory_space<any>>
    %dma_wait3A_1343 = arith.constant 13 : i32
    %dma_wait3A_1344 = arith.constant 0 : i32
    %dma_wait3A_1345 = tpu.memref_slice %arg1[%dma_wait3A_1343, %dma_wait3A_1344] : memref<128x128xf32, #tpu.memory_space<vmem>> -> memref<1x128xf32, #tpu.memory_space<vmem>>
    tpu.wait_dma2 semaphore(%arg4 : memref<!tpu.dma_semaphore, #tpu.memory_space<semaphore_mem>>) src(%dma_wait3A_1345 : memref<1x128xf32, #tpu.memory_space<vmem>>) dst(%dma_wait3A_1342 : memref<1x128xf32, #tpu.memory_space<any>>)
    %dma_wait3A_1346 = arith.constant 14 : i32
    %dma_wait3A_1347 = tpu.memref_slice %arg3[%dma_wait3A_1346, %mul3A_141] : memref<128x32768xf32, #tpu.memory_space<any>> -> memref<1x128xf32, #tpu.memory_space<any>>
    %dma_wait3A_1348 = arith.constant 14 : i32
    %dma_wait3A_1349 = arith.constant 0 : i32
    %dma_wait3A_1350 = tpu.memref_slice %arg1[%dma_wait3A_1348, %dma_wait3A_1349] : memref<128x128xf32, #tpu.memory_space<vmem>> -> memref<1x128xf32, #tpu.memory_space<vmem>>
    tpu.wait_dma2 semaphore(%arg4 : memref<!tpu.dma_semaphore, #tpu.memory_space<semaphore_mem>>) src(%dma_wait3A_1350 : memref<1x128xf32, #tpu.memory_space<vmem>>) dst(%dma_wait3A_1347 : memref<1x128xf32, #tpu.memory_space<any>>)
    %dma_wait3A_1351 = arith.constant 15 : i32
    %dma_wait3A_1352 = tpu.memref_slice %arg3[%dma_wait3A_1351, %mul3A_151] : memref<128x32768xf32, #tpu.memory_space<any>> -> memref<1x128xf32, #tpu.memory_space<any>>
    %dma_wait3A_1353 = arith.constant 15 : i32
    %dma_wait3A_1354 = arith.constant 0 : i32
    %dma_wait3A_1355 = tpu.memref_slice %arg1[%dma_wait3A_1353, %dma_wait3A_1354] : memref<128x128xf32, #tpu.memory_space<vmem>> -> memref<1x128xf32, #tpu.memory_space<vmem>>
    tpu.wait_dma2 semaphore(%arg4 : memref<!tpu.dma_semaphore, #tpu.memory_space<semaphore_mem>>) src(%dma_wait3A_1355 : memref<1x128xf32, #tpu.memory_space<vmem>>) dst(%dma_wait3A_1352 : memref<1x128xf32, #tpu.memory_space<any>>)
    %dma_wait3A_1356 = arith.constant 16 : i32
    %dma_wait3A_1357 = tpu.memref_slice %arg3[%dma_wait3A_1356, %mul3A_161] : memref<128x32768xf32, #tpu.memory_space<any>> -> memref<1x128xf32, #tpu.memory_space<any>>
    %dma_wait3A_1358 = arith.constant 16 : i32
    %dma_wait3A_1359 = arith.constant 0 : i32
    %dma_wait3A_1360 = tpu.memref_slice %arg1[%dma_wait3A_1358, %dma_wait3A_1359] : memref<128x128xf32, #tpu.memory_space<vmem>> -> memref<1x128xf32, #tpu.memory_space<vmem>>
    tpu.wait_dma2 semaphore(%arg4 : memref<!tpu.dma_semaphore, #tpu.memory_space<semaphore_mem>>) src(%dma_wait3A_1360 : memref<1x128xf32, #tpu.memory_space<vmem>>) dst(%dma_wait3A_1357 : memref<1x128xf32, #tpu.memory_space<any>>)
    %dma_wait3A_1361 = arith.constant 17 : i32
    %dma_wait3A_1362 = tpu.memref_slice %arg3[%dma_wait3A_1361, %mul3A_171] : memref<128x32768xf32, #tpu.memory_space<any>> -> memref<1x128xf32, #tpu.memory_space<any>>
    %dma_wait3A_1363 = arith.constant 17 : i32
    %dma_wait3A_1364 = arith.constant 0 : i32
    %dma_wait3A_1365 = tpu.memref_slice %arg1[%dma_wait3A_1363, %dma_wait3A_1364] : memref<128x128xf32, #tpu.memory_space<vmem>> -> memref<1x128xf32, #tpu.memory_space<vmem>>
    tpu.wait_dma2 semaphore(%arg4 : memref<!tpu.dma_semaphore, #tpu.memory_space<semaphore_mem>>) src(%dma_wait3A_1365 : memref<1x128xf32, #tpu.memory_space<vmem>>) dst(%dma_wait3A_1362 : memref<1x128xf32, #tpu.memory_space<any>>)
    %dma_wait3A_1366 = arith.constant 18 : i32
    %dma_wait3A_1367 = tpu.memref_slice %arg3[%dma_wait3A_1366, %mul3A_181] : memref<128x32768xf32, #tpu.memory_space<any>> -> memref<1x128xf32, #tpu.memory_space<any>>
    %dma_wait3A_1368 = arith.constant 18 : i32
    %dma_wait3A_1369 = arith.constant 0 : i32
    %dma_wait3A_1370 = tpu.memref_slice %arg1[%dma_wait3A_1368, %dma_wait3A_1369] : memref<128x128xf32, #tpu.memory_space<vmem>> -> memref<1x128xf32, #tpu.memory_space<vmem>>
    tpu.wait_dma2 semaphore(%arg4 : memref<!tpu.dma_semaphore, #tpu.memory_space<semaphore_mem>>) src(%dma_wait3A_1370 : memref<1x128xf32, #tpu.memory_space<vmem>>) dst(%dma_wait3A_1367 : memref<1x128xf32, #tpu.memory_space<any>>)
    %dma_wait3A_1371 = arith.constant 19 : i32
    %dma_wait3A_1372 = tpu.memref_slice %arg3[%dma_wait3A_1371, %mul3A_191] : memref<128x32768xf32, #tpu.memory_space<any>> -> memref<1x128xf32, #tpu.memory_space<any>>
    %dma_wait3A_1373 = arith.constant 19 : i32
    %dma_wait3A_1374 = arith.constant 0 : i32
    %dma_wait3A_1375 = tpu.memref_slice %arg1[%dma_wait3A_1373, %dma_wait3A_1374] : memref<128x128xf32, #tpu.memory_space<vmem>> -> memref<1x128xf32, #tpu.memory_space<vmem>>
    tpu.wait_dma2 semaphore(%arg4 : memref<!tpu.dma_semaphore, #tpu.memory_space<semaphore_mem>>) src(%dma_wait3A_1375 : memref<1x128xf32, #tpu.memory_space<vmem>>) dst(%dma_wait3A_1372 : memref<1x128xf32, #tpu.memory_space<any>>)
    %dma_wait3A_1376 = arith.constant 20 : i32
    %dma_wait3A_1377 = tpu.memref_slice %arg3[%dma_wait3A_1376, %mul3A_201] : memref<128x32768xf32, #tpu.memory_space<any>> -> memref<1x128xf32, #tpu.memory_space<any>>
    %dma_wait3A_1378 = arith.constant 20 : i32
    %dma_wait3A_1379 = arith.constant 0 : i32
    %dma_wait3A_1380 = tpu.memref_slice %arg1[%dma_wait3A_1378, %dma_wait3A_1379] : memref<128x128xf32, #tpu.memory_space<vmem>> -> memref<1x128xf32, #tpu.memory_space<vmem>>
    tpu.wait_dma2 semaphore(%arg4 : memref<!tpu.dma_semaphore, #tpu.memory_space<semaphore_mem>>) src(%dma_wait3A_1380 : memref<1x128xf32, #tpu.memory_space<vmem>>) dst(%dma_wait3A_1377 : memref<1x128xf32, #tpu.memory_space<any>>)
    %dma_wait3A_1381 = arith.constant 21 : i32
    %dma_wait3A_1382 = tpu.memref_slice %arg3[%dma_wait3A_1381, %mul3A_211] : memref<128x32768xf32, #tpu.memory_space<any>> -> memref<1x128xf32, #tpu.memory_space<any>>
    %dma_wait3A_1383 = arith.constant 21 : i32
    %dma_wait3A_1384 = arith.constant 0 : i32
    %dma_wait3A_1385 = tpu.memref_slice %arg1[%dma_wait3A_1383, %dma_wait3A_1384] : memref<128x128xf32, #tpu.memory_space<vmem>> -> memref<1x128xf32, #tpu.memory_space<vmem>>
    tpu.wait_dma2 semaphore(%arg4 : memref<!tpu.dma_semaphore, #tpu.memory_space<semaphore_mem>>) src(%dma_wait3A_1385 : memref<1x128xf32, #tpu.memory_space<vmem>>) dst(%dma_wait3A_1382 : memref<1x128xf32, #tpu.memory_space<any>>)
    %dma_wait3A_1386 = arith.constant 22 : i32
    %dma_wait3A_1387 = tpu.memref_slice %arg3[%dma_wait3A_1386, %mul3A_221] : memref<128x32768xf32, #tpu.memory_space<any>> -> memref<1x128xf32, #tpu.memory_space<any>>
    %dma_wait3A_1388 = arith.constant 22 : i32
    %dma_wait3A_1389 = arith.constant 0 : i32
    %dma_wait3A_1390 = tpu.memref_slice %arg1[%dma_wait3A_1388, %dma_wait3A_1389] : memref<128x128xf32, #tpu.memory_space<vmem>> -> memref<1x128xf32, #tpu.memory_space<vmem>>
    tpu.wait_dma2 semaphore(%arg4 : memref<!tpu.dma_semaphore, #tpu.memory_space<semaphore_mem>>) src(%dma_wait3A_1390 : memref<1x128xf32, #tpu.memory_space<vmem>>) dst(%dma_wait3A_1387 : memref<1x128xf32, #tpu.memory_space<any>>)
    %dma_wait3A_1391 = arith.constant 23 : i32
    %dma_wait3A_1392 = tpu.memref_slice %arg3[%dma_wait3A_1391, %mul3A_231] : memref<128x32768xf32, #tpu.memory_space<any>> -> memref<1x128xf32, #tpu.memory_space<any>>
    %dma_wait3A_1393 = arith.constant 23 : i32
    %dma_wait3A_1394 = arith.constant 0 : i32
    %dma_wait3A_1395 = tpu.memref_slice %arg1[%dma_wait3A_1393, %dma_wait3A_1394] : memref<128x128xf32, #tpu.memory_space<vmem>> -> memref<1x128xf32, #tpu.memory_space<vmem>>
    tpu.wait_dma2 semaphore(%arg4 : memref<!tpu.dma_semaphore, #tpu.memory_space<semaphore_mem>>) src(%dma_wait3A_1395 : memref<1x128xf32, #tpu.memory_space<vmem>>) dst(%dma_wait3A_1392 : memref<1x128xf32, #tpu.memory_space<any>>)
    %dma_wait3A_1396 = arith.constant 24 : i32
    %dma_wait3A_1397 = tpu.memref_slice %arg3[%dma_wait3A_1396, %mul3A_241] : memref<128x32768xf32, #tpu.memory_space<any>> -> memref<1x128xf32, #tpu.memory_space<any>>
    %dma_wait3A_1398 = arith.constant 24 : i32
    %dma_wait3A_1399 = arith.constant 0 : i32
    %dma_wait3A_1400 = tpu.memref_slice %arg1[%dma_wait3A_1398, %dma_wait3A_1399] : memref<128x128xf32, #tpu.memory_space<vmem>> -> memref<1x128xf32, #tpu.memory_space<vmem>>
    tpu.wait_dma2 semaphore(%arg4 : memref<!tpu.dma_semaphore, #tpu.memory_space<semaphore_mem>>) src(%dma_wait3A_1400 : memref<1x128xf32, #tpu.memory_space<vmem>>) dst(%dma_wait3A_1397 : memref<1x128xf32, #tpu.memory_space<any>>)
    %dma_wait3A_1401 = arith.constant 25 : i32
    %dma_wait3A_1402 = tpu.memref_slice %arg3[%dma_wait3A_1401, %mul3A_251] : memref<128x32768xf32, #tpu.memory_space<any>> -> memref<1x128xf32, #tpu.memory_space<any>>
    %dma_wait3A_1403 = arith.constant 25 : i32
    %dma_wait3A_1404 = arith.constant 0 : i32
    %dma_wait3A_1405 = tpu.memref_slice %arg1[%dma_wait3A_1403, %dma_wait3A_1404] : memref<128x128xf32, #tpu.memory_space<vmem>> -> memref<1x128xf32, #tpu.memory_space<vmem>>
    tpu.wait_dma2 semaphore(%arg4 : memref<!tpu.dma_semaphore, #tpu.memory_space<semaphore_mem>>) src(%dma_wait3A_1405 : memref<1x128xf32, #tpu.memory_space<vmem>>) dst(%dma_wait3A_1402 : memref<1x128xf32, #tpu.memory_space<any>>)
    %dma_wait3A_1406 = arith.constant 26 : i32
    %dma_wait3A_1407 = tpu.memref_slice %arg3[%dma_wait3A_1406, %mul3A_261] : memref<128x32768xf32, #tpu.memory_space<any>> -> memref<1x128xf32, #tpu.memory_space<any>>
    %dma_wait3A_1408 = arith.constant 26 : i32
    %dma_wait3A_1409 = arith.constant 0 : i32
    %dma_wait3A_1410 = tpu.memref_slice %arg1[%dma_wait3A_1408, %dma_wait3A_1409] : memref<128x128xf32, #tpu.memory_space<vmem>> -> memref<1x128xf32, #tpu.memory_space<vmem>>
    tpu.wait_dma2 semaphore(%arg4 : memref<!tpu.dma_semaphore, #tpu.memory_space<semaphore_mem>>) src(%dma_wait3A_1410 : memref<1x128xf32, #tpu.memory_space<vmem>>) dst(%dma_wait3A_1407 : memref<1x128xf32, #tpu.memory_space<any>>)
    %dma_wait3A_1411 = arith.constant 27 : i32
    %dma_wait3A_1412 = tpu.memref_slice %arg3[%dma_wait3A_1411, %mul3A_271] : memref<128x32768xf32, #tpu.memory_space<any>> -> memref<1x128xf32, #tpu.memory_space<any>>
    %dma_wait3A_1413 = arith.constant 27 : i32
    %dma_wait3A_1414 = arith.constant 0 : i32
    %dma_wait3A_1415 = tpu.memref_slice %arg1[%dma_wait3A_1413, %dma_wait3A_1414] : memref<128x128xf32, #tpu.memory_space<vmem>> -> memref<1x128xf32, #tpu.memory_space<vmem>>
    tpu.wait_dma2 semaphore(%arg4 : memref<!tpu.dma_semaphore, #tpu.memory_space<semaphore_mem>>) src(%dma_wait3A_1415 : memref<1x128xf32, #tpu.memory_space<vmem>>) dst(%dma_wait3A_1412 : memref<1x128xf32, #tpu.memory_space<any>>)
    %dma_wait3A_1416 = arith.constant 28 : i32
    %dma_wait3A_1417 = tpu.memref_slice %arg3[%dma_wait3A_1416, %mul3A_281] : memref<128x32768xf32, #tpu.memory_space<any>> -> memref<1x128xf32, #tpu.memory_space<any>>
    %dma_wait3A_1418 = arith.constant 28 : i32
    %dma_wait3A_1419 = arith.constant 0 : i32
    %dma_wait3A_1420 = tpu.memref_slice %arg1[%dma_wait3A_1418, %dma_wait3A_1419] : memref<128x128xf32, #tpu.memory_space<vmem>> -> memref<1x128xf32, #tpu.memory_space<vmem>>
    tpu.wait_dma2 semaphore(%arg4 : memref<!tpu.dma_semaphore, #tpu.memory_space<semaphore_mem>>) src(%dma_wait3A_1420 : memref<1x128xf32, #tpu.memory_space<vmem>>) dst(%dma_wait3A_1417 : memref<1x128xf32, #tpu.memory_space<any>>)
    %dma_wait3A_1421 = arith.constant 29 : i32
    %dma_wait3A_1422 = tpu.memref_slice %arg3[%dma_wait3A_1421, %mul3A_291] : memref<128x32768xf32, #tpu.memory_space<any>> -> memref<1x128xf32, #tpu.memory_space<any>>
    %dma_wait3A_1423 = arith.constant 29 : i32
    %dma_wait3A_1424 = arith.constant 0 : i32
    %dma_wait3A_1425 = tpu.memref_slice %arg1[%dma_wait3A_1423, %dma_wait3A_1424] : memref<128x128xf32, #tpu.memory_space<vmem>> -> memref<1x128xf32, #tpu.memory_space<vmem>>
    tpu.wait_dma2 semaphore(%arg4 : memref<!tpu.dma_semaphore, #tpu.memory_space<semaphore_mem>>) src(%dma_wait3A_1425 : memref<1x128xf32, #tpu.memory_space<vmem>>) dst(%dma_wait3A_1422 : memref<1x128xf32, #tpu.memory_space<any>>)
    %dma_wait3A_1426 = arith.constant 30 : i32
    %dma_wait3A_1427 = tpu.memref_slice %arg3[%dma_wait3A_1426, %mul3A_301] : memref<128x32768xf32, #tpu.memory_space<any>> -> memref<1x128xf32, #tpu.memory_space<any>>
    %dma_wait3A_1428 = arith.constant 30 : i32
    %dma_wait3A_1429 = arith.constant 0 : i32
    %dma_wait3A_1430 = tpu.memref_slice %arg1[%dma_wait3A_1428, %dma_wait3A_1429] : memref<128x128xf32, #tpu.memory_space<vmem>> -> memref<1x128xf32, #tpu.memory_space<vmem>>
    tpu.wait_dma2 semaphore(%arg4 : memref<!tpu.dma_semaphore, #tpu.memory_space<semaphore_mem>>) src(%dma_wait3A_1430 : memref<1x128xf32, #tpu.memory_space<vmem>>) dst(%dma_wait3A_1427 : memref<1x128xf32, #tpu.memory_space<any>>)
    %dma_wait3A_1431 = arith.constant 31 : i32
    %dma_wait3A_1432 = tpu.memref_slice %arg3[%dma_wait3A_1431, %mul3A_311] : memref<128x32768xf32, #tpu.memory_space<any>> -> memref<1x128xf32, #tpu.memory_space<any>>
    %dma_wait3A_1433 = arith.constant 31 : i32
    %dma_wait3A_1434 = arith.constant 0 : i32
    %dma_wait3A_1435 = tpu.memref_slice %arg1[%dma_wait3A_1433, %dma_wait3A_1434] : memref<128x128xf32, #tpu.memory_space<vmem>> -> memref<1x128xf32, #tpu.memory_space<vmem>>
    tpu.wait_dma2 semaphore(%arg4 : memref<!tpu.dma_semaphore, #tpu.memory_space<semaphore_mem>>) src(%dma_wait3A_1435 : memref<1x128xf32, #tpu.memory_space<vmem>>) dst(%dma_wait3A_1432 : memref<1x128xf32, #tpu.memory_space<any>>)
    %dma_wait3A_1436 = arith.constant 32 : i32
    %dma_wait3A_1437 = tpu.memref_slice %arg3[%dma_wait3A_1436, %mul3A_321] : memref<128x32768xf32, #tpu.memory_space<any>> -> memref<1x128xf32, #tpu.memory_space<any>>
    %dma_wait3A_1438 = arith.constant 32 : i32
    %dma_wait3A_1439 = arith.constant 0 : i32
    %dma_wait3A_1440 = tpu.memref_slice %arg1[%dma_wait3A_1438, %dma_wait3A_1439] : memref<128x128xf32, #tpu.memory_space<vmem>> -> memref<1x128xf32, #tpu.memory_space<vmem>>
    tpu.wait_dma2 semaphore(%arg4 : memref<!tpu.dma_semaphore, #tpu.memory_space<semaphore_mem>>) src(%dma_wait3A_1440 : memref<1x128xf32, #tpu.memory_space<vmem>>) dst(%dma_wait3A_1437 : memref<1x128xf32, #tpu.memory_space<any>>)
    %dma_wait3A_1441 = arith.constant 33 : i32
    %dma_wait3A_1442 = tpu.memref_slice %arg3[%dma_wait3A_1441, %mul3A_331] : memref<128x32768xf32, #tpu.memory_space<any>> -> memref<1x128xf32, #tpu.memory_space<any>>
    %dma_wait3A_1443 = arith.constant 33 : i32
    %dma_wait3A_1444 = arith.constant 0 : i32
    %dma_wait3A_1445 = tpu.memref_slice %arg1[%dma_wait3A_1443, %dma_wait3A_1444] : memref<128x128xf32, #tpu.memory_space<vmem>> -> memref<1x128xf32, #tpu.memory_space<vmem>>
    tpu.wait_dma2 semaphore(%arg4 : memref<!tpu.dma_semaphore, #tpu.memory_space<semaphore_mem>>) src(%dma_wait3A_1445 : memref<1x128xf32, #tpu.memory_space<vmem>>) dst(%dma_wait3A_1442 : memref<1x128xf32, #tpu.memory_space<any>>)
    %dma_wait3A_1446 = arith.constant 34 : i32
    %dma_wait3A_1447 = tpu.memref_slice %arg3[%dma_wait3A_1446, %mul3A_341] : memref<128x32768xf32, #tpu.memory_space<any>> -> memref<1x128xf32, #tpu.memory_space<any>>
    %dma_wait3A_1448 = arith.constant 34 : i32
    %dma_wait3A_1449 = arith.constant 0 : i32
    %dma_wait3A_1450 = tpu.memref_slice %arg1[%dma_wait3A_1448, %dma_wait3A_1449] : memref<128x128xf32, #tpu.memory_space<vmem>> -> memref<1x128xf32, #tpu.memory_space<vmem>>
    tpu.wait_dma2 semaphore(%arg4 : memref<!tpu.dma_semaphore, #tpu.memory_space<semaphore_mem>>) src(%dma_wait3A_1450 : memref<1x128xf32, #tpu.memory_space<vmem>>) dst(%dma_wait3A_1447 : memref<1x128xf32, #tpu.memory_space<any>>)
    %dma_wait3A_1451 = arith.constant 35 : i32
    %dma_wait3A_1452 = tpu.memref_slice %arg3[%dma_wait3A_1451, %mul3A_351] : memref<128x32768xf32, #tpu.memory_space<any>> -> memref<1x128xf32, #tpu.memory_space<any>>
    %dma_wait3A_1453 = arith.constant 35 : i32
    %dma_wait3A_1454 = arith.constant 0 : i32
    %dma_wait3A_1455 = tpu.memref_slice %arg1[%dma_wait3A_1453, %dma_wait3A_1454] : memref<128x128xf32, #tpu.memory_space<vmem>> -> memref<1x128xf32, #tpu.memory_space<vmem>>
    tpu.wait_dma2 semaphore(%arg4 : memref<!tpu.dma_semaphore, #tpu.memory_space<semaphore_mem>>) src(%dma_wait3A_1455 : memref<1x128xf32, #tpu.memory_space<vmem>>) dst(%dma_wait3A_1452 : memref<1x128xf32, #tpu.memory_space<any>>)
    %dma_wait3A_1456 = arith.constant 36 : i32
    %dma_wait3A_1457 = tpu.memref_slice %arg3[%dma_wait3A_1456, %mul3A_361] : memref<128x32768xf32, #tpu.memory_space<any>> -> memref<1x128xf32, #tpu.memory_space<any>>
    %dma_wait3A_1458 = arith.constant 36 : i32
    %dma_wait3A_1459 = arith.constant 0 : i32
    %dma_wait3A_1460 = tpu.memref_slice %arg1[%dma_wait3A_1458, %dma_wait3A_1459] : memref<128x128xf32, #tpu.memory_space<vmem>> -> memref<1x128xf32, #tpu.memory_space<vmem>>
    tpu.wait_dma2 semaphore(%arg4 : memref<!tpu.dma_semaphore, #tpu.memory_space<semaphore_mem>>) src(%dma_wait3A_1460 : memref<1x128xf32, #tpu.memory_space<vmem>>) dst(%dma_wait3A_1457 : memref<1x128xf32, #tpu.memory_space<any>>)
    %dma_wait3A_1461 = arith.constant 37 : i32
    %dma_wait3A_1462 = tpu.memref_slice %arg3[%dma_wait3A_1461, %mul3A_371] : memref<128x32768xf32, #tpu.memory_space<any>> -> memref<1x128xf32, #tpu.memory_space<any>>
    %dma_wait3A_1463 = arith.constant 37 : i32
    %dma_wait3A_1464 = arith.constant 0 : i32
    %dma_wait3A_1465 = tpu.memref_slice %arg1[%dma_wait3A_1463, %dma_wait3A_1464] : memref<128x128xf32, #tpu.memory_space<vmem>> -> memref<1x128xf32, #tpu.memory_space<vmem>>
    tpu.wait_dma2 semaphore(%arg4 : memref<!tpu.dma_semaphore, #tpu.memory_space<semaphore_mem>>) src(%dma_wait3A_1465 : memref<1x128xf32, #tpu.memory_space<vmem>>) dst(%dma_wait3A_1462 : memref<1x128xf32, #tpu.memory_space<any>>)
    %dma_wait3A_1466 = arith.constant 38 : i32
    %dma_wait3A_1467 = tpu.memref_slice %arg3[%dma_wait3A_1466, %mul3A_381] : memref<128x32768xf32, #tpu.memory_space<any>> -> memref<1x128xf32, #tpu.memory_space<any>>
    %dma_wait3A_1468 = arith.constant 38 : i32
    %dma_wait3A_1469 = arith.constant 0 : i32
    %dma_wait3A_1470 = tpu.memref_slice %arg1[%dma_wait3A_1468, %dma_wait3A_1469] : memref<128x128xf32, #tpu.memory_space<vmem>> -> memref<1x128xf32, #tpu.memory_space<vmem>>
    tpu.wait_dma2 semaphore(%arg4 : memref<!tpu.dma_semaphore, #tpu.memory_space<semaphore_mem>>) src(%dma_wait3A_1470 : memref<1x128xf32, #tpu.memory_space<vmem>>) dst(%dma_wait3A_1467 : memref<1x128xf32, #tpu.memory_space<any>>)
    %dma_wait3A_1471 = arith.constant 39 : i32
    %dma_wait3A_1472 = tpu.memref_slice %arg3[%dma_wait3A_1471, %mul3A_391] : memref<128x32768xf32, #tpu.memory_space<any>> -> memref<1x128xf32, #tpu.memory_space<any>>
    %dma_wait3A_1473 = arith.constant 39 : i32
    %dma_wait3A_1474 = arith.constant 0 : i32
    %dma_wait3A_1475 = tpu.memref_slice %arg1[%dma_wait3A_1473, %dma_wait3A_1474] : memref<128x128xf32, #tpu.memory_space<vmem>> -> memref<1x128xf32, #tpu.memory_space<vmem>>
    tpu.wait_dma2 semaphore(%arg4 : memref<!tpu.dma_semaphore, #tpu.memory_space<semaphore_mem>>) src(%dma_wait3A_1475 : memref<1x128xf32, #tpu.memory_space<vmem>>) dst(%dma_wait3A_1472 : memref<1x128xf32, #tpu.memory_space<any>>)
    %dma_wait3A_1476 = arith.constant 40 : i32
    %dma_wait3A_1477 = tpu.memref_slice %arg3[%dma_wait3A_1476, %mul3A_401] : memref<128x32768xf32, #tpu.memory_space<any>> -> memref<1x128xf32, #tpu.memory_space<any>>
    %dma_wait3A_1478 = arith.constant 40 : i32
    %dma_wait3A_1479 = arith.constant 0 : i32
    %dma_wait3A_1480 = tpu.memref_slice %arg1[%dma_wait3A_1478, %dma_wait3A_1479] : memref<128x128xf32, #tpu.memory_space<vmem>> -> memref<1x128xf32, #tpu.memory_space<vmem>>
    tpu.wait_dma2 semaphore(%arg4 : memref<!tpu.dma_semaphore, #tpu.memory_space<semaphore_mem>>) src(%dma_wait3A_1480 : memref<1x128xf32, #tpu.memory_space<vmem>>) dst(%dma_wait3A_1477 : memref<1x128xf32, #tpu.memory_space<any>>)
    %dma_wait3A_1481 = arith.constant 41 : i32
    %dma_wait3A_1482 = tpu.memref_slice %arg3[%dma_wait3A_1481, %mul3A_411] : memref<128x32768xf32, #tpu.memory_space<any>> -> memref<1x128xf32, #tpu.memory_space<any>>
    %dma_wait3A_1483 = arith.constant 41 : i32
    %dma_wait3A_1484 = arith.constant 0 : i32
    %dma_wait3A_1485 = tpu.memref_slice %arg1[%dma_wait3A_1483, %dma_wait3A_1484] : memref<128x128xf32, #tpu.memory_space<vmem>> -> memref<1x128xf32, #tpu.memory_space<vmem>>
    tpu.wait_dma2 semaphore(%arg4 : memref<!tpu.dma_semaphore, #tpu.memory_space<semaphore_mem>>) src(%dma_wait3A_1485 : memref<1x128xf32, #tpu.memory_space<vmem>>) dst(%dma_wait3A_1482 : memref<1x128xf32, #tpu.memory_space<any>>)
    %dma_wait3A_1486 = arith.constant 42 : i32
    %dma_wait3A_1487 = tpu.memref_slice %arg3[%dma_wait3A_1486, %mul3A_421] : memref<128x32768xf32, #tpu.memory_space<any>> -> memref<1x128xf32, #tpu.memory_space<any>>
    %dma_wait3A_1488 = arith.constant 42 : i32
    %dma_wait3A_1489 = arith.constant 0 : i32
    %dma_wait3A_1490 = tpu.memref_slice %arg1[%dma_wait3A_1488, %dma_wait3A_1489] : memref<128x128xf32, #tpu.memory_space<vmem>> -> memref<1x128xf32, #tpu.memory_space<vmem>>
    tpu.wait_dma2 semaphore(%arg4 : memref<!tpu.dma_semaphore, #tpu.memory_space<semaphore_mem>>) src(%dma_wait3A_1490 : memref<1x128xf32, #tpu.memory_space<vmem>>) dst(%dma_wait3A_1487 : memref<1x128xf32, #tpu.memory_space<any>>)
    %dma_wait3A_1491 = arith.constant 43 : i32
    %dma_wait3A_1492 = tpu.memref_slice %arg3[%dma_wait3A_1491, %mul3A_431] : memref<128x32768xf32, #tpu.memory_space<any>> -> memref<1x128xf32, #tpu.memory_space<any>>
    %dma_wait3A_1493 = arith.constant 43 : i32
    %dma_wait3A_1494 = arith.constant 0 : i32
    %dma_wait3A_1495 = tpu.memref_slice %arg1[%dma_wait3A_1493, %dma_wait3A_1494] : memref<128x128xf32, #tpu.memory_space<vmem>> -> memref<1x128xf32, #tpu.memory_space<vmem>>
    tpu.wait_dma2 semaphore(%arg4 : memref<!tpu.dma_semaphore, #tpu.memory_space<semaphore_mem>>) src(%dma_wait3A_1495 : memref<1x128xf32, #tpu.memory_space<vmem>>) dst(%dma_wait3A_1492 : memref<1x128xf32, #tpu.memory_space<any>>)
    %dma_wait3A_1496 = arith.constant 44 : i32
    %dma_wait3A_1497 = tpu.memref_slice %arg3[%dma_wait3A_1496, %mul3A_441] : memref<128x32768xf32, #tpu.memory_space<any>> -> memref<1x128xf32, #tpu.memory_space<any>>
    %dma_wait3A_1498 = arith.constant 44 : i32
    %dma_wait3A_1499 = arith.constant 0 : i32
    %dma_wait3A_1500 = tpu.memref_slice %arg1[%dma_wait3A_1498, %dma_wait3A_1499] : memref<128x128xf32, #tpu.memory_space<vmem>> -> memref<1x128xf32, #tpu.memory_space<vmem>>
    tpu.wait_dma2 semaphore(%arg4 : memref<!tpu.dma_semaphore, #tpu.memory_space<semaphore_mem>>) src(%dma_wait3A_1500 : memref<1x128xf32, #tpu.memory_space<vmem>>) dst(%dma_wait3A_1497 : memref<1x128xf32, #tpu.memory_space<any>>)
    %dma_wait3A_1501 = arith.constant 45 : i32
    %dma_wait3A_1502 = tpu.memref_slice %arg3[%dma_wait3A_1501, %mul3A_451] : memref<128x32768xf32, #tpu.memory_space<any>> -> memref<1x128xf32, #tpu.memory_space<any>>
    %dma_wait3A_1503 = arith.constant 45 : i32
    %dma_wait3A_1504 = arith.constant 0 : i32
    %dma_wait3A_1505 = tpu.memref_slice %arg1[%dma_wait3A_1503, %dma_wait3A_1504] : memref<128x128xf32, #tpu.memory_space<vmem>> -> memref<1x128xf32, #tpu.memory_space<vmem>>
    tpu.wait_dma2 semaphore(%arg4 : memref<!tpu.dma_semaphore, #tpu.memory_space<semaphore_mem>>) src(%dma_wait3A_1505 : memref<1x128xf32, #tpu.memory_space<vmem>>) dst(%dma_wait3A_1502 : memref<1x128xf32, #tpu.memory_space<any>>)
    %dma_wait3A_1506 = arith.constant 46 : i32
    %dma_wait3A_1507 = tpu.memref_slice %arg3[%dma_wait3A_1506, %mul3A_461] : memref<128x32768xf32, #tpu.memory_space<any>> -> memref<1x128xf32, #tpu.memory_space<any>>
    %dma_wait3A_1508 = arith.constant 46 : i32
    %dma_wait3A_1509 = arith.constant 0 : i32
    %dma_wait3A_1510 = tpu.memref_slice %arg1[%dma_wait3A_1508, %dma_wait3A_1509] : memref<128x128xf32, #tpu.memory_space<vmem>> -> memref<1x128xf32, #tpu.memory_space<vmem>>
    tpu.wait_dma2 semaphore(%arg4 : memref<!tpu.dma_semaphore, #tpu.memory_space<semaphore_mem>>) src(%dma_wait3A_1510 : memref<1x128xf32, #tpu.memory_space<vmem>>) dst(%dma_wait3A_1507 : memref<1x128xf32, #tpu.memory_space<any>>)
    %dma_wait3A_1511 = arith.constant 47 : i32
    %dma_wait3A_1512 = tpu.memref_slice %arg3[%dma_wait3A_1511, %mul3A_471] : memref<128x32768xf32, #tpu.memory_space<any>> -> memref<1x128xf32, #tpu.memory_space<any>>
    %dma_wait3A_1513 = arith.constant 47 : i32
    %dma_wait3A_1514 = arith.constant 0 : i32
    %dma_wait3A_1515 = tpu.memref_slice %arg1[%dma_wait3A_1513, %dma_wait3A_1514] : memref<128x128xf32, #tpu.memory_space<vmem>> -> memref<1x128xf32, #tpu.memory_space<vmem>>
    tpu.wait_dma2 semaphore(%arg4 : memref<!tpu.dma_semaphore, #tpu.memory_space<semaphore_mem>>) src(%dma_wait3A_1515 : memref<1x128xf32, #tpu.memory_space<vmem>>) dst(%dma_wait3A_1512 : memref<1x128xf32, #tpu.memory_space<any>>)
    %dma_wait3A_1516 = arith.constant 48 : i32
    %dma_wait3A_1517 = tpu.memref_slice %arg3[%dma_wait3A_1516, %mul3A_481] : memref<128x32768xf32, #tpu.memory_space<any>> -> memref<1x128xf32, #tpu.memory_space<any>>
    %dma_wait3A_1518 = arith.constant 48 : i32
    %dma_wait3A_1519 = arith.constant 0 : i32
    %dma_wait3A_1520 = tpu.memref_slice %arg1[%dma_wait3A_1518, %dma_wait3A_1519] : memref<128x128xf32, #tpu.memory_space<vmem>> -> memref<1x128xf32, #tpu.memory_space<vmem>>
    tpu.wait_dma2 semaphore(%arg4 : memref<!tpu.dma_semaphore, #tpu.memory_space<semaphore_mem>>) src(%dma_wait3A_1520 : memref<1x128xf32, #tpu.memory_space<vmem>>) dst(%dma_wait3A_1517 : memref<1x128xf32, #tpu.memory_space<any>>)
    %dma_wait3A_1521 = arith.constant 49 : i32
    %dma_wait3A_1522 = tpu.memref_slice %arg3[%dma_wait3A_1521, %mul3A_491] : memref<128x32768xf32, #tpu.memory_space<any>> -> memref<1x128xf32, #tpu.memory_space<any>>
    %dma_wait3A_1523 = arith.constant 49 : i32
    %dma_wait3A_1524 = arith.constant 0 : i32
    %dma_wait3A_1525 = tpu.memref_slice %arg1[%dma_wait3A_1523, %dma_wait3A_1524] : memref<128x128xf32, #tpu.memory_space<vmem>> -> memref<1x128xf32, #tpu.memory_space<vmem>>
    tpu.wait_dma2 semaphore(%arg4 : memref<!tpu.dma_semaphore, #tpu.memory_space<semaphore_mem>>) src(%dma_wait3A_1525 : memref<1x128xf32, #tpu.memory_space<vmem>>) dst(%dma_wait3A_1522 : memref<1x128xf32, #tpu.memory_space<any>>)
    %dma_wait3A_1526 = arith.constant 50 : i32
    %dma_wait3A_1527 = tpu.memref_slice %arg3[%dma_wait3A_1526, %mul3A_501] : memref<128x32768xf32, #tpu.memory_space<any>> -> memref<1x128xf32, #tpu.memory_space<any>>
    %dma_wait3A_1528 = arith.constant 50 : i32
    %dma_wait3A_1529 = arith.constant 0 : i32
    %dma_wait3A_1530 = tpu.memref_slice %arg1[%dma_wait3A_1528, %dma_wait3A_1529] : memref<128x128xf32, #tpu.memory_space<vmem>> -> memref<1x128xf32, #tpu.memory_space<vmem>>
    tpu.wait_dma2 semaphore(%arg4 : memref<!tpu.dma_semaphore, #tpu.memory_space<semaphore_mem>>) src(%dma_wait3A_1530 : memref<1x128xf32, #tpu.memory_space<vmem>>) dst(%dma_wait3A_1527 : memref<1x128xf32, #tpu.memory_space<any>>)
    %dma_wait3A_1531 = arith.constant 51 : i32
    %dma_wait3A_1532 = tpu.memref_slice %arg3[%dma_wait3A_1531, %mul3A_511] : memref<128x32768xf32, #tpu.memory_space<any>> -> memref<1x128xf32, #tpu.memory_space<any>>
    %dma_wait3A_1533 = arith.constant 51 : i32
    %dma_wait3A_1534 = arith.constant 0 : i32
    %dma_wait3A_1535 = tpu.memref_slice %arg1[%dma_wait3A_1533, %dma_wait3A_1534] : memref<128x128xf32, #tpu.memory_space<vmem>> -> memref<1x128xf32, #tpu.memory_space<vmem>>
    tpu.wait_dma2 semaphore(%arg4 : memref<!tpu.dma_semaphore, #tpu.memory_space<semaphore_mem>>) src(%dma_wait3A_1535 : memref<1x128xf32, #tpu.memory_space<vmem>>) dst(%dma_wait3A_1532 : memref<1x128xf32, #tpu.memory_space<any>>)
    %dma_wait3A_1536 = arith.constant 52 : i32
    %dma_wait3A_1537 = tpu.memref_slice %arg3[%dma_wait3A_1536, %mul3A_521] : memref<128x32768xf32, #tpu.memory_space<any>> -> memref<1x128xf32, #tpu.memory_space<any>>
    %dma_wait3A_1538 = arith.constant 52 : i32
    %dma_wait3A_1539 = arith.constant 0 : i32
    %dma_wait3A_1540 = tpu.memref_slice %arg1[%dma_wait3A_1538, %dma_wait3A_1539] : memref<128x128xf32, #tpu.memory_space<vmem>> -> memref<1x128xf32, #tpu.memory_space<vmem>>
    tpu.wait_dma2 semaphore(%arg4 : memref<!tpu.dma_semaphore, #tpu.memory_space<semaphore_mem>>) src(%dma_wait3A_1540 : memref<1x128xf32, #tpu.memory_space<vmem>>) dst(%dma_wait3A_1537 : memref<1x128xf32, #tpu.memory_space<any>>)
    %dma_wait3A_1541 = arith.constant 53 : i32
    %dma_wait3A_1542 = tpu.memref_slice %arg3[%dma_wait3A_1541, %mul3A_531] : memref<128x32768xf32, #tpu.memory_space<any>> -> memref<1x128xf32, #tpu.memory_space<any>>
    %dma_wait3A_1543 = arith.constant 53 : i32
    %dma_wait3A_1544 = arith.constant 0 : i32
    %dma_wait3A_1545 = tpu.memref_slice %arg1[%dma_wait3A_1543, %dma_wait3A_1544] : memref<128x128xf32, #tpu.memory_space<vmem>> -> memref<1x128xf32, #tpu.memory_space<vmem>>
    tpu.wait_dma2 semaphore(%arg4 : memref<!tpu.dma_semaphore, #tpu.memory_space<semaphore_mem>>) src(%dma_wait3A_1545 : memref<1x128xf32, #tpu.memory_space<vmem>>) dst(%dma_wait3A_1542 : memref<1x128xf32, #tpu.memory_space<any>>)
    %dma_wait3A_1546 = arith.constant 54 : i32
    %dma_wait3A_1547 = tpu.memref_slice %arg3[%dma_wait3A_1546, %mul3A_541] : memref<128x32768xf32, #tpu.memory_space<any>> -> memref<1x128xf32, #tpu.memory_space<any>>
    %dma_wait3A_1548 = arith.constant 54 : i32
    %dma_wait3A_1549 = arith.constant 0 : i32
    %dma_wait3A_1550 = tpu.memref_slice %arg1[%dma_wait3A_1548, %dma_wait3A_1549] : memref<128x128xf32, #tpu.memory_space<vmem>> -> memref<1x128xf32, #tpu.memory_space<vmem>>
    tpu.wait_dma2 semaphore(%arg4 : memref<!tpu.dma_semaphore, #tpu.memory_space<semaphore_mem>>) src(%dma_wait3A_1550 : memref<1x128xf32, #tpu.memory_space<vmem>>) dst(%dma_wait3A_1547 : memref<1x128xf32, #tpu.memory_space<any>>)
    %dma_wait3A_1551 = arith.constant 55 : i32
    %dma_wait3A_1552 = tpu.memref_slice %arg3[%dma_wait3A_1551, %mul3A_551] : memref<128x32768xf32, #tpu.memory_space<any>> -> memref<1x128xf32, #tpu.memory_space<any>>
    %dma_wait3A_1553 = arith.constant 55 : i32
    %dma_wait3A_1554 = arith.constant 0 : i32
    %dma_wait3A_1555 = tpu.memref_slice %arg1[%dma_wait3A_1553, %dma_wait3A_1554] : memref<128x128xf32, #tpu.memory_space<vmem>> -> memref<1x128xf32, #tpu.memory_space<vmem>>
    tpu.wait_dma2 semaphore(%arg4 : memref<!tpu.dma_semaphore, #tpu.memory_space<semaphore_mem>>) src(%dma_wait3A_1555 : memref<1x128xf32, #tpu.memory_space<vmem>>) dst(%dma_wait3A_1552 : memref<1x128xf32, #tpu.memory_space<any>>)
    %dma_wait3A_1556 = arith.constant 56 : i32
    %dma_wait3A_1557 = tpu.memref_slice %arg3[%dma_wait3A_1556, %mul3A_561] : memref<128x32768xf32, #tpu.memory_space<any>> -> memref<1x128xf32, #tpu.memory_space<any>>
    %dma_wait3A_1558 = arith.constant 56 : i32
    %dma_wait3A_1559 = arith.constant 0 : i32
    %dma_wait3A_1560 = tpu.memref_slice %arg1[%dma_wait3A_1558, %dma_wait3A_1559] : memref<128x128xf32, #tpu.memory_space<vmem>> -> memref<1x128xf32, #tpu.memory_space<vmem>>
    tpu.wait_dma2 semaphore(%arg4 : memref<!tpu.dma_semaphore, #tpu.memory_space<semaphore_mem>>) src(%dma_wait3A_1560 : memref<1x128xf32, #tpu.memory_space<vmem>>) dst(%dma_wait3A_1557 : memref<1x128xf32, #tpu.memory_space<any>>)
    %dma_wait3A_1561 = arith.constant 57 : i32
    %dma_wait3A_1562 = tpu.memref_slice %arg3[%dma_wait3A_1561, %mul3A_571] : memref<128x32768xf32, #tpu.memory_space<any>> -> memref<1x128xf32, #tpu.memory_space<any>>
    %dma_wait3A_1563 = arith.constant 57 : i32
    %dma_wait3A_1564 = arith.constant 0 : i32
    %dma_wait3A_1565 = tpu.memref_slice %arg1[%dma_wait3A_1563, %dma_wait3A_1564] : memref<128x128xf32, #tpu.memory_space<vmem>> -> memref<1x128xf32, #tpu.memory_space<vmem>>
    tpu.wait_dma2 semaphore(%arg4 : memref<!tpu.dma_semaphore, #tpu.memory_space<semaphore_mem>>) src(%dma_wait3A_1565 : memref<1x128xf32, #tpu.memory_space<vmem>>) dst(%dma_wait3A_1562 : memref<1x128xf32, #tpu.memory_space<any>>)
    %dma_wait3A_1566 = arith.constant 58 : i32
    %dma_wait3A_1567 = tpu.memref_slice %arg3[%dma_wait3A_1566, %mul3A_581] : memref<128x32768xf32, #tpu.memory_space<any>> -> memref<1x128xf32, #tpu.memory_space<any>>
    %dma_wait3A_1568 = arith.constant 58 : i32
    %dma_wait3A_1569 = arith.constant 0 : i32
    %dma_wait3A_1570 = tpu.memref_slice %arg1[%dma_wait3A_1568, %dma_wait3A_1569] : memref<128x128xf32, #tpu.memory_space<vmem>> -> memref<1x128xf32, #tpu.memory_space<vmem>>
    tpu.wait_dma2 semaphore(%arg4 : memref<!tpu.dma_semaphore, #tpu.memory_space<semaphore_mem>>) src(%dma_wait3A_1570 : memref<1x128xf32, #tpu.memory_space<vmem>>) dst(%dma_wait3A_1567 : memref<1x128xf32, #tpu.memory_space<any>>)
    %dma_wait3A_1571 = arith.constant 59 : i32
    %dma_wait3A_1572 = tpu.memref_slice %arg3[%dma_wait3A_1571, %mul3A_591] : memref<128x32768xf32, #tpu.memory_space<any>> -> memref<1x128xf32, #tpu.memory_space<any>>
    %dma_wait3A_1573 = arith.constant 59 : i32
    %dma_wait3A_1574 = arith.constant 0 : i32
    %dma_wait3A_1575 = tpu.memref_slice %arg1[%dma_wait3A_1573, %dma_wait3A_1574] : memref<128x128xf32, #tpu.memory_space<vmem>> -> memref<1x128xf32, #tpu.memory_space<vmem>>
    tpu.wait_dma2 semaphore(%arg4 : memref<!tpu.dma_semaphore, #tpu.memory_space<semaphore_mem>>) src(%dma_wait3A_1575 : memref<1x128xf32, #tpu.memory_space<vmem>>) dst(%dma_wait3A_1572 : memref<1x128xf32, #tpu.memory_space<any>>)
    %dma_wait3A_1576 = arith.constant 60 : i32
    %dma_wait3A_1577 = tpu.memref_slice %arg3[%dma_wait3A_1576, %mul3A_601] : memref<128x32768xf32, #tpu.memory_space<any>> -> memref<1x128xf32, #tpu.memory_space<any>>
    %dma_wait3A_1578 = arith.constant 60 : i32
    %dma_wait3A_1579 = arith.constant 0 : i32
    %dma_wait3A_1580 = tpu.memref_slice %arg1[%dma_wait3A_1578, %dma_wait3A_1579] : memref<128x128xf32, #tpu.memory_space<vmem>> -> memref<1x128xf32, #tpu.memory_space<vmem>>
    tpu.wait_dma2 semaphore(%arg4 : memref<!tpu.dma_semaphore, #tpu.memory_space<semaphore_mem>>) src(%dma_wait3A_1580 : memref<1x128xf32, #tpu.memory_space<vmem>>) dst(%dma_wait3A_1577 : memref<1x128xf32, #tpu.memory_space<any>>)
    %dma_wait3A_1581 = arith.constant 61 : i32
    %dma_wait3A_1582 = tpu.memref_slice %arg3[%dma_wait3A_1581, %mul3A_611] : memref<128x32768xf32, #tpu.memory_space<any>> -> memref<1x128xf32, #tpu.memory_space<any>>
    %dma_wait3A_1583 = arith.constant 61 : i32
    %dma_wait3A_1584 = arith.constant 0 : i32
    %dma_wait3A_1585 = tpu.memref_slice %arg1[%dma_wait3A_1583, %dma_wait3A_1584] : memref<128x128xf32, #tpu.memory_space<vmem>> -> memref<1x128xf32, #tpu.memory_space<vmem>>
    tpu.wait_dma2 semaphore(%arg4 : memref<!tpu.dma_semaphore, #tpu.memory_space<semaphore_mem>>) src(%dma_wait3A_1585 : memref<1x128xf32, #tpu.memory_space<vmem>>) dst(%dma_wait3A_1582 : memref<1x128xf32, #tpu.memory_space<any>>)
    %dma_wait3A_1586 = arith.constant 62 : i32
    %dma_wait3A_1587 = tpu.memref_slice %arg3[%dma_wait3A_1586, %mul3A_621] : memref<128x32768xf32, #tpu.memory_space<any>> -> memref<1x128xf32, #tpu.memory_space<any>>
    %dma_wait3A_1588 = arith.constant 62 : i32
    %dma_wait3A_1589 = arith.constant 0 : i32
    %dma_wait3A_1590 = tpu.memref_slice %arg1[%dma_wait3A_1588, %dma_wait3A_1589] : memref<128x128xf32, #tpu.memory_space<vmem>> -> memref<1x128xf32, #tpu.memory_space<vmem>>
    tpu.wait_dma2 semaphore(%arg4 : memref<!tpu.dma_semaphore, #tpu.memory_space<semaphore_mem>>) src(%dma_wait3A_1590 : memref<1x128xf32, #tpu.memory_space<vmem>>) dst(%dma_wait3A_1587 : memref<1x128xf32, #tpu.memory_space<any>>)
    %dma_wait3A_1591 = arith.constant 63 : i32
    %dma_wait3A_1592 = tpu.memref_slice %arg3[%dma_wait3A_1591, %mul3A_631] : memref<128x32768xf32, #tpu.memory_space<any>> -> memref<1x128xf32, #tpu.memory_space<any>>
    %dma_wait3A_1593 = arith.constant 63 : i32
    %dma_wait3A_1594 = arith.constant 0 : i32
    %dma_wait3A_1595 = tpu.memref_slice %arg1[%dma_wait3A_1593, %dma_wait3A_1594] : memref<128x128xf32, #tpu.memory_space<vmem>> -> memref<1x128xf32, #tpu.memory_space<vmem>>
    tpu.wait_dma2 semaphore(%arg4 : memref<!tpu.dma_semaphore, #tpu.memory_space<semaphore_mem>>) src(%dma_wait3A_1595 : memref<1x128xf32, #tpu.memory_space<vmem>>) dst(%dma_wait3A_1592 : memref<1x128xf32, #tpu.memory_space<any>>)
    %dma_wait3A_1596 = arith.constant 64 : i32
    %dma_wait3A_1597 = tpu.memref_slice %arg3[%dma_wait3A_1596, %mul3A_641] : memref<128x32768xf32, #tpu.memory_space<any>> -> memref<1x128xf32, #tpu.memory_space<any>>
    %dma_wait3A_1598 = arith.constant 64 : i32
    %dma_wait3A_1599 = arith.constant 0 : i32
    %dma_wait3A_1600 = tpu.memref_slice %arg1[%dma_wait3A_1598, %dma_wait3A_1599] : memref<128x128xf32, #tpu.memory_space<vmem>> -> memref<1x128xf32, #tpu.memory_space<vmem>>
    tpu.wait_dma2 semaphore(%arg4 : memref<!tpu.dma_semaphore, #tpu.memory_space<semaphore_mem>>) src(%dma_wait3A_1600 : memref<1x128xf32, #tpu.memory_space<vmem>>) dst(%dma_wait3A_1597 : memref<1x128xf32, #tpu.memory_space<any>>)
    %dma_wait3A_1601 = arith.constant 65 : i32
    %dma_wait3A_1602 = tpu.memref_slice %arg3[%dma_wait3A_1601, %mul3A_651] : memref<128x32768xf32, #tpu.memory_space<any>> -> memref<1x128xf32, #tpu.memory_space<any>>
    %dma_wait3A_1603 = arith.constant 65 : i32
    %dma_wait3A_1604 = arith.constant 0 : i32
    %dma_wait3A_1605 = tpu.memref_slice %arg1[%dma_wait3A_1603, %dma_wait3A_1604] : memref<128x128xf32, #tpu.memory_space<vmem>> -> memref<1x128xf32, #tpu.memory_space<vmem>>
    tpu.wait_dma2 semaphore(%arg4 : memref<!tpu.dma_semaphore, #tpu.memory_space<semaphore_mem>>) src(%dma_wait3A_1605 : memref<1x128xf32, #tpu.memory_space<vmem>>) dst(%dma_wait3A_1602 : memref<1x128xf32, #tpu.memory_space<any>>)
    %dma_wait3A_1606 = arith.constant 66 : i32
    %dma_wait3A_1607 = tpu.memref_slice %arg3[%dma_wait3A_1606, %mul3A_661] : memref<128x32768xf32, #tpu.memory_space<any>> -> memref<1x128xf32, #tpu.memory_space<any>>
    %dma_wait3A_1608 = arith.constant 66 : i32
    %dma_wait3A_1609 = arith.constant 0 : i32
    %dma_wait3A_1610 = tpu.memref_slice %arg1[%dma_wait3A_1608, %dma_wait3A_1609] : memref<128x128xf32, #tpu.memory_space<vmem>> -> memref<1x128xf32, #tpu.memory_space<vmem>>
    tpu.wait_dma2 semaphore(%arg4 : memref<!tpu.dma_semaphore, #tpu.memory_space<semaphore_mem>>) src(%dma_wait3A_1610 : memref<1x128xf32, #tpu.memory_space<vmem>>) dst(%dma_wait3A_1607 : memref<1x128xf32, #tpu.memory_space<any>>)
    %dma_wait3A_1611 = arith.constant 67 : i32
    %dma_wait3A_1612 = tpu.memref_slice %arg3[%dma_wait3A_1611, %mul3A_671] : memref<128x32768xf32, #tpu.memory_space<any>> -> memref<1x128xf32, #tpu.memory_space<any>>
    %dma_wait3A_1613 = arith.constant 67 : i32
    %dma_wait3A_1614 = arith.constant 0 : i32
    %dma_wait3A_1615 = tpu.memref_slice %arg1[%dma_wait3A_1613, %dma_wait3A_1614] : memref<128x128xf32, #tpu.memory_space<vmem>> -> memref<1x128xf32, #tpu.memory_space<vmem>>
    tpu.wait_dma2 semaphore(%arg4 : memref<!tpu.dma_semaphore, #tpu.memory_space<semaphore_mem>>) src(%dma_wait3A_1615 : memref<1x128xf32, #tpu.memory_space<vmem>>) dst(%dma_wait3A_1612 : memref<1x128xf32, #tpu.memory_space<any>>)
    %dma_wait3A_1616 = arith.constant 68 : i32
    %dma_wait3A_1617 = tpu.memref_slice %arg3[%dma_wait3A_1616, %mul3A_681] : memref<128x32768xf32, #tpu.memory_space<any>> -> memref<1x128xf32, #tpu.memory_space<any>>
    %dma_wait3A_1618 = arith.constant 68 : i32
    %dma_wait3A_1619 = arith.constant 0 : i32
    %dma_wait3A_1620 = tpu.memref_slice %arg1[%dma_wait3A_1618, %dma_wait3A_1619] : memref<128x128xf32, #tpu.memory_space<vmem>> -> memref<1x128xf32, #tpu.memory_space<vmem>>
    tpu.wait_dma2 semaphore(%arg4 : memref<!tpu.dma_semaphore, #tpu.memory_space<semaphore_mem>>) src(%dma_wait3A_1620 : memref<1x128xf32, #tpu.memory_space<vmem>>) dst(%dma_wait3A_1617 : memref<1x128xf32, #tpu.memory_space<any>>)
    %dma_wait3A_1621 = arith.constant 69 : i32
    %dma_wait3A_1622 = tpu.memref_slice %arg3[%dma_wait3A_1621, %mul3A_691] : memref<128x32768xf32, #tpu.memory_space<any>> -> memref<1x128xf32, #tpu.memory_space<any>>
    %dma_wait3A_1623 = arith.constant 69 : i32
    %dma_wait3A_1624 = arith.constant 0 : i32
    %dma_wait3A_1625 = tpu.memref_slice %arg1[%dma_wait3A_1623, %dma_wait3A_1624] : memref<128x128xf32, #tpu.memory_space<vmem>> -> memref<1x128xf32, #tpu.memory_space<vmem>>
    tpu.wait_dma2 semaphore(%arg4 : memref<!tpu.dma_semaphore, #tpu.memory_space<semaphore_mem>>) src(%dma_wait3A_1625 : memref<1x128xf32, #tpu.memory_space<vmem>>) dst(%dma_wait3A_1622 : memref<1x128xf32, #tpu.memory_space<any>>)
    %dma_wait3A_1626 = arith.constant 70 : i32
    %dma_wait3A_1627 = tpu.memref_slice %arg3[%dma_wait3A_1626, %mul3A_701] : memref<128x32768xf32, #tpu.memory_space<any>> -> memref<1x128xf32, #tpu.memory_space<any>>
    %dma_wait3A_1628 = arith.constant 70 : i32
    %dma_wait3A_1629 = arith.constant 0 : i32
    %dma_wait3A_1630 = tpu.memref_slice %arg1[%dma_wait3A_1628, %dma_wait3A_1629] : memref<128x128xf32, #tpu.memory_space<vmem>> -> memref<1x128xf32, #tpu.memory_space<vmem>>
    tpu.wait_dma2 semaphore(%arg4 : memref<!tpu.dma_semaphore, #tpu.memory_space<semaphore_mem>>) src(%dma_wait3A_1630 : memref<1x128xf32, #tpu.memory_space<vmem>>) dst(%dma_wait3A_1627 : memref<1x128xf32, #tpu.memory_space<any>>)
    %dma_wait3A_1631 = arith.constant 71 : i32
    %dma_wait3A_1632 = tpu.memref_slice %arg3[%dma_wait3A_1631, %mul3A_711] : memref<128x32768xf32, #tpu.memory_space<any>> -> memref<1x128xf32, #tpu.memory_space<any>>
    %dma_wait3A_1633 = arith.constant 71 : i32
    %dma_wait3A_1634 = arith.constant 0 : i32
    %dma_wait3A_1635 = tpu.memref_slice %arg1[%dma_wait3A_1633, %dma_wait3A_1634] : memref<128x128xf32, #tpu.memory_space<vmem>> -> memref<1x128xf32, #tpu.memory_space<vmem>>
    tpu.wait_dma2 semaphore(%arg4 : memref<!tpu.dma_semaphore, #tpu.memory_space<semaphore_mem>>) src(%dma_wait3A_1635 : memref<1x128xf32, #tpu.memory_space<vmem>>) dst(%dma_wait3A_1632 : memref<1x128xf32, #tpu.memory_space<any>>)
    %dma_wait3A_1636 = arith.constant 72 : i32
    %dma_wait3A_1637 = tpu.memref_slice %arg3[%dma_wait3A_1636, %mul3A_721] : memref<128x32768xf32, #tpu.memory_space<any>> -> memref<1x128xf32, #tpu.memory_space<any>>
    %dma_wait3A_1638 = arith.constant 72 : i32
    %dma_wait3A_1639 = arith.constant 0 : i32
    %dma_wait3A_1640 = tpu.memref_slice %arg1[%dma_wait3A_1638, %dma_wait3A_1639] : memref<128x128xf32, #tpu.memory_space<vmem>> -> memref<1x128xf32, #tpu.memory_space<vmem>>
    tpu.wait_dma2 semaphore(%arg4 : memref<!tpu.dma_semaphore, #tpu.memory_space<semaphore_mem>>) src(%dma_wait3A_1640 : memref<1x128xf32, #tpu.memory_space<vmem>>) dst(%dma_wait3A_1637 : memref<1x128xf32, #tpu.memory_space<any>>)
    %dma_wait3A_1641 = arith.constant 73 : i32
    %dma_wait3A_1642 = tpu.memref_slice %arg3[%dma_wait3A_1641, %mul3A_731] : memref<128x32768xf32, #tpu.memory_space<any>> -> memref<1x128xf32, #tpu.memory_space<any>>
    %dma_wait3A_1643 = arith.constant 73 : i32
    %dma_wait3A_1644 = arith.constant 0 : i32
    %dma_wait3A_1645 = tpu.memref_slice %arg1[%dma_wait3A_1643, %dma_wait3A_1644] : memref<128x128xf32, #tpu.memory_space<vmem>> -> memref<1x128xf32, #tpu.memory_space<vmem>>
    tpu.wait_dma2 semaphore(%arg4 : memref<!tpu.dma_semaphore, #tpu.memory_space<semaphore_mem>>) src(%dma_wait3A_1645 : memref<1x128xf32, #tpu.memory_space<vmem>>) dst(%dma_wait3A_1642 : memref<1x128xf32, #tpu.memory_space<any>>)
    %dma_wait3A_1646 = arith.constant 74 : i32
    %dma_wait3A_1647 = tpu.memref_slice %arg3[%dma_wait3A_1646, %mul3A_741] : memref<128x32768xf32, #tpu.memory_space<any>> -> memref<1x128xf32, #tpu.memory_space<any>>
    %dma_wait3A_1648 = arith.constant 74 : i32
    %dma_wait3A_1649 = arith.constant 0 : i32
    %dma_wait3A_1650 = tpu.memref_slice %arg1[%dma_wait3A_1648, %dma_wait3A_1649] : memref<128x128xf32, #tpu.memory_space<vmem>> -> memref<1x128xf32, #tpu.memory_space<vmem>>
    tpu.wait_dma2 semaphore(%arg4 : memref<!tpu.dma_semaphore, #tpu.memory_space<semaphore_mem>>) src(%dma_wait3A_1650 : memref<1x128xf32, #tpu.memory_space<vmem>>) dst(%dma_wait3A_1647 : memref<1x128xf32, #tpu.memory_space<any>>)
    %dma_wait3A_1651 = arith.constant 75 : i32
    %dma_wait3A_1652 = tpu.memref_slice %arg3[%dma_wait3A_1651, %mul3A_751] : memref<128x32768xf32, #tpu.memory_space<any>> -> memref<1x128xf32, #tpu.memory_space<any>>
    %dma_wait3A_1653 = arith.constant 75 : i32
    %dma_wait3A_1654 = arith.constant 0 : i32
    %dma_wait3A_1655 = tpu.memref_slice %arg1[%dma_wait3A_1653, %dma_wait3A_1654] : memref<128x128xf32, #tpu.memory_space<vmem>> -> memref<1x128xf32, #tpu.memory_space<vmem>>
    tpu.wait_dma2 semaphore(%arg4 : memref<!tpu.dma_semaphore, #tpu.memory_space<semaphore_mem>>) src(%dma_wait3A_1655 : memref<1x128xf32, #tpu.memory_space<vmem>>) dst(%dma_wait3A_1652 : memref<1x128xf32, #tpu.memory_space<any>>)
    %dma_wait3A_1656 = arith.constant 76 : i32
    %dma_wait3A_1657 = tpu.memref_slice %arg3[%dma_wait3A_1656, %mul3A_761] : memref<128x32768xf32, #tpu.memory_space<any>> -> memref<1x128xf32, #tpu.memory_space<any>>
    %dma_wait3A_1658 = arith.constant 76 : i32
    %dma_wait3A_1659 = arith.constant 0 : i32
    %dma_wait3A_1660 = tpu.memref_slice %arg1[%dma_wait3A_1658, %dma_wait3A_1659] : memref<128x128xf32, #tpu.memory_space<vmem>> -> memref<1x128xf32, #tpu.memory_space<vmem>>
    tpu.wait_dma2 semaphore(%arg4 : memref<!tpu.dma_semaphore, #tpu.memory_space<semaphore_mem>>) src(%dma_wait3A_1660 : memref<1x128xf32, #tpu.memory_space<vmem>>) dst(%dma_wait3A_1657 : memref<1x128xf32, #tpu.memory_space<any>>)
    %dma_wait3A_1661 = arith.constant 77 : i32
    %dma_wait3A_1662 = tpu.memref_slice %arg3[%dma_wait3A_1661, %mul3A_771] : memref<128x32768xf32, #tpu.memory_space<any>> -> memref<1x128xf32, #tpu.memory_space<any>>
    %dma_wait3A_1663 = arith.constant 77 : i32
    %dma_wait3A_1664 = arith.constant 0 : i32
    %dma_wait3A_1665 = tpu.memref_slice %arg1[%dma_wait3A_1663, %dma_wait3A_1664] : memref<128x128xf32, #tpu.memory_space<vmem>> -> memref<1x128xf32, #tpu.memory_space<vmem>>
    tpu.wait_dma2 semaphore(%arg4 : memref<!tpu.dma_semaphore, #tpu.memory_space<semaphore_mem>>) src(%dma_wait3A_1665 : memref<1x128xf32, #tpu.memory_space<vmem>>) dst(%dma_wait3A_1662 : memref<1x128xf32, #tpu.memory_space<any>>)
    %dma_wait3A_1666 = arith.constant 78 : i32
    %dma_wait3A_1667 = tpu.memref_slice %arg3[%dma_wait3A_1666, %mul3A_781] : memref<128x32768xf32, #tpu.memory_space<any>> -> memref<1x128xf32, #tpu.memory_space<any>>
    %dma_wait3A_1668 = arith.constant 78 : i32
    %dma_wait3A_1669 = arith.constant 0 : i32
    %dma_wait3A_1670 = tpu.memref_slice %arg1[%dma_wait3A_1668, %dma_wait3A_1669] : memref<128x128xf32, #tpu.memory_space<vmem>> -> memref<1x128xf32, #tpu.memory_space<vmem>>
    tpu.wait_dma2 semaphore(%arg4 : memref<!tpu.dma_semaphore, #tpu.memory_space<semaphore_mem>>) src(%dma_wait3A_1670 : memref<1x128xf32, #tpu.memory_space<vmem>>) dst(%dma_wait3A_1667 : memref<1x128xf32, #tpu.memory_space<any>>)
    %dma_wait3A_1671 = arith.constant 79 : i32
    %dma_wait3A_1672 = tpu.memref_slice %arg3[%dma_wait3A_1671, %mul3A_791] : memref<128x32768xf32, #tpu.memory_space<any>> -> memref<1x128xf32, #tpu.memory_space<any>>
    %dma_wait3A_1673 = arith.constant 79 : i32
    %dma_wait3A_1674 = arith.constant 0 : i32
    %dma_wait3A_1675 = tpu.memref_slice %arg1[%dma_wait3A_1673, %dma_wait3A_1674] : memref<128x128xf32, #tpu.memory_space<vmem>> -> memref<1x128xf32, #tpu.memory_space<vmem>>
    tpu.wait_dma2 semaphore(%arg4 : memref<!tpu.dma_semaphore, #tpu.memory_space<semaphore_mem>>) src(%dma_wait3A_1675 : memref<1x128xf32, #tpu.memory_space<vmem>>) dst(%dma_wait3A_1672 : memref<1x128xf32, #tpu.memory_space<any>>)
    %dma_wait3A_1676 = arith.constant 80 : i32
    %dma_wait3A_1677 = tpu.memref_slice %arg3[%dma_wait3A_1676, %mul3A_801] : memref<128x32768xf32, #tpu.memory_space<any>> -> memref<1x128xf32, #tpu.memory_space<any>>
    %dma_wait3A_1678 = arith.constant 80 : i32
    %dma_wait3A_1679 = arith.constant 0 : i32
    %dma_wait3A_1680 = tpu.memref_slice %arg1[%dma_wait3A_1678, %dma_wait3A_1679] : memref<128x128xf32, #tpu.memory_space<vmem>> -> memref<1x128xf32, #tpu.memory_space<vmem>>
    tpu.wait_dma2 semaphore(%arg4 : memref<!tpu.dma_semaphore, #tpu.memory_space<semaphore_mem>>) src(%dma_wait3A_1680 : memref<1x128xf32, #tpu.memory_space<vmem>>) dst(%dma_wait3A_1677 : memref<1x128xf32, #tpu.memory_space<any>>)
    %dma_wait3A_1681 = arith.constant 81 : i32
    %dma_wait3A_1682 = tpu.memref_slice %arg3[%dma_wait3A_1681, %mul3A_811] : memref<128x32768xf32, #tpu.memory_space<any>> -> memref<1x128xf32, #tpu.memory_space<any>>
    %dma_wait3A_1683 = arith.constant 81 : i32
    %dma_wait3A_1684 = arith.constant 0 : i32
    %dma_wait3A_1685 = tpu.memref_slice %arg1[%dma_wait3A_1683, %dma_wait3A_1684] : memref<128x128xf32, #tpu.memory_space<vmem>> -> memref<1x128xf32, #tpu.memory_space<vmem>>
    tpu.wait_dma2 semaphore(%arg4 : memref<!tpu.dma_semaphore, #tpu.memory_space<semaphore_mem>>) src(%dma_wait3A_1685 : memref<1x128xf32, #tpu.memory_space<vmem>>) dst(%dma_wait3A_1682 : memref<1x128xf32, #tpu.memory_space<any>>)
    %dma_wait3A_1686 = arith.constant 82 : i32
    %dma_wait3A_1687 = tpu.memref_slice %arg3[%dma_wait3A_1686, %mul3A_821] : memref<128x32768xf32, #tpu.memory_space<any>> -> memref<1x128xf32, #tpu.memory_space<any>>
    %dma_wait3A_1688 = arith.constant 82 : i32
    %dma_wait3A_1689 = arith.constant 0 : i32
    %dma_wait3A_1690 = tpu.memref_slice %arg1[%dma_wait3A_1688, %dma_wait3A_1689] : memref<128x128xf32, #tpu.memory_space<vmem>> -> memref<1x128xf32, #tpu.memory_space<vmem>>
    tpu.wait_dma2 semaphore(%arg4 : memref<!tpu.dma_semaphore, #tpu.memory_space<semaphore_mem>>) src(%dma_wait3A_1690 : memref<1x128xf32, #tpu.memory_space<vmem>>) dst(%dma_wait3A_1687 : memref<1x128xf32, #tpu.memory_space<any>>)
    %dma_wait3A_1691 = arith.constant 83 : i32
    %dma_wait3A_1692 = tpu.memref_slice %arg3[%dma_wait3A_1691, %mul3A_831] : memref<128x32768xf32, #tpu.memory_space<any>> -> memref<1x128xf32, #tpu.memory_space<any>>
    %dma_wait3A_1693 = arith.constant 83 : i32
    %dma_wait3A_1694 = arith.constant 0 : i32
    %dma_wait3A_1695 = tpu.memref_slice %arg1[%dma_wait3A_1693, %dma_wait3A_1694] : memref<128x128xf32, #tpu.memory_space<vmem>> -> memref<1x128xf32, #tpu.memory_space<vmem>>
    tpu.wait_dma2 semaphore(%arg4 : memref<!tpu.dma_semaphore, #tpu.memory_space<semaphore_mem>>) src(%dma_wait3A_1695 : memref<1x128xf32, #tpu.memory_space<vmem>>) dst(%dma_wait3A_1692 : memref<1x128xf32, #tpu.memory_space<any>>)
    %dma_wait3A_1696 = arith.constant 84 : i32
    %dma_wait3A_1697 = tpu.memref_slice %arg3[%dma_wait3A_1696, %mul3A_841] : memref<128x32768xf32, #tpu.memory_space<any>> -> memref<1x128xf32, #tpu.memory_space<any>>
    %dma_wait3A_1698 = arith.constant 84 : i32
    %dma_wait3A_1699 = arith.constant 0 : i32
    %dma_wait3A_1700 = tpu.memref_slice %arg1[%dma_wait3A_1698, %dma_wait3A_1699] : memref<128x128xf32, #tpu.memory_space<vmem>> -> memref<1x128xf32, #tpu.memory_space<vmem>>
    tpu.wait_dma2 semaphore(%arg4 : memref<!tpu.dma_semaphore, #tpu.memory_space<semaphore_mem>>) src(%dma_wait3A_1700 : memref<1x128xf32, #tpu.memory_space<vmem>>) dst(%dma_wait3A_1697 : memref<1x128xf32, #tpu.memory_space<any>>)
    %dma_wait3A_1701 = arith.constant 85 : i32
    %dma_wait3A_1702 = tpu.memref_slice %arg3[%dma_wait3A_1701, %mul3A_851] : memref<128x32768xf32, #tpu.memory_space<any>> -> memref<1x128xf32, #tpu.memory_space<any>>
    %dma_wait3A_1703 = arith.constant 85 : i32
    %dma_wait3A_1704 = arith.constant 0 : i32
    %dma_wait3A_1705 = tpu.memref_slice %arg1[%dma_wait3A_1703, %dma_wait3A_1704] : memref<128x128xf32, #tpu.memory_space<vmem>> -> memref<1x128xf32, #tpu.memory_space<vmem>>
    tpu.wait_dma2 semaphore(%arg4 : memref<!tpu.dma_semaphore, #tpu.memory_space<semaphore_mem>>) src(%dma_wait3A_1705 : memref<1x128xf32, #tpu.memory_space<vmem>>) dst(%dma_wait3A_1702 : memref<1x128xf32, #tpu.memory_space<any>>)
    %dma_wait3A_1706 = arith.constant 86 : i32
    %dma_wait3A_1707 = tpu.memref_slice %arg3[%dma_wait3A_1706, %mul3A_861] : memref<128x32768xf32, #tpu.memory_space<any>> -> memref<1x128xf32, #tpu.memory_space<any>>
    %dma_wait3A_1708 = arith.constant 86 : i32
    %dma_wait3A_1709 = arith.constant 0 : i32
    %dma_wait3A_1710 = tpu.memref_slice %arg1[%dma_wait3A_1708, %dma_wait3A_1709] : memref<128x128xf32, #tpu.memory_space<vmem>> -> memref<1x128xf32, #tpu.memory_space<vmem>>
    tpu.wait_dma2 semaphore(%arg4 : memref<!tpu.dma_semaphore, #tpu.memory_space<semaphore_mem>>) src(%dma_wait3A_1710 : memref<1x128xf32, #tpu.memory_space<vmem>>) dst(%dma_wait3A_1707 : memref<1x128xf32, #tpu.memory_space<any>>)
    %dma_wait3A_1711 = arith.constant 87 : i32
    %dma_wait3A_1712 = tpu.memref_slice %arg3[%dma_wait3A_1711, %mul3A_871] : memref<128x32768xf32, #tpu.memory_space<any>> -> memref<1x128xf32, #tpu.memory_space<any>>
    %dma_wait3A_1713 = arith.constant 87 : i32
    %dma_wait3A_1714 = arith.constant 0 : i32
    %dma_wait3A_1715 = tpu.memref_slice %arg1[%dma_wait3A_1713, %dma_wait3A_1714] : memref<128x128xf32, #tpu.memory_space<vmem>> -> memref<1x128xf32, #tpu.memory_space<vmem>>
    tpu.wait_dma2 semaphore(%arg4 : memref<!tpu.dma_semaphore, #tpu.memory_space<semaphore_mem>>) src(%dma_wait3A_1715 : memref<1x128xf32, #tpu.memory_space<vmem>>) dst(%dma_wait3A_1712 : memref<1x128xf32, #tpu.memory_space<any>>)
    %dma_wait3A_1716 = arith.constant 88 : i32
    %dma_wait3A_1717 = tpu.memref_slice %arg3[%dma_wait3A_1716, %mul3A_881] : memref<128x32768xf32, #tpu.memory_space<any>> -> memref<1x128xf32, #tpu.memory_space<any>>
    %dma_wait3A_1718 = arith.constant 88 : i32
    %dma_wait3A_1719 = arith.constant 0 : i32
    %dma_wait3A_1720 = tpu.memref_slice %arg1[%dma_wait3A_1718, %dma_wait3A_1719] : memref<128x128xf32, #tpu.memory_space<vmem>> -> memref<1x128xf32, #tpu.memory_space<vmem>>
    tpu.wait_dma2 semaphore(%arg4 : memref<!tpu.dma_semaphore, #tpu.memory_space<semaphore_mem>>) src(%dma_wait3A_1720 : memref<1x128xf32, #tpu.memory_space<vmem>>) dst(%dma_wait3A_1717 : memref<1x128xf32, #tpu.memory_space<any>>)
    %dma_wait3A_1721 = arith.constant 89 : i32
    %dma_wait3A_1722 = tpu.memref_slice %arg3[%dma_wait3A_1721, %mul3A_891] : memref<128x32768xf32, #tpu.memory_space<any>> -> memref<1x128xf32, #tpu.memory_space<any>>
    %dma_wait3A_1723 = arith.constant 89 : i32
    %dma_wait3A_1724 = arith.constant 0 : i32
    %dma_wait3A_1725 = tpu.memref_slice %arg1[%dma_wait3A_1723, %dma_wait3A_1724] : memref<128x128xf32, #tpu.memory_space<vmem>> -> memref<1x128xf32, #tpu.memory_space<vmem>>
    tpu.wait_dma2 semaphore(%arg4 : memref<!tpu.dma_semaphore, #tpu.memory_space<semaphore_mem>>) src(%dma_wait3A_1725 : memref<1x128xf32, #tpu.memory_space<vmem>>) dst(%dma_wait3A_1722 : memref<1x128xf32, #tpu.memory_space<any>>)
    %dma_wait3A_1726 = arith.constant 90 : i32
    %dma_wait3A_1727 = tpu.memref_slice %arg3[%dma_wait3A_1726, %mul3A_901] : memref<128x32768xf32, #tpu.memory_space<any>> -> memref<1x128xf32, #tpu.memory_space<any>>
    %dma_wait3A_1728 = arith.constant 90 : i32
    %dma_wait3A_1729 = arith.constant 0 : i32
    %dma_wait3A_1730 = tpu.memref_slice %arg1[%dma_wait3A_1728, %dma_wait3A_1729] : memref<128x128xf32, #tpu.memory_space<vmem>> -> memref<1x128xf32, #tpu.memory_space<vmem>>
    tpu.wait_dma2 semaphore(%arg4 : memref<!tpu.dma_semaphore, #tpu.memory_space<semaphore_mem>>) src(%dma_wait3A_1730 : memref<1x128xf32, #tpu.memory_space<vmem>>) dst(%dma_wait3A_1727 : memref<1x128xf32, #tpu.memory_space<any>>)
    %dma_wait3A_1731 = arith.constant 91 : i32
    %dma_wait3A_1732 = tpu.memref_slice %arg3[%dma_wait3A_1731, %mul3A_911] : memref<128x32768xf32, #tpu.memory_space<any>> -> memref<1x128xf32, #tpu.memory_space<any>>
    %dma_wait3A_1733 = arith.constant 91 : i32
    %dma_wait3A_1734 = arith.constant 0 : i32
    %dma_wait3A_1735 = tpu.memref_slice %arg1[%dma_wait3A_1733, %dma_wait3A_1734] : memref<128x128xf32, #tpu.memory_space<vmem>> -> memref<1x128xf32, #tpu.memory_space<vmem>>
    tpu.wait_dma2 semaphore(%arg4 : memref<!tpu.dma_semaphore, #tpu.memory_space<semaphore_mem>>) src(%dma_wait3A_1735 : memref<1x128xf32, #tpu.memory_space<vmem>>) dst(%dma_wait3A_1732 : memref<1x128xf32, #tpu.memory_space<any>>)
    %dma_wait3A_1736 = arith.constant 92 : i32
    %dma_wait3A_1737 = tpu.memref_slice %arg3[%dma_wait3A_1736, %mul3A_921] : memref<128x32768xf32, #tpu.memory_space<any>> -> memref<1x128xf32, #tpu.memory_space<any>>
    %dma_wait3A_1738 = arith.constant 92 : i32
    %dma_wait3A_1739 = arith.constant 0 : i32
    %dma_wait3A_1740 = tpu.memref_slice %arg1[%dma_wait3A_1738, %dma_wait3A_1739] : memref<128x128xf32, #tpu.memory_space<vmem>> -> memref<1x128xf32, #tpu.memory_space<vmem>>
    tpu.wait_dma2 semaphore(%arg4 : memref<!tpu.dma_semaphore, #tpu.memory_space<semaphore_mem>>) src(%dma_wait3A_1740 : memref<1x128xf32, #tpu.memory_space<vmem>>) dst(%dma_wait3A_1737 : memref<1x128xf32, #tpu.memory_space<any>>)
    %dma_wait3A_1741 = arith.constant 93 : i32
    %dma_wait3A_1742 = tpu.memref_slice %arg3[%dma_wait3A_1741, %mul3A_931] : memref<128x32768xf32, #tpu.memory_space<any>> -> memref<1x128xf32, #tpu.memory_space<any>>
    %dma_wait3A_1743 = arith.constant 93 : i32
    %dma_wait3A_1744 = arith.constant 0 : i32
    %dma_wait3A_1745 = tpu.memref_slice %arg1[%dma_wait3A_1743, %dma_wait3A_1744] : memref<128x128xf32, #tpu.memory_space<vmem>> -> memref<1x128xf32, #tpu.memory_space<vmem>>
    tpu.wait_dma2 semaphore(%arg4 : memref<!tpu.dma_semaphore, #tpu.memory_space<semaphore_mem>>) src(%dma_wait3A_1745 : memref<1x128xf32, #tpu.memory_space<vmem>>) dst(%dma_wait3A_1742 : memref<1x128xf32, #tpu.memory_space<any>>)
    %dma_wait3A_1746 = arith.constant 94 : i32
    %dma_wait3A_1747 = tpu.memref_slice %arg3[%dma_wait3A_1746, %mul3A_941] : memref<128x32768xf32, #tpu.memory_space<any>> -> memref<1x128xf32, #tpu.memory_space<any>>
    %dma_wait3A_1748 = arith.constant 94 : i32
    %dma_wait3A_1749 = arith.constant 0 : i32
    %dma_wait3A_1750 = tpu.memref_slice %arg1[%dma_wait3A_1748, %dma_wait3A_1749] : memref<128x128xf32, #tpu.memory_space<vmem>> -> memref<1x128xf32, #tpu.memory_space<vmem>>
    tpu.wait_dma2 semaphore(%arg4 : memref<!tpu.dma_semaphore, #tpu.memory_space<semaphore_mem>>) src(%dma_wait3A_1750 : memref<1x128xf32, #tpu.memory_space<vmem>>) dst(%dma_wait3A_1747 : memref<1x128xf32, #tpu.memory_space<any>>)
    %dma_wait3A_1751 = arith.constant 95 : i32
    %dma_wait3A_1752 = tpu.memref_slice %arg3[%dma_wait3A_1751, %mul3A_951] : memref<128x32768xf32, #tpu.memory_space<any>> -> memref<1x128xf32, #tpu.memory_space<any>>
    %dma_wait3A_1753 = arith.constant 95 : i32
    %dma_wait3A_1754 = arith.constant 0 : i32
    %dma_wait3A_1755 = tpu.memref_slice %arg1[%dma_wait3A_1753, %dma_wait3A_1754] : memref<128x128xf32, #tpu.memory_space<vmem>> -> memref<1x128xf32, #tpu.memory_space<vmem>>
    tpu.wait_dma2 semaphore(%arg4 : memref<!tpu.dma_semaphore, #tpu.memory_space<semaphore_mem>>) src(%dma_wait3A_1755 : memref<1x128xf32, #tpu.memory_space<vmem>>) dst(%dma_wait3A_1752 : memref<1x128xf32, #tpu.memory_space<any>>)
    %dma_wait3A_1756 = arith.constant 96 : i32
    %dma_wait3A_1757 = tpu.memref_slice %arg3[%dma_wait3A_1756, %mul3A_961] : memref<128x32768xf32, #tpu.memory_space<any>> -> memref<1x128xf32, #tpu.memory_space<any>>
    %dma_wait3A_1758 = arith.constant 96 : i32
    %dma_wait3A_1759 = arith.constant 0 : i32
    %dma_wait3A_1760 = tpu.memref_slice %arg1[%dma_wait3A_1758, %dma_wait3A_1759] : memref<128x128xf32, #tpu.memory_space<vmem>> -> memref<1x128xf32, #tpu.memory_space<vmem>>
    tpu.wait_dma2 semaphore(%arg4 : memref<!tpu.dma_semaphore, #tpu.memory_space<semaphore_mem>>) src(%dma_wait3A_1760 : memref<1x128xf32, #tpu.memory_space<vmem>>) dst(%dma_wait3A_1757 : memref<1x128xf32, #tpu.memory_space<any>>)
    %dma_wait3A_1761 = arith.constant 97 : i32
    %dma_wait3A_1762 = tpu.memref_slice %arg3[%dma_wait3A_1761, %mul3A_971] : memref<128x32768xf32, #tpu.memory_space<any>> -> memref<1x128xf32, #tpu.memory_space<any>>
    %dma_wait3A_1763 = arith.constant 97 : i32
    %dma_wait3A_1764 = arith.constant 0 : i32
    %dma_wait3A_1765 = tpu.memref_slice %arg1[%dma_wait3A_1763, %dma_wait3A_1764] : memref<128x128xf32, #tpu.memory_space<vmem>> -> memref<1x128xf32, #tpu.memory_space<vmem>>
    tpu.wait_dma2 semaphore(%arg4 : memref<!tpu.dma_semaphore, #tpu.memory_space<semaphore_mem>>) src(%dma_wait3A_1765 : memref<1x128xf32, #tpu.memory_space<vmem>>) dst(%dma_wait3A_1762 : memref<1x128xf32, #tpu.memory_space<any>>)
    %dma_wait3A_1766 = arith.constant 98 : i32
    %dma_wait3A_1767 = tpu.memref_slice %arg3[%dma_wait3A_1766, %mul3A_981] : memref<128x32768xf32, #tpu.memory_space<any>> -> memref<1x128xf32, #tpu.memory_space<any>>
    %dma_wait3A_1768 = arith.constant 98 : i32
    %dma_wait3A_1769 = arith.constant 0 : i32
    %dma_wait3A_1770 = tpu.memref_slice %arg1[%dma_wait3A_1768, %dma_wait3A_1769] : memref<128x128xf32, #tpu.memory_space<vmem>> -> memref<1x128xf32, #tpu.memory_space<vmem>>
    tpu.wait_dma2 semaphore(%arg4 : memref<!tpu.dma_semaphore, #tpu.memory_space<semaphore_mem>>) src(%dma_wait3A_1770 : memref<1x128xf32, #tpu.memory_space<vmem>>) dst(%dma_wait3A_1767 : memref<1x128xf32, #tpu.memory_space<any>>)
    %dma_wait3A_1771 = arith.constant 99 : i32
    %dma_wait3A_1772 = tpu.memref_slice %arg3[%dma_wait3A_1771, %mul3A_991] : memref<128x32768xf32, #tpu.memory_space<any>> -> memref<1x128xf32, #tpu.memory_space<any>>
    %dma_wait3A_1773 = arith.constant 99 : i32
    %dma_wait3A_1774 = arith.constant 0 : i32
    %dma_wait3A_1775 = tpu.memref_slice %arg1[%dma_wait3A_1773, %dma_wait3A_1774] : memref<128x128xf32, #tpu.memory_space<vmem>> -> memref<1x128xf32, #tpu.memory_space<vmem>>
    tpu.wait_dma2 semaphore(%arg4 : memref<!tpu.dma_semaphore, #tpu.memory_space<semaphore_mem>>) src(%dma_wait3A_1775 : memref<1x128xf32, #tpu.memory_space<vmem>>) dst(%dma_wait3A_1772 : memref<1x128xf32, #tpu.memory_space<any>>)
    %dma_wait3A_1776 = arith.constant 100 : i32
    %dma_wait3A_1777 = tpu.memref_slice %arg3[%dma_wait3A_1776, %mul3A_1001] : memref<128x32768xf32, #tpu.memory_space<any>> -> memref<1x128xf32, #tpu.memory_space<any>>
    %dma_wait3A_1778 = arith.constant 100 : i32
    %dma_wait3A_1779 = arith.constant 0 : i32
    %dma_wait3A_1780 = tpu.memref_slice %arg1[%dma_wait3A_1778, %dma_wait3A_1779] : memref<128x128xf32, #tpu.memory_space<vmem>> -> memref<1x128xf32, #tpu.memory_space<vmem>>
    tpu.wait_dma2 semaphore(%arg4 : memref<!tpu.dma_semaphore, #tpu.memory_space<semaphore_mem>>) src(%dma_wait3A_1780 : memref<1x128xf32, #tpu.memory_space<vmem>>) dst(%dma_wait3A_1777 : memref<1x128xf32, #tpu.memory_space<any>>)
    %dma_wait3A_1781 = arith.constant 101 : i32
    %dma_wait3A_1782 = tpu.memref_slice %arg3[%dma_wait3A_1781, %mul3A_1011] : memref<128x32768xf32, #tpu.memory_space<any>> -> memref<1x128xf32, #tpu.memory_space<any>>
    %dma_wait3A_1783 = arith.constant 101 : i32
    %dma_wait3A_1784 = arith.constant 0 : i32
    %dma_wait3A_1785 = tpu.memref_slice %arg1[%dma_wait3A_1783, %dma_wait3A_1784] : memref<128x128xf32, #tpu.memory_space<vmem>> -> memref<1x128xf32, #tpu.memory_space<vmem>>
    tpu.wait_dma2 semaphore(%arg4 : memref<!tpu.dma_semaphore, #tpu.memory_space<semaphore_mem>>) src(%dma_wait3A_1785 : memref<1x128xf32, #tpu.memory_space<vmem>>) dst(%dma_wait3A_1782 : memref<1x128xf32, #tpu.memory_space<any>>)
    %dma_wait3A_1786 = arith.constant 102 : i32
    %dma_wait3A_1787 = tpu.memref_slice %arg3[%dma_wait3A_1786, %mul3A_1021] : memref<128x32768xf32, #tpu.memory_space<any>> -> memref<1x128xf32, #tpu.memory_space<any>>
    %dma_wait3A_1788 = arith.constant 102 : i32
    %dma_wait3A_1789 = arith.constant 0 : i32
    %dma_wait3A_1790 = tpu.memref_slice %arg1[%dma_wait3A_1788, %dma_wait3A_1789] : memref<128x128xf32, #tpu.memory_space<vmem>> -> memref<1x128xf32, #tpu.memory_space<vmem>>
    tpu.wait_dma2 semaphore(%arg4 : memref<!tpu.dma_semaphore, #tpu.memory_space<semaphore_mem>>) src(%dma_wait3A_1790 : memref<1x128xf32, #tpu.memory_space<vmem>>) dst(%dma_wait3A_1787 : memref<1x128xf32, #tpu.memory_space<any>>)
    %dma_wait3A_1791 = arith.constant 103 : i32
    %dma_wait3A_1792 = tpu.memref_slice %arg3[%dma_wait3A_1791, %mul3A_1031] : memref<128x32768xf32, #tpu.memory_space<any>> -> memref<1x128xf32, #tpu.memory_space<any>>
    %dma_wait3A_1793 = arith.constant 103 : i32
    %dma_wait3A_1794 = arith.constant 0 : i32
    %dma_wait3A_1795 = tpu.memref_slice %arg1[%dma_wait3A_1793, %dma_wait3A_1794] : memref<128x128xf32, #tpu.memory_space<vmem>> -> memref<1x128xf32, #tpu.memory_space<vmem>>
    tpu.wait_dma2 semaphore(%arg4 : memref<!tpu.dma_semaphore, #tpu.memory_space<semaphore_mem>>) src(%dma_wait3A_1795 : memref<1x128xf32, #tpu.memory_space<vmem>>) dst(%dma_wait3A_1792 : memref<1x128xf32, #tpu.memory_space<any>>)
    %dma_wait3A_1796 = arith.constant 104 : i32
    %dma_wait3A_1797 = tpu.memref_slice %arg3[%dma_wait3A_1796, %mul3A_1041] : memref<128x32768xf32, #tpu.memory_space<any>> -> memref<1x128xf32, #tpu.memory_space<any>>
    %dma_wait3A_1798 = arith.constant 104 : i32
    %dma_wait3A_1799 = arith.constant 0 : i32
    %dma_wait3A_1800 = tpu.memref_slice %arg1[%dma_wait3A_1798, %dma_wait3A_1799] : memref<128x128xf32, #tpu.memory_space<vmem>> -> memref<1x128xf32, #tpu.memory_space<vmem>>
    tpu.wait_dma2 semaphore(%arg4 : memref<!tpu.dma_semaphore, #tpu.memory_space<semaphore_mem>>) src(%dma_wait3A_1800 : memref<1x128xf32, #tpu.memory_space<vmem>>) dst(%dma_wait3A_1797 : memref<1x128xf32, #tpu.memory_space<any>>)
    %dma_wait3A_1801 = arith.constant 105 : i32
    %dma_wait3A_1802 = tpu.memref_slice %arg3[%dma_wait3A_1801, %mul3A_1051] : memref<128x32768xf32, #tpu.memory_space<any>> -> memref<1x128xf32, #tpu.memory_space<any>>
    %dma_wait3A_1803 = arith.constant 105 : i32
    %dma_wait3A_1804 = arith.constant 0 : i32
    %dma_wait3A_1805 = tpu.memref_slice %arg1[%dma_wait3A_1803, %dma_wait3A_1804] : memref<128x128xf32, #tpu.memory_space<vmem>> -> memref<1x128xf32, #tpu.memory_space<vmem>>
    tpu.wait_dma2 semaphore(%arg4 : memref<!tpu.dma_semaphore, #tpu.memory_space<semaphore_mem>>) src(%dma_wait3A_1805 : memref<1x128xf32, #tpu.memory_space<vmem>>) dst(%dma_wait3A_1802 : memref<1x128xf32, #tpu.memory_space<any>>)
    %dma_wait3A_1806 = arith.constant 106 : i32
    %dma_wait3A_1807 = tpu.memref_slice %arg3[%dma_wait3A_1806, %mul3A_1061] : memref<128x32768xf32, #tpu.memory_space<any>> -> memref<1x128xf32, #tpu.memory_space<any>>
    %dma_wait3A_1808 = arith.constant 106 : i32
    %dma_wait3A_1809 = arith.constant 0 : i32
    %dma_wait3A_1810 = tpu.memref_slice %arg1[%dma_wait3A_1808, %dma_wait3A_1809] : memref<128x128xf32, #tpu.memory_space<vmem>> -> memref<1x128xf32, #tpu.memory_space<vmem>>
    tpu.wait_dma2 semaphore(%arg4 : memref<!tpu.dma_semaphore, #tpu.memory_space<semaphore_mem>>) src(%dma_wait3A_1810 : memref<1x128xf32, #tpu.memory_space<vmem>>) dst(%dma_wait3A_1807 : memref<1x128xf32, #tpu.memory_space<any>>)
    %dma_wait3A_1811 = arith.constant 107 : i32
    %dma_wait3A_1812 = tpu.memref_slice %arg3[%dma_wait3A_1811, %mul3A_1071] : memref<128x32768xf32, #tpu.memory_space<any>> -> memref<1x128xf32, #tpu.memory_space<any>>
    %dma_wait3A_1813 = arith.constant 107 : i32
    %dma_wait3A_1814 = arith.constant 0 : i32
    %dma_wait3A_1815 = tpu.memref_slice %arg1[%dma_wait3A_1813, %dma_wait3A_1814] : memref<128x128xf32, #tpu.memory_space<vmem>> -> memref<1x128xf32, #tpu.memory_space<vmem>>
    tpu.wait_dma2 semaphore(%arg4 : memref<!tpu.dma_semaphore, #tpu.memory_space<semaphore_mem>>) src(%dma_wait3A_1815 : memref<1x128xf32, #tpu.memory_space<vmem>>) dst(%dma_wait3A_1812 : memref<1x128xf32, #tpu.memory_space<any>>)
    %dma_wait3A_1816 = arith.constant 108 : i32
    %dma_wait3A_1817 = tpu.memref_slice %arg3[%dma_wait3A_1816, %mul3A_1081] : memref<128x32768xf32, #tpu.memory_space<any>> -> memref<1x128xf32, #tpu.memory_space<any>>
    %dma_wait3A_1818 = arith.constant 108 : i32
    %dma_wait3A_1819 = arith.constant 0 : i32
    %dma_wait3A_1820 = tpu.memref_slice %arg1[%dma_wait3A_1818, %dma_wait3A_1819] : memref<128x128xf32, #tpu.memory_space<vmem>> -> memref<1x128xf32, #tpu.memory_space<vmem>>
    tpu.wait_dma2 semaphore(%arg4 : memref<!tpu.dma_semaphore, #tpu.memory_space<semaphore_mem>>) src(%dma_wait3A_1820 : memref<1x128xf32, #tpu.memory_space<vmem>>) dst(%dma_wait3A_1817 : memref<1x128xf32, #tpu.memory_space<any>>)
    %dma_wait3A_1821 = arith.constant 109 : i32
    %dma_wait3A_1822 = tpu.memref_slice %arg3[%dma_wait3A_1821, %mul3A_1091] : memref<128x32768xf32, #tpu.memory_space<any>> -> memref<1x128xf32, #tpu.memory_space<any>>
    %dma_wait3A_1823 = arith.constant 109 : i32
    %dma_wait3A_1824 = arith.constant 0 : i32
    %dma_wait3A_1825 = tpu.memref_slice %arg1[%dma_wait3A_1823, %dma_wait3A_1824] : memref<128x128xf32, #tpu.memory_space<vmem>> -> memref<1x128xf32, #tpu.memory_space<vmem>>
    tpu.wait_dma2 semaphore(%arg4 : memref<!tpu.dma_semaphore, #tpu.memory_space<semaphore_mem>>) src(%dma_wait3A_1825 : memref<1x128xf32, #tpu.memory_space<vmem>>) dst(%dma_wait3A_1822 : memref<1x128xf32, #tpu.memory_space<any>>)
    %dma_wait3A_1826 = arith.constant 110 : i32
    %dma_wait3A_1827 = tpu.memref_slice %arg3[%dma_wait3A_1826, %mul3A_1101] : memref<128x32768xf32, #tpu.memory_space<any>> -> memref<1x128xf32, #tpu.memory_space<any>>
    %dma_wait3A_1828 = arith.constant 110 : i32
    %dma_wait3A_1829 = arith.constant 0 : i32
    %dma_wait3A_1830 = tpu.memref_slice %arg1[%dma_wait3A_1828, %dma_wait3A_1829] : memref<128x128xf32, #tpu.memory_space<vmem>> -> memref<1x128xf32, #tpu.memory_space<vmem>>
    tpu.wait_dma2 semaphore(%arg4 : memref<!tpu.dma_semaphore, #tpu.memory_space<semaphore_mem>>) src(%dma_wait3A_1830 : memref<1x128xf32, #tpu.memory_space<vmem>>) dst(%dma_wait3A_1827 : memref<1x128xf32, #tpu.memory_space<any>>)
    %dma_wait3A_1831 = arith.constant 111 : i32
    %dma_wait3A_1832 = tpu.memref_slice %arg3[%dma_wait3A_1831, %mul3A_1111] : memref<128x32768xf32, #tpu.memory_space<any>> -> memref<1x128xf32, #tpu.memory_space<any>>
    %dma_wait3A_1833 = arith.constant 111 : i32
    %dma_wait3A_1834 = arith.constant 0 : i32
    %dma_wait3A_1835 = tpu.memref_slice %arg1[%dma_wait3A_1833, %dma_wait3A_1834] : memref<128x128xf32, #tpu.memory_space<vmem>> -> memref<1x128xf32, #tpu.memory_space<vmem>>
    tpu.wait_dma2 semaphore(%arg4 : memref<!tpu.dma_semaphore, #tpu.memory_space<semaphore_mem>>) src(%dma_wait3A_1835 : memref<1x128xf32, #tpu.memory_space<vmem>>) dst(%dma_wait3A_1832 : memref<1x128xf32, #tpu.memory_space<any>>)
    %dma_wait3A_1836 = arith.constant 112 : i32
    %dma_wait3A_1837 = tpu.memref_slice %arg3[%dma_wait3A_1836, %mul3A_1121] : memref<128x32768xf32, #tpu.memory_space<any>> -> memref<1x128xf32, #tpu.memory_space<any>>
    %dma_wait3A_1838 = arith.constant 112 : i32
    %dma_wait3A_1839 = arith.constant 0 : i32
    %dma_wait3A_1840 = tpu.memref_slice %arg1[%dma_wait3A_1838, %dma_wait3A_1839] : memref<128x128xf32, #tpu.memory_space<vmem>> -> memref<1x128xf32, #tpu.memory_space<vmem>>
    tpu.wait_dma2 semaphore(%arg4 : memref<!tpu.dma_semaphore, #tpu.memory_space<semaphore_mem>>) src(%dma_wait3A_1840 : memref<1x128xf32, #tpu.memory_space<vmem>>) dst(%dma_wait3A_1837 : memref<1x128xf32, #tpu.memory_space<any>>)
    %dma_wait3A_1841 = arith.constant 113 : i32
    %dma_wait3A_1842 = tpu.memref_slice %arg3[%dma_wait3A_1841, %mul3A_1131] : memref<128x32768xf32, #tpu.memory_space<any>> -> memref<1x128xf32, #tpu.memory_space<any>>
    %dma_wait3A_1843 = arith.constant 113 : i32
    %dma_wait3A_1844 = arith.constant 0 : i32
    %dma_wait3A_1845 = tpu.memref_slice %arg1[%dma_wait3A_1843, %dma_wait3A_1844] : memref<128x128xf32, #tpu.memory_space<vmem>> -> memref<1x128xf32, #tpu.memory_space<vmem>>
    tpu.wait_dma2 semaphore(%arg4 : memref<!tpu.dma_semaphore, #tpu.memory_space<semaphore_mem>>) src(%dma_wait3A_1845 : memref<1x128xf32, #tpu.memory_space<vmem>>) dst(%dma_wait3A_1842 : memref<1x128xf32, #tpu.memory_space<any>>)
    %dma_wait3A_1846 = arith.constant 114 : i32
    %dma_wait3A_1847 = tpu.memref_slice %arg3[%dma_wait3A_1846, %mul3A_1141] : memref<128x32768xf32, #tpu.memory_space<any>> -> memref<1x128xf32, #tpu.memory_space<any>>
    %dma_wait3A_1848 = arith.constant 114 : i32
    %dma_wait3A_1849 = arith.constant 0 : i32
    %dma_wait3A_1850 = tpu.memref_slice %arg1[%dma_wait3A_1848, %dma_wait3A_1849] : memref<128x128xf32, #tpu.memory_space<vmem>> -> memref<1x128xf32, #tpu.memory_space<vmem>>
    tpu.wait_dma2 semaphore(%arg4 : memref<!tpu.dma_semaphore, #tpu.memory_space<semaphore_mem>>) src(%dma_wait3A_1850 : memref<1x128xf32, #tpu.memory_space<vmem>>) dst(%dma_wait3A_1847 : memref<1x128xf32, #tpu.memory_space<any>>)
    %dma_wait3A_1851 = arith.constant 115 : i32
    %dma_wait3A_1852 = tpu.memref_slice %arg3[%dma_wait3A_1851, %mul3A_1151] : memref<128x32768xf32, #tpu.memory_space<any>> -> memref<1x128xf32, #tpu.memory_space<any>>
    %dma_wait3A_1853 = arith.constant 115 : i32
    %dma_wait3A_1854 = arith.constant 0 : i32
    %dma_wait3A_1855 = tpu.memref_slice %arg1[%dma_wait3A_1853, %dma_wait3A_1854] : memref<128x128xf32, #tpu.memory_space<vmem>> -> memref<1x128xf32, #tpu.memory_space<vmem>>
    tpu.wait_dma2 semaphore(%arg4 : memref<!tpu.dma_semaphore, #tpu.memory_space<semaphore_mem>>) src(%dma_wait3A_1855 : memref<1x128xf32, #tpu.memory_space<vmem>>) dst(%dma_wait3A_1852 : memref<1x128xf32, #tpu.memory_space<any>>)
    %dma_wait3A_1856 = arith.constant 116 : i32
    %dma_wait3A_1857 = tpu.memref_slice %arg3[%dma_wait3A_1856, %mul3A_1161] : memref<128x32768xf32, #tpu.memory_space<any>> -> memref<1x128xf32, #tpu.memory_space<any>>
    %dma_wait3A_1858 = arith.constant 116 : i32
    %dma_wait3A_1859 = arith.constant 0 : i32
    %dma_wait3A_1860 = tpu.memref_slice %arg1[%dma_wait3A_1858, %dma_wait3A_1859] : memref<128x128xf32, #tpu.memory_space<vmem>> -> memref<1x128xf32, #tpu.memory_space<vmem>>
    tpu.wait_dma2 semaphore(%arg4 : memref<!tpu.dma_semaphore, #tpu.memory_space<semaphore_mem>>) src(%dma_wait3A_1860 : memref<1x128xf32, #tpu.memory_space<vmem>>) dst(%dma_wait3A_1857 : memref<1x128xf32, #tpu.memory_space<any>>)
    %dma_wait3A_1861 = arith.constant 117 : i32
    %dma_wait3A_1862 = tpu.memref_slice %arg3[%dma_wait3A_1861, %mul3A_1171] : memref<128x32768xf32, #tpu.memory_space<any>> -> memref<1x128xf32, #tpu.memory_space<any>>
    %dma_wait3A_1863 = arith.constant 117 : i32
    %dma_wait3A_1864 = arith.constant 0 : i32
    %dma_wait3A_1865 = tpu.memref_slice %arg1[%dma_wait3A_1863, %dma_wait3A_1864] : memref<128x128xf32, #tpu.memory_space<vmem>> -> memref<1x128xf32, #tpu.memory_space<vmem>>
    tpu.wait_dma2 semaphore(%arg4 : memref<!tpu.dma_semaphore, #tpu.memory_space<semaphore_mem>>) src(%dma_wait3A_1865 : memref<1x128xf32, #tpu.memory_space<vmem>>) dst(%dma_wait3A_1862 : memref<1x128xf32, #tpu.memory_space<any>>)
    %dma_wait3A_1866 = arith.constant 118 : i32
    %dma_wait3A_1867 = tpu.memref_slice %arg3[%dma_wait3A_1866, %mul3A_1181] : memref<128x32768xf32, #tpu.memory_space<any>> -> memref<1x128xf32, #tpu.memory_space<any>>
    %dma_wait3A_1868 = arith.constant 118 : i32
    %dma_wait3A_1869 = arith.constant 0 : i32
    %dma_wait3A_1870 = tpu.memref_slice %arg1[%dma_wait3A_1868, %dma_wait3A_1869] : memref<128x128xf32, #tpu.memory_space<vmem>> -> memref<1x128xf32, #tpu.memory_space<vmem>>
    tpu.wait_dma2 semaphore(%arg4 : memref<!tpu.dma_semaphore, #tpu.memory_space<semaphore_mem>>) src(%dma_wait3A_1870 : memref<1x128xf32, #tpu.memory_space<vmem>>) dst(%dma_wait3A_1867 : memref<1x128xf32, #tpu.memory_space<any>>)
    %dma_wait3A_1871 = arith.constant 119 : i32
    %dma_wait3A_1872 = tpu.memref_slice %arg3[%dma_wait3A_1871, %mul3A_1191] : memref<128x32768xf32, #tpu.memory_space<any>> -> memref<1x128xf32, #tpu.memory_space<any>>
    %dma_wait3A_1873 = arith.constant 119 : i32
    %dma_wait3A_1874 = arith.constant 0 : i32
    %dma_wait3A_1875 = tpu.memref_slice %arg1[%dma_wait3A_1873, %dma_wait3A_1874] : memref<128x128xf32, #tpu.memory_space<vmem>> -> memref<1x128xf32, #tpu.memory_space<vmem>>
    tpu.wait_dma2 semaphore(%arg4 : memref<!tpu.dma_semaphore, #tpu.memory_space<semaphore_mem>>) src(%dma_wait3A_1875 : memref<1x128xf32, #tpu.memory_space<vmem>>) dst(%dma_wait3A_1872 : memref<1x128xf32, #tpu.memory_space<any>>)
    %dma_wait3A_1876 = arith.constant 120 : i32
    %dma_wait3A_1877 = tpu.memref_slice %arg3[%dma_wait3A_1876, %mul3A_1201] : memref<128x32768xf32, #tpu.memory_space<any>> -> memref<1x128xf32, #tpu.memory_space<any>>
    %dma_wait3A_1878 = arith.constant 120 : i32
    %dma_wait3A_1879 = arith.constant 0 : i32
    %dma_wait3A_1880 = tpu.memref_slice %arg1[%dma_wait3A_1878, %dma_wait3A_1879] : memref<128x128xf32, #tpu.memory_space<vmem>> -> memref<1x128xf32, #tpu.memory_space<vmem>>
    tpu.wait_dma2 semaphore(%arg4 : memref<!tpu.dma_semaphore, #tpu.memory_space<semaphore_mem>>) src(%dma_wait3A_1880 : memref<1x128xf32, #tpu.memory_space<vmem>>) dst(%dma_wait3A_1877 : memref<1x128xf32, #tpu.memory_space<any>>)
    %dma_wait3A_1881 = arith.constant 121 : i32
    %dma_wait3A_1882 = tpu.memref_slice %arg3[%dma_wait3A_1881, %mul3A_1211] : memref<128x32768xf32, #tpu.memory_space<any>> -> memref<1x128xf32, #tpu.memory_space<any>>
    %dma_wait3A_1883 = arith.constant 121 : i32
    %dma_wait3A_1884 = arith.constant 0 : i32
    %dma_wait3A_1885 = tpu.memref_slice %arg1[%dma_wait3A_1883, %dma_wait3A_1884] : memref<128x128xf32, #tpu.memory_space<vmem>> -> memref<1x128xf32, #tpu.memory_space<vmem>>
    tpu.wait_dma2 semaphore(%arg4 : memref<!tpu.dma_semaphore, #tpu.memory_space<semaphore_mem>>) src(%dma_wait3A_1885 : memref<1x128xf32, #tpu.memory_space<vmem>>) dst(%dma_wait3A_1882 : memref<1x128xf32, #tpu.memory_space<any>>)
    %dma_wait3A_1886 = arith.constant 122 : i32
    %dma_wait3A_1887 = tpu.memref_slice %arg3[%dma_wait3A_1886, %mul3A_1221] : memref<128x32768xf32, #tpu.memory_space<any>> -> memref<1x128xf32, #tpu.memory_space<any>>
    %dma_wait3A_1888 = arith.constant 122 : i32
    %dma_wait3A_1889 = arith.constant 0 : i32
    %dma_wait3A_1890 = tpu.memref_slice %arg1[%dma_wait3A_1888, %dma_wait3A_1889] : memref<128x128xf32, #tpu.memory_space<vmem>> -> memref<1x128xf32, #tpu.memory_space<vmem>>
    tpu.wait_dma2 semaphore(%arg4 : memref<!tpu.dma_semaphore, #tpu.memory_space<semaphore_mem>>) src(%dma_wait3A_1890 : memref<1x128xf32, #tpu.memory_space<vmem>>) dst(%dma_wait3A_1887 : memref<1x128xf32, #tpu.memory_space<any>>)
    %dma_wait3A_1891 = arith.constant 123 : i32
    %dma_wait3A_1892 = tpu.memref_slice %arg3[%dma_wait3A_1891, %mul3A_1231] : memref<128x32768xf32, #tpu.memory_space<any>> -> memref<1x128xf32, #tpu.memory_space<any>>
    %dma_wait3A_1893 = arith.constant 123 : i32
    %dma_wait3A_1894 = arith.constant 0 : i32
    %dma_wait3A_1895 = tpu.memref_slice %arg1[%dma_wait3A_1893, %dma_wait3A_1894] : memref<128x128xf32, #tpu.memory_space<vmem>> -> memref<1x128xf32, #tpu.memory_space<vmem>>
    tpu.wait_dma2 semaphore(%arg4 : memref<!tpu.dma_semaphore, #tpu.memory_space<semaphore_mem>>) src(%dma_wait3A_1895 : memref<1x128xf32, #tpu.memory_space<vmem>>) dst(%dma_wait3A_1892 : memref<1x128xf32, #tpu.memory_space<any>>)
    %dma_wait3A_1896 = arith.constant 124 : i32
    %dma_wait3A_1897 = tpu.memref_slice %arg3[%dma_wait3A_1896, %mul3A_1241] : memref<128x32768xf32, #tpu.memory_space<any>> -> memref<1x128xf32, #tpu.memory_space<any>>
    %dma_wait3A_1898 = arith.constant 124 : i32
    %dma_wait3A_1899 = arith.constant 0 : i32
    %dma_wait3A_1900 = tpu.memref_slice %arg1[%dma_wait3A_1898, %dma_wait3A_1899] : memref<128x128xf32, #tpu.memory_space<vmem>> -> memref<1x128xf32, #tpu.memory_space<vmem>>
    tpu.wait_dma2 semaphore(%arg4 : memref<!tpu.dma_semaphore, #tpu.memory_space<semaphore_mem>>) src(%dma_wait3A_1900 : memref<1x128xf32, #tpu.memory_space<vmem>>) dst(%dma_wait3A_1897 : memref<1x128xf32, #tpu.memory_space<any>>)
    %dma_wait3A_1901 = arith.constant 125 : i32
    %dma_wait3A_1902 = tpu.memref_slice %arg3[%dma_wait3A_1901, %mul3A_1251] : memref<128x32768xf32, #tpu.memory_space<any>> -> memref<1x128xf32, #tpu.memory_space<any>>
    %dma_wait3A_1903 = arith.constant 125 : i32
    %dma_wait3A_1904 = arith.constant 0 : i32
    %dma_wait3A_1905 = tpu.memref_slice %arg1[%dma_wait3A_1903, %dma_wait3A_1904] : memref<128x128xf32, #tpu.memory_space<vmem>> -> memref<1x128xf32, #tpu.memory_space<vmem>>
    tpu.wait_dma2 semaphore(%arg4 : memref<!tpu.dma_semaphore, #tpu.memory_space<semaphore_mem>>) src(%dma_wait3A_1905 : memref<1x128xf32, #tpu.memory_space<vmem>>) dst(%dma_wait3A_1902 : memref<1x128xf32, #tpu.memory_space<any>>)
    %dma_wait3A_1906 = arith.constant 126 : i32
    %dma_wait3A_1907 = tpu.memref_slice %arg3[%dma_wait3A_1906, %mul3A_1261] : memref<128x32768xf32, #tpu.memory_space<any>> -> memref<1x128xf32, #tpu.memory_space<any>>
    %dma_wait3A_1908 = arith.constant 126 : i32
    %dma_wait3A_1909 = arith.constant 0 : i32
    %dma_wait3A_1910 = tpu.memref_slice %arg1[%dma_wait3A_1908, %dma_wait3A_1909] : memref<128x128xf32, #tpu.memory_space<vmem>> -> memref<1x128xf32, #tpu.memory_space<vmem>>
    tpu.wait_dma2 semaphore(%arg4 : memref<!tpu.dma_semaphore, #tpu.memory_space<semaphore_mem>>) src(%dma_wait3A_1910 : memref<1x128xf32, #tpu.memory_space<vmem>>) dst(%dma_wait3A_1907 : memref<1x128xf32, #tpu.memory_space<any>>)
    %dma_wait3A_1911 = arith.constant 127 : i32
    %dma_wait3A_1912 = tpu.memref_slice %arg3[%dma_wait3A_1911, %mul3A_1271] : memref<128x32768xf32, #tpu.memory_space<any>> -> memref<1x128xf32, #tpu.memory_space<any>>
    %dma_wait3A_1913 = arith.constant 127 : i32
    %dma_wait3A_1914 = arith.constant 0 : i32
    %dma_wait3A_1915 = tpu.memref_slice %arg1[%dma_wait3A_1913, %dma_wait3A_1914] : memref<128x128xf32, #tpu.memory_space<vmem>> -> memref<1x128xf32, #tpu.memory_space<vmem>>
    tpu.wait_dma2 semaphore(%arg4 : memref<!tpu.dma_semaphore, #tpu.memory_space<semaphore_mem>>) src(%dma_wait3A_1915 : memref<1x128xf32, #tpu.memory_space<vmem>>) dst(%dma_wait3A_1912 : memref<1x128xf32, #tpu.memory_space<any>>)
    return
  }
}

</mosaic_0001>

<sc_bundles>
// kernel: kernel.5.cloned.1.call-start
scs
__scs_entry_jumppad:
0x0: {  	(pc) =	sbr.rel $0x88, $3  }
0x1: {  	(tag) =	ssettag $0x0;
	lr =	simm.s32 $0x1  }
0x2: {  	[smem:$0x3FA0] =	sst lr;
	_ =	strace $0xD0000000  }
0x3: {  	_ = 	snop  }
0x4: {  	_ = 	snop  }
0x5: {  	_ = 	snop  }
0x6: {  	_ = 	snop  }
0x7: {  	_ = 	snop  }
__scs_overlays_trampoline_lowered:
0x8: {  	[smem:$0x3FAF] =	sst s0  }
0x9: {  	[smem:$0x3FB0] =	sst s1  }
0xa: {  	[smem:$0x3FB1] =	sst s2  }
0xb: {  	[smem:$0x3FB2] =	sst s3  }
0xc: {  	[smem:$0x3FB3] =	sst s4  }
0xd: {  	[smem:$0x3FB4] =	sst s5  }
0xe: {  	[smem:$0x3FB5] =	sst s6  }
0xf: {  	[smem:$0x3FB6] =	sst s7  }
0x10: {  	[smem:$0x3FB7] =	sst s8  }
0x11: {  	[smem:$0x3FB8] =	sst s9;
	s0 =	simm.s32 @!p0 $0x0  }
0x12: {  	s1 =	sld [smem:$0x3F9E];
	s0 =	simm.s32 @p0 $0x1  }
0x13: {  	[smem:$0x3FB9] =	sst s0;
	s0 =	simm.s32 @!p1 $0x0  }
0x14: {  	s2 =	sld [smem:$0x3F9D];
	s0 =	simm.s32 @p1 $0x1  }
0x15: {  	[smem:$0x3FBA] =	sst s0;
	s0 =	simm.s32 @!p2 $0x0  }
0x16: {  	s3 =	sld [smem:$0x3FDB];
	s0 =	simm.s32 @p2 $0x1  }
0x17: {  	s4 =	simm.s32 $0x1BF5;
	[smem:$0x3FBC] =	sst s0  }
0x18: {  	s0 =	sld [smem:$0x3F9F];
	_ =	swait.ge [sflag:s4], $0x0  }
0x19: {  	s7 =	sld [smem:$0x3FA0]  }
0x1a: {  	s8 =	sadd.s32 $0xFFFFE003, lr  }
0x1b: {  	s9 =	sadd.s32 $0xFFFFFEF7, lr;
	s5 =	simm.s32 $0xFFFFFFFF;
	p2 =	slt.u32 s8, $0xFFFFF086  }
0x1c: {  	p1 =	slt.u32 s9, $0xF7A;
	s5 =	simm.s32 @!p2 $0x0  }
0x1d: {  	s5 =	simm.s32 @p1 $0x1;
	p0 =	seq.s32 s7, s2  }
0x1e: {  	s7 =	smul.u32 @!p0 $0xF7A, s2;
	p2 =	seq.s32 @!p0 s5, $0x0  }
0x1f: {  	s9 =	smul.u32 $0xF7A, s1;
	s8 =	simm.s32 @!p0 $0x1BF5;
	p2 =	por !p2, p0  }
0x20: {  	[sflag:s8] =	ssyncset.s32 @!p0 $0xFFFFF086;
	s6 =	sadd.s32 @!p0 s3, s7;
	s7 =	simm.s32 @!p0 $0x108  }
0x21: {  	s3 =	sadd.s32 s3, s9;
	s6 =	sadd.s32 @!p0 $0x88, s6;
	s7 =	simm.s32 @p2 $0x1082  }
0x22: {  	[simem:s7], [sflag:s8] =	dma.local @!p0 [hbm:s6], $0xF7A  }
0x23: {  	s9 =	sor.u32 $0xD0000000, s2;
	s6 =	simm.s32 $0x108;
	_ =	swait.ge @!p0 [sflag:s8], $0x0  }
0x24: {  	s3 =	sadd.s32 $0x88, s3;
	s6 =	simm.s32 @!p1 $0x1082;
	[sflag:s4] =	ssyncset.s32 $0xFFFFF086  }
0x25: {  	[simem:s6], [sflag:s4] =	dma.local [hbm:s3], $0xF7A  }
0x26: {  	[smem:$0x3FA0] =	sst s1;
	(tag) =	ssettag s2;
	_ =	strace s9  }
0x27: {  	s1 =	sld [smem:$0x3FB0]  }
0x28: {  	s2 =	sld [smem:$0x3FB1]  }
0x29: {  	s4 =	sld [smem:$0x3FB3]  }
0x2a: {  	p0 =	seq.s32 s5, $0x0;
	s5 =	sld [smem:$0x3FB4]  }
0x2b: {  	s6 =	sld [smem:$0x3FB5]  }
0x2c: {  	s7 =	sld [smem:$0x3FB6]  }
0x2d: {  	s3 =	simm.s32 $0x108;
	s8 =	sld [smem:$0x3FB7]  }
0x2e: {  	s3 =	simm.s32 @!p0 $0x1082;
	s9 =	sld [smem:$0x3FB8]  }
0x2f: {  	lr =	sadd.s32 s0, s3;
	s0 =	sld [smem:$0x3FAF]  }
0x30: {  	s3 =	sld [smem:$0x3FB2]  }
0x31: {  	[smem:$0x3FBB] =	sst s10  }
0x32: {  	s10 =	sld [smem:$0x3FB9];
	_ =	sdelay $0x3  }
0x33: {  	p0 =	seq.s32 s10, $0x1;
	s10 =	sld [smem:$0x3FBB];
	_ =	sdelay $0x3  }
0x34: {  	[smem:$0x3FBB] =	sst s10  }
0x35: {  	s10 =	sld [smem:$0x3FBA];
	_ =	sdelay $0x3  }
0x36: {  	p1 =	seq.s32 s10, $0x1;
	s10 =	sld [smem:$0x3FBB];
	_ =	sdelay $0x3  }
0x37: {  	[smem:$0x3FBB] =	sst s10  }
0x38: {  	s10 =	sld [smem:$0x3FBC]  }
0x39: {  	_ = 	snop;
	(pc) =	sbr.ind lr, $3  }
0x3a: {  	_ = 	snop  }
0x3b: {  	_ = 	snop  }
0x3c: {  	p2 =	seq.s32 s10, $0x1;
	s10 =	sld [smem:$0x3FBB]  }
0x3d: {  	_ =	shalt  }
0x3e: {  	_ =	shalt  }
0x3f: {  	_ =	shalt  }
0x40: {  	_ =	shalt  }
0x41: {  	_ =	shalt  }
0x42: {  	_ =	shalt  }
0x43: {  	_ =	shalt  }
0x44: {  	_ =	shalt  }
0x45: {  	_ =	shalt  }
0x46: {  	_ =	shalt  }
0x47: {  	_ =	shalt  }
0x48: {  	_ =	shalt  }
0x49: {  	_ =	shalt  }
0x4a: {  	_ =	shalt  }
0x4b: {  	_ =	shalt  }
0x4c: {  	_ =	shalt  }
0x4d: {  	_ =	shalt  }
0x4e: {  	_ =	shalt  }
0x4f: {  	_ =	shalt  }
0x50: {  	_ =	shalt  }
0x51: {  	_ =	shalt  }
0x52: {  	_ =	shalt  }
0x53: {  	_ =	shalt  }
0x54: {  	_ =	shalt  }
0x55: {  	_ =	shalt  }
0x56: {  	_ =	shalt  }
0x57: {  	_ =	shalt  }
0x58: {  	_ =	shalt  }
0x59: {  	_ =	shalt  }
0x5a: {  	_ =	shalt  }
0x5b: {  	_ =	shalt  }
0x5c: {  	_ =	shalt  }
0x5d: {  	_ =	shalt  }
0x5e: {  	_ =	shalt  }
0x5f: {  	_ =	shalt  }
0x60: {  	_ =	shalt  }
0x61: {  	_ =	shalt  }
0x62: {  	_ =	shalt  }
0x63: {  	_ =	shalt  }
0x64: {  	_ =	shalt  }
0x65: {  	_ =	shalt  }
0x66: {  	_ =	shalt  }
0x67: {  	_ =	shalt  }
0x68: {  	_ =	shalt  }
0x69: {  	_ =	shalt  }
0x6a: {  	_ =	shalt  }
0x6b: {  	_ =	shalt  }
0x6c: {  	_ =	shalt  }
0x6d: {  	_ =	shalt  }
0x6e: {  	_ =	shalt  }
0x6f: {  	_ =	shalt  }
0x70: {  	_ =	shalt  }
0x71: {  	_ =	shalt  }
0x72: {  	_ =	shalt  }
0x73: {  	_ =	shalt  }
0x74: {  	_ =	shalt  }
0x75: {  	_ =	shalt  }
0x76: {  	_ =	shalt  }
0x77: {  	_ =	shalt  }
0x78: {  	_ =	shalt  }
0x79: {  	_ =	shalt  }
0x7a: {  	_ =	shalt  }
0x7b: {  	_ =	shalt  }
0x7c: {  	_ =	shalt  }
0x7d: {  	_ =	shalt  }
0x7e: {  	_ =	shalt  }
0x7f: {  	_ =	shalt  }
0x80: {  	_ =	shalt  }
0x81: {  	_ =	shalt  }
0x82: {  	_ =	shalt  }
0x83: {  	_ =	shalt  }
0x84: {  	_ =	shalt  }
0x85: {  	_ =	shalt  }
0x86: {  	_ =	shalt  }
0x87: {  	_ =	shalt  }
.Lfunc_end0:
.L_simem_size_0:
called_computation_lowered:
.L_overlay_start_0:
0x88: {  	s2 =	sld [smem:$0x3FD9]  }
0x89: {  	s3 =	sld [smem:$0x3FFE];
	_ =	sdelay $0x1  }
0x8a: {  	s1 =	srdreg.scid  }
0x8b: {  	s0 =	sand.u32 $0x1, s1  }
0x8c: {  	s17 =	sshll.u32 s0, $0xA;
	s2 =	sadd.s32 s3, s2  }
0x8d: {  	s2 =	sadd.s32 s2, s17  }
0x8e: {  	[smem:$0x3FC7] =	sst s2  }
0x8f: {  	_ = 	snop  }
0x90: {  	s2 =	sld [smem:$0x3FC9];
	(tm) =	ssettm $0x1  }
0x91: {  	s18 =	sld [smem:$0x3FFB];
	_ =	sdelay $0x3  }
0x92: {  	_ =	strace s18  }
0x93: {  	s3 =	sld [smem:$0x3FFC];
	_ =	sdelay $0x3  }
0x94: {  	_ =	strace s3  }
0x95: {  	s3 =	sld [smem:$0x3FFD];
	_ =	sdelay $0x3  }
0x96: {  	_ =	strace s3  }
0x97: {  	_ =	strace $0x8FFFFFFF  }
0x98: {  	s19 =	sld [smem:$0x3FDB];
	_ =	sdelay $0x1  }
0x99: {  	s4 =	simm.s32 $_scs_section_size  }
0x9a: {  	s5 =	simm.s32 $_size__tile_overlayer_lowered;
	s6 =	simm.s32 $_tile_overlayer_lowered  }
0x9b: {  	s22 =	simm.s32 $0x1BFF;
	s21 =	sshll.u32 s6, $0x1;
	s3 =	sadd.s32 s4, s19  }
0x9c: {  	s7 =	simm.s32 $0x0;
	s20 =	sshll.u32 s5, $0x1;
	s5 =	sadd.s32 s21, s3  }
0x9d: {  	[timem:s7], [sflag:s22] =	dma.local [hbm:s5], s20  }
0x9e: {  	_ =	swait.ge [sflag:s22], s20  }
0x9f: {  	s4 =	ssub.s32 $0x0, s20;
	[sflag:s22] =	ssyncset.done $0x0  }
0xa0: {  	[sflag:s22] =	ssyncadd.s32 s4;
	_ =	sdelay $0x1  }
0xa1: {  	s23 =	simm.s32 $0x1B8B  }
0xa2: {  	_ =	swait.ge [sflag:s23], $0x1  }
0xa3: {  	[sflag:s23] =	ssyncset.done $0x0  }
0xa4: {  	s25 =	simm.s32 $0x1B8E;
	s24 =	sld [smem:$0x3FFE];
	[sflag:s23] =	ssyncadd.s32 $0xFFFFFFFF  }
0xa5: {  	s26 =	simm.s32 $execute0_lowered;
	[smem:$0x3FD2] =	sst s25  }
0xa6: {  	s5 =	sshll.u32 s26, $0x1;
	_ =	strace $0x80000046;
	[dreg:$0x1] =	wrdreg $0xFFFFFFFF  }
0xa7: {  	s28 =	simm.s32 $_size_execute0_lowered;
	s3 =	sadd.s32 s3, s5;
	[dreg:$0x0] =	wrdreg $0x0  }
0xa8: {  	s5 =	sshll.u32 s28, $0x1;
	[dreg:$0x2] =	wrdreg s3  }
0xa9: {  	[dreg:$0x3] =	wrdreg s5  }
0xaa: {  	[dreg:$0x4] =	wrdreg $0xC0  }
0xab: {  	_ =	task [dreg:s7], $0x5FFFF  }
0xac: {  	[dreg:$0x1] =	wrdreg $0xFFFFFFFF  }
0xad: {  	[dreg:$0x0] =	wrdreg $0x60  }
0xae: {  	[dreg:$0x2] =	wrdreg s2  }
0xaf: {  	[dreg:$0x3] =	wrdreg s24  }
0xb0: {  	[dreg:$0x4] =	wrdreg $0x9  }
0xb1: {  	_ =	task.clear_ibuf [dreg:s7], $0x5FFFF;
	_ =	strace $0x90000046  }
0xb2: {  	s29 =	simm.s32 $0x9;
	_ =	strace $0x80000048  }
0xb3: {  	_ =	swait.ge [sflag:s29], $0x1  }
0xb4: {  	[sflag:s29] =	ssyncadd.s32 $0xFFFFFFFF  }
0xb5: {  	_ =	strace $0x90000048  }
0xb6: {  	_ =	sfence  }
0xb7: {  	s30 =	sld [smem:$0x0];
	_ =	sdelay $0x2  }
0xb8: {  	s31 =	sshll.u32 s1, $0xD;
	s1 =	sshrl.u32 s1, $0x2  }
0xb9: {  	s3 =	sand.u32 $0x4000, s31;
	s1 =	sadd.s32 s1, s30  }
0xba: {  	s0 =	sor.u32 s3, s0;
	s1 =	sshll.u32 s1, $0x11  }
0xbb: {  	s0 =	sor.u32 s1, s0  }
0xbc: {  	s0 =	sadd.s32 $0x8F2B, s0  }
0xbd: {  	[sflag:s0] =	ssyncadd.remote.s32 $0x1  }
0xbe: {  	_ =	sfence.sel $0xFFFF  }
0xbf: {  	[dreg:$0x0] =	wrdreg $0xFFFFFFFF;
	(pc) =	sbr.abs _section_cstart, $3  }
0xc0: {  	[dreg:$0x1] =	wrdreg $0xFFFFFFFF  }
0xc1: {  	_ =	task.clear_ibuf [dreg:s7], $0x2FFFF;
	_ =	strace $0x9FFFFFFF  }
0xc2: {  	(tm) =	ssettm $0x7FFFFFFF  }
0xc3: {  	_ =	shalt  }
tec
execute0_lowered:
.L_overlay_start_1:
0x0: {  	(tag) =	ssettag $0x1  }
0x1: {  	s0 =	rddreg [dreg:$0x0]  }
0x2: {  	s2 =	rddreg [dreg:$0x1];
	s1 =	simm.s32 $0x0;
	s3 =	srdreg.scid  }
0x3: {  	s6 =	stileid.u32;
	s17 =	simm.s32 $0x400;
	s18 =	simm.s32 $0x8000  }
0x4: {  	s28 =	simm.s32 $0x10180;
	s29 =	simm.s32 $0x10380;
	s30 =	simm.s32 $0x3  }
0x5: {  	s31 =	simm.s32 $0x0;
	[smem:$0x7FF] =	sst s1;
	s3 =	sand.u32 $0x1, s3  }
0x6: {  	s13 =	sadd.s32 $0xC00, s2;
	s2 =	sadd.s32 $0x1400, s2;
	s9 =	sshll.u32 s6, $0x12  }
0x7: {  	s11 =	sshll.u32 s6, $0xA;
	s4 =	ssub.s32 $0x2, s3;
	s7 =	sshll.u32 s3, $0x9  }
0x8: {  	_ =	strace $0x80000047;
	s5 =	sshrl.u32 s4, $0x1;
	s3 =	sor.u32 s7, s9  }
0x9: {  	s8 =	sor.u32 $0x80, s7;
	s20 =	sor.u32 s7, s11;
	s10 =	sor.u32 $0x100, s7  }
0xa: {  	s16 =	sor.u32 $0x180, s7;
	s15 =	ssub.s32 s4, s5;
	s3 =	sshrl.u32 s3, $0x3  }
0xb: {  	s19 =	sor.u32 s9, s8;
	s21 =	sshrl.u32 s20, $0x3;
	s12 =	sor.u32 s9, s10  }
0xc: {  	s8 =	sor.u32 s11, s8;
	s22 =	sor.u32 s9, s16;
	s23 =	sor.u32 s11, s10  }
0xd: {  	s25 =	sor.u32 s11, s16;
	s16 =	simm.s32 $0x80;
	s3 =	sadd.s32 s0, s3  }
0xe: {  	s4 =	sshrl.u32 s19, $0x3;
	s5 =	sadd.s32 s13, s21;
	s6 =	sadd.s32 s2, s21  }
0xf: {  	s12 =	sshrl.u32 s12, $0x3;
	s14 =	sshrl.u32 s8, $0x3;
	s24 =	sshrl.u32 s23, $0x3  }
0x10: {  	s26 =	sshrl.u32 s25, $0x3;
	s15 =	smax.u32 s15, $0x1;
	s19 =	simm.s32 $0x1  }
0x11: {  	s23 =	simm.s32 $0x10080;
	s25 =	simm.s32 $0x10100;
	s4 =	sadd.s32 s0, s4  }
0x12: {  	v0 =	vlaneseq.u32;
	s7 =	sadd.s32 s0, s12;
	s8 =	sadd.s32 s13, s14;
	s9 =	sadd.s32 s2, s14  }
0x13: {  	v1 =	vor.u32 $0x10, v0;
	s12 =	sshrl.u32 s22, $0x3;
	s11 =	sadd.s32 s13, s24;
	s13 =	sadd.s32 s13, s26  }
0x14: {  	v2 =	vor.u32 $0x20, v0;
	v3 =	vor.u32 $0x30, v0;
	v4 =	vor.u32 $0x40, v0;
	s14 =	sadd.s32 s2, s26;
	s22 =	simm.s32 $0x2;
	s26 =	simm.s32 $0x10300  }
0x15: {  	v5 =	vor.u32 $0x50, v0;
	v6 =	vor.u32 $0x60, v0;
	v7 =	vor.u32 $0x70, v0;
	s10 =	sadd.s32 s0, s12;
	s12 =	sadd.s32 s2, s24;
	s24 =	simm.s32 $0x10280  }
.LBB2_1:
0x16: {  	[tilespmem:s1], [sflag:$0x1] =	stream.strided.gather [hbm4b:s3+s16], $0x8000, s17, s16, $0x38;
	[tilespmem:$0x10400] =	vst v63  }
0x17: {  	_ = 	snop  }
0x18: {  	[tilespmem:s18], [sflag:$0x2] =	stream.strided.gather [hbm4b:s4+s16], $0x8000, s17, s16, $0x38;
	[tilespmem:$0x10400] =	vst v63  }
0x19: {  	_ =	swait.ge [sflag:s19], $0x8000  }
0x1a: {  	[sflag:s19] =	ssyncset.done $0x0  }
0x1b: {  	s0 =	simm.s32 $0x40;
	[sflag:s19] =	ssyncadd.s32 $0xFFFF8000  }
0x1c: {  	v8 =	vld [tilespmem:s0+$0xFFFFFFF0]  }
0x1d: {  	v9 =	vld [tilespmem:s0+$0xFFFFFFC0]  }
0x1e: {  	v10 =	vld [tilespmem:s0+$0x30]  }
0x1f: {  	v11 =	vld [tilespmem:s0+$0x10]  }
0x20: {  	v12 =	vld [tilespmem:s0+$0x20]  }
0x21: {  	v14 =	vld [tilespmem:s0+$0xFFFFFFE0]  }
0x22: {  	v30 =	vld [tilespmem:s0+$0xFFFFFFD0]  }
0x23: {  	v22 =	vimm.f32 $-Inf  }
0x24: {  	v18 =	vimm.s32 $0x0;
	v24 =	vld [tilespmem:s0+$0x0];
	vm0 =	vgt.f32 v8, v22;
	vm1 =	vgt.f32 v9, v22  }
0x25: {  	s20 =	simm.s32 $0xC0;
	v19 =	vmax.f32 v22, v8;
	v23 =	vmax.f32 v22, v9;
	v8 =	vmax.f32 v22, v10  }
0x26: {  	v31 =	vld [tilespmem:s20+$0xFFFFFFC0];
	v13 =	vmax.f32 v22, v11;
	v25 =	vmax.f32 v22, v14;
	vm2 =	vgt.f32 v12, v22  }
0x27: {  	v26 =	vld [tilespmem:s20+$0xFFFFFFF0];
	vm3 =	vgt.f32 v30, v22;
	v29 =	vsel vm1, s1, v18;
	vm1 =	vgt.f32 v11, v22  }
0x28: {  	v11 =	vmax.f32 v22, v12;
	v15 =	vsel vm1, s1, v18;
	vm1 =	vgt.f32 v10, v22;
	v10 =	vld [tilespmem:s20+$0x30]  }
0x29: {  	v17 =	vld [tilespmem:s20+$0x10];
	v21 =	vsel vm0, s1, v18;
	vm0 =	vgt.f32 v24, v22;
	v16 =	vsel vm2, s1, v18  }
0x2a: {  	v28 =	vsel vm3, s1, v18;
	v9 =	vsel vm1, s1, v18;
	vm1 =	vgt.f32 v14, v22;
	v14 =	vld [tilespmem:s20+$0x20]  }
0x2b: {  	v27 =	vld [tilespmem:s20+$0xFFFFFFE0];
	vm2 =	vgt.f32 v31, v23;
	v24 =	vmax.f32 v22, v24;
	v20 =	vsel vm0, s1, v18  }
0x2c: {  	s0 =	simm.s32 $0x1;
	vm0 =	vgt.f32 v26, v19;
	v19 =	vmax.f32 v19, v26;
	v26 =	vmax.f32 v23, v31;
	v23 =	vld [tilespmem:s20+$0x0]  }
0x2d: {  	s2 =	simm.s32 $0x2;
	v33 =	vld [tilespmem:s20+$0xFFFFFFD0];
	v32 =	vmovc v25;
	v31 =	vsel vm2, s0, v29;
	s20 =	simm.s32 $0x140;
	v29 =	vsel vm1, s1, v18;
	v18 =	vmovc v11;
	v12 =	vmax.f32 v8, v10  }
.LBB2_2:
0x2e: {  	v34 =	vld [tilespmem:s20+$0xFFFFFFF0];
	p0 =	sne.s32 s2, $0xFF;
	vm1 =	vgt.f32 v17, v13;
	v13 =	vmax.f32 v13, v17;
	v22 =	vmax.f32 v22, v30;
	s21 =	smov.u32 s2;
	s2 =	sadd.s32 $0x1, s2  }
0x2f: {  	v35 =	vld [tilespmem:s20+$0xFFFFFFC0];
	v15 =	vsel vm1, s0, v15;
	v11 =	vmax.f32 v11, v14;
	vm1 =	vgt.f32 v10, v8;
	v8 =	vmovc v12  }
0x30: {  	v21 =	vsel vm0, s0, v21;
	v10 =	vld [tilespmem:s20+$0x30];
	v25 =	vmax.f32 v25, v27;
	v9 =	vsel vm1, s0, v9  }
.Ltmp0:
0x31: {  	vm2 =	vgt.f32 v14, v18;
	vm1 =	vgt.f32 v27, v32;
	v18 =	vmovc v11;
	v17 =	vld [tilespmem:s20+$0x10];
	vm0 =	vgt.f32 v23, v24;
	(pc) =	sbr.rel @p0 .LBB2_2-.Ltmp0, $4  }
0x32: {  	v16 =	vsel vm2, s0, v16;
	v32 =	vmovc v25;
	v14 =	vld [tilespmem:s20+$0x20];
	vm3 =	vgt.f32 v33, v22;
	v20 =	vsel vm0, s0, v20;
	v30 =	vmovc v33  }
0x33: {  	v27 =	vld [tilespmem:s20+$0xFFFFFFE0];
	vm0 =	vgt.f32 v34, v19;
	v19 =	vmax.f32 v19, v34;
	v28 =	vsel vm3, s0, v28  }
0x34: {  	v24 =	vmax.f32 v24, v23;
	vm2 =	vgt.f32 v35, v26;
	v26 =	vmax.f32 v26, v35;
	v23 =	vld [tilespmem:s20+$0x0]  }
0x35: {  	v29 =	vsel vm1, s0, v29;
	s0 =	smov.u32 s21;
	v31 =	vsel vm2, s21, v31;
	v33 =	vld [tilespmem:s20+$0xFFFFFFD0];
	v12 =	vmax.f32 v12, v10;
	s20 =	sadd.s32 $0x80, s20  }
0x36: {  	_ =	sdelay $0x2  }
0x37: {  	v22 =	vmax.f32 v22, v30  }
0x38: {  	vm1 =	vgt.f32 v33, v22  }
0x39: {  	v28 =	vsel vm1, s0, v28  }
0x3a: {  	v30 =	vshll.u32 v31, $0x7;
	v28 =	vshll.u32 v28, $0x7  }
0x3b: {  	v30 =	vor.u32 v0, v30;
	v22 =	vmax.f32 v22, v33;
	v28 =	vor.u32 v1, v28  }
0x3c: {  	vm1 =	vgt.f32 v27, v32;
	vm2 =	veq.f32 v22, v26;
	vm3 =	vlt.s32 v28, v30  }
0x3d: {  	v29 =	vsel vm1, s0, v29;
	vm1 =	vgt.f32 v22, v26;
	vm2 =	vmand vm2, vm3  }
0x3e: {  	v25 =	vmax.f32 v25, v27;
	v27 =	vshll.u32 v29, $0x7;
	vm1 =	vmor vm1, vm2  }
0x3f: {  	v27 =	vor.u32 v2, v27;
	v22 =	vsel vm1, v22, v26;
	v26 =	vsel vm1, v28, v30  }
0x40: {  	vm1 =	veq.f32 v25, v22;
	vm2 =	vlt.s32 v27, v26  }
0x41: {  	v21 =	vsel vm0, s0, v21;
	vm0 =	vgt.f32 v25, v22;
	vm1 =	vmand vm1, vm2  }
0x42: {  	v21 =	vshll.u32 v21, $0x7;
	vm0 =	vmor vm0, vm1  }
0x43: {  	v21 =	vor.u32 v3, v21;
	v22 =	vsel vm0, v25, v22;
	v25 =	vsel vm0, v27, v26  }
0x44: {  	vm0 =	vgt.f32 v23, v24;
	vm1 =	veq.f32 v19, v22;
	vm2 =	vlt.s32 v21, v25  }
0x45: {  	v20 =	vsel vm0, s0, v20;
	vm0 =	vgt.f32 v19, v22;
	vm1 =	vmand vm1, vm2  }
0x46: {  	v23 =	vmax.f32 v24, v23;
	v20 =	vshll.u32 v20, $0x7;
	vm0 =	vmor vm0, vm1  }
0x47: {  	v20 =	vor.u32 v4, v20;
	v19 =	vsel vm0, v19, v22;
	v21 =	vsel vm0, v21, v25  }
0x48: {  	vm0 =	vgt.f32 v17, v13;
	vm1 =	veq.f32 v23, v19;
	vm2 =	vlt.s32 v20, v21  }
0x49: {  	v15 =	vsel vm0, s0, v15;
	vm0 =	vgt.f32 v23, v19;
	vm1 =	vmand vm1, vm2  }
0x4a: {  	v13 =	vmax.f32 v13, v17;
	v15 =	vshll.u32 v15, $0x7;
	vm0 =	vmor vm0, vm1  }
0x4b: {  	v15 =	vor.u32 v5, v15;
	v17 =	vsel vm0, v23, v19;
	v19 =	vsel vm0, v20, v21  }
0x4c: {  	vm0 =	vgt.f32 v14, v18;
	vm1 =	veq.f32 v13, v17;
	vm2 =	vlt.s32 v15, v19  }
0x4d: {  	v16 =	vsel vm0, s0, v16;
	vm0 =	vgt.f32 v13, v17;
	vm1 =	vmand vm1, vm2  }
0x4e: {  	v11 =	vmax.f32 v11, v14;
	v14 =	vshll.u32 v16, $0x7;
	vm0 =	vmor vm0, vm1  }
0x4f: {  	v14 =	vor.u32 v6, v14;
	v13 =	vsel vm0, v13, v17;
	v15 =	vsel vm0, v15, v19  }
0x50: {  	vm0 =	vgt.f32 v10, v8;
	vm1 =	veq.f32 v11, v13;
	vm2 =	vlt.s32 v14, v15  }
0x51: {  	v8 =	vsel vm0, s0, v9;
	vm0 =	vgt.f32 v11, v13;
	vm1 =	vmand vm1, vm2  }
0x52: {  	v8 =	vshll.u32 v8, $0x7;
	vm0 =	vmor vm0, vm1  }
0x53: {  	v8 =	vor.u32 v7, v8;
	v9 =	vsel vm0, v11, v13;
	v10 =	vsel vm0, v14, v15  }
0x54: {  	vm0 =	veq.f32 v12, v9;
	vm1 =	vlt.s32 v8, v10  }
0x55: {  	vm2 =	vgt.f32 v12, v9;
	vm0 =	vmand vm0, vm1  }
0x56: {  	vm0 =	vmor vm2, vm0  }
0x57: {  	v9 =	vsel vm0, v12, v9  }
0x58: {  	v8 =	vsel vm0, v8, v10;
	(v2sf) =	vpush v9, $0x0  }
0x59: {  	(v2sf) =	vpush v8, $0x0;
	_ =	sdelay $0x1  }
0x5a: {  	(v2sf) =	vpush v9, $0x1  }
0x5b: {  	(v2sf) =	vpush v8, $0x1;
	_ =	sdelay $0x4  }
0x5c: {  	(v2sf) =	vpush v9, $0x2  }
0x5d: {  	(v2sf) =	vpush v8, $0x2;
	_ =	sdelay $0x4  }
0x5e: {  	s2 =	spop (v2sf);
	(v2sf) =	vpush v9, $0x3  }
0x5f: {  	s0 =	spop (v2sf);
	(v2sf) =	vpush v8, $0x3;
	_ =	sdelay $0x1  }
0x60: {  	s20 =	spop (v2sf)  }
0x61: {  	s21 =	spop (v2sf);
	p0 =	seq.f32 s20, s2  }
0x62: {  	p1 =	slt.s32 s21, s0  }
0x63: {  	(v2sf) =	vpush v9, $0x4;
	p2 =	sgt.f32 s20, s2;
	p0 =	por !p0, !p1  }
0x64: {  	p0 =	por !p0, !p0  }
0x65: {  	p0 =	por p2, p0  }
0x66: {  	(v2sf) =	vpush v8, $0x4;
	s2 =	smov.u32 @p0 s20;
	s20 =	spop (v2sf)  }
0x67: {  	s0 =	smov.u32 @p0 s21;
	s21 =	spop (v2sf);
	p1 =	seq.f32 s20, s2  }
0x68: {  	p2 =	slt.s32 s21, s0  }
0x69: {  	p3 =	sgt.f32 s20, s2;
	p0 =	por !p1, !p2  }
0x6a: {  	p0 =	por !p0, !p0  }
0x6b: {  	(v2sf) =	vpush v9, $0x5;
	p0 =	por p3, p0  }
0x6c: {  	s2 =	smov.u32 @p0 s20;
	s20 =	spop (v2sf);
	(v2sf) =	vpush v8, $0x5  }
0x6d: {  	s0 =	smov.u32 @p0 s21;
	s21 =	spop (v2sf);
	p4 =	seq.f32 s20, s2  }
0x6e: {  	p5 =	slt.s32 s21, s0  }
0x6f: {  	p6 =	sgt.f32 s20, s2;
	p0 =	por !p4, !p5  }
0x70: {  	p0 =	por !p0, !p0  }
0x71: {  	(v2sf) =	vpush v9, $0x6;
	p0 =	por p6, p0  }
0x72: {  	s2 =	smov.u32 @p0 s20;
	s20 =	spop (v2sf);
	(v2sf) =	vpush v8, $0x6;
	_ =	sdelay $0x2  }
0x73: {  	s0 =	smov.u32 @p0 s21;
	s21 =	spop (v2sf);
	p1 =	seq.f32 s20, s2  }
0x74: {  	p2 =	slt.s32 s21, s0  }
0x75: {  	p3 =	sgt.f32 s20, s2;
	(v2sf) =	vpush v9, $0x7;
	p0 =	por !p1, !p2  }
0x76: {  	p0 =	por !p0, !p0  }
0x77: {  	p0 =	por p3, p0  }
0x78: {  	s2 =	smov.u32 @p0 s20;
	s20 =	spop (v2sf);
	(v2sf) =	vpush v8, $0x7  }
0x79: {  	s0 =	smov.u32 @p0 s21;
	p4 =	seq.f32 s20, s2;
	s21 =	spop (v2sf)  }
0x7a: {  	p5 =	slt.s32 s21, s0  }
0x7b: {  	p6 =	sgt.f32 s20, s2;
	p0 =	por !p4, !p5  }
0x7c: {  	p0 =	por !p0, !p0  }
0x7d: {  	(v2sf) =	vpush v9, $0x8;
	p0 =	por p6, p0  }
0x7e: {  	s2 =	smov.u32 @p0 s20;
	s20 =	spop (v2sf);
	(v2sf) =	vpush v8, $0x8  }
0x7f: {  	s0 =	smov.u32 @p0 s21;
	s21 =	spop (v2sf);
	p1 =	seq.f32 s20, s2  }
0x80: {  	p2 =	slt.s32 s21, s0  }
0x81: {  	p3 =	sgt.f32 s20, s2;
	p0 =	por !p1, !p2  }
0x82: {  	p0 =	por !p0, !p0  }
0x83: {  	(v2sf) =	vpush v9, $0x9;
	p0 =	por p3, p0  }
0x84: {  	s2 =	smov.u32 @p0 s20;
	s20 =	spop (v2sf);
	(v2sf) =	vpush v8, $0x9;
	_ =	sdelay $0x2  }
0x85: {  	s0 =	smov.u32 @p0 s21;
	s21 =	spop (v2sf);
	p4 =	seq.f32 s20, s2  }
0x86: {  	p5 =	slt.s32 s21, s0  }
0x87: {  	p6 =	sgt.f32 s20, s2;
	(v2sf) =	vpush v9, $0xA;
	p0 =	por !p4, !p5  }
0x88: {  	p0 =	por !p0, !p0  }
0x89: {  	p0 =	por p6, p0  }
0x8a: {  	s2 =	smov.u32 @p0 s20;
	s20 =	spop (v2sf);
	(v2sf) =	vpush v8, $0xA  }
0x8b: {  	s0 =	smov.u32 @p0 s21;
	p1 =	seq.f32 s20, s2;
	s21 =	spop (v2sf)  }
0x8c: {  	p2 =	slt.s32 s21, s0  }
0x8d: {  	p3 =	sgt.f32 s20, s2;
	p0 =	por !p1, !p2  }
0x8e: {  	p0 =	por !p0, !p0  }
0x8f: {  	(v2sf) =	vpush v9, $0xB;
	p0 =	por p3, p0  }
0x90: {  	s2 =	smov.u32 @p0 s20;
	s20 =	spop (v2sf);
	(v2sf) =	vpush v8, $0xB  }
0x91: {  	s0 =	smov.u32 @p0 s21;
	s21 =	spop (v2sf);
	p4 =	seq.f32 s20, s2  }
0x92: {  	p5 =	slt.s32 s21, s0  }
0x93: {  	p6 =	sgt.f32 s20, s2;
	p0 =	por !p4, !p5  }
0x94: {  	p0 =	por !p0, !p0  }
0x95: {  	(v2sf) =	vpush v9, $0xC;
	p0 =	por p6, p0  }
0x96: {  	s2 =	smov.u32 @p0 s20;
	s20 =	spop (v2sf);
	(v2sf) =	vpush v8, $0xC;
	_ =	sdelay $0x2  }
0x97: {  	s0 =	smov.u32 @p0 s21;
	s21 =	spop (v2sf);
	p1 =	seq.f32 s20, s2  }
0x98: {  	p2 =	slt.s32 s21, s0  }
0x99: {  	p3 =	sgt.f32 s20, s2;
	(v2sf) =	vpush v9, $0xD;
	p0 =	por !p1, !p2  }
0x9a: {  	p0 =	por !p0, !p0  }
0x9b: {  	p0 =	por p3, p0  }
0x9c: {  	s2 =	smov.u32 @p0 s20;
	s20 =	spop (v2sf);
	(v2sf) =	vpush v8, $0xD  }
0x9d: {  	s0 =	smov.u32 @p0 s21;
	p4 =	seq.f32 s20, s2;
	s21 =	spop (v2sf)  }
0x9e: {  	p5 =	slt.s32 s21, s0  }
0x9f: {  	p6 =	sgt.f32 s20, s2;
	p0 =	por !p4, !p5  }
0xa0: {  	p0 =	por !p0, !p0  }
0xa1: {  	(v2sf) =	vpush v9, $0xE;
	p0 =	por p6, p0  }
0xa2: {  	s2 =	smov.u32 @p0 s20;
	s20 =	spop (v2sf);
	(v2sf) =	vpush v8, $0xE  }
0xa3: {  	s0 =	smov.u32 @p0 s21;
	s21 =	spop (v2sf);
	p1 =	seq.f32 s20, s2  }
0xa4: {  	p2 =	slt.s32 s21, s0  }
0xa5: {  	p3 =	sgt.f32 s20, s2;
	p0 =	por !p1, !p2  }
0xa6: {  	p0 =	por !p0, !p0  }
0xa7: {  	(v2sf) =	vpush v9, $0xF;
	p0 =	por p3, p0  }
0xa8: {  	s2 =	smov.u32 @p0 s20;
	s20 =	spop (v2sf);
	(v2sf) =	vpush v8, $0xF;
	_ =	sdelay $0x2  }
0xa9: {  	s0 =	smov.u32 @p0 s21;
	s21 =	spop (v2sf);
	p4 =	seq.f32 s20, s2  }
0xaa: {  	p5 =	slt.s32 s21, s0  }
0xab: {  	p6 =	sgt.f32 s20, s2;
	p0 =	por !p4, !p5  }
0xac: {  	p0 =	por !p0, !p0  }
0xad: {  	p0 =	por p6, p0  }
0xae: {  	s2 =	smov.u32 @p0 s20;
	s20 =	spop (v2sf)  }
0xaf: {  	s0 =	smov.u32 @p0 s21;
	p1 =	seq.f32 s20, s2;
	s21 =	spop (v2sf)  }
0xb0: {  	p2 =	slt.s32 s21, s0  }
0xb1: {  	p3 =	sgt.f32 s20, s2;
	p0 =	por !p1, !p2  }
0xb2: {  	p0 =	por !p0, !p0  }
0xb3: {  	p0 =	por p3, p0  }
0xb4: {  	s2 =	smov.u32 @p0 s20;
	s20 =	spop (v2sf)  }
0xb5: {  	s0 =	smov.u32 @p0 s21;
	s21 =	spop (v2sf);
	p4 =	seq.f32 s20, s2  }
0xb6: {  	p5 =	slt.s32 s21, s0  }
0xb7: {  	p6 =	sgt.f32 s20, s2;
	p0 =	por !p4, !p5  }
0xb8: {  	p0 =	por !p0, !p0  }
0xb9: {  	p0 =	por p6, p0  }
0xba: {  	s0 =	smov.u32 @p0 s21  }
0xbb: {  	s21 =	sand.u32 $0x7F, s0  }
0xbc: {  	s2 =	smov.u32 @p0 s20;
	v8 =	vmov s21  }
0xbd: {  	v9 =	vmov s2;
	vm0 =	veq.s32 v8, v0  }
0xbe: {  	v10 =	vnsel vm0, $0x0, v9;
	vm0 =	veq.s32 v8, v1  }
0xbf: {  	[tilespmem:$0x10000] =	vst v10;
	v10 =	vnsel vm0, $0x0, v9;
	vm0 =	veq.s32 v8, v2  }
0xc0: {  	[tilespmem:$0x10010] =	vst v10;
	v10 =	vnsel vm0, $0x0, v9;
	vm0 =	veq.s32 v8, v3  }
0xc1: {  	[tilespmem:$0x10020] =	vst v10;
	v10 =	vnsel vm0, $0x0, v9;
	vm0 =	veq.s32 v8, v4  }
0xc2: {  	[tilespmem:$0x10030] =	vst v10;
	v10 =	vnsel vm0, $0x0, v9;
	vm0 =	veq.s32 v8, v5  }
0xc3: {  	[tilespmem:$0x10040] =	vst v10;
	v10 =	vnsel vm0, $0x0, v9;
	vm0 =	veq.s32 v8, v6  }
0xc4: {  	[tilespmem:$0x10050] =	vst v10;
	v10 =	vnsel vm0, $0x0, v9;
	vm0 =	veq.s32 v8, v7  }
0xc5: {  	s0 =	sshrl.u32 s0, $0x7;
	[tilespmem:$0x10060] =	vst v10;
	v8 =	vnsel vm0, $0x0, v9  }
0xc6: {  	[tilespmem:$0x10070] =	vst v8;
	v8 =	vmov s0  }
0xc7: {  	[tilespmem:$0x10200] =	vst v8  }
0xc8: {  	[tilespmem:$0x10210] =	vst v8  }
0xc9: {  	[tilespmem:$0x10220] =	vst v8  }
0xca: {  	[tilespmem:$0x10230] =	vst v8  }
0xcb: {  	[tilespmem:$0x10240] =	vst v8  }
0xcc: {  	[tilespmem:$0x10250] =	vst v8  }
0xcd: {  	[tilespmem:$0x10260] =	vst v8  }
0xce: {  	s20 =	simm.s32 $0x10000;
	s21 =	simm.s32 $0x0;
	[tilespmem:$0x10270] =	vst v8  }
0xcf: {  	[hbm4b:s5+s21] =	stream.linear.scatter [tilespmem:s20], [sflag:$0x3], $0x80, $0x38;
	[tilespmem:$0x10400] =	vst v63  }
0xd0: {  	s2 =	simm.s32 $0x10200  }
0xd1: {  	[hbm4b:s6+s21] =	stream.linear.scatter [tilespmem:s2], [sflag:$0x3], $0x80, $0x38;
	[tilespmem:$0x10400] =	vst v63  }
0xd2: {  	_ = 	snop  }
0xd3: {  	[tilespmem:s21], [sflag:$0x1] =	stream.strided.gather [hbm4b:s7+s16], $0x8000, s17, s16, $0x38;
	[tilespmem:$0x10400] =	vst v63  }
0xd4: {  	_ =	swait.ge [sflag:s22], $0x8000  }
0xd5: {  	[sflag:s22] =	ssyncset.done $0x0  }
0xd6: {  	s20 =	simm.s32 $0x8040;
	[sflag:s22] =	ssyncadd.s32 $0xFFFF8000  }
0xd7: {  	v8 =	vld [tilespmem:s20+$0xFFFFFFF0]  }
0xd8: {  	v9 =	vld [tilespmem:s20+$0xFFFFFFC0]  }
0xd9: {  	v10 =	vld [tilespmem:s20+$0x30]  }
0xda: {  	v11 =	vld [tilespmem:s20+$0x10]  }
0xdb: {  	v12 =	vld [tilespmem:s20+$0x20]  }
0xdc: {  	v14 =	vld [tilespmem:s20+$0xFFFFFFE0]  }
0xdd: {  	v30 =	vld [tilespmem:s20+$0xFFFFFFD0]  }
0xde: {  	v22 =	vimm.f32 $-Inf  }
0xdf: {  	v18 =	vimm.s32 $0x0;
	v24 =	vld [tilespmem:s20+$0x0];
	vm0 =	vgt.f32 v8, v22;
	vm1 =	vgt.f32 v9, v22  }
0xe0: {  	s20 =	simm.s32 $0x80C0;
	v19 =	vmax.f32 v22, v8;
	v23 =	vmax.f32 v22, v9;
	v8 =	vmax.f32 v22, v10  }
0xe1: {  	v31 =	vld [tilespmem:s20+$0xFFFFFFC0];
	v13 =	vmax.f32 v22, v11;
	v25 =	vmax.f32 v22, v14;
	vm2 =	vgt.f32 v12, v22  }
0xe2: {  	v26 =	vld [tilespmem:s20+$0xFFFFFFF0];
	vm3 =	vgt.f32 v30, v22;
	v29 =	vsel vm1, s21, v18;
	vm1 =	vgt.f32 v11, v22  }
0xe3: {  	v11 =	vmax.f32 v22, v12;
	v15 =	vsel vm1, s21, v18;
	vm1 =	vgt.f32 v10, v22;
	v10 =	vld [tilespmem:s20+$0x30]  }
0xe4: {  	v17 =	vld [tilespmem:s20+$0x10];
	v21 =	vsel vm0, s21, v18;
	vm0 =	vgt.f32 v24, v22;
	v16 =	vsel vm2, s21, v18  }
0xe5: {  	v28 =	vsel vm3, s21, v18;
	v9 =	vsel vm1, s21, v18;
	vm1 =	vgt.f32 v14, v22;
	v14 =	vld [tilespmem:s20+$0x20]  }
0xe6: {  	v27 =	vld [tilespmem:s20+$0xFFFFFFE0];
	vm2 =	vgt.f32 v31, v23;
	v24 =	vmax.f32 v22, v24;
	v20 =	vsel vm0, s21, v18  }
0xe7: {  	s0 =	simm.s32 $0x1;
	vm0 =	vgt.f32 v26, v19;
	v19 =	vmax.f32 v19, v26;
	v26 =	vmax.f32 v23, v31;
	v23 =	vld [tilespmem:s20+$0x0]  }
0xe8: {  	s2 =	simm.s32 $0x2;
	v33 =	vld [tilespmem:s20+$0xFFFFFFD0];
	v32 =	vmovc v25;
	v31 =	vsel vm2, s0, v29;
	s20 =	simm.s32 $0x8140;
	v29 =	vsel vm1, s21, v18;
	v18 =	vmovc v11;
	v12 =	vmax.f32 v8, v10  }
.LBB2_4:
0xe9: {  	v34 =	vld [tilespmem:s20+$0xFFFFFFF0];
	p0 =	sne.s32 s2, $0xFF;
	vm1 =	vgt.f32 v17, v13;
	v13 =	vmax.f32 v13, v17;
	v22 =	vmax.f32 v22, v30;
	s21 =	smov.u32 s2;
	s2 =	sadd.s32 $0x1, s2  }
0xea: {  	v35 =	vld [tilespmem:s20+$0xFFFFFFC0];
	v15 =	vsel vm1, s0, v15;
	v11 =	vmax.f32 v11, v14;
	vm1 =	vgt.f32 v10, v8;
	v8 =	vmovc v12  }
0xeb: {  	v21 =	vsel vm0, s0, v21;
	v10 =	vld [tilespmem:s20+$0x30];
	v25 =	vmax.f32 v25, v27;
	v9 =	vsel vm1, s0, v9  }
.Ltmp1:
0xec: {  	vm2 =	vgt.f32 v14, v18;
	vm1 =	vgt.f32 v27, v32;
	v18 =	vmovc v11;
	v17 =	vld [tilespmem:s20+$0x10];
	vm0 =	vgt.f32 v23, v24;
	(pc) =	sbr.rel @p0 .LBB2_4-.Ltmp1, $4  }
0xed: {  	v16 =	vsel vm2, s0, v16;
	v32 =	vmovc v25;
	v14 =	vld [tilespmem:s20+$0x20];
	vm3 =	vgt.f32 v33, v22;
	v20 =	vsel vm0, s0, v20;
	v30 =	vmovc v33  }
0xee: {  	v27 =	vld [tilespmem:s20+$0xFFFFFFE0];
	vm0 =	vgt.f32 v34, v19;
	v19 =	vmax.f32 v19, v34;
	v28 =	vsel vm3, s0, v28  }
0xef: {  	v24 =	vmax.f32 v24, v23;
	vm2 =	vgt.f32 v35, v26;
	v26 =	vmax.f32 v26, v35;
	v23 =	vld [tilespmem:s20+$0x0]  }
0xf0: {  	v29 =	vsel vm1, s0, v29;
	s0 =	smov.u32 s21;
	v31 =	vsel vm2, s21, v31;
	v33 =	vld [tilespmem:s20+$0xFFFFFFD0];
	v12 =	vmax.f32 v12, v10;
	s20 =	sadd.s32 $0x80, s20  }
0xf1: {  	_ =	sdelay $0x2  }
0xf2: {  	v22 =	vmax.f32 v22, v30  }
0xf3: {  	vm1 =	vgt.f32 v33, v22  }
0xf4: {  	v28 =	vsel vm1, s0, v28  }
0xf5: {  	v30 =	vshll.u32 v31, $0x7;
	v28 =	vshll.u32 v28, $0x7  }
0xf6: {  	v30 =	vor.u32 v0, v30;
	v22 =	vmax.f32 v22, v33;
	v28 =	vor.u32 v1, v28  }
0xf7: {  	vm1 =	vgt.f32 v27, v32;
	vm2 =	veq.f32 v22, v26;
	vm3 =	vlt.s32 v28, v30  }
0xf8: {  	v29 =	vsel vm1, s0, v29;
	vm1 =	vgt.f32 v22, v26;
	vm2 =	vmand vm2, vm3  }
0xf9: {  	v25 =	vmax.f32 v25, v27;
	v27 =	vshll.u32 v29, $0x7;
	vm1 =	vmor vm1, vm2  }
0xfa: {  	v27 =	vor.u32 v2, v27;
	v22 =	vsel vm1, v22, v26;
	v26 =	vsel vm1, v28, v30  }
0xfb: {  	vm1 =	veq.f32 v25, v22;
	vm2 =	vlt.s32 v27, v26  }
0xfc: {  	v21 =	vsel vm0, s0, v21;
	vm0 =	vgt.f32 v25, v22;
	vm1 =	vmand vm1, vm2  }
0xfd: {  	v21 =	vshll.u32 v21, $0x7;
	vm0 =	vmor vm0, vm1  }
0xfe: {  	v21 =	vor.u32 v3, v21;
	v22 =	vsel vm0, v25, v22;
	v25 =	vsel vm0, v27, v26  }
0xff: {  	vm0 =	vgt.f32 v23, v24;
	vm1 =	veq.f32 v19, v22;
	vm2 =	vlt.s32 v21, v25  }
0x100: {  	v20 =	vsel vm0, s0, v20;
	vm0 =	vgt.f32 v19, v22;
	vm1 =	vmand vm1, vm2  }
0x101: {  	v23 =	vmax.f32 v24, v23;
	v20 =	vshll.u32 v20, $0x7;
	vm0 =	vmor vm0, vm1  }
0x102: {  	v20 =	vor.u32 v4, v20;
	v19 =	vsel vm0, v19, v22;
	v21 =	vsel vm0, v21, v25  }
0x103: {  	vm0 =	vgt.f32 v17, v13;
	vm1 =	veq.f32 v23, v19;
	vm2 =	vlt.s32 v20, v21  }
0x104: {  	v15 =	vsel vm0, s0, v15;
	vm0 =	vgt.f32 v23, v19;
	vm1 =	vmand vm1, vm2  }
0x105: {  	v13 =	vmax.f32 v13, v17;
	v15 =	vshll.u32 v15, $0x7;
	vm0 =	vmor vm0, vm1  }
0x106: {  	v15 =	vor.u32 v5, v15;
	v17 =	vsel vm0, v23, v19;
	v19 =	vsel vm0, v20, v21  }
0x107: {  	vm0 =	vgt.f32 v14, v18;
	vm1 =	veq.f32 v13, v17;
	vm2 =	vlt.s32 v15, v19  }
0x108: {  	v16 =	vsel vm0, s0, v16;
	vm0 =	vgt.f32 v13, v17;
	vm1 =	vmand vm1, vm2  }
0x109: {  	v11 =	vmax.f32 v11, v14;
	v14 =	vshll.u32 v16, $0x7;
	vm0 =	vmor vm0, vm1  }
0x10a: {  	v14 =	vor.u32 v6, v14;
	v13 =	vsel vm0, v13, v17;
	v15 =	vsel vm0, v15, v19  }
0x10b: {  	vm0 =	vgt.f32 v10, v8;
	vm1 =	veq.f32 v11, v13;
	vm2 =	vlt.s32 v14, v15  }
0x10c: {  	v8 =	vsel vm0, s0, v9;
	vm0 =	vgt.f32 v11, v13;
	vm1 =	vmand vm1, vm2  }
0x10d: {  	v8 =	vshll.u32 v8, $0x7;
	vm0 =	vmor vm0, vm1  }
0x10e: {  	v8 =	vor.u32 v7, v8;
	v9 =	vsel vm0, v11, v13;
	v10 =	vsel vm0, v14, v15  }
0x10f: {  	vm0 =	veq.f32 v12, v9;
	vm1 =	vlt.s32 v8, v10  }
0x110: {  	vm2 =	vgt.f32 v12, v9;
	vm0 =	vmand vm0, vm1  }
0x111: {  	vm0 =	vmor vm2, vm0  }
0x112: {  	v9 =	vsel vm0, v12, v9  }
0x113: {  	v8 =	vsel vm0, v8, v10;
	(v2sf) =	vpush v9, $0x0  }
0x114: {  	(v2sf) =	vpush v8, $0x0;
	_ =	sdelay $0x1  }
0x115: {  	(v2sf) =	vpush v9, $0x1  }
0x116: {  	(v2sf) =	vpush v8, $0x1;
	_ =	sdelay $0x4  }
0x117: {  	(v2sf) =	vpush v9, $0x2  }
0x118: {  	(v2sf) =	vpush v8, $0x2;
	_ =	sdelay $0x4  }
0x119: {  	s2 =	spop (v2sf);
	(v2sf) =	vpush v9, $0x3  }
0x11a: {  	s0 =	spop (v2sf);
	(v2sf) =	vpush v8, $0x3;
	_ =	sdelay $0x1  }
0x11b: {  	s20 =	spop (v2sf)  }
0x11c: {  	s21 =	spop (v2sf);
	p0 =	seq.f32 s20, s2  }
0x11d: {  	p1 =	slt.s32 s21, s0  }
0x11e: {  	(v2sf) =	vpush v9, $0x4;
	p2 =	sgt.f32 s20, s2;
	p0 =	por !p0, !p1  }
0x11f: {  	p0 =	por !p0, !p0  }
0x120: {  	p0 =	por p2, p0  }
0x121: {  	(v2sf) =	vpush v8, $0x4;
	s2 =	smov.u32 @p0 s20;
	s20 =	spop (v2sf)  }
0x122: {  	s0 =	smov.u32 @p0 s21;
	s21 =	spop (v2sf);
	p1 =	seq.f32 s20, s2  }
0x123: {  	p2 =	slt.s32 s21, s0  }
0x124: {  	p3 =	sgt.f32 s20, s2;
	p0 =	por !p1, !p2  }
0x125: {  	p0 =	por !p0, !p0  }
0x126: {  	(v2sf) =	vpush v9, $0x5;
	p0 =	por p3, p0  }
0x127: {  	s2 =	smov.u32 @p0 s20;
	s20 =	spop (v2sf);
	(v2sf) =	vpush v8, $0x5  }
0x128: {  	s0 =	smov.u32 @p0 s21;
	s21 =	spop (v2sf);
	p4 =	seq.f32 s20, s2  }
0x129: {  	p5 =	slt.s32 s21, s0  }
0x12a: {  	p6 =	sgt.f32 s20, s2;
	p0 =	por !p4, !p5  }
0x12b: {  	p0 =	por !p0, !p0  }
0x12c: {  	(v2sf) =	vpush v9, $0x6;
	p0 =	por p6, p0  }
0x12d: {  	s2 =	smov.u32 @p0 s20;
	s20 =	spop (v2sf);
	(v2sf) =	vpush v8, $0x6;
	_ =	sdelay $0x2  }
0x12e: {  	s0 =	smov.u32 @p0 s21;
	s21 =	spop (v2sf);
	p1 =	seq.f32 s20, s2  }
0x12f: {  	p2 =	slt.s32 s21, s0  }
0x130: {  	p3 =	sgt.f32 s20, s2;
	(v2sf) =	vpush v9, $0x7;
	p0 =	por !p1, !p2  }
0x131: {  	p0 =	por !p0, !p0  }
0x132: {  	p0 =	por p3, p0  }
0x133: {  	s2 =	smov.u32 @p0 s20;
	s20 =	spop (v2sf);
	(v2sf) =	vpush v8, $0x7  }
0x134: {  	s0 =	smov.u32 @p0 s21;
	p4 =	seq.f32 s20, s2;
	s21 =	spop (v2sf)  }
0x135: {  	p5 =	slt.s32 s21, s0  }
0x136: {  	p6 =	sgt.f32 s20, s2;
	p0 =	por !p4, !p5  }
0x137: {  	p0 =	por !p0, !p0  }
0x138: {  	(v2sf) =	vpush v9, $0x8;
	p0 =	por p6, p0  }
0x139: {  	s2 =	smov.u32 @p0 s20;
	s20 =	spop (v2sf);
	(v2sf) =	vpush v8, $0x8  }
0x13a: {  	s0 =	smov.u32 @p0 s21;
	s21 =	spop (v2sf);
	p1 =	seq.f32 s20, s2  }
0x13b: {  	p2 =	slt.s32 s21, s0  }
0x13c: {  	p3 =	sgt.f32 s20, s2;
	p0 =	por !p1, !p2  }
0x13d: {  	p0 =	por !p0, !p0  }
0x13e: {  	(v2sf) =	vpush v9, $0x9;
	p0 =	por p3, p0  }
0x13f: {  	s2 =	smov.u32 @p0 s20;
	s20 =	spop (v2sf);
	(v2sf) =	vpush v8, $0x9;
	_ =	sdelay $0x2  }
0x140: {  	s0 =	smov.u32 @p0 s21;
	s21 =	spop (v2sf);
	p4 =	seq.f32 s20, s2  }
0x141: {  	p5 =	slt.s32 s21, s0  }
0x142: {  	p6 =	sgt.f32 s20, s2;
	(v2sf) =	vpush v9, $0xA;
	p0 =	por !p4, !p5  }
0x143: {  	p0 =	por !p0, !p0  }
0x144: {  	p0 =	por p6, p0  }
0x145: {  	s2 =	smov.u32 @p0 s20;
	s20 =	spop (v2sf);
	(v2sf) =	vpush v8, $0xA  }
0x146: {  	s0 =	smov.u32 @p0 s21;
	p1 =	seq.f32 s20, s2;
	s21 =	spop (v2sf)  }
0x147: {  	p2 =	slt.s32 s21, s0  }
0x148: {  	p3 =	sgt.f32 s20, s2;
	p0 =	por !p1, !p2  }
0x149: {  	p0 =	por !p0, !p0  }
0x14a: {  	(v2sf) =	vpush v9, $0xB;
	p0 =	por p3, p0  }
0x14b: {  	s2 =	smov.u32 @p0 s20;
	s20 =	spop (v2sf);
	(v2sf) =	vpush v8, $0xB  }
0x14c: {  	s0 =	smov.u32 @p0 s21;
	s21 =	spop (v2sf);
	p4 =	seq.f32 s20, s2  }
0x14d: {  	p5 =	slt.s32 s21, s0  }
0x14e: {  	p6 =	sgt.f32 s20, s2;
	p0 =	por !p4, !p5  }
0x14f: {  	p0 =	por !p0, !p0  }
0x150: {  	(v2sf) =	vpush v9, $0xC;
	p0 =	por p6, p0  }
0x151: {  	s2 =	smov.u32 @p0 s20;
	s20 =	spop (v2sf);
	(v2sf) =	vpush v8, $0xC;
	_ =	sdelay $0x2  }
0x152: {  	s0 =	smov.u32 @p0 s21;
	s21 =	spop (v2sf);
	p1 =	seq.f32 s20, s2  }
0x153: {  	p2 =	slt.s32 s21, s0  }
0x154: {  	p3 =	sgt.f32 s20, s2;
	(v2sf) =	vpush v9, $0xD;
	p0 =	por !p1, !p2  }
0x155: {  	p0 =	por !p0, !p0  }
0x156: {  	p0 =	por p3, p0  }
0x157: {  	s2 =	smov.u32 @p0 s20;
	s20 =	spop (v2sf);
	(v2sf) =	vpush v8, $0xD  }
0x158: {  	s0 =	smov.u32 @p0 s21;
	p4 =	seq.f32 s20, s2;
	s21 =	spop (v2sf)  }
0x159: {  	p5 =	slt.s32 s21, s0  }
0x15a: {  	p6 =	sgt.f32 s20, s2;
	p0 =	por !p4, !p5  }
0x15b: {  	p0 =	por !p0, !p0  }
0x15c: {  	(v2sf) =	vpush v9, $0xE;
	p0 =	por p6, p0  }
0x15d: {  	s2 =	smov.u32 @p0 s20;
	s20 =	spop (v2sf);
	(v2sf) =	vpush v8, $0xE  }
0x15e: {  	s0 =	smov.u32 @p0 s21;
	s21 =	spop (v2sf);
	p1 =	seq.f32 s20, s2  }
0x15f: {  	p2 =	slt.s32 s21, s0  }
0x160: {  	p3 =	sgt.f32 s20, s2;
	p0 =	por !p1, !p2  }
0x161: {  	p0 =	por !p0, !p0  }
0x162: {  	(v2sf) =	vpush v9, $0xF;
	p0 =	por p3, p0  }
0x163: {  	s2 =	smov.u32 @p0 s20;
	s20 =	spop (v2sf);
	(v2sf) =	vpush v8, $0xF;
	_ =	sdelay $0x2  }
0x164: {  	s0 =	smov.u32 @p0 s21;
	s21 =	spop (v2sf);
	p4 =	seq.f32 s20, s2  }
0x165: {  	p5 =	slt.s32 s21, s0  }
0x166: {  	p6 =	sgt.f32 s20, s2;
	p0 =	por !p4, !p5  }
0x167: {  	p0 =	por !p0, !p0  }
0x168: {  	p0 =	por p6, p0  }
0x169: {  	s2 =	smov.u32 @p0 s20;
	s20 =	spop (v2sf)  }
0x16a: {  	s0 =	smov.u32 @p0 s21;
	p1 =	seq.f32 s20, s2;
	s21 =	spop (v2sf)  }
0x16b: {  	p2 =	slt.s32 s21, s0  }
0x16c: {  	p3 =	sgt.f32 s20, s2;
	p0 =	por !p1, !p2  }
0x16d: {  	p0 =	por !p0, !p0  }
0x16e: {  	p0 =	por p3, p0  }
0x16f: {  	s2 =	smov.u32 @p0 s20;
	s20 =	spop (v2sf)  }
0x170: {  	s0 =	smov.u32 @p0 s21;
	s21 =	spop (v2sf);
	p4 =	seq.f32 s20, s2  }
0x171: {  	p5 =	slt.s32 s21, s0  }
0x172: {  	p6 =	sgt.f32 s20, s2;
	p0 =	por !p4, !p5  }
0x173: {  	p0 =	por !p0, !p0  }
0x174: {  	p0 =	por p6, p0  }
0x175: {  	s0 =	smov.u32 @p0 s21  }
0x176: {  	s21 =	sand.u32 $0x7F, s0  }
0x177: {  	s2 =	smov.u32 @p0 s20;
	v8 =	vmov s21  }
0x178: {  	v9 =	vmov s2;
	vm0 =	veq.s32 v8, v0  }
0x179: {  	v10 =	vnsel vm0, $0x0, v9;
	vm0 =	veq.s32 v8, v1  }
0x17a: {  	[tilespmem:$0x10080] =	vst v10;
	v10 =	vnsel vm0, $0x0, v9;
	vm0 =	veq.s32 v8, v2  }
0x17b: {  	[tilespmem:$0x10090] =	vst v10;
	v10 =	vnsel vm0, $0x0, v9;
	vm0 =	veq.s32 v8, v3  }
0x17c: {  	[tilespmem:$0x100A0] =	vst v10;
	v10 =	vnsel vm0, $0x0, v9;
	vm0 =	veq.s32 v8, v4  }
0x17d: {  	[tilespmem:$0x100B0] =	vst v10;
	v10 =	vnsel vm0, $0x0, v9;
	vm0 =	veq.s32 v8, v5  }
0x17e: {  	[tilespmem:$0x100C0] =	vst v10;
	v10 =	vnsel vm0, $0x0, v9;
	vm0 =	veq.s32 v8, v6  }
0x17f: {  	[tilespmem:$0x100D0] =	vst v10;
	v10 =	vnsel vm0, $0x0, v9;
	vm0 =	veq.s32 v8, v7  }
0x180: {  	s0 =	sshrl.u32 s0, $0x7;
	[tilespmem:$0x100E0] =	vst v10;
	v8 =	vnsel vm0, $0x0, v9  }
0x181: {  	[tilespmem:$0x100F0] =	vst v8;
	v8 =	vmov s0  }
0x182: {  	[tilespmem:$0x10280] =	vst v8  }
0x183: {  	[tilespmem:$0x10290] =	vst v8  }
0x184: {  	[tilespmem:$0x102A0] =	vst v8  }
0x185: {  	[tilespmem:$0x102B0] =	vst v8  }
0x186: {  	[tilespmem:$0x102C0] =	vst v8  }
0x187: {  	[tilespmem:$0x102D0] =	vst v8  }
0x188: {  	[tilespmem:$0x102E0] =	vst v8  }
0x189: {  	s21 =	simm.s32 $0x0;
	[tilespmem:$0x102F0] =	vst v8  }
0x18a: {  	[hbm4b:s8+s21] =	stream.linear.scatter [tilespmem:s23], [sflag:$0x3], $0x80, $0x38;
	[tilespmem:$0x10400] =	vst v63  }
0x18b: {  	_ = 	snop  }
0x18c: {  	[hbm4b:s9+s21] =	stream.linear.scatter [tilespmem:s24], [sflag:$0x3], $0x80, $0x38;
	[tilespmem:$0x10400] =	vst v63  }
0x18d: {  	_ = 	snop  }
0x18e: {  	[tilespmem:s18], [sflag:$0x2] =	stream.strided.gather [hbm4b:s10+s16], $0x8000, s17, s16, $0x38;
	[tilespmem:$0x10400] =	vst v63  }
0x18f: {  	_ =	swait.ge [sflag:s19], $0x8000  }
0x190: {  	[sflag:s19] =	ssyncset.done $0x0  }
0x191: {  	s20 =	simm.s32 $0x40;
	[sflag:s19] =	ssyncadd.s32 $0xFFFF8000  }
0x192: {  	v8 =	vld [tilespmem:s20+$0xFFFFFFF0]  }
0x193: {  	v9 =	vld [tilespmem:s20+$0xFFFFFFC0]  }
0x194: {  	v10 =	vld [tilespmem:s20+$0x30]  }
0x195: {  	v11 =	vld [tilespmem:s20+$0x10]  }
0x196: {  	v12 =	vld [tilespmem:s20+$0x20]  }
0x197: {  	v14 =	vld [tilespmem:s20+$0xFFFFFFE0]  }
0x198: {  	v30 =	vld [tilespmem:s20+$0xFFFFFFD0]  }
0x199: {  	v22 =	vimm.f32 $-Inf  }
0x19a: {  	v18 =	vimm.s32 $0x0;
	v24 =	vld [tilespmem:s20+$0x0];
	vm0 =	vgt.f32 v8, v22;
	vm1 =	vgt.f32 v9, v22  }
0x19b: {  	s20 =	simm.s32 $0xC0;
	v19 =	vmax.f32 v22, v8;
	v23 =	vmax.f32 v22, v9;
	v8 =	vmax.f32 v22, v10  }
0x19c: {  	v31 =	vld [tilespmem:s20+$0xFFFFFFC0];
	v13 =	vmax.f32 v22, v11;
	v25 =	vmax.f32 v22, v14;
	vm2 =	vgt.f32 v12, v22  }
0x19d: {  	v26 =	vld [tilespmem:s20+$0xFFFFFFF0];
	vm3 =	vgt.f32 v30, v22;
	v29 =	vsel vm1, s21, v18;
	vm1 =	vgt.f32 v11, v22  }
0x19e: {  	v11 =	vmax.f32 v22, v12;
	v15 =	vsel vm1, s21, v18;
	vm1 =	vgt.f32 v10, v22;
	v10 =	vld [tilespmem:s20+$0x30]  }
0x19f: {  	v17 =	vld [tilespmem:s20+$0x10];
	v21 =	vsel vm0, s21, v18;
	vm0 =	vgt.f32 v24, v22;
	v16 =	vsel vm2, s21, v18  }
0x1a0: {  	v28 =	vsel vm3, s21, v18;
	v9 =	vsel vm1, s21, v18;
	vm1 =	vgt.f32 v14, v22;
	v14 =	vld [tilespmem:s20+$0x20]  }
0x1a1: {  	v27 =	vld [tilespmem:s20+$0xFFFFFFE0];
	vm2 =	vgt.f32 v31, v23;
	v24 =	vmax.f32 v22, v24;
	v20 =	vsel vm0, s21, v18  }
0x1a2: {  	s0 =	simm.s32 $0x1;
	vm0 =	vgt.f32 v26, v19;
	v19 =	vmax.f32 v19, v26;
	v26 =	vmax.f32 v23, v31;
	v23 =	vld [tilespmem:s20+$0x0]  }
0x1a3: {  	s2 =	simm.s32 $0x2;
	v33 =	vld [tilespmem:s20+$0xFFFFFFD0];
	v32 =	vmovc v25;
	v31 =	vsel vm2, s0, v29;
	s20 =	simm.s32 $0x140;
	v29 =	vsel vm1, s21, v18;
	v18 =	vmovc v11;
	v12 =	vmax.f32 v8, v10  }
.LBB2_6:
0x1a4: {  	v34 =	vld [tilespmem:s20+$0xFFFFFFF0];
	p0 =	sne.s32 s2, $0xFF;
	vm1 =	vgt.f32 v17, v13;
	v13 =	vmax.f32 v13, v17;
	v22 =	vmax.f32 v22, v30;
	s21 =	smov.u32 s2;
	s2 =	sadd.s32 $0x1, s2  }
0x1a5: {  	v35 =	vld [tilespmem:s20+$0xFFFFFFC0];
	v15 =	vsel vm1, s0, v15;
	v11 =	vmax.f32 v11, v14;
	vm1 =	vgt.f32 v10, v8;
	v8 =	vmovc v12  }
0x1a6: {  	v21 =	vsel vm0, s0, v21;
	v10 =	vld [tilespmem:s20+$0x30];
	v25 =	vmax.f32 v25, v27;
	v9 =	vsel vm1, s0, v9  }
.Ltmp2:
0x1a7: {  	vm2 =	vgt.f32 v14, v18;
	vm1 =	vgt.f32 v27, v32;
	v18 =	vmovc v11;
	v17 =	vld [tilespmem:s20+$0x10];
	vm0 =	vgt.f32 v23, v24;
	(pc) =	sbr.rel @p0 .LBB2_6-.Ltmp2, $4  }
0x1a8: {  	v16 =	vsel vm2, s0, v16;
	v32 =	vmovc v25;
	v14 =	vld [tilespmem:s20+$0x20];
	vm3 =	vgt.f32 v33, v22;
	v20 =	vsel vm0, s0, v20;
	v30 =	vmovc v33  }
0x1a9: {  	v27 =	vld [tilespmem:s20+$0xFFFFFFE0];
	vm0 =	vgt.f32 v34, v19;
	v19 =	vmax.f32 v19, v34;
	v28 =	vsel vm3, s0, v28  }
0x1aa: {  	v24 =	vmax.f32 v24, v23;
	vm2 =	vgt.f32 v35, v26;
	v26 =	vmax.f32 v26, v35;
	v23 =	vld [tilespmem:s20+$0x0]  }
0x1ab: {  	v29 =	vsel vm1, s0, v29;
	s0 =	smov.u32 s21;
	v31 =	vsel vm2, s21, v31;
	v33 =	vld [tilespmem:s20+$0xFFFFFFD0];
	v12 =	vmax.f32 v12, v10;
	s20 =	sadd.s32 $0x80, s20  }
0x1ac: {  	_ =	sdelay $0x2  }
0x1ad: {  	v22 =	vmax.f32 v22, v30  }
0x1ae: {  	vm1 =	vgt.f32 v33, v22  }
0x1af: {  	v28 =	vsel vm1, s0, v28  }
0x1b0: {  	v30 =	vshll.u32 v31, $0x7;
	v28 =	vshll.u32 v28, $0x7  }
0x1b1: {  	v30 =	vor.u32 v0, v30;
	v22 =	vmax.f32 v22, v33;
	v28 =	vor.u32 v1, v28  }
0x1b2: {  	vm1 =	vgt.f32 v27, v32;
	vm2 =	veq.f32 v22, v26;
	vm3 =	vlt.s32 v28, v30  }
0x1b3: {  	v29 =	vsel vm1, s0, v29;
	vm1 =	vgt.f32 v22, v26;
	vm2 =	vmand vm2, vm3  }
0x1b4: {  	v25 =	vmax.f32 v25, v27;
	v27 =	vshll.u32 v29, $0x7;
	vm1 =	vmor vm1, vm2  }
0x1b5: {  	v27 =	vor.u32 v2, v27;
	v22 =	vsel vm1, v22, v26;
	v26 =	vsel vm1, v28, v30  }
0x1b6: {  	vm1 =	veq.f32 v25, v22;
	vm2 =	vlt.s32 v27, v26  }
0x1b7: {  	v21 =	vsel vm0, s0, v21;
	vm0 =	vgt.f32 v25, v22;
	vm1 =	vmand vm1, vm2  }
0x1b8: {  	v21 =	vshll.u32 v21, $0x7;
	vm0 =	vmor vm0, vm1  }
0x1b9: {  	v21 =	vor.u32 v3, v21;
	v22 =	vsel vm0, v25, v22;
	v25 =	vsel vm0, v27, v26  }
0x1ba: {  	vm0 =	vgt.f32 v23, v24;
	vm1 =	veq.f32 v19, v22;
	vm2 =	vlt.s32 v21, v25  }
0x1bb: {  	v20 =	vsel vm0, s0, v20;
	vm0 =	vgt.f32 v19, v22;
	vm1 =	vmand vm1, vm2  }
0x1bc: {  	v23 =	vmax.f32 v24, v23;
	v20 =	vshll.u32 v20, $0x7;
	vm0 =	vmor vm0, vm1  }
0x1bd: {  	v20 =	vor.u32 v4, v20;
	v19 =	vsel vm0, v19, v22;
	v21 =	vsel vm0, v21, v25  }
0x1be: {  	vm0 =	vgt.f32 v17, v13;
	vm1 =	veq.f32 v23, v19;
	vm2 =	vlt.s32 v20, v21  }
0x1bf: {  	v15 =	vsel vm0, s0, v15;
	vm0 =	vgt.f32 v23, v19;
	vm1 =	vmand vm1, vm2  }
0x1c0: {  	v13 =	vmax.f32 v13, v17;
	v15 =	vshll.u32 v15, $0x7;
	vm0 =	vmor vm0, vm1  }
0x1c1: {  	v15 =	vor.u32 v5, v15;
	v17 =	vsel vm0, v23, v19;
	v19 =	vsel vm0, v20, v21  }
0x1c2: {  	vm0 =	vgt.f32 v14, v18;
	vm1 =	veq.f32 v13, v17;
	vm2 =	vlt.s32 v15, v19  }
0x1c3: {  	v16 =	vsel vm0, s0, v16;
	vm0 =	vgt.f32 v13, v17;
	vm1 =	vmand vm1, vm2  }
0x1c4: {  	v11 =	vmax.f32 v11, v14;
	v14 =	vshll.u32 v16, $0x7;
	vm0 =	vmor vm0, vm1  }
0x1c5: {  	v14 =	vor.u32 v6, v14;
	v13 =	vsel vm0, v13, v17;
	v15 =	vsel vm0, v15, v19  }
0x1c6: {  	vm0 =	vgt.f32 v10, v8;
	vm1 =	veq.f32 v11, v13;
	vm2 =	vlt.s32 v14, v15  }
0x1c7: {  	v8 =	vsel vm0, s0, v9;
	vm0 =	vgt.f32 v11, v13;
	vm1 =	vmand vm1, vm2  }
0x1c8: {  	v8 =	vshll.u32 v8, $0x7;
	vm0 =	vmor vm0, vm1  }
0x1c9: {  	v8 =	vor.u32 v7, v8;
	v9 =	vsel vm0, v11, v13;
	v10 =	vsel vm0, v14, v15  }
0x1ca: {  	vm0 =	veq.f32 v12, v9;
	vm1 =	vlt.s32 v8, v10  }
0x1cb: {  	vm2 =	vgt.f32 v12, v9;
	vm0 =	vmand vm0, vm1  }
0x1cc: {  	vm0 =	vmor vm2, vm0  }
0x1cd: {  	v9 =	vsel vm0, v12, v9  }
0x1ce: {  	v8 =	vsel vm0, v8, v10;
	(v2sf) =	vpush v9, $0x0  }
0x1cf: {  	(v2sf) =	vpush v8, $0x0;
	_ =	sdelay $0x1  }
0x1d0: {  	(v2sf) =	vpush v9, $0x1  }
0x1d1: {  	(v2sf) =	vpush v8, $0x1;
	_ =	sdelay $0x4  }
0x1d2: {  	(v2sf) =	vpush v9, $0x2  }
0x1d3: {  	(v2sf) =	vpush v8, $0x2;
	_ =	sdelay $0x4  }
0x1d4: {  	s2 =	spop (v2sf);
	(v2sf) =	vpush v9, $0x3  }
0x1d5: {  	s0 =	spop (v2sf);
	(v2sf) =	vpush v8, $0x3;
	_ =	sdelay $0x1  }
0x1d6: {  	s20 =	spop (v2sf)  }
0x1d7: {  	s21 =	spop (v2sf);
	p0 =	seq.f32 s20, s2  }
0x1d8: {  	p1 =	slt.s32 s21, s0  }
0x1d9: {  	(v2sf) =	vpush v9, $0x4;
	p2 =	sgt.f32 s20, s2;
	p0 =	por !p0, !p1  }
0x1da: {  	p0 =	por !p0, !p0  }
0x1db: {  	p0 =	por p2, p0  }
0x1dc: {  	(v2sf) =	vpush v8, $0x4;
	s2 =	smov.u32 @p0 s20;
	s20 =	spop (v2sf)  }
0x1dd: {  	s0 =	smov.u32 @p0 s21;
	s21 =	spop (v2sf);
	p1 =	seq.f32 s20, s2  }
0x1de: {  	p2 =	slt.s32 s21, s0  }
0x1df: {  	p3 =	sgt.f32 s20, s2;
	p0 =	por !p1, !p2  }
0x1e0: {  	p0 =	por !p0, !p0  }
0x1e1: {  	(v2sf) =	vpush v9, $0x5;
	p0 =	por p3, p0  }
0x1e2: {  	s2 =	smov.u32 @p0 s20;
	s20 =	spop (v2sf);
	(v2sf) =	vpush v8, $0x5  }
0x1e3: {  	s0 =	smov.u32 @p0 s21;
	s21 =	spop (v2sf);
	p4 =	seq.f32 s20, s2  }
0x1e4: {  	p5 =	slt.s32 s21, s0  }
0x1e5: {  	p6 =	sgt.f32 s20, s2;
	p0 =	por !p4, !p5  }
0x1e6: {  	p0 =	por !p0, !p0  }
0x1e7: {  	(v2sf) =	vpush v9, $0x6;
	p0 =	por p6, p0  }
0x1e8: {  	s2 =	smov.u32 @p0 s20;
	s20 =	spop (v2sf);
	(v2sf) =	vpush v8, $0x6;
	_ =	sdelay $0x2  }
0x1e9: {  	s0 =	smov.u32 @p0 s21;
	s21 =	spop (v2sf);
	p1 =	seq.f32 s20, s2  }
0x1ea: {  	p2 =	slt.s32 s21, s0  }
0x1eb: {  	p3 =	sgt.f32 s20, s2;
	(v2sf) =	vpush v9, $0x7;
	p0 =	por !p1, !p2  }
0x1ec: {  	p0 =	por !p0, !p0  }
0x1ed: {  	p0 =	por p3, p0  }
0x1ee: {  	s2 =	smov.u32 @p0 s20;
	s20 =	spop (v2sf);
	(v2sf) =	vpush v8, $0x7  }
0x1ef: {  	s0 =	smov.u32 @p0 s21;
	p4 =	seq.f32 s20, s2;
	s21 =	spop (v2sf)  }
0x1f0: {  	p5 =	slt.s32 s21, s0  }
0x1f1: {  	p6 =	sgt.f32 s20, s2;
	p0 =	por !p4, !p5  }
0x1f2: {  	p0 =	por !p0, !p0  }
0x1f3: {  	(v2sf) =	vpush v9, $0x8;
	p0 =	por p6, p0  }
0x1f4: {  	s2 =	smov.u32 @p0 s20;
	s20 =	spop (v2sf);
	(v2sf) =	vpush v8, $0x8  }
0x1f5: {  	s0 =	smov.u32 @p0 s21;
	s21 =	spop (v2sf);
	p1 =	seq.f32 s20, s2  }
0x1f6: {  	p2 =	slt.s32 s21, s0  }
0x1f7: {  	p3 =	sgt.f32 s20, s2;
	p0 =	por !p1, !p2  }
0x1f8: {  	p0 =	por !p0, !p0  }
0x1f9: {  	(v2sf) =	vpush v9, $0x9;
	p0 =	por p3, p0  }
0x1fa: {  	s2 =	smov.u32 @p0 s20;
	s20 =	spop (v2sf);
	(v2sf) =	vpush v8, $0x9;
	_ =	sdelay $0x2  }
0x1fb: {  	s0 =	smov.u32 @p0 s21;
	s21 =	spop (v2sf);
	p4 =	seq.f32 s20, s2  }
0x1fc: {  	p5 =	slt.s32 s21, s0  }
0x1fd: {  	p6 =	sgt.f32 s20, s2;
	(v2sf) =	vpush v9, $0xA;
	p0 =	por !p4, !p5  }
0x1fe: {  	p0 =	por !p0, !p0  }
0x1ff: {  	p0 =	por p6, p0  }
0x200: {  	s2 =	smov.u32 @p0 s20;
	s20 =	spop (v2sf);
	(v2sf) =	vpush v8, $0xA  }
0x201: {  	s0 =	smov.u32 @p0 s21;
	p1 =	seq.f32 s20, s2;
	s21 =	spop (v2sf)  }
0x202: {  	p2 =	slt.s32 s21, s0  }
0x203: {  	p3 =	sgt.f32 s20, s2;
	p0 =	por !p1, !p2  }
0x204: {  	p0 =	por !p0, !p0  }
0x205: {  	(v2sf) =	vpush v9, $0xB;
	p0 =	por p3, p0  }
0x206: {  	s2 =	smov.u32 @p0 s20;
	s20 =	spop (v2sf);
	(v2sf) =	vpush v8, $0xB  }
0x207: {  	s0 =	smov.u32 @p0 s21;
	s21 =	spop (v2sf);
	p4 =	seq.f32 s20, s2  }
0x208: {  	p5 =	slt.s32 s21, s0  }
0x209: {  	p6 =	sgt.f32 s20, s2;
	p0 =	por !p4, !p5  }
0x20a: {  	p0 =	por !p0, !p0  }
0x20b: {  	(v2sf) =	vpush v9, $0xC;
	p0 =	por p6, p0  }
0x20c: {  	s2 =	smov.u32 @p0 s20;
	s20 =	spop (v2sf);
	(v2sf) =	vpush v8, $0xC;
	_ =	sdelay $0x2  }
0x20d: {  	s0 =	smov.u32 @p0 s21;
	s21 =	spop (v2sf);
	p1 =	seq.f32 s20, s2  }
0x20e: {  	p2 =	slt.s32 s21, s0  }
0x20f: {  	p3 =	sgt.f32 s20, s2;
	(v2sf) =	vpush v9, $0xD;
	p0 =	por !p1, !p2  }
0x210: {  	p0 =	por !p0, !p0  }
0x211: {  	p0 =	por p3, p0  }
0x212: {  	s2 =	smov.u32 @p0 s20;
	s20 =	spop (v2sf);
	(v2sf) =	vpush v8, $0xD  }
0x213: {  	s0 =	smov.u32 @p0 s21;
	p4 =	seq.f32 s20, s2;
	s21 =	spop (v2sf)  }
0x214: {  	p5 =	slt.s32 s21, s0  }
0x215: {  	p6 =	sgt.f32 s20, s2;
	p0 =	por !p4, !p5  }
0x216: {  	p0 =	por !p0, !p0  }
0x217: {  	(v2sf) =	vpush v9, $0xE;
	p0 =	por p6, p0  }
0x218: {  	s2 =	smov.u32 @p0 s20;
	s20 =	spop (v2sf);
	(v2sf) =	vpush v8, $0xE  }
0x219: {  	s0 =	smov.u32 @p0 s21;
	s21 =	spop (v2sf);
	p1 =	seq.f32 s20, s2  }
0x21a: {  	p2 =	slt.s32 s21, s0  }
0x21b: {  	p3 =	sgt.f32 s20, s2;
	p0 =	por !p1, !p2  }
0x21c: {  	p0 =	por !p0, !p0  }
0x21d: {  	(v2sf) =	vpush v9, $0xF;
	p0 =	por p3, p0  }
0x21e: {  	s2 =	smov.u32 @p0 s20;
	s20 =	spop (v2sf);
	(v2sf) =	vpush v8, $0xF;
	_ =	sdelay $0x2  }
0x21f: {  	s0 =	smov.u32 @p0 s21;
	s21 =	spop (v2sf);
	p4 =	seq.f32 s20, s2  }
0x220: {  	p5 =	slt.s32 s21, s0  }
0x221: {  	p6 =	sgt.f32 s20, s2;
	p0 =	por !p4, !p5  }
0x222: {  	p0 =	por !p0, !p0  }
0x223: {  	p0 =	por p6, p0  }
0x224: {  	s2 =	smov.u32 @p0 s20;
	s20 =	spop (v2sf)  }
0x225: {  	s0 =	smov.u32 @p0 s21;
	p1 =	seq.f32 s20, s2;
	s21 =	spop (v2sf)  }
0x226: {  	p2 =	slt.s32 s21, s0  }
0x227: {  	p3 =	sgt.f32 s20, s2;
	p0 =	por !p1, !p2  }
0x228: {  	p0 =	por !p0, !p0  }
0x229: {  	p0 =	por p3, p0  }
0x22a: {  	s2 =	smov.u32 @p0 s20;
	s20 =	spop (v2sf)  }
0x22b: {  	s0 =	smov.u32 @p0 s21;
	s21 =	spop (v2sf);
	p4 =	seq.f32 s20, s2  }
0x22c: {  	p5 =	slt.s32 s21, s0  }
0x22d: {  	p6 =	sgt.f32 s20, s2;
	p0 =	por !p4, !p5  }
0x22e: {  	p0 =	por !p0, !p0  }
0x22f: {  	p0 =	por p6, p0  }
0x230: {  	s0 =	smov.u32 @p0 s21  }
0x231: {  	s21 =	sand.u32 $0x7F, s0  }
0x232: {  	s2 =	smov.u32 @p0 s20;
	v8 =	vmov s21  }
0x233: {  	v9 =	vmov s2;
	vm0 =	veq.s32 v8, v0  }
0x234: {  	v10 =	vnsel vm0, $0x0, v9;
	vm0 =	veq.s32 v8, v1  }
0x235: {  	[tilespmem:$0x10100] =	vst v10;
	v10 =	vnsel vm0, $0x0, v9;
	vm0 =	veq.s32 v8, v2  }
0x236: {  	[tilespmem:$0x10110] =	vst v10;
	v10 =	vnsel vm0, $0x0, v9;
	vm0 =	veq.s32 v8, v3  }
0x237: {  	[tilespmem:$0x10120] =	vst v10;
	v10 =	vnsel vm0, $0x0, v9;
	vm0 =	veq.s32 v8, v4  }
0x238: {  	[tilespmem:$0x10130] =	vst v10;
	v10 =	vnsel vm0, $0x0, v9;
	vm0 =	veq.s32 v8, v5  }
0x239: {  	[tilespmem:$0x10140] =	vst v10;
	v10 =	vnsel vm0, $0x0, v9;
	vm0 =	veq.s32 v8, v6  }
0x23a: {  	[tilespmem:$0x10150] =	vst v10;
	v10 =	vnsel vm0, $0x0, v9;
	vm0 =	veq.s32 v8, v7  }
0x23b: {  	s0 =	sshrl.u32 s0, $0x7;
	[tilespmem:$0x10160] =	vst v10;
	v8 =	vnsel vm0, $0x0, v9  }
0x23c: {  	[tilespmem:$0x10170] =	vst v8;
	v8 =	vmov s0  }
0x23d: {  	[tilespmem:$0x10300] =	vst v8  }
0x23e: {  	[tilespmem:$0x10310] =	vst v8  }
0x23f: {  	[tilespmem:$0x10320] =	vst v8  }
0x240: {  	[tilespmem:$0x10330] =	vst v8  }
0x241: {  	[tilespmem:$0x10340] =	vst v8  }
0x242: {  	[tilespmem:$0x10350] =	vst v8  }
0x243: {  	[tilespmem:$0x10360] =	vst v8  }
0x244: {  	s21 =	simm.s32 $0x0;
	[tilespmem:$0x10370] =	vst v8  }
0x245: {  	[hbm4b:s11+s21] =	stream.linear.scatter [tilespmem:s25], [sflag:$0x3], $0x80, $0x38;
	[tilespmem:$0x10400] =	vst v63  }
0x246: {  	_ = 	snop  }
0x247: {  	[hbm4b:s12+s21] =	stream.linear.scatter [tilespmem:s26], [sflag:$0x3], $0x80, $0x38;
	[tilespmem:$0x10400] =	vst v63  }
0x248: {  	_ =	swait.ge [sflag:s22], $0x8000  }
0x249: {  	[sflag:s22] =	ssyncset.done $0x0  }
0x24a: {  	s20 =	simm.s32 $0x8040;
	[sflag:s22] =	ssyncadd.s32 $0xFFFF8000  }
0x24b: {  	v8 =	vld [tilespmem:s20+$0xFFFFFFF0]  }
0x24c: {  	v9 =	vld [tilespmem:s20+$0xFFFFFFC0]  }
0x24d: {  	v10 =	vld [tilespmem:s20+$0x30]  }
0x24e: {  	v11 =	vld [tilespmem:s20+$0x10]  }
0x24f: {  	v12 =	vld [tilespmem:s20+$0x20]  }
0x250: {  	v14 =	vld [tilespmem:s20+$0xFFFFFFE0]  }
0x251: {  	v30 =	vld [tilespmem:s20+$0xFFFFFFD0]  }
0x252: {  	v22 =	vimm.f32 $-Inf  }
0x253: {  	v18 =	vimm.s32 $0x0;
	v24 =	vld [tilespmem:s20+$0x0];
	vm0 =	vgt.f32 v8, v22;
	vm1 =	vgt.f32 v9, v22  }
0x254: {  	s20 =	simm.s32 $0x80C0;
	v19 =	vmax.f32 v22, v8;
	v23 =	vmax.f32 v22, v9;
	v8 =	vmax.f32 v22, v10  }
0x255: {  	v31 =	vld [tilespmem:s20+$0xFFFFFFC0];
	v13 =	vmax.f32 v22, v11;
	v25 =	vmax.f32 v22, v14;
	vm2 =	vgt.f32 v12, v22  }
0x256: {  	v26 =	vld [tilespmem:s20+$0xFFFFFFF0];
	vm3 =	vgt.f32 v30, v22;
	v29 =	vsel vm1, s21, v18;
	vm1 =	vgt.f32 v11, v22  }
0x257: {  	v11 =	vmax.f32 v22, v12;
	v15 =	vsel vm1, s21, v18;
	vm1 =	vgt.f32 v10, v22;
	v10 =	vld [tilespmem:s20+$0x30]  }
0x258: {  	v17 =	vld [tilespmem:s20+$0x10];
	v21 =	vsel vm0, s21, v18;
	vm0 =	vgt.f32 v24, v22;
	v16 =	vsel vm2, s21, v18  }
0x259: {  	v28 =	vsel vm3, s21, v18;
	v9 =	vsel vm1, s21, v18;
	vm1 =	vgt.f32 v14, v22;
	v14 =	vld [tilespmem:s20+$0x20]  }
0x25a: {  	v27 =	vld [tilespmem:s20+$0xFFFFFFE0];
	vm2 =	vgt.f32 v31, v23;
	v24 =	vmax.f32 v22, v24;
	v20 =	vsel vm0, s21, v18  }
0x25b: {  	s0 =	simm.s32 $0x1;
	vm0 =	vgt.f32 v26, v19;
	v19 =	vmax.f32 v19, v26;
	v26 =	vmax.f32 v23, v31;
	v23 =	vld [tilespmem:s20+$0x0]  }
0x25c: {  	s2 =	simm.s32 $0x2;
	v33 =	vld [tilespmem:s20+$0xFFFFFFD0];
	v32 =	vmovc v25;
	v31 =	vsel vm2, s0, v29;
	s20 =	simm.s32 $0x8140;
	v29 =	vsel vm1, s21, v18;
	v18 =	vmovc v11;
	v12 =	vmax.f32 v8, v10  }
.LBB2_8:
0x25d: {  	v34 =	vld [tilespmem:s20+$0xFFFFFFF0];
	p0 =	sne.s32 s2, $0xFF;
	vm1 =	vgt.f32 v17, v13;
	v13 =	vmax.f32 v13, v17;
	v22 =	vmax.f32 v22, v30;
	s21 =	smov.u32 s2;
	s2 =	sadd.s32 $0x1, s2  }
0x25e: {  	v35 =	vld [tilespmem:s20+$0xFFFFFFC0];
	v15 =	vsel vm1, s0, v15;
	v11 =	vmax.f32 v11, v14;
	vm1 =	vgt.f32 v10, v8;
	v8 =	vmovc v12  }
0x25f: {  	v21 =	vsel vm0, s0, v21;
	v10 =	vld [tilespmem:s20+$0x30];
	v25 =	vmax.f32 v25, v27;
	v9 =	vsel vm1, s0, v9  }
.Ltmp3:
0x260: {  	vm2 =	vgt.f32 v14, v18;
	vm1 =	vgt.f32 v27, v32;
	v18 =	vmovc v11;
	v17 =	vld [tilespmem:s20+$0x10];
	vm0 =	vgt.f32 v23, v24;
	(pc) =	sbr.rel @p0 .LBB2_8-.Ltmp3, $4  }
0x261: {  	v16 =	vsel vm2, s0, v16;
	v32 =	vmovc v25;
	v14 =	vld [tilespmem:s20+$0x20];
	vm3 =	vgt.f32 v33, v22;
	v20 =	vsel vm0, s0, v20;
	v30 =	vmovc v33  }
0x262: {  	v27 =	vld [tilespmem:s20+$0xFFFFFFE0];
	vm0 =	vgt.f32 v34, v19;
	v19 =	vmax.f32 v19, v34;
	v28 =	vsel vm3, s0, v28  }
0x263: {  	v24 =	vmax.f32 v24, v23;
	vm2 =	vgt.f32 v35, v26;
	v26 =	vmax.f32 v26, v35;
	v23 =	vld [tilespmem:s20+$0x0]  }
0x264: {  	v29 =	vsel vm1, s0, v29;
	s0 =	smov.u32 s21;
	v31 =	vsel vm2, s21, v31;
	v33 =	vld [tilespmem:s20+$0xFFFFFFD0];
	v12 =	vmax.f32 v12, v10;
	s20 =	sadd.s32 $0x80, s20  }
0x265: {  	_ =	sdelay $0x2  }
0x266: {  	v22 =	vmax.f32 v22, v30  }
0x267: {  	vm1 =	vgt.f32 v33, v22  }
0x268: {  	v28 =	vsel vm1, s0, v28  }
0x269: {  	v44 =	vshll.u32 v31, $0x7;
	v28 =	vshll.u32 v28, $0x7  }
0x26a: {  	v30 =	vor.u32 v0, v44;
	v22 =	vmax.f32 v22, v33;
	v28 =	vor.u32 v1, v28  }
0x26b: {  	vm8 =	vgt.f32 v27, v32;
	vm2 =	veq.f32 v22, v26;
	vm3 =	vlt.s32 v28, v30  }
0x26c: {  	v29 =	vsel vm8, s0, v29;
	vm9 =	vgt.f32 v22, v26;
	vm2 =	vmand vm2, vm3  }
0x26d: {  	v25 =	vmax.f32 v25, v27;
	v45 =	vshll.u32 v29, $0x7;
	vm1 =	vmor vm9, vm2  }
0x26e: {  	v27 =	vor.u32 v2, v45;
	v22 =	vsel vm1, v22, v26;
	v46 =	vsel vm1, v28, v30  }
0x26f: {  	vm10 =	veq.f32 v25, v22;
	vm11 =	vlt.s32 v27, v46  }
0x270: {  	v21 =	vsel vm0, s0, v21;
	vm12 =	vgt.f32 v25, v22;
	vm1 =	vmand vm10, vm11  }
0x271: {  	v21 =	vshll.u32 v21, $0x7;
	vm0 =	vmor vm12, vm1  }
0x272: {  	v21 =	vor.u32 v3, v21;
	v22 =	vsel vm0, v25, v22;
	v47 =	vsel vm0, v27, v46  }
0x273: {  	vm13 =	vgt.f32 v23, v24;
	vm14 =	veq.f32 v19, v22;
	vm15 =	vlt.s32 v21, v47  }
0x274: {  	v20 =	vsel vm13, s0, v20;
	vm4 =	vgt.f32 v19, v22;
	vm1 =	vmand vm14, vm15  }
0x275: {  	v48 =	vmax.f32 v24, v23;
	v20 =	vshll.u32 v20, $0x7;
	vm0 =	vmor vm4, vm1  }
0x276: {  	v20 =	vor.u32 v4, v20;
	v49 =	vsel vm0, v19, v22;
	v21 =	vsel vm0, v21, v47  }
0x277: {  	vm5 =	vgt.f32 v17, v13;
	vm6 =	veq.f32 v48, v49;
	vm7 =	vlt.s32 v20, v21  }
0x278: {  	v15 =	vsel vm5, s0, v15;
	vm8 =	vgt.f32 v48, v49;
	vm1 =	vmand vm6, vm7  }
0x279: {  	v50 =	vmax.f32 v13, v17;
	v15 =	vshll.u32 v15, $0x7;
	vm0 =	vmor vm8, vm1  }
0x27a: {  	v15 =	vor.u32 v5, v15;
	v51 =	vsel vm0, v48, v49;
	v52 =	vsel vm0, v20, v21  }
0x27b: {  	vm9 =	vgt.f32 v14, v18;
	vm10 =	veq.f32 v50, v51;
	vm11 =	vlt.s32 v15, v52  }
0x27c: {  	v16 =	vsel vm9, s0, v16;
	vm12 =	vgt.f32 v50, v51;
	vm1 =	vmand vm10, vm11  }
0x27d: {  	v11 =	vmax.f32 v11, v14;
	v53 =	vshll.u32 v16, $0x7;
	vm0 =	vmor vm12, vm1  }
0x27e: {  	v14 =	vor.u32 v6, v53;
	v13 =	vsel vm0, v50, v51;
	v15 =	vsel vm0, v15, v52  }
0x27f: {  	vm13 =	vgt.f32 v10, v8;
	vm14 =	veq.f32 v11, v13;
	vm15 =	vlt.s32 v14, v15  }
0x280: {  	v8 =	vsel vm13, s0, v9;
	vm4 =	vgt.f32 v11, v13;
	vm1 =	vmand vm14, vm15  }
0x281: {  	v8 =	vshll.u32 v8, $0x7;
	vm0 =	vmor vm4, vm1  }
0x282: {  	v8 =	vor.u32 v7, v8;
	v54 =	vsel vm0, v11, v13;
	v55 =	vsel vm0, v14, v15  }
0x283: {  	vm5 =	veq.f32 v12, v54;
	vm6 =	vlt.s32 v8, v55  }
0x284: {  	vm7 =	vgt.f32 v12, v54;
	vm0 =	vmand vm5, vm6  }
0x285: {  	vm0 =	vmor vm7, vm0  }
0x286: {  	v9 =	vsel vm0, v12, v54  }
0x287: {  	v8 =	vsel vm0, v8, v55;
	(v2sf) =	vpush v9, $0x0  }
0x288: {  	(v2sf) =	vpush v8, $0x0;
	_ =	sdelay $0x1  }
0x289: {  	(v2sf) =	vpush v9, $0x1  }
0x28a: {  	(v2sf) =	vpush v8, $0x1;
	_ =	sdelay $0x4  }
0x28b: {  	(v2sf) =	vpush v9, $0x2  }
0x28c: {  	(v2sf) =	vpush v8, $0x2;
	_ =	sdelay $0x4  }
0x28d: {  	s2 =	spop (v2sf);
	(v2sf) =	vpush v9, $0x3  }
0x28e: {  	s0 =	spop (v2sf);
	(v2sf) =	vpush v8, $0x3;
	_ =	sdelay $0x1  }
0x28f: {  	s20 =	spop (v2sf)  }
0x290: {  	s21 =	spop (v2sf);
	p0 =	seq.f32 s20, s2  }
0x291: {  	p1 =	slt.s32 s21, s0  }
0x292: {  	(v2sf) =	vpush v9, $0x4;
	p2 =	sgt.f32 s20, s2;
	p0 =	por !p0, !p1  }
0x293: {  	p0 =	por !p0, !p0  }
0x294: {  	p0 =	por p2, p0  }
0x295: {  	(v2sf) =	vpush v8, $0x4;
	s2 =	smov.u32 @p0 s20;
	s20 =	spop (v2sf)  }
0x296: {  	s0 =	smov.u32 @p0 s21;
	s21 =	spop (v2sf);
	p1 =	seq.f32 s20, s2  }
0x297: {  	p2 =	slt.s32 s21, s0  }
0x298: {  	p3 =	sgt.f32 s20, s2;
	p0 =	por !p1, !p2  }
0x299: {  	p0 =	por !p0, !p0  }
0x29a: {  	(v2sf) =	vpush v9, $0x5;
	p0 =	por p3, p0  }
0x29b: {  	s2 =	smov.u32 @p0 s20;
	s20 =	spop (v2sf);
	(v2sf) =	vpush v8, $0x5  }
0x29c: {  	s0 =	smov.u32 @p0 s21;
	s21 =	spop (v2sf);
	p4 =	seq.f32 s20, s2  }
0x29d: {  	p5 =	slt.s32 s21, s0  }
0x29e: {  	p6 =	sgt.f32 s20, s2;
	p0 =	por !p4, !p5  }
0x29f: {  	p0 =	por !p0, !p0  }
0x2a0: {  	(v2sf) =	vpush v9, $0x6;
	p0 =	por p6, p0  }
0x2a1: {  	s2 =	smov.u32 @p0 s20;
	s20 =	spop (v2sf);
	(v2sf) =	vpush v8, $0x6;
	_ =	sdelay $0x2  }
0x2a2: {  	s0 =	smov.u32 @p0 s21;
	s21 =	spop (v2sf);
	p1 =	seq.f32 s20, s2  }
0x2a3: {  	p2 =	slt.s32 s21, s0  }
0x2a4: {  	p3 =	sgt.f32 s20, s2;
	(v2sf) =	vpush v9, $0x7;
	p0 =	por !p1, !p2  }
0x2a5: {  	p0 =	por !p0, !p0  }
0x2a6: {  	p0 =	por p3, p0  }
0x2a7: {  	s2 =	smov.u32 @p0 s20;
	s20 =	spop (v2sf);
	(v2sf) =	vpush v8, $0x7  }
0x2a8: {  	s0 =	smov.u32 @p0 s21;
	p4 =	seq.f32 s20, s2;
	s21 =	spop (v2sf)  }
0x2a9: {  	p5 =	slt.s32 s21, s0  }
0x2aa: {  	p6 =	sgt.f32 s20, s2;
	p0 =	por !p4, !p5  }
0x2ab: {  	p0 =	por !p0, !p0  }
0x2ac: {  	(v2sf) =	vpush v9, $0x8;
	p0 =	por p6, p0  }
0x2ad: {  	s2 =	smov.u32 @p0 s20;
	s20 =	spop (v2sf);
	(v2sf) =	vpush v8, $0x8  }
0x2ae: {  	s0 =	smov.u32 @p0 s21;
	s21 =	spop (v2sf);
	p1 =	seq.f32 s20, s2  }
0x2af: {  	p2 =	slt.s32 s21, s0  }
0x2b0: {  	p3 =	sgt.f32 s20, s2;
	p0 =	por !p1, !p2  }
0x2b1: {  	p0 =	por !p0, !p0  }
0x2b2: {  	(v2sf) =	vpush v9, $0x9;
	p0 =	por p3, p0  }
0x2b3: {  	s2 =	smov.u32 @p0 s20;
	s20 =	spop (v2sf);
	(v2sf) =	vpush v8, $0x9;
	_ =	sdelay $0x2  }
0x2b4: {  	s0 =	smov.u32 @p0 s21;
	s21 =	spop (v2sf);
	p4 =	seq.f32 s20, s2  }
0x2b5: {  	p5 =	slt.s32 s21, s0  }
0x2b6: {  	p6 =	sgt.f32 s20, s2;
	(v2sf) =	vpush v9, $0xA;
	p0 =	por !p4, !p5  }
0x2b7: {  	p0 =	por !p0, !p0  }
0x2b8: {  	p0 =	por p6, p0  }
0x2b9: {  	s2 =	smov.u32 @p0 s20;
	s20 =	spop (v2sf);
	(v2sf) =	vpush v8, $0xA  }
0x2ba: {  	s0 =	smov.u32 @p0 s21;
	p1 =	seq.f32 s20, s2;
	s21 =	spop (v2sf)  }
0x2bb: {  	p2 =	slt.s32 s21, s0  }
0x2bc: {  	p3 =	sgt.f32 s20, s2;
	p0 =	por !p1, !p2  }
0x2bd: {  	p0 =	por !p0, !p0  }
0x2be: {  	(v2sf) =	vpush v9, $0xB;
	p0 =	por p3, p0  }
0x2bf: {  	s2 =	smov.u32 @p0 s20;
	s20 =	spop (v2sf);
	(v2sf) =	vpush v8, $0xB  }
0x2c0: {  	s0 =	smov.u32 @p0 s21;
	s21 =	spop (v2sf);
	p4 =	seq.f32 s20, s2  }
0x2c1: {  	p5 =	slt.s32 s21, s0  }
0x2c2: {  	p6 =	sgt.f32 s20, s2;
	p0 =	por !p4, !p5  }
0x2c3: {  	p0 =	por !p0, !p0  }
0x2c4: {  	(v2sf) =	vpush v9, $0xC;
	p0 =	por p6, p0  }
0x2c5: {  	s2 =	smov.u32 @p0 s20;
	s20 =	spop (v2sf);
	(v2sf) =	vpush v8, $0xC;
	_ =	sdelay $0x2  }
0x2c6: {  	s0 =	smov.u32 @p0 s21;
	s21 =	spop (v2sf);
	p1 =	seq.f32 s20, s2  }
0x2c7: {  	p2 =	slt.s32 s21, s0  }
0x2c8: {  	p3 =	sgt.f32 s20, s2;
	(v2sf) =	vpush v9, $0xD;
	p0 =	por !p1, !p2  }
0x2c9: {  	p0 =	por !p0, !p0  }
0x2ca: {  	p0 =	por p3, p0  }
0x2cb: {  	s2 =	smov.u32 @p0 s20;
	s20 =	spop (v2sf);
	(v2sf) =	vpush v8, $0xD  }
0x2cc: {  	s0 =	smov.u32 @p0 s21;
	p4 =	seq.f32 s20, s2;
	s21 =	spop (v2sf)  }
0x2cd: {  	p5 =	slt.s32 s21, s0  }
0x2ce: {  	p6 =	sgt.f32 s20, s2;
	p0 =	por !p4, !p5  }
0x2cf: {  	p0 =	por !p0, !p0  }
0x2d0: {  	(v2sf) =	vpush v9, $0xE;
	p0 =	por p6, p0  }
0x2d1: {  	s2 =	smov.u32 @p0 s20;
	s20 =	spop (v2sf);
	(v2sf) =	vpush v8, $0xE  }
0x2d2: {  	s0 =	smov.u32 @p0 s21;
	s21 =	spop (v2sf);
	p1 =	seq.f32 s20, s2  }
0x2d3: {  	p2 =	slt.s32 s21, s0  }
0x2d4: {  	p3 =	sgt.f32 s20, s2;
	p0 =	por !p1, !p2  }
0x2d5: {  	p0 =	por !p0, !p0  }
0x2d6: {  	(v2sf) =	vpush v9, $0xF;
	p0 =	por p3, p0  }
0x2d7: {  	s2 =	smov.u32 @p0 s20;
	s20 =	spop (v2sf);
	(v2sf) =	vpush v8, $0xF;
	_ =	sdelay $0x2  }
0x2d8: {  	s0 =	smov.u32 @p0 s21;
	s21 =	spop (v2sf);
	p4 =	seq.f32 s20, s2  }
0x2d9: {  	p5 =	slt.s32 s21, s0  }
0x2da: {  	p6 =	sgt.f32 s20, s2;
	p0 =	por !p4, !p5  }
0x2db: {  	p0 =	por !p0, !p0  }
0x2dc: {  	p0 =	por p6, p0  }
0x2dd: {  	s2 =	smov.u32 @p0 s20;
	s20 =	spop (v2sf)  }
0x2de: {  	s0 =	smov.u32 @p0 s21;
	p1 =	seq.f32 s20, s2;
	s21 =	spop (v2sf)  }
0x2df: {  	p2 =	slt.s32 s21, s0  }
0x2e0: {  	p3 =	sgt.f32 s20, s2;
	p0 =	por !p1, !p2  }
0x2e1: {  	p0 =	por !p0, !p0  }
0x2e2: {  	p0 =	por p3, p0  }
0x2e3: {  	s2 =	smov.u32 @p0 s20;
	s20 =	spop (v2sf)  }
0x2e4: {  	s0 =	smov.u32 @p0 s21;
	s21 =	spop (v2sf);
	p4 =	seq.f32 s20, s2  }
0x2e5: {  	p5 =	slt.s32 s21, s0  }
0x2e6: {  	p6 =	sgt.f32 s20, s2;
	p0 =	por !p4, !p5  }
0x2e7: {  	p0 =	por !p0, !p0  }
0x2e8: {  	p0 =	por p6, p0  }
0x2e9: {  	s0 =	smov.u32 @p0 s21  }
0x2ea: {  	s21 =	sand.u32 $0x7F, s0  }
0x2eb: {  	s2 =	smov.u32 @p0 s20;
	v8 =	vmov s21  }
0x2ec: {  	v56 =	vmov s2;
	vm8 =	veq.s32 v8, v0  }
0x2ed: {  	vm9 =	veq.s32 v8, v1;
	v57 =	vnsel vm8, $0x0, v56  }
0x2ee: {  	vm10 =	veq.s32 v8, v2;
	v58 =	vnsel vm9, $0x0, v56;
	[tilespmem:$0x10180] =	vst v57  }
0x2ef: {  	vm11 =	veq.s32 v8, v3;
	v59 =	vnsel vm10, $0x0, v56;
	[tilespmem:$0x10190] =	vst v58  }
0x2f0: {  	vm12 =	veq.s32 v8, v4;
	v60 =	vnsel vm11, $0x0, v56;
	[tilespmem:$0x101A0] =	vst v59  }
0x2f1: {  	vm13 =	veq.s32 v8, v5;
	v61 =	vnsel vm12, $0x0, v56;
	[tilespmem:$0x101B0] =	vst v60  }
0x2f2: {  	vm14 =	veq.s32 v8, v6;
	v62 =	vnsel vm13, $0x0, v56;
	[tilespmem:$0x101C0] =	vst v61  }
0x2f3: {  	vm15 =	veq.s32 v8, v7;
	v63 =	vnsel vm14, $0x0, v56;
	[tilespmem:$0x101D0] =	vst v62  }
0x2f4: {  	s0 =	sshrl.u32 s0, $0x7;
	v8 =	vnsel vm15, $0x0, v56;
	[tilespmem:$0x101E0] =	vst v63  }
0x2f5: {  	[tilespmem:$0x101F0] =	vst v8;
	v8 =	vmov s0  }
0x2f6: {  	[tilespmem:$0x10380] =	vst v8  }
0x2f7: {  	[tilespmem:$0x10390] =	vst v8  }
0x2f8: {  	[tilespmem:$0x103A0] =	vst v8  }
0x2f9: {  	[tilespmem:$0x103B0] =	vst v8  }
0x2fa: {  	[tilespmem:$0x103C0] =	vst v8  }
0x2fb: {  	[tilespmem:$0x103D0] =	vst v8  }
0x2fc: {  	[tilespmem:$0x103E0] =	vst v8  }
0x2fd: {  	[tilespmem:$0x103F0] =	vst v8  }
0x2fe: {  	[hbm4b:s13+s1] =	stream.linear.scatter [tilespmem:s28], [sflag:$0x3], $0x80, $0x38;
	[tilespmem:$0x10400] =	vst v63  }
0x2ff: {  	_ = 	snop  }
0x300: {  	[hbm4b:s14+s1] =	stream.linear.scatter [tilespmem:s29], [sflag:$0x3], $0x80, $0x38;
	[tilespmem:$0x10400] =	vst v63  }
0x301: {  	_ =	swait.ge [sflag:s30], $0x80  }
0x302: {  	[sflag:s30] =	ssyncset.done $0x0  }
0x303: {  	[sflag:s30] =	ssyncadd.s32 $0xFFFFFF80  }
0x304: {  	_ =	swait.ge [sflag:s30], $0x80  }
0x305: {  	[sflag:s30] =	ssyncset.done $0x0  }
0x306: {  	[sflag:s30] =	ssyncadd.s32 $0xFFFFFF80  }
0x307: {  	_ =	swait.ge [sflag:s30], $0x80  }
0x308: {  	[sflag:s30] =	ssyncset.done $0x0  }
0x309: {  	[sflag:s30] =	ssyncadd.s32 $0xFFFFFF80  }
0x30a: {  	_ =	swait.ge [sflag:s30], $0x80  }
0x30b: {  	[sflag:s30] =	ssyncset.done $0x0  }
0x30c: {  	[sflag:s30] =	ssyncadd.s32 $0xFFFFFF80  }
0x30d: {  	_ =	swait.ge [sflag:s30], $0x80  }
0x30e: {  	[sflag:s30] =	ssyncset.done $0x0  }
0x30f: {  	[sflag:s30] =	ssyncadd.s32 $0xFFFFFF80  }
0x310: {  	_ =	swait.ge [sflag:s30], $0x80  }
0x311: {  	[sflag:s30] =	ssyncset.done $0x0  }
0x312: {  	s31 =	sadd.s32 $0x1, s31;
	[sflag:s30] =	ssyncadd.s32 $0xFFFFFF80  }
0x313: {  	p0 =	sne.s32 s31, s15;
	_ =	swait.ge [sflag:s30], $0x80  }
.Ltmp4:
0x314: {  	[sflag:s30] =	ssyncset.done $0x0;
	(pc) =	sbr.rel @p0 .LBB2_1-.Ltmp4, $4  }
0x315: {  	[sflag:s30] =	ssyncadd.s32 $0xFFFFFF80  }
0x316: {  	_ =	swait.ge [sflag:s30], $0x80  }
0x317: {  	[sflag:s30] =	ssyncset.done $0x0  }
0x318: {  	[sflag:s30] =	ssyncadd.s32 $0xFFFFFF80  }
0x319: {  	_ =	sfence.sel $0x180000  }
0x31a: {  	[bflag:$0x0] =	sbarrier.arrive $0xFFFF  }
0x31b: {  	_ =	strace $0x90000047  }
0x31c: {  	s0 =	stileid.u32;
	[bflag:$0x2] =	sbarrier.arrive $0xFFFF  }
0x31d: {  	p0 =	sne.s32 s0, $0x0;
	s0 =	rddreg [dreg:$0x2]  }
0x31e: {  	s0 =	sadd.s32 @!p0 $0x100000, s0  }
0x31f: {  	[sflag:s0] =	ssyncadd.tile.s32 @!p0 $0x1;
	_ =	shalt  }
.Lfunc_end2:
_tile_overlayer_lowered:
.L_overlay_start_2:
0x320: {  	(tag) =	ssettag $0x2  }
0x321: {  	s0 =	rddreg [dreg:$0x0];
	s2 =	stileid.u32  }
0x322: {  	s1 =	rddreg [dreg:$0x1];
	p0 =	sne.s32 s2, $0x0  }
0x323: {  	s3 =	rddreg [dreg:$0x2];
	[bflag:$0x3] =	sbarrier.arrive $0xFFFF;
	s2 =	simm.s32 @!p0 $0x1C04  }
0x324: {  	[timem:s3], [sflag:s2] =	dma.local @!p0 [hbm:s0], s1  }
0x325: {  	s0 =	simm.s32 @!p0 $0x4  }
0x326: {  	_ =	swait.ge @!p0 [sflag:s0], s1  }
0x327: {  	s1 =	ssub.s32 @!p0 $0x0, s1;
	[sflag:s0] =	ssyncset.done @!p0 $0x0  }
0x328: {  	[sflag:s0] =	ssyncadd.s32 @!p0 s1  }
0x329: {  	[bflag:$0x3] =	sbarrier.arrive $0xFFFF  }
0x32a: {  	_ =	shalt  }

</sc_bundles>
